<compile_context>
chip_gen: v7x
topology: tpu7x:2x2x1
jax: 0.10.2.dev20260603
libtpu: 0.0.44.dev20260713+nightly
codegen_flags: <defaults>
</compile_context>

<pallas_src>
import functools

import jax
import jax.numpy as jnp
from jax import lax
from jax.experimental import pallas as pl
from jax.experimental.pallas import tpu as pltpu
from jax.experimental.pallas import tpu_sc as plsc

VOCAB = 100000
EMB = 300
FFN = 300
B, L = 4096, 200
BL = B * L

_FFN_PAD = 512
_PACK = _FFN_PAD // 2
_HI = FFN - _PACK

_NC = 2
_NS = 16
_NW = _NC * _NS
_CHUNK = 128


_ROWS_BLK = 4096


def _bf16_bits_hi(x):
    return lax.bitcast_convert_type(
        x.astype(jnp.bfloat16).astype(jnp.float32), jnp.uint32
    ) & jnp.uint32(0xFFFF0000)


def _proj_body(tblT_ref, w_ref, out_ref):
    acc = lax.dot_general(
        tblT_ref[...], w_ref[...],
        dimension_numbers=(((0,), (1,)), ((), ())),
        preferred_element_type=jnp.float32,
    )
    lo = _bf16_bits_hi(acc[:, :_PACK]) >> 16
    hi = _bf16_bits_hi(acc[:, _PACK:])
    out_ref[...] = lax.bitcast_convert_type(lo | hi, jnp.int32)


def _project(tableT, Wpad):
    return pl.pallas_call(
        _proj_body,
        grid=(pl.cdiv(VOCAB, _ROWS_BLK),),
        in_specs=[
            pl.BlockSpec((EMB, _ROWS_BLK), lambda i: (0, i)),
            pl.BlockSpec((_FFN_PAD, EMB), lambda i: (0, 0)),
        ],
        out_specs=pl.BlockSpec((_ROWS_BLK, _PACK), lambda i: (i, 0)),
        out_shape=jax.ShapeDtypeStruct((VOCAB, _PACK), jnp.int32),
    )(tableT, Wpad)



_SLABS = (8, 24, 48, 56, 48, 16)


def _gather_slab(P, idx_s, nchs):
    mesh = plsc.VectorSubcoreMesh(core_axis_name="c", subcore_axis_name="s")
    per_w = nchs * _CHUNK

    @functools.partial(
        pl.kernel,
        out_type=jax.ShapeDtypeStruct((per_w * _NW, _PACK), jnp.int32),
        mesh=mesh,
        scratch_types=[
            pltpu.VMEM((nchs, _CHUNK), jnp.int32),
            pltpu.VMEM((_CHUNK, _PACK), jnp.int32),
            pltpu.VMEM((_CHUNK, _PACK), jnp.int32),
            pltpu.SemaphoreType.DMA,
            pltpu.SemaphoreType.DMA,
        ],
    )
    def k(p_hbm, idx_hbm, out_hbm, idx_v, buf0, buf1, sem0, sem1):
        wid = lax.axis_index("s") * _NC + lax.axis_index("c")
        base = wid * per_w
        pltpu.sync_copy(idx_hbm.at[wid], idx_v)

        bufs = (buf0, buf1)
        sems = (sem0, sem1)

        pltpu.async_copy(p_hbm.at[idx_v.at[0]], buf0, sem0)
        pltpu.async_copy(p_hbm.at[idx_v.at[1]], buf1, sem1)

        def step2(jj, carry):
            j = jj * 2
            for par in range(2):
                buf, sem = bufs[par], sems[par]
                pltpu.make_async_copy(p_hbm.at[idx_v.at[j + par]], buf, sem).wait()
                pltpu.sync_copy(buf, out_hbm.at[pl.ds(base + (j + par) * _CHUNK, _CHUNK)])

                @pl.when(j + par + 2 < nchs)
                def _():
                    pltpu.async_copy(p_hbm.at[idx_v.at[j + par + 2]], buf, sem)
            return carry

        lax.fori_loop(0, nchs // 2, step2, 0)

    return k(P, idx_s)



_LBLK = 8
_BBLK = 512


def _unpackT_body(g_ref, out_ref):
    t = jnp.transpose(g_ref[...], (2, 0, 1))
    u = lax.bitcast_convert_type(t, jnp.uint32)
    low = lax.bitcast_convert_type(u << 16, jnp.float32)
    high = lax.bitcast_convert_type(u[:_HI] & jnp.uint32(0xFFFF0000), jnp.float32)
    out_ref[...] = jnp.concatenate([low, high], axis=0)


def _unpack_slab(G3, carry, l0, ls):

    def body(g_ref, *refs):
        _unpackT_body(g_ref, refs[-1])

    nlg = ls // _LBLK
    lg0 = l0 // _LBLK
    in_specs = [pl.BlockSpec((_LBLK, _BBLK, _PACK), lambda li, bi: (li, bi, 0))]
    args = [G3]
    aliases = {}
    if carry is not None:
        in_specs.append(pl.BlockSpec(memory_space=pltpu.MemorySpace.HBM))
        args.append(carry)
        aliases = {1: 0}
    return pl.pallas_call(
        body,
        grid=(nlg, B // _BBLK),
        in_specs=in_specs,
        out_specs=pl.BlockSpec(
            (FFN, _LBLK, _BBLK), lambda li, bi, lg0=lg0: (0, lg0 + li, bi)
        ),
        out_shape=jax.ShapeDtypeStruct((FFN, L, B), jnp.float32),
        input_output_aliases=aliases,
    )(*args)


def kernel(data, table, W):
    Wpad = jnp.pad(W, ((0, _FFN_PAD - FFN), (0, 0)))
    tableT = jnp.transpose(table)
    P = _project(tableT, Wpad)
    dataT = jnp.transpose(data)
    out = None
    l0 = 0
    for ls in _SLABS:
        idx_s = jnp.reshape(lax.slice_in_dim(dataT, l0, l0 + ls), (_NW, ls, _CHUNK))
        G = _gather_slab(P, idx_s, ls)
        G3 = jnp.reshape(G, (ls, B, _PACK))
        out = _unpack_slab(G3, out, l0, ls)
        l0 += ls
    return jnp.transpose(out, (2, 1, 0))

# --- scband reference (transcript-rebuilt; emitter-appended) ---
"""Pipeline reference for scband-embedder-57543971831891 (READ-ONLY COPY).

The authoritative reference and input builder live on the scoring server;
editing this copy changes nothing except your own understanding.
"""

import jax, jax.numpy as jnp
import numpy as np

VOCAB = 100000
EMB = 300
FFN = 300
B, L = 4096, 200

def setup_inputs(seed: int = 0) -> dict:
    key = jax.random.key(seed)
    k1, k2, k3 = jax.random.split(key, 3)
    data = jax.random.randint(k1, (B, L), 0, VOCAB, dtype=jnp.int64 if jax.config.jax_enable_x64 else jnp.int32).astype(jnp.int32)
    table = jax.random.normal(k2, (VOCAB, EMB), dtype=jnp.float32) * 0.02
    # nn.Linear weight has shape [out_features, in_features]
    W = jax.random.normal(k3, (FFN, EMB), dtype=jnp.float32) * (1.0 / np.sqrt(EMB))
    return {"data": data, "table": table, "W": W}

def reference(data, table, W):
    # embedding lookup (dropout is identity in eval mode)
    embedded = jnp.take(table, data, axis=0)          # [B, L, EMB]
    # input_linear: Linear(EMB -> FFN, bias=False) => x @ W.T
    output = jnp.dot(embedded, W.T)                    # [B, L, FFN]
    return output

if __name__ == "__main__":
    import jax
    _d = setup_inputs()
    print(jax.jit(kernel)(*tuple(_d.values())))

</pallas_src>

<mosaic_0001>
#map = affine_map<(d0, d1) -> (0, 0)>
#map1 = affine_map<(d0, d1) -> (0, 0, 0)>
module attributes {stable_mosaic.version = 14 : i64} {
  func.func @k(%arg0: i32, %arg1: i32, %arg2: memref<100000x256xi32, #tpu.memory_space<hbm>>, %arg3: memref<32x48x128xi32, #tpu.memory_space<hbm>>, %arg4: memref<196608x256xi32, #tpu.memory_space<hbm>>, %arg5: memref<48x128xi32, #tpu.memory_space<vmem>>, %arg6: memref<128x256xi32, #tpu.memory_space<vmem>>, %arg7: memref<128x256xi32, #tpu.memory_space<vmem>>, %arg8: memref<!tpu.dma_semaphore, #tpu.memory_space<semaphore_mem>>, %arg9: memref<!tpu.dma_semaphore, #tpu.memory_space<semaphore_mem>>) attributes {dimension_semantics = [#tpu.dimension_semantics<core_parallel>, #tpu.dimension_semantics<subcore_parallel>], iteration_bounds = array<i64: 2, 16>, scalar_prefetch = 0 : i64, scratch_operands = 5 : i64, tpu.core_type = #tpu.core_type<sc_vector_subcore>, window_params = [{transform_indices = #map}, {transform_indices = #map1}, {transform_indices = #map}]} {
    %mul3A = arith.constant 2 : i32
    %mul3A_0 = arith.muli %arg1, %mul3A : i32
    %add3A = arith.addi %mul3A_0, %arg0 : i32
    %mul3A_1 = arith.constant 6144 : i32
    %mul3A_2 = arith.muli %add3A, %mul3A_1 : i32
    "tpu.region"() ({
      %run_scoped3A = tpu.sem_alloc : memref<!tpu.dma_semaphore, #tpu.memory_space<semaphore_mem>>
      %dma_start3A_21 = arith.constant 0 : i32
      %dma_start3A_22 = arith.constant 0 : i32
      %dma_start3A_23 = tpu.memref_slice %arg3[%add3A, %dma_start3A_21, %dma_start3A_22] : memref<32x48x128xi32, #tpu.memory_space<hbm>> -> memref<1x48x128xi32, #tpu.memory_space<hbm>>
      %dma_start3A_24 = tpu.memref_squeeze %dma_start3A_23 : memref<1x48x128xi32, #tpu.memory_space<hbm>> -> memref<48x128xi32, #tpu.memory_space<hbm>>
      %dma_start3A_25 = arith.constant 0 : i32
      %dma_start3A_26 = arith.constant 0 : i32
      %dma_start3A_27 = tpu.memref_slice %arg3[%add3A, %dma_start3A_25, %dma_start3A_26] : memref<32x48x128xi32, #tpu.memory_space<hbm>> -> memref<1x48x128xi32, #tpu.memory_space<hbm>>
      %dma_start3A_28 = tpu.memref_squeeze %dma_start3A_27 : memref<1x48x128xi32, #tpu.memory_space<hbm>> -> memref<48x128xi32, #tpu.memory_space<hbm>>
      tpu.enqueue_dma source(%dma_start3A_28 : memref<48x128xi32, #tpu.memory_space<hbm>>) target(%arg5 : memref<48x128xi32, #tpu.memory_space<vmem>>) target_semaphore(%run_scoped3A : memref<!tpu.dma_semaphore, #tpu.memory_space<semaphore_mem>>)
      %dma_wait3A = arith.constant 0 : i32
      %dma_wait3A_29 = arith.constant 0 : i32
      %dma_wait3A_30 = tpu.memref_slice %arg3[%add3A, %dma_wait3A, %dma_wait3A_29] : memref<32x48x128xi32, #tpu.memory_space<hbm>> -> memref<1x48x128xi32, #tpu.memory_space<hbm>>
      %dma_wait3A_31 = tpu.memref_squeeze %dma_wait3A_30 : memref<1x48x128xi32, #tpu.memory_space<hbm>> -> memref<48x128xi32, #tpu.memory_space<hbm>>
      %dma_wait3A_32 = arith.constant 0 : i32
      %dma_wait3A_33 = arith.constant 0 : i32
      %dma_wait3A_34 = tpu.memref_slice %arg3[%add3A, %dma_wait3A_32, %dma_wait3A_33] : memref<32x48x128xi32, #tpu.memory_space<hbm>> -> memref<1x48x128xi32, #tpu.memory_space<hbm>>
      %dma_wait3A_35 = tpu.memref_squeeze %dma_wait3A_34 : memref<1x48x128xi32, #tpu.memory_space<hbm>> -> memref<48x128xi32, #tpu.memory_space<hbm>>
      tpu.wait_dma2 semaphore(%run_scoped3A : memref<!tpu.dma_semaphore, #tpu.memory_space<semaphore_mem>>) src(%dma_wait3A_35 : memref<48x128xi32, #tpu.memory_space<hbm>>) dst(%arg5 : memref<48x128xi32, #tpu.memory_space<vmem>>)
      tpu.yield
    }) : () -> ()
    %dma_start3A = arith.constant 0 : i32
    %dma_start3A_3 = arith.constant 0 : i32
    %dma_start3A_4 = tpu.memref_slice %arg5[%dma_start3A, %dma_start3A_3] : memref<48x128xi32, #tpu.memory_space<vmem>> -> memref<1x128xi32, #tpu.memory_space<vmem>>
    %dma_start3A_5 = tpu.memref_squeeze %dma_start3A_4 : memref<1x128xi32, #tpu.memory_space<vmem>> -> memref<128xi32, #tpu.memory_space<vmem>>
    %dma_start3A_6 = arith.constant 0 : i32
    %dma_start3A_7 = arith.constant 0 : i32
    %dma_start3A_8 = tpu.memref_slice %arg2[%dma_start3A_6, %dma_start3A_7] : memref<100000x256xi32, #tpu.memory_space<hbm>> -> memref<100000x256xi32, #tpu.memory_space<hbm>>
    tpu.enqueue_indirect_dma source(%dma_start3A_8 : memref<100000x256xi32, #tpu.memory_space<hbm>>) target(%arg6 : memref<128x256xi32, #tpu.memory_space<vmem>>) offsets(%dma_start3A_5 : memref<128xi32, #tpu.memory_space<vmem>>) semaphore(%arg8 : memref<!tpu.dma_semaphore, #tpu.memory_space<semaphore_mem>>)
    %dma_start3A_9 = arith.constant 1 : i32
    %dma_start3A_10 = arith.constant 0 : i32
    %dma_start3A_11 = tpu.memref_slice %arg5[%dma_start3A_9, %dma_start3A_10] : memref<48x128xi32, #tpu.memory_space<vmem>> -> memref<1x128xi32, #tpu.memory_space<vmem>>
    %dma_start3A_12 = tpu.memref_squeeze %dma_start3A_11 : memref<1x128xi32, #tpu.memory_space<vmem>> -> memref<128xi32, #tpu.memory_space<vmem>>
    %dma_start3A_13 = arith.constant 0 : i32
    %dma_start3A_14 = arith.constant 0 : i32
    %dma_start3A_15 = tpu.memref_slice %arg2[%dma_start3A_13, %dma_start3A_14] : memref<100000x256xi32, #tpu.memory_space<hbm>> -> memref<100000x256xi32, #tpu.memory_space<hbm>>
    tpu.enqueue_indirect_dma source(%dma_start3A_15 : memref<100000x256xi32, #tpu.memory_space<hbm>>) target(%arg7 : memref<128x256xi32, #tpu.memory_space<vmem>>) offsets(%dma_start3A_12 : memref<128xi32, #tpu.memory_space<vmem>>) semaphore(%arg9 : memref<!tpu.dma_semaphore, #tpu.memory_space<semaphore_mem>>)
    %scan3A = arith.constant 0 : i32
    %scan3A_16 = arith.constant 0 : i32
    %scan3A_17 = arith.constant 24 : i32
    %scan3A_18 = arith.addi %scan3A_16, %scan3A_17 : i32
    %scan3A_19 = arith.constant 1 : i32
    scf.for %scan3A_21 = %scan3A_16 to %scan3A_18 step %scan3A_19  : i32 {
      %mul3A_22 = arith.constant 2 : i32
      %mul3A_23 = arith.muli %scan3A_21, %mul3A_22 : i32
      %add3A_24 = arith.constant 0 : i32
      %add3A_25 = arith.addi %mul3A_23, %add3A_24 : i32
      %dma_wait3A = arith.constant 0 : i32
      %dma_wait3A_26 = tpu.memref_slice %arg5[%add3A_25, %dma_wait3A] : memref<48x128xi32, #tpu.memory_space<vmem>> -> memref<1x128xi32, #tpu.memory_space<vmem>>
      %dma_wait3A_27 = tpu.memref_squeeze %dma_wait3A_26 : memref<1x128xi32, #tpu.memory_space<vmem>> -> memref<128xi32, #tpu.memory_space<vmem>>
      %dma_wait3A_28 = arith.constant 0 : i32
      %dma_wait3A_29 = arith.constant 0 : i32
      %dma_wait3A_30 = tpu.memref_slice %arg2[%dma_wait3A_28, %dma_wait3A_29] : memref<100000x256xi32, #tpu.memory_space<hbm>> -> memref<100000x256xi32, #tpu.memory_space<hbm>>
      tpu.wait_indirect_dma semaphore(%arg8 : memref<!tpu.dma_semaphore, #tpu.memory_space<semaphore_mem>>) src(%dma_wait3A_30 : memref<100000x256xi32, #tpu.memory_space<hbm>>) dst(%arg6 : memref<128x256xi32, #tpu.memory_space<vmem>>)
      %add3A_31 = arith.constant 0 : i32
      %add3A_32 = arith.addi %mul3A_23, %add3A_31 : i32
      %mul3A_33 = arith.constant 128 : i32
      %mul3A_34 = arith.muli %add3A_32, %mul3A_33 : i32
      %add3A_35 = arith.addi %mul3A_2, %mul3A_34 : i32
      "tpu.region"() ({
        %run_scoped3A = tpu.sem_alloc : memref<!tpu.dma_semaphore, #tpu.memory_space<semaphore_mem>>
        %dma_start3A_64 = arith.constant 0 : i32
        %dma_start3A_65 = tpu.memref_slice %arg4[%add3A_35, %dma_start3A_64] : memref<196608x256xi32, #tpu.memory_space<hbm>> -> memref<128x256xi32, #tpu.memory_space<hbm>>
        %dma_start3A_66 = arith.constant 0 : i32
        %dma_start3A_67 = tpu.memref_slice %arg4[%add3A_35, %dma_start3A_66] : memref<196608x256xi32, #tpu.memory_space<hbm>> -> memref<128x256xi32, #tpu.memory_space<hbm>>
        tpu.enqueue_dma source(%arg6 : memref<128x256xi32, #tpu.memory_space<vmem>>) target(%dma_start3A_67 : memref<128x256xi32, #tpu.memory_space<hbm>>) target_semaphore(%run_scoped3A : memref<!tpu.dma_semaphore, #tpu.memory_space<semaphore_mem>>)
        %dma_wait3A_68 = arith.constant 0 : i32
        %dma_wait3A_69 = tpu.memref_slice %arg4[%add3A_35, %dma_wait3A_68] : memref<196608x256xi32, #tpu.memory_space<hbm>> -> memref<128x256xi32, #tpu.memory_space<hbm>>
        %dma_wait3A_70 = arith.constant 0 : i32
        %dma_wait3A_71 = tpu.memref_slice %arg4[%add3A_35, %dma_wait3A_70] : memref<196608x256xi32, #tpu.memory_space<hbm>> -> memref<128x256xi32, #tpu.memory_space<hbm>>
        tpu.wait_dma2 semaphore(%run_scoped3A : memref<!tpu.dma_semaphore, #tpu.memory_space<semaphore_mem>>) src(%arg6 : memref<128x256xi32, #tpu.memory_space<vmem>>) dst(%dma_wait3A_71 : memref<128x256xi32, #tpu.memory_space<hbm>>)
        tpu.yield
      }) : () -> ()
      %add3A_36 = arith.constant 0 : i32
      %add3A_37 = arith.addi %mul3A_23, %add3A_36 : i32
      %add3A_38 = arith.constant 2 : i32
      %add3A_39 = arith.addi %add3A_37, %add3A_38 : i32
      %lt3A = arith.constant 48 : i32
      %lt3A_40 = arith.cmpi slt, %add3A_39, %lt3A : i32
      %convert_element_type3A = arith.extui %lt3A_40 : i1 to i32
      %cond3A = arith.constant 0 : i32
      %cond3A_41 = arith.cmpi ne, %convert_element_type3A, %cond3A : i32
      scf.if %cond3A_41 {
        %add3A_64 = arith.constant 0 : i32
        %add3A_65 = arith.addi %mul3A_23, %add3A_64 : i32
        %add3A_66 = arith.constant 2 : i32
        %add3A_67 = arith.addi %add3A_65, %add3A_66 : i32
        %dma_start3A_68 = arith.constant 0 : i32
        %dma_start3A_69 = tpu.memref_slice %arg5[%add3A_67, %dma_start3A_68] : memref<48x128xi32, #tpu.memory_space<vmem>> -> memref<1x128xi32, #tpu.memory_space<vmem>>
        %dma_start3A_70 = tpu.memref_squeeze %dma_start3A_69 : memref<1x128xi32, #tpu.memory_space<vmem>> -> memref<128xi32, #tpu.memory_space<vmem>>
        %dma_start3A_71 = arith.constant 0 : i32
        %dma_start3A_72 = arith.constant 0 : i32
        %dma_start3A_73 = tpu.memref_slice %arg2[%dma_start3A_71, %dma_start3A_72] : memref<100000x256xi32, #tpu.memory_space<hbm>> -> memref<100000x256xi32, #tpu.memory_space<hbm>>
        tpu.enqueue_indirect_dma source(%dma_start3A_73 : memref<100000x256xi32, #tpu.memory_space<hbm>>) target(%arg6 : memref<128x256xi32, #tpu.memory_space<vmem>>) offsets(%dma_start3A_70 : memref<128xi32, #tpu.memory_space<vmem>>) semaphore(%arg8 : memref<!tpu.dma_semaphore, #tpu.memory_space<semaphore_mem>>)
      } else {
      }
      %add3A_42 = arith.constant 1 : i32
      %add3A_43 = arith.addi %mul3A_23, %add3A_42 : i32
      %dma_wait3A_44 = arith.constant 0 : i32
      %dma_wait3A_45 = tpu.memref_slice %arg5[%add3A_43, %dma_wait3A_44] : memref<48x128xi32, #tpu.memory_space<vmem>> -> memref<1x128xi32, #tpu.memory_space<vmem>>
      %dma_wait3A_46 = tpu.memref_squeeze %dma_wait3A_45 : memref<1x128xi32, #tpu.memory_space<vmem>> -> memref<128xi32, #tpu.memory_space<vmem>>
      %dma_wait3A_47 = arith.constant 0 : i32
      %dma_wait3A_48 = arith.constant 0 : i32
      %dma_wait3A_49 = tpu.memref_slice %arg2[%dma_wait3A_47, %dma_wait3A_48] : memref<100000x256xi32, #tpu.memory_space<hbm>> -> memref<100000x256xi32, #tpu.memory_space<hbm>>
      tpu.wait_indirect_dma semaphore(%arg9 : memref<!tpu.dma_semaphore, #tpu.memory_space<semaphore_mem>>) src(%dma_wait3A_49 : memref<100000x256xi32, #tpu.memory_space<hbm>>) dst(%arg7 : memref<128x256xi32, #tpu.memory_space<vmem>>)
      %add3A_50 = arith.constant 1 : i32
      %add3A_51 = arith.addi %mul3A_23, %add3A_50 : i32
      %mul3A_52 = arith.constant 128 : i32
      %mul3A_53 = arith.muli %add3A_51, %mul3A_52 : i32
      %add3A_54 = arith.addi %mul3A_2, %mul3A_53 : i32
      "tpu.region"() ({
        %run_scoped3A = tpu.sem_alloc : memref<!tpu.dma_semaphore, #tpu.memory_space<semaphore_mem>>
        %dma_start3A_64 = arith.constant 0 : i32
        %dma_start3A_65 = tpu.memref_slice %arg4[%add3A_54, %dma_start3A_64] : memref<196608x256xi32, #tpu.memory_space<hbm>> -> memref<128x256xi32, #tpu.memory_space<hbm>>
        %dma_start3A_66 = arith.constant 0 : i32
        %dma_start3A_67 = tpu.memref_slice %arg4[%add3A_54, %dma_start3A_66] : memref<196608x256xi32, #tpu.memory_space<hbm>> -> memref<128x256xi32, #tpu.memory_space<hbm>>
        tpu.enqueue_dma source(%arg7 : memref<128x256xi32, #tpu.memory_space<vmem>>) target(%dma_start3A_67 : memref<128x256xi32, #tpu.memory_space<hbm>>) target_semaphore(%run_scoped3A : memref<!tpu.dma_semaphore, #tpu.memory_space<semaphore_mem>>)
        %dma_wait3A_68 = arith.constant 0 : i32
        %dma_wait3A_69 = tpu.memref_slice %arg4[%add3A_54, %dma_wait3A_68] : memref<196608x256xi32, #tpu.memory_space<hbm>> -> memref<128x256xi32, #tpu.memory_space<hbm>>
        %dma_wait3A_70 = arith.constant 0 : i32
        %dma_wait3A_71 = tpu.memref_slice %arg4[%add3A_54, %dma_wait3A_70] : memref<196608x256xi32, #tpu.memory_space<hbm>> -> memref<128x256xi32, #tpu.memory_space<hbm>>
        tpu.wait_dma2 semaphore(%run_scoped3A : memref<!tpu.dma_semaphore, #tpu.memory_space<semaphore_mem>>) src(%arg7 : memref<128x256xi32, #tpu.memory_space<vmem>>) dst(%dma_wait3A_71 : memref<128x256xi32, #tpu.memory_space<hbm>>)
        tpu.yield
      }) : () -> ()
      %add3A_55 = arith.constant 1 : i32
      %add3A_56 = arith.addi %mul3A_23, %add3A_55 : i32
      %add3A_57 = arith.constant 2 : i32
      %add3A_58 = arith.addi %add3A_56, %add3A_57 : i32
      %lt3A_59 = arith.constant 48 : i32
      %lt3A_60 = arith.cmpi slt, %add3A_58, %lt3A_59 : i32
      %convert_element_type3A_61 = arith.extui %lt3A_60 : i1 to i32
      %cond3A_62 = arith.constant 0 : i32
      %cond3A_63 = arith.cmpi ne, %convert_element_type3A_61, %cond3A_62 : i32
      scf.if %cond3A_63 {
        %add3A_64 = arith.constant 1 : i32
        %add3A_65 = arith.addi %mul3A_23, %add3A_64 : i32
        %add3A_66 = arith.constant 2 : i32
        %add3A_67 = arith.addi %add3A_65, %add3A_66 : i32
        %dma_start3A_68 = arith.constant 0 : i32
        %dma_start3A_69 = tpu.memref_slice %arg5[%add3A_67, %dma_start3A_68] : memref<48x128xi32, #tpu.memory_space<vmem>> -> memref<1x128xi32, #tpu.memory_space<vmem>>
        %dma_start3A_70 = tpu.memref_squeeze %dma_start3A_69 : memref<1x128xi32, #tpu.memory_space<vmem>> -> memref<128xi32, #tpu.memory_space<vmem>>
        %dma_start3A_71 = arith.constant 0 : i32
        %dma_start3A_72 = arith.constant 0 : i32
        %dma_start3A_73 = tpu.memref_slice %arg2[%dma_start3A_71, %dma_start3A_72] : memref<100000x256xi32, #tpu.memory_space<hbm>> -> memref<100000x256xi32, #tpu.memory_space<hbm>>
        tpu.enqueue_indirect_dma source(%dma_start3A_73 : memref<100000x256xi32, #tpu.memory_space<hbm>>) target(%arg7 : memref<128x256xi32, #tpu.memory_space<vmem>>) offsets(%dma_start3A_70 : memref<128xi32, #tpu.memory_space<vmem>>) semaphore(%arg9 : memref<!tpu.dma_semaphore, #tpu.memory_space<semaphore_mem>>)
      } else {
      }
    }
    %scan3A_20 = arith.constant 24 : i32
    return
  }
}

#map = affine_map<(d0, d1) -> (0, 0)>
#map1 = affine_map<(d0, d1) -> (0, 0, 0)>
module attributes {stable_mosaic.version = 14 : i64} {
  func.func @k(%arg0: i32, %arg1: i32, %arg2: memref<100000x256xi32, #tpu.memory_space<hbm>>, %arg3: memref<32x56x128xi32, #tpu.memory_space<hbm>>, %arg4: memref<229376x256xi32, #tpu.memory_space<hbm>>, %arg5: memref<56x128xi32, #tpu.memory_space<vmem>>, %arg6: memref<128x256xi32, #tpu.memory_space<vmem>>, %arg7: memref<128x256xi32, #tpu.memory_space<vmem>>, %arg8: memref<!tpu.dma_semaphore, #tpu.memory_space<semaphore_mem>>, %arg9: memref<!tpu.dma_semaphore, #tpu.memory_space<semaphore_mem>>) attributes {dimension_semantics = [#tpu.dimension_semantics<core_parallel>, #tpu.dimension_semantics<subcore_parallel>], iteration_bounds = array<i64: 2, 16>, scalar_prefetch = 0 : i64, scratch_operands = 5 : i64, tpu.core_type = #tpu.core_type<sc_vector_subcore>, window_params = [{transform_indices = #map}, {transform_indices = #map1}, {transform_indices = #map}]} {
    %mul3A = arith.constant 2 : i32
    %mul3A_0 = arith.muli %arg1, %mul3A : i32
    %add3A = arith.addi %mul3A_0, %arg0 : i32
    %mul3A_1 = arith.constant 7168 : i32
    %mul3A_2 = arith.muli %add3A, %mul3A_1 : i32
    "tpu.region"() ({
      %run_scoped3A = tpu.sem_alloc : memref<!tpu.dma_semaphore, #tpu.memory_space<semaphore_mem>>
      %dma_start3A_21 = arith.constant 0 : i32
      %dma_start3A_22 = arith.constant 0 : i32
      %dma_start3A_23 = tpu.memref_slice %arg3[%add3A, %dma_start3A_21, %dma_start3A_22] : memref<32x56x128xi32, #tpu.memory_space<hbm>> -> memref<1x56x128xi32, #tpu.memory_space<hbm>>
      %dma_start3A_24 = tpu.memref_squeeze %dma_start3A_23 : memref<1x56x128xi32, #tpu.memory_space<hbm>> -> memref<56x128xi32, #tpu.memory_space<hbm>>
      %dma_start3A_25 = arith.constant 0 : i32
      %dma_start3A_26 = arith.constant 0 : i32
      %dma_start3A_27 = tpu.memref_slice %arg3[%add3A, %dma_start3A_25, %dma_start3A_26] : memref<32x56x128xi32, #tpu.memory_space<hbm>> -> memref<1x56x128xi32, #tpu.memory_space<hbm>>
      %dma_start3A_28 = tpu.memref_squeeze %dma_start3A_27 : memref<1x56x128xi32, #tpu.memory_space<hbm>> -> memref<56x128xi32, #tpu.memory_space<hbm>>
      tpu.enqueue_dma source(%dma_start3A_28 : memref<56x128xi32, #tpu.memory_space<hbm>>) target(%arg5 : memref<56x128xi32, #tpu.memory_space<vmem>>) target_semaphore(%run_scoped3A : memref<!tpu.dma_semaphore, #tpu.memory_space<semaphore_mem>>)
      %dma_wait3A = arith.constant 0 : i32
      %dma_wait3A_29 = arith.constant 0 : i32
      %dma_wait3A_30 = tpu.memref_slice %arg3[%add3A, %dma_wait3A, %dma_wait3A_29] : memref<32x56x128xi32, #tpu.memory_space<hbm>> -> memref<1x56x128xi32, #tpu.memory_space<hbm>>
      %dma_wait3A_31 = tpu.memref_squeeze %dma_wait3A_30 : memref<1x56x128xi32, #tpu.memory_space<hbm>> -> memref<56x128xi32, #tpu.memory_space<hbm>>
      %dma_wait3A_32 = arith.constant 0 : i32
      %dma_wait3A_33 = arith.constant 0 : i32
      %dma_wait3A_34 = tpu.memref_slice %arg3[%add3A, %dma_wait3A_32, %dma_wait3A_33] : memref<32x56x128xi32, #tpu.memory_space<hbm>> -> memref<1x56x128xi32, #tpu.memory_space<hbm>>
      %dma_wait3A_35 = tpu.memref_squeeze %dma_wait3A_34 : memref<1x56x128xi32, #tpu.memory_space<hbm>> -> memref<56x128xi32, #tpu.memory_space<hbm>>
      tpu.wait_dma2 semaphore(%run_scoped3A : memref<!tpu.dma_semaphore, #tpu.memory_space<semaphore_mem>>) src(%dma_wait3A_35 : memref<56x128xi32, #tpu.memory_space<hbm>>) dst(%arg5 : memref<56x128xi32, #tpu.memory_space<vmem>>)
      tpu.yield
    }) : () -> ()
    %dma_start3A = arith.constant 0 : i32
    %dma_start3A_3 = arith.constant 0 : i32
    %dma_start3A_4 = tpu.memref_slice %arg5[%dma_start3A, %dma_start3A_3] : memref<56x128xi32, #tpu.memory_space<vmem>> -> memref<1x128xi32, #tpu.memory_space<vmem>>
    %dma_start3A_5 = tpu.memref_squeeze %dma_start3A_4 : memref<1x128xi32, #tpu.memory_space<vmem>> -> memref<128xi32, #tpu.memory_space<vmem>>
    %dma_start3A_6 = arith.constant 0 : i32
    %dma_start3A_7 = arith.constant 0 : i32
    %dma_start3A_8 = tpu.memref_slice %arg2[%dma_start3A_6, %dma_start3A_7] : memref<100000x256xi32, #tpu.memory_space<hbm>> -> memref<100000x256xi32, #tpu.memory_space<hbm>>
    tpu.enqueue_indirect_dma source(%dma_start3A_8 : memref<100000x256xi32, #tpu.memory_space<hbm>>) target(%arg6 : memref<128x256xi32, #tpu.memory_space<vmem>>) offsets(%dma_start3A_5 : memref<128xi32, #tpu.memory_space<vmem>>) semaphore(%arg8 : memref<!tpu.dma_semaphore, #tpu.memory_space<semaphore_mem>>)
    %dma_start3A_9 = arith.constant 1 : i32
    %dma_start3A_10 = arith.constant 0 : i32
    %dma_start3A_11 = tpu.memref_slice %arg5[%dma_start3A_9, %dma_start3A_10] : memref<56x128xi32, #tpu.memory_space<vmem>> -> memref<1x128xi32, #tpu.memory_space<vmem>>
    %dma_start3A_12 = tpu.memref_squeeze %dma_start3A_11 : memref<1x128xi32, #tpu.memory_space<vmem>> -> memref<128xi32, #tpu.memory_space<vmem>>
    %dma_start3A_13 = arith.constant 0 : i32
    %dma_start3A_14 = arith.constant 0 : i32
    %dma_start3A_15 = tpu.memref_slice %arg2[%dma_start3A_13, %dma_start3A_14] : memref<100000x256xi32, #tpu.memory_space<hbm>> -> memref<100000x256xi32, #tpu.memory_space<hbm>>
    tpu.enqueue_indirect_dma source(%dma_start3A_15 : memref<100000x256xi32, #tpu.memory_space<hbm>>) target(%arg7 : memref<128x256xi32, #tpu.memory_space<vmem>>) offsets(%dma_start3A_12 : memref<128xi32, #tpu.memory_space<vmem>>) semaphore(%arg9 : memref<!tpu.dma_semaphore, #tpu.memory_space<semaphore_mem>>)
    %scan3A = arith.constant 0 : i32
    %scan3A_16 = arith.constant 0 : i32
    %scan3A_17 = arith.constant 28 : i32
    %scan3A_18 = arith.addi %scan3A_16, %scan3A_17 : i32
    %scan3A_19 = arith.constant 1 : i32
    scf.for %scan3A_21 = %scan3A_16 to %scan3A_18 step %scan3A_19  : i32 {
      %mul3A_22 = arith.constant 2 : i32
      %mul3A_23 = arith.muli %scan3A_21, %mul3A_22 : i32
      %add3A_24 = arith.constant 0 : i32
      %add3A_25 = arith.addi %mul3A_23, %add3A_24 : i32
      %dma_wait3A = arith.constant 0 : i32
      %dma_wait3A_26 = tpu.memref_slice %arg5[%add3A_25, %dma_wait3A] : memref<56x128xi32, #tpu.memory_space<vmem>> -> memref<1x128xi32, #tpu.memory_space<vmem>>
      %dma_wait3A_27 = tpu.memref_squeeze %dma_wait3A_26 : memref<1x128xi32, #tpu.memory_space<vmem>> -> memref<128xi32, #tpu.memory_space<vmem>>
      %dma_wait3A_28 = arith.constant 0 : i32
      %dma_wait3A_29 = arith.constant 0 : i32
      %dma_wait3A_30 = tpu.memref_slice %arg2[%dma_wait3A_28, %dma_wait3A_29] : memref<100000x256xi32, #tpu.memory_space<hbm>> -> memref<100000x256xi32, #tpu.memory_space<hbm>>
      tpu.wait_indirect_dma semaphore(%arg8 : memref<!tpu.dma_semaphore, #tpu.memory_space<semaphore_mem>>) src(%dma_wait3A_30 : memref<100000x256xi32, #tpu.memory_space<hbm>>) dst(%arg6 : memref<128x256xi32, #tpu.memory_space<vmem>>)
      %add3A_31 = arith.constant 0 : i32
      %add3A_32 = arith.addi %mul3A_23, %add3A_31 : i32
      %mul3A_33 = arith.constant 128 : i32
      %mul3A_34 = arith.muli %add3A_32, %mul3A_33 : i32
      %add3A_35 = arith.addi %mul3A_2, %mul3A_34 : i32
      "tpu.region"() ({
        %run_scoped3A = tpu.sem_alloc : memref<!tpu.dma_semaphore, #tpu.memory_space<semaphore_mem>>
        %dma_start3A_64 = arith.constant 0 : i32
        %dma_start3A_65 = tpu.memref_slice %arg4[%add3A_35, %dma_start3A_64] : memref<229376x256xi32, #tpu.memory_space<hbm>> -> memref<128x256xi32, #tpu.memory_space<hbm>>
        %dma_start3A_66 = arith.constant 0 : i32
        %dma_start3A_67 = tpu.memref_slice %arg4[%add3A_35, %dma_start3A_66] : memref<229376x256xi32, #tpu.memory_space<hbm>> -> memref<128x256xi32, #tpu.memory_space<hbm>>
        tpu.enqueue_dma source(%arg6 : memref<128x256xi32, #tpu.memory_space<vmem>>) target(%dma_start3A_67 : memref<128x256xi32, #tpu.memory_space<hbm>>) target_semaphore(%run_scoped3A : memref<!tpu.dma_semaphore, #tpu.memory_space<semaphore_mem>>)
        %dma_wait3A_68 = arith.constant 0 : i32
        %dma_wait3A_69 = tpu.memref_slice %arg4[%add3A_35, %dma_wait3A_68] : memref<229376x256xi32, #tpu.memory_space<hbm>> -> memref<128x256xi32, #tpu.memory_space<hbm>>
        %dma_wait3A_70 = arith.constant 0 : i32
        %dma_wait3A_71 = tpu.memref_slice %arg4[%add3A_35, %dma_wait3A_70] : memref<229376x256xi32, #tpu.memory_space<hbm>> -> memref<128x256xi32, #tpu.memory_space<hbm>>
        tpu.wait_dma2 semaphore(%run_scoped3A : memref<!tpu.dma_semaphore, #tpu.memory_space<semaphore_mem>>) src(%arg6 : memref<128x256xi32, #tpu.memory_space<vmem>>) dst(%dma_wait3A_71 : memref<128x256xi32, #tpu.memory_space<hbm>>)
        tpu.yield
      }) : () -> ()
      %add3A_36 = arith.constant 0 : i32
      %add3A_37 = arith.addi %mul3A_23, %add3A_36 : i32
      %add3A_38 = arith.constant 2 : i32
      %add3A_39 = arith.addi %add3A_37, %add3A_38 : i32
      %lt3A = arith.constant 56 : i32
      %lt3A_40 = arith.cmpi slt, %add3A_39, %lt3A : i32
      %convert_element_type3A = arith.extui %lt3A_40 : i1 to i32
      %cond3A = arith.constant 0 : i32
      %cond3A_41 = arith.cmpi ne, %convert_element_type3A, %cond3A : i32
      scf.if %cond3A_41 {
        %add3A_64 = arith.constant 0 : i32
        %add3A_65 = arith.addi %mul3A_23, %add3A_64 : i32
        %add3A_66 = arith.constant 2 : i32
        %add3A_67 = arith.addi %add3A_65, %add3A_66 : i32
        %dma_start3A_68 = arith.constant 0 : i32
        %dma_start3A_69 = tpu.memref_slice %arg5[%add3A_67, %dma_start3A_68] : memref<56x128xi32, #tpu.memory_space<vmem>> -> memref<1x128xi32, #tpu.memory_space<vmem>>
        %dma_start3A_70 = tpu.memref_squeeze %dma_start3A_69 : memref<1x128xi32, #tpu.memory_space<vmem>> -> memref<128xi32, #tpu.memory_space<vmem>>
        %dma_start3A_71 = arith.constant 0 : i32
        %dma_start3A_72 = arith.constant 0 : i32
        %dma_start3A_73 = tpu.memref_slice %arg2[%dma_start3A_71, %dma_start3A_72] : memref<100000x256xi32, #tpu.memory_space<hbm>> -> memref<100000x256xi32, #tpu.memory_space<hbm>>
        tpu.enqueue_indirect_dma source(%dma_start3A_73 : memref<100000x256xi32, #tpu.memory_space<hbm>>) target(%arg6 : memref<128x256xi32, #tpu.memory_space<vmem>>) offsets(%dma_start3A_70 : memref<128xi32, #tpu.memory_space<vmem>>) semaphore(%arg8 : memref<!tpu.dma_semaphore, #tpu.memory_space<semaphore_mem>>)
      } else {
      }
      %add3A_42 = arith.constant 1 : i32
      %add3A_43 = arith.addi %mul3A_23, %add3A_42 : i32
      %dma_wait3A_44 = arith.constant 0 : i32
      %dma_wait3A_45 = tpu.memref_slice %arg5[%add3A_43, %dma_wait3A_44] : memref<56x128xi32, #tpu.memory_space<vmem>> -> memref<1x128xi32, #tpu.memory_space<vmem>>
      %dma_wait3A_46 = tpu.memref_squeeze %dma_wait3A_45 : memref<1x128xi32, #tpu.memory_space<vmem>> -> memref<128xi32, #tpu.memory_space<vmem>>
      %dma_wait3A_47 = arith.constant 0 : i32
      %dma_wait3A_48 = arith.constant 0 : i32
      %dma_wait3A_49 = tpu.memref_slice %arg2[%dma_wait3A_47, %dma_wait3A_48] : memref<100000x256xi32, #tpu.memory_space<hbm>> -> memref<100000x256xi32, #tpu.memory_space<hbm>>
      tpu.wait_indirect_dma semaphore(%arg9 : memref<!tpu.dma_semaphore, #tpu.memory_space<semaphore_mem>>) src(%dma_wait3A_49 : memref<100000x256xi32, #tpu.memory_space<hbm>>) dst(%arg7 : memref<128x256xi32, #tpu.memory_space<vmem>>)
      %add3A_50 = arith.constant 1 : i32
      %add3A_51 = arith.addi %mul3A_23, %add3A_50 : i32
      %mul3A_52 = arith.constant 128 : i32
      %mul3A_53 = arith.muli %add3A_51, %mul3A_52 : i32
      %add3A_54 = arith.addi %mul3A_2, %mul3A_53 : i32
      "tpu.region"() ({
        %run_scoped3A = tpu.sem_alloc : memref<!tpu.dma_semaphore, #tpu.memory_space<semaphore_mem>>
        %dma_start3A_64 = arith.constant 0 : i32
        %dma_start3A_65 = tpu.memref_slice %arg4[%add3A_54, %dma_start3A_64] : memref<229376x256xi32, #tpu.memory_space<hbm>> -> memref<128x256xi32, #tpu.memory_space<hbm>>
        %dma_start3A_66 = arith.constant 0 : i32
        %dma_start3A_67 = tpu.memref_slice %arg4[%add3A_54, %dma_start3A_66] : memref<229376x256xi32, #tpu.memory_space<hbm>> -> memref<128x256xi32, #tpu.memory_space<hbm>>
        tpu.enqueue_dma source(%arg7 : memref<128x256xi32, #tpu.memory_space<vmem>>) target(%dma_start3A_67 : memref<128x256xi32, #tpu.memory_space<hbm>>) target_semaphore(%run_scoped3A : memref<!tpu.dma_semaphore, #tpu.memory_space<semaphore_mem>>)
        %dma_wait3A_68 = arith.constant 0 : i32
        %dma_wait3A_69 = tpu.memref_slice %arg4[%add3A_54, %dma_wait3A_68] : memref<229376x256xi32, #tpu.memory_space<hbm>> -> memref<128x256xi32, #tpu.memory_space<hbm>>
        %dma_wait3A_70 = arith.constant 0 : i32
        %dma_wait3A_71 = tpu.memref_slice %arg4[%add3A_54, %dma_wait3A_70] : memref<229376x256xi32, #tpu.memory_space<hbm>> -> memref<128x256xi32, #tpu.memory_space<hbm>>
        tpu.wait_dma2 semaphore(%run_scoped3A : memref<!tpu.dma_semaphore, #tpu.memory_space<semaphore_mem>>) src(%arg7 : memref<128x256xi32, #tpu.memory_space<vmem>>) dst(%dma_wait3A_71 : memref<128x256xi32, #tpu.memory_space<hbm>>)
        tpu.yield
      }) : () -> ()
      %add3A_55 = arith.constant 1 : i32
      %add3A_56 = arith.addi %mul3A_23, %add3A_55 : i32
      %add3A_57 = arith.constant 2 : i32
      %add3A_58 = arith.addi %add3A_56, %add3A_57 : i32
      %lt3A_59 = arith.constant 56 : i32
      %lt3A_60 = arith.cmpi slt, %add3A_58, %lt3A_59 : i32
      %convert_element_type3A_61 = arith.extui %lt3A_60 : i1 to i32
      %cond3A_62 = arith.constant 0 : i32
      %cond3A_63 = arith.cmpi ne, %convert_element_type3A_61, %cond3A_62 : i32
      scf.if %cond3A_63 {
        %add3A_64 = arith.constant 1 : i32
        %add3A_65 = arith.addi %mul3A_23, %add3A_64 : i32
        %add3A_66 = arith.constant 2 : i32
        %add3A_67 = arith.addi %add3A_65, %add3A_66 : i32
        %dma_start3A_68 = arith.constant 0 : i32
        %dma_start3A_69 = tpu.memref_slice %arg5[%add3A_67, %dma_start3A_68] : memref<56x128xi32, #tpu.memory_space<vmem>> -> memref<1x128xi32, #tpu.memory_space<vmem>>
        %dma_start3A_70 = tpu.memref_squeeze %dma_start3A_69 : memref<1x128xi32, #tpu.memory_space<vmem>> -> memref<128xi32, #tpu.memory_space<vmem>>
        %dma_start3A_71 = arith.constant 0 : i32
        %dma_start3A_72 = arith.constant 0 : i32
        %dma_start3A_73 = tpu.memref_slice %arg2[%dma_start3A_71, %dma_start3A_72] : memref<100000x256xi32, #tpu.memory_space<hbm>> -> memref<100000x256xi32, #tpu.memory_space<hbm>>
        tpu.enqueue_indirect_dma source(%dma_start3A_73 : memref<100000x256xi32, #tpu.memory_space<hbm>>) target(%arg7 : memref<128x256xi32, #tpu.memory_space<vmem>>) offsets(%dma_start3A_70 : memref<128xi32, #tpu.memory_space<vmem>>) semaphore(%arg9 : memref<!tpu.dma_semaphore, #tpu.memory_space<semaphore_mem>>)
      } else {
      }
    }
    %scan3A_20 = arith.constant 28 : i32
    return
  }
}

#map = affine_map<(d0, d1) -> (0, 0)>
#map1 = affine_map<(d0, d1) -> (0, 0, 0)>
module attributes {stable_mosaic.version = 14 : i64} {
  func.func @k(%arg0: i32, %arg1: i32, %arg2: memref<100000x256xi32, #tpu.memory_space<hbm>>, %arg3: memref<32x8x128xi32, #tpu.memory_space<hbm>>, %arg4: memref<32768x256xi32, #tpu.memory_space<hbm>>, %arg5: memref<8x128xi32, #tpu.memory_space<vmem>>, %arg6: memref<128x256xi32, #tpu.memory_space<vmem>>, %arg7: memref<128x256xi32, #tpu.memory_space<vmem>>, %arg8: memref<!tpu.dma_semaphore, #tpu.memory_space<semaphore_mem>>, %arg9: memref<!tpu.dma_semaphore, #tpu.memory_space<semaphore_mem>>) attributes {dimension_semantics = [#tpu.dimension_semantics<core_parallel>, #tpu.dimension_semantics<subcore_parallel>], iteration_bounds = array<i64: 2, 16>, scalar_prefetch = 0 : i64, scratch_operands = 5 : i64, tpu.core_type = #tpu.core_type<sc_vector_subcore>, window_params = [{transform_indices = #map}, {transform_indices = #map1}, {transform_indices = #map}]} {
    %mul3A = arith.constant 2 : i32
    %mul3A_0 = arith.muli %arg1, %mul3A : i32
    %add3A = arith.addi %mul3A_0, %arg0 : i32
    %mul3A_1 = arith.constant 1024 : i32
    %mul3A_2 = arith.muli %add3A, %mul3A_1 : i32
    "tpu.region"() ({
      %run_scoped3A = tpu.sem_alloc : memref<!tpu.dma_semaphore, #tpu.memory_space<semaphore_mem>>
      %dma_start3A_21 = arith.constant 0 : i32
      %dma_start3A_22 = arith.constant 0 : i32
      %dma_start3A_23 = tpu.memref_slice %arg3[%add3A, %dma_start3A_21, %dma_start3A_22] : memref<32x8x128xi32, #tpu.memory_space<hbm>> -> memref<1x8x128xi32, #tpu.memory_space<hbm>>
      %dma_start3A_24 = tpu.memref_squeeze %dma_start3A_23 : memref<1x8x128xi32, #tpu.memory_space<hbm>> -> memref<8x128xi32, #tpu.memory_space<hbm>>
      %dma_start3A_25 = arith.constant 0 : i32
      %dma_start3A_26 = arith.constant 0 : i32
      %dma_start3A_27 = tpu.memref_slice %arg3[%add3A, %dma_start3A_25, %dma_start3A_26] : memref<32x8x128xi32, #tpu.memory_space<hbm>> -> memref<1x8x128xi32, #tpu.memory_space<hbm>>
      %dma_start3A_28 = tpu.memref_squeeze %dma_start3A_27 : memref<1x8x128xi32, #tpu.memory_space<hbm>> -> memref<8x128xi32, #tpu.memory_space<hbm>>
      tpu.enqueue_dma source(%dma_start3A_28 : memref<8x128xi32, #tpu.memory_space<hbm>>) target(%arg5 : memref<8x128xi32, #tpu.memory_space<vmem>>) target_semaphore(%run_scoped3A : memref<!tpu.dma_semaphore, #tpu.memory_space<semaphore_mem>>)
      %dma_wait3A = arith.constant 0 : i32
      %dma_wait3A_29 = arith.constant 0 : i32
      %dma_wait3A_30 = tpu.memref_slice %arg3[%add3A, %dma_wait3A, %dma_wait3A_29] : memref<32x8x128xi32, #tpu.memory_space<hbm>> -> memref<1x8x128xi32, #tpu.memory_space<hbm>>
      %dma_wait3A_31 = tpu.memref_squeeze %dma_wait3A_30 : memref<1x8x128xi32, #tpu.memory_space<hbm>> -> memref<8x128xi32, #tpu.memory_space<hbm>>
      %dma_wait3A_32 = arith.constant 0 : i32
      %dma_wait3A_33 = arith.constant 0 : i32
      %dma_wait3A_34 = tpu.memref_slice %arg3[%add3A, %dma_wait3A_32, %dma_wait3A_33] : memref<32x8x128xi32, #tpu.memory_space<hbm>> -> memref<1x8x128xi32, #tpu.memory_space<hbm>>
      %dma_wait3A_35 = tpu.memref_squeeze %dma_wait3A_34 : memref<1x8x128xi32, #tpu.memory_space<hbm>> -> memref<8x128xi32, #tpu.memory_space<hbm>>
      tpu.wait_dma2 semaphore(%run_scoped3A : memref<!tpu.dma_semaphore, #tpu.memory_space<semaphore_mem>>) src(%dma_wait3A_35 : memref<8x128xi32, #tpu.memory_space<hbm>>) dst(%arg5 : memref<8x128xi32, #tpu.memory_space<vmem>>)
      tpu.yield
    }) : () -> ()
    %dma_start3A = arith.constant 0 : i32
    %dma_start3A_3 = arith.constant 0 : i32
    %dma_start3A_4 = tpu.memref_slice %arg5[%dma_start3A, %dma_start3A_3] : memref<8x128xi32, #tpu.memory_space<vmem>> -> memref<1x128xi32, #tpu.memory_space<vmem>>
    %dma_start3A_5 = tpu.memref_squeeze %dma_start3A_4 : memref<1x128xi32, #tpu.memory_space<vmem>> -> memref<128xi32, #tpu.memory_space<vmem>>
    %dma_start3A_6 = arith.constant 0 : i32
    %dma_start3A_7 = arith.constant 0 : i32
    %dma_start3A_8 = tpu.memref_slice %arg2[%dma_start3A_6, %dma_start3A_7] : memref<100000x256xi32, #tpu.memory_space<hbm>> -> memref<100000x256xi32, #tpu.memory_space<hbm>>
    tpu.enqueue_indirect_dma source(%dma_start3A_8 : memref<100000x256xi32, #tpu.memory_space<hbm>>) target(%arg6 : memref<128x256xi32, #tpu.memory_space<vmem>>) offsets(%dma_start3A_5 : memref<128xi32, #tpu.memory_space<vmem>>) semaphore(%arg8 : memref<!tpu.dma_semaphore, #tpu.memory_space<semaphore_mem>>)
    %dma_start3A_9 = arith.constant 1 : i32
    %dma_start3A_10 = arith.constant 0 : i32
    %dma_start3A_11 = tpu.memref_slice %arg5[%dma_start3A_9, %dma_start3A_10] : memref<8x128xi32, #tpu.memory_space<vmem>> -> memref<1x128xi32, #tpu.memory_space<vmem>>
    %dma_start3A_12 = tpu.memref_squeeze %dma_start3A_11 : memref<1x128xi32, #tpu.memory_space<vmem>> -> memref<128xi32, #tpu.memory_space<vmem>>
    %dma_start3A_13 = arith.constant 0 : i32
    %dma_start3A_14 = arith.constant 0 : i32
    %dma_start3A_15 = tpu.memref_slice %arg2[%dma_start3A_13, %dma_start3A_14] : memref<100000x256xi32, #tpu.memory_space<hbm>> -> memref<100000x256xi32, #tpu.memory_space<hbm>>
    tpu.enqueue_indirect_dma source(%dma_start3A_15 : memref<100000x256xi32, #tpu.memory_space<hbm>>) target(%arg7 : memref<128x256xi32, #tpu.memory_space<vmem>>) offsets(%dma_start3A_12 : memref<128xi32, #tpu.memory_space<vmem>>) semaphore(%arg9 : memref<!tpu.dma_semaphore, #tpu.memory_space<semaphore_mem>>)
    %scan3A = arith.constant 0 : i32
    %scan3A_16 = arith.constant 0 : i32
    %scan3A_17 = arith.constant 4 : i32
    %scan3A_18 = arith.addi %scan3A_16, %scan3A_17 : i32
    %scan3A_19 = arith.constant 1 : i32
    scf.for %scan3A_21 = %scan3A_16 to %scan3A_18 step %scan3A_19  : i32 {
      %mul3A_22 = arith.constant 2 : i32
      %mul3A_23 = arith.muli %scan3A_21, %mul3A_22 : i32
      %add3A_24 = arith.constant 0 : i32
      %add3A_25 = arith.addi %mul3A_23, %add3A_24 : i32
      %dma_wait3A = arith.constant 0 : i32
      %dma_wait3A_26 = tpu.memref_slice %arg5[%add3A_25, %dma_wait3A] : memref<8x128xi32, #tpu.memory_space<vmem>> -> memref<1x128xi32, #tpu.memory_space<vmem>>
      %dma_wait3A_27 = tpu.memref_squeeze %dma_wait3A_26 : memref<1x128xi32, #tpu.memory_space<vmem>> -> memref<128xi32, #tpu.memory_space<vmem>>
      %dma_wait3A_28 = arith.constant 0 : i32
      %dma_wait3A_29 = arith.constant 0 : i32
      %dma_wait3A_30 = tpu.memref_slice %arg2[%dma_wait3A_28, %dma_wait3A_29] : memref<100000x256xi32, #tpu.memory_space<hbm>> -> memref<100000x256xi32, #tpu.memory_space<hbm>>
      tpu.wait_indirect_dma semaphore(%arg8 : memref<!tpu.dma_semaphore, #tpu.memory_space<semaphore_mem>>) src(%dma_wait3A_30 : memref<100000x256xi32, #tpu.memory_space<hbm>>) dst(%arg6 : memref<128x256xi32, #tpu.memory_space<vmem>>)
      %add3A_31 = arith.constant 0 : i32
      %add3A_32 = arith.addi %mul3A_23, %add3A_31 : i32
      %mul3A_33 = arith.constant 128 : i32
      %mul3A_34 = arith.muli %add3A_32, %mul3A_33 : i32
      %add3A_35 = arith.addi %mul3A_2, %mul3A_34 : i32
      "tpu.region"() ({
        %run_scoped3A = tpu.sem_alloc : memref<!tpu.dma_semaphore, #tpu.memory_space<semaphore_mem>>
        %dma_start3A_64 = arith.constant 0 : i32
        %dma_start3A_65 = tpu.memref_slice %arg4[%add3A_35, %dma_start3A_64] : memref<32768x256xi32, #tpu.memory_space<hbm>> -> memref<128x256xi32, #tpu.memory_space<hbm>>
        %dma_start3A_66 = arith.constant 0 : i32
        %dma_start3A_67 = tpu.memref_slice %arg4[%add3A_35, %dma_start3A_66] : memref<32768x256xi32, #tpu.memory_space<hbm>> -> memref<128x256xi32, #tpu.memory_space<hbm>>
        tpu.enqueue_dma source(%arg6 : memref<128x256xi32, #tpu.memory_space<vmem>>) target(%dma_start3A_67 : memref<128x256xi32, #tpu.memory_space<hbm>>) target_semaphore(%run_scoped3A : memref<!tpu.dma_semaphore, #tpu.memory_space<semaphore_mem>>)
        %dma_wait3A_68 = arith.constant 0 : i32
        %dma_wait3A_69 = tpu.memref_slice %arg4[%add3A_35, %dma_wait3A_68] : memref<32768x256xi32, #tpu.memory_space<hbm>> -> memref<128x256xi32, #tpu.memory_space<hbm>>
        %dma_wait3A_70 = arith.constant 0 : i32
        %dma_wait3A_71 = tpu.memref_slice %arg4[%add3A_35, %dma_wait3A_70] : memref<32768x256xi32, #tpu.memory_space<hbm>> -> memref<128x256xi32, #tpu.memory_space<hbm>>
        tpu.wait_dma2 semaphore(%run_scoped3A : memref<!tpu.dma_semaphore, #tpu.memory_space<semaphore_mem>>) src(%arg6 : memref<128x256xi32, #tpu.memory_space<vmem>>) dst(%dma_wait3A_71 : memref<128x256xi32, #tpu.memory_space<hbm>>)
        tpu.yield
      }) : () -> ()
      %add3A_36 = arith.constant 0 : i32
      %add3A_37 = arith.addi %mul3A_23, %add3A_36 : i32
      %add3A_38 = arith.constant 2 : i32
      %add3A_39 = arith.addi %add3A_37, %add3A_38 : i32
      %lt3A = arith.constant 8 : i32
      %lt3A_40 = arith.cmpi slt, %add3A_39, %lt3A : i32
      %convert_element_type3A = arith.extui %lt3A_40 : i1 to i32
      %cond3A = arith.constant 0 : i32
      %cond3A_41 = arith.cmpi ne, %convert_element_type3A, %cond3A : i32
      scf.if %cond3A_41 {
        %add3A_64 = arith.constant 0 : i32
        %add3A_65 = arith.addi %mul3A_23, %add3A_64 : i32
        %add3A_66 = arith.constant 2 : i32
        %add3A_67 = arith.addi %add3A_65, %add3A_66 : i32
        %dma_start3A_68 = arith.constant 0 : i32
        %dma_start3A_69 = tpu.memref_slice %arg5[%add3A_67, %dma_start3A_68] : memref<8x128xi32, #tpu.memory_space<vmem>> -> memref<1x128xi32, #tpu.memory_space<vmem>>
        %dma_start3A_70 = tpu.memref_squeeze %dma_start3A_69 : memref<1x128xi32, #tpu.memory_space<vmem>> -> memref<128xi32, #tpu.memory_space<vmem>>
        %dma_start3A_71 = arith.constant 0 : i32
        %dma_start3A_72 = arith.constant 0 : i32
        %dma_start3A_73 = tpu.memref_slice %arg2[%dma_start3A_71, %dma_start3A_72] : memref<100000x256xi32, #tpu.memory_space<hbm>> -> memref<100000x256xi32, #tpu.memory_space<hbm>>
        tpu.enqueue_indirect_dma source(%dma_start3A_73 : memref<100000x256xi32, #tpu.memory_space<hbm>>) target(%arg6 : memref<128x256xi32, #tpu.memory_space<vmem>>) offsets(%dma_start3A_70 : memref<128xi32, #tpu.memory_space<vmem>>) semaphore(%arg8 : memref<!tpu.dma_semaphore, #tpu.memory_space<semaphore_mem>>)
      } else {
      }
      %add3A_42 = arith.constant 1 : i32
      %add3A_43 = arith.addi %mul3A_23, %add3A_42 : i32
      %dma_wait3A_44 = arith.constant 0 : i32
      %dma_wait3A_45 = tpu.memref_slice %arg5[%add3A_43, %dma_wait3A_44] : memref<8x128xi32, #tpu.memory_space<vmem>> -> memref<1x128xi32, #tpu.memory_space<vmem>>
      %dma_wait3A_46 = tpu.memref_squeeze %dma_wait3A_45 : memref<1x128xi32, #tpu.memory_space<vmem>> -> memref<128xi32, #tpu.memory_space<vmem>>
      %dma_wait3A_47 = arith.constant 0 : i32
      %dma_wait3A_48 = arith.constant 0 : i32
      %dma_wait3A_49 = tpu.memref_slice %arg2[%dma_wait3A_47, %dma_wait3A_48] : memref<100000x256xi32, #tpu.memory_space<hbm>> -> memref<100000x256xi32, #tpu.memory_space<hbm>>
      tpu.wait_indirect_dma semaphore(%arg9 : memref<!tpu.dma_semaphore, #tpu.memory_space<semaphore_mem>>) src(%dma_wait3A_49 : memref<100000x256xi32, #tpu.memory_space<hbm>>) dst(%arg7 : memref<128x256xi32, #tpu.memory_space<vmem>>)
      %add3A_50 = arith.constant 1 : i32
      %add3A_51 = arith.addi %mul3A_23, %add3A_50 : i32
      %mul3A_52 = arith.constant 128 : i32
      %mul3A_53 = arith.muli %add3A_51, %mul3A_52 : i32
      %add3A_54 = arith.addi %mul3A_2, %mul3A_53 : i32
      "tpu.region"() ({
        %run_scoped3A = tpu.sem_alloc : memref<!tpu.dma_semaphore, #tpu.memory_space<semaphore_mem>>
        %dma_start3A_64 = arith.constant 0 : i32
        %dma_start3A_65 = tpu.memref_slice %arg4[%add3A_54, %dma_start3A_64] : memref<32768x256xi32, #tpu.memory_space<hbm>> -> memref<128x256xi32, #tpu.memory_space<hbm>>
        %dma_start3A_66 = arith.constant 0 : i32
        %dma_start3A_67 = tpu.memref_slice %arg4[%add3A_54, %dma_start3A_66] : memref<32768x256xi32, #tpu.memory_space<hbm>> -> memref<128x256xi32, #tpu.memory_space<hbm>>
        tpu.enqueue_dma source(%arg7 : memref<128x256xi32, #tpu.memory_space<vmem>>) target(%dma_start3A_67 : memref<128x256xi32, #tpu.memory_space<hbm>>) target_semaphore(%run_scoped3A : memref<!tpu.dma_semaphore, #tpu.memory_space<semaphore_mem>>)
        %dma_wait3A_68 = arith.constant 0 : i32
        %dma_wait3A_69 = tpu.memref_slice %arg4[%add3A_54, %dma_wait3A_68] : memref<32768x256xi32, #tpu.memory_space<hbm>> -> memref<128x256xi32, #tpu.memory_space<hbm>>
        %dma_wait3A_70 = arith.constant 0 : i32
        %dma_wait3A_71 = tpu.memref_slice %arg4[%add3A_54, %dma_wait3A_70] : memref<32768x256xi32, #tpu.memory_space<hbm>> -> memref<128x256xi32, #tpu.memory_space<hbm>>
        tpu.wait_dma2 semaphore(%run_scoped3A : memref<!tpu.dma_semaphore, #tpu.memory_space<semaphore_mem>>) src(%arg7 : memref<128x256xi32, #tpu.memory_space<vmem>>) dst(%dma_wait3A_71 : memref<128x256xi32, #tpu.memory_space<hbm>>)
        tpu.yield
      }) : () -> ()
      %add3A_55 = arith.constant 1 : i32
      %add3A_56 = arith.addi %mul3A_23, %add3A_55 : i32
      %add3A_57 = arith.constant 2 : i32
      %add3A_58 = arith.addi %add3A_56, %add3A_57 : i32
      %lt3A_59 = arith.constant 8 : i32
      %lt3A_60 = arith.cmpi slt, %add3A_58, %lt3A_59 : i32
      %convert_element_type3A_61 = arith.extui %lt3A_60 : i1 to i32
      %cond3A_62 = arith.constant 0 : i32
      %cond3A_63 = arith.cmpi ne, %convert_element_type3A_61, %cond3A_62 : i32
      scf.if %cond3A_63 {
        %add3A_64 = arith.constant 1 : i32
        %add3A_65 = arith.addi %mul3A_23, %add3A_64 : i32
        %add3A_66 = arith.constant 2 : i32
        %add3A_67 = arith.addi %add3A_65, %add3A_66 : i32
        %dma_start3A_68 = arith.constant 0 : i32
        %dma_start3A_69 = tpu.memref_slice %arg5[%add3A_67, %dma_start3A_68] : memref<8x128xi32, #tpu.memory_space<vmem>> -> memref<1x128xi32, #tpu.memory_space<vmem>>
        %dma_start3A_70 = tpu.memref_squeeze %dma_start3A_69 : memref<1x128xi32, #tpu.memory_space<vmem>> -> memref<128xi32, #tpu.memory_space<vmem>>
        %dma_start3A_71 = arith.constant 0 : i32
        %dma_start3A_72 = arith.constant 0 : i32
        %dma_start3A_73 = tpu.memref_slice %arg2[%dma_start3A_71, %dma_start3A_72] : memref<100000x256xi32, #tpu.memory_space<hbm>> -> memref<100000x256xi32, #tpu.memory_space<hbm>>
        tpu.enqueue_indirect_dma source(%dma_start3A_73 : memref<100000x256xi32, #tpu.memory_space<hbm>>) target(%arg7 : memref<128x256xi32, #tpu.memory_space<vmem>>) offsets(%dma_start3A_70 : memref<128xi32, #tpu.memory_space<vmem>>) semaphore(%arg9 : memref<!tpu.dma_semaphore, #tpu.memory_space<semaphore_mem>>)
      } else {
      }
    }
    %scan3A_20 = arith.constant 4 : i32
    return
  }
}

#map = affine_map<(d0, d1) -> (0, 0)>
#map1 = affine_map<(d0, d1) -> (0, 0, 0)>
module attributes {stable_mosaic.version = 14 : i64} {
  func.func @k(%arg0: i32, %arg1: i32, %arg2: memref<100000x256xi32, #tpu.memory_space<hbm>>, %arg3: memref<32x24x128xi32, #tpu.memory_space<hbm>>, %arg4: memref<98304x256xi32, #tpu.memory_space<hbm>>, %arg5: memref<24x128xi32, #tpu.memory_space<vmem>>, %arg6: memref<128x256xi32, #tpu.memory_space<vmem>>, %arg7: memref<128x256xi32, #tpu.memory_space<vmem>>, %arg8: memref<!tpu.dma_semaphore, #tpu.memory_space<semaphore_mem>>, %arg9: memref<!tpu.dma_semaphore, #tpu.memory_space<semaphore_mem>>) attributes {dimension_semantics = [#tpu.dimension_semantics<core_parallel>, #tpu.dimension_semantics<subcore_parallel>], iteration_bounds = array<i64: 2, 16>, scalar_prefetch = 0 : i64, scratch_operands = 5 : i64, tpu.core_type = #tpu.core_type<sc_vector_subcore>, window_params = [{transform_indices = #map}, {transform_indices = #map1}, {transform_indices = #map}]} {
    %mul3A = arith.constant 2 : i32
    %mul3A_0 = arith.muli %arg1, %mul3A : i32
    %add3A = arith.addi %mul3A_0, %arg0 : i32
    %mul3A_1 = arith.constant 3072 : i32
    %mul3A_2 = arith.muli %add3A, %mul3A_1 : i32
    "tpu.region"() ({
      %run_scoped3A = tpu.sem_alloc : memref<!tpu.dma_semaphore, #tpu.memory_space<semaphore_mem>>
      %dma_start3A_21 = arith.constant 0 : i32
      %dma_start3A_22 = arith.constant 0 : i32
      %dma_start3A_23 = tpu.memref_slice %arg3[%add3A, %dma_start3A_21, %dma_start3A_22] : memref<32x24x128xi32, #tpu.memory_space<hbm>> -> memref<1x24x128xi32, #tpu.memory_space<hbm>>
      %dma_start3A_24 = tpu.memref_squeeze %dma_start3A_23 : memref<1x24x128xi32, #tpu.memory_space<hbm>> -> memref<24x128xi32, #tpu.memory_space<hbm>>
      %dma_start3A_25 = arith.constant 0 : i32
      %dma_start3A_26 = arith.constant 0 : i32
      %dma_start3A_27 = tpu.memref_slice %arg3[%add3A, %dma_start3A_25, %dma_start3A_26] : memref<32x24x128xi32, #tpu.memory_space<hbm>> -> memref<1x24x128xi32, #tpu.memory_space<hbm>>
      %dma_start3A_28 = tpu.memref_squeeze %dma_start3A_27 : memref<1x24x128xi32, #tpu.memory_space<hbm>> -> memref<24x128xi32, #tpu.memory_space<hbm>>
      tpu.enqueue_dma source(%dma_start3A_28 : memref<24x128xi32, #tpu.memory_space<hbm>>) target(%arg5 : memref<24x128xi32, #tpu.memory_space<vmem>>) target_semaphore(%run_scoped3A : memref<!tpu.dma_semaphore, #tpu.memory_space<semaphore_mem>>)
      %dma_wait3A = arith.constant 0 : i32
      %dma_wait3A_29 = arith.constant 0 : i32
      %dma_wait3A_30 = tpu.memref_slice %arg3[%add3A, %dma_wait3A, %dma_wait3A_29] : memref<32x24x128xi32, #tpu.memory_space<hbm>> -> memref<1x24x128xi32, #tpu.memory_space<hbm>>
      %dma_wait3A_31 = tpu.memref_squeeze %dma_wait3A_30 : memref<1x24x128xi32, #tpu.memory_space<hbm>> -> memref<24x128xi32, #tpu.memory_space<hbm>>
      %dma_wait3A_32 = arith.constant 0 : i32
      %dma_wait3A_33 = arith.constant 0 : i32
      %dma_wait3A_34 = tpu.memref_slice %arg3[%add3A, %dma_wait3A_32, %dma_wait3A_33] : memref<32x24x128xi32, #tpu.memory_space<hbm>> -> memref<1x24x128xi32, #tpu.memory_space<hbm>>
      %dma_wait3A_35 = tpu.memref_squeeze %dma_wait3A_34 : memref<1x24x128xi32, #tpu.memory_space<hbm>> -> memref<24x128xi32, #tpu.memory_space<hbm>>
      tpu.wait_dma2 semaphore(%run_scoped3A : memref<!tpu.dma_semaphore, #tpu.memory_space<semaphore_mem>>) src(%dma_wait3A_35 : memref<24x128xi32, #tpu.memory_space<hbm>>) dst(%arg5 : memref<24x128xi32, #tpu.memory_space<vmem>>)
      tpu.yield
    }) : () -> ()
    %dma_start3A = arith.constant 0 : i32
    %dma_start3A_3 = arith.constant 0 : i32
    %dma_start3A_4 = tpu.memref_slice %arg5[%dma_start3A, %dma_start3A_3] : memref<24x128xi32, #tpu.memory_space<vmem>> -> memref<1x128xi32, #tpu.memory_space<vmem>>
    %dma_start3A_5 = tpu.memref_squeeze %dma_start3A_4 : memref<1x128xi32, #tpu.memory_space<vmem>> -> memref<128xi32, #tpu.memory_space<vmem>>
    %dma_start3A_6 = arith.constant 0 : i32
    %dma_start3A_7 = arith.constant 0 : i32
    %dma_start3A_8 = tpu.memref_slice %arg2[%dma_start3A_6, %dma_start3A_7] : memref<100000x256xi32, #tpu.memory_space<hbm>> -> memref<100000x256xi32, #tpu.memory_space<hbm>>
    tpu.enqueue_indirect_dma source(%dma_start3A_8 : memref<100000x256xi32, #tpu.memory_space<hbm>>) target(%arg6 : memref<128x256xi32, #tpu.memory_space<vmem>>) offsets(%dma_start3A_5 : memref<128xi32, #tpu.memory_space<vmem>>) semaphore(%arg8 : memref<!tpu.dma_semaphore, #tpu.memory_space<semaphore_mem>>)
    %dma_start3A_9 = arith.constant 1 : i32
    %dma_start3A_10 = arith.constant 0 : i32
    %dma_start3A_11 = tpu.memref_slice %arg5[%dma_start3A_9, %dma_start3A_10] : memref<24x128xi32, #tpu.memory_space<vmem>> -> memref<1x128xi32, #tpu.memory_space<vmem>>
    %dma_start3A_12 = tpu.memref_squeeze %dma_start3A_11 : memref<1x128xi32, #tpu.memory_space<vmem>> -> memref<128xi32, #tpu.memory_space<vmem>>
    %dma_start3A_13 = arith.constant 0 : i32
    %dma_start3A_14 = arith.constant 0 : i32
    %dma_start3A_15 = tpu.memref_slice %arg2[%dma_start3A_13, %dma_start3A_14] : memref<100000x256xi32, #tpu.memory_space<hbm>> -> memref<100000x256xi32, #tpu.memory_space<hbm>>
    tpu.enqueue_indirect_dma source(%dma_start3A_15 : memref<100000x256xi32, #tpu.memory_space<hbm>>) target(%arg7 : memref<128x256xi32, #tpu.memory_space<vmem>>) offsets(%dma_start3A_12 : memref<128xi32, #tpu.memory_space<vmem>>) semaphore(%arg9 : memref<!tpu.dma_semaphore, #tpu.memory_space<semaphore_mem>>)
    %scan3A = arith.constant 0 : i32
    %scan3A_16 = arith.constant 0 : i32
    %scan3A_17 = arith.constant 12 : i32
    %scan3A_18 = arith.addi %scan3A_16, %scan3A_17 : i32
    %scan3A_19 = arith.constant 1 : i32
    scf.for %scan3A_21 = %scan3A_16 to %scan3A_18 step %scan3A_19  : i32 {
      %mul3A_22 = arith.constant 2 : i32
      %mul3A_23 = arith.muli %scan3A_21, %mul3A_22 : i32
      %add3A_24 = arith.constant 0 : i32
      %add3A_25 = arith.addi %mul3A_23, %add3A_24 : i32
      %dma_wait3A = arith.constant 0 : i32
      %dma_wait3A_26 = tpu.memref_slice %arg5[%add3A_25, %dma_wait3A] : memref<24x128xi32, #tpu.memory_space<vmem>> -> memref<1x128xi32, #tpu.memory_space<vmem>>
      %dma_wait3A_27 = tpu.memref_squeeze %dma_wait3A_26 : memref<1x128xi32, #tpu.memory_space<vmem>> -> memref<128xi32, #tpu.memory_space<vmem>>
      %dma_wait3A_28 = arith.constant 0 : i32
      %dma_wait3A_29 = arith.constant 0 : i32
      %dma_wait3A_30 = tpu.memref_slice %arg2[%dma_wait3A_28, %dma_wait3A_29] : memref<100000x256xi32, #tpu.memory_space<hbm>> -> memref<100000x256xi32, #tpu.memory_space<hbm>>
      tpu.wait_indirect_dma semaphore(%arg8 : memref<!tpu.dma_semaphore, #tpu.memory_space<semaphore_mem>>) src(%dma_wait3A_30 : memref<100000x256xi32, #tpu.memory_space<hbm>>) dst(%arg6 : memref<128x256xi32, #tpu.memory_space<vmem>>)
      %add3A_31 = arith.constant 0 : i32
      %add3A_32 = arith.addi %mul3A_23, %add3A_31 : i32
      %mul3A_33 = arith.constant 128 : i32
      %mul3A_34 = arith.muli %add3A_32, %mul3A_33 : i32
      %add3A_35 = arith.addi %mul3A_2, %mul3A_34 : i32
      "tpu.region"() ({
        %run_scoped3A = tpu.sem_alloc : memref<!tpu.dma_semaphore, #tpu.memory_space<semaphore_mem>>
        %dma_start3A_64 = arith.constant 0 : i32
        %dma_start3A_65 = tpu.memref_slice %arg4[%add3A_35, %dma_start3A_64] : memref<98304x256xi32, #tpu.memory_space<hbm>> -> memref<128x256xi32, #tpu.memory_space<hbm>>
        %dma_start3A_66 = arith.constant 0 : i32
        %dma_start3A_67 = tpu.memref_slice %arg4[%add3A_35, %dma_start3A_66] : memref<98304x256xi32, #tpu.memory_space<hbm>> -> memref<128x256xi32, #tpu.memory_space<hbm>>
        tpu.enqueue_dma source(%arg6 : memref<128x256xi32, #tpu.memory_space<vmem>>) target(%dma_start3A_67 : memref<128x256xi32, #tpu.memory_space<hbm>>) target_semaphore(%run_scoped3A : memref<!tpu.dma_semaphore, #tpu.memory_space<semaphore_mem>>)
        %dma_wait3A_68 = arith.constant 0 : i32
        %dma_wait3A_69 = tpu.memref_slice %arg4[%add3A_35, %dma_wait3A_68] : memref<98304x256xi32, #tpu.memory_space<hbm>> -> memref<128x256xi32, #tpu.memory_space<hbm>>
        %dma_wait3A_70 = arith.constant 0 : i32
        %dma_wait3A_71 = tpu.memref_slice %arg4[%add3A_35, %dma_wait3A_70] : memref<98304x256xi32, #tpu.memory_space<hbm>> -> memref<128x256xi32, #tpu.memory_space<hbm>>
        tpu.wait_dma2 semaphore(%run_scoped3A : memref<!tpu.dma_semaphore, #tpu.memory_space<semaphore_mem>>) src(%arg6 : memref<128x256xi32, #tpu.memory_space<vmem>>) dst(%dma_wait3A_71 : memref<128x256xi32, #tpu.memory_space<hbm>>)
        tpu.yield
      }) : () -> ()
      %add3A_36 = arith.constant 0 : i32
      %add3A_37 = arith.addi %mul3A_23, %add3A_36 : i32
      %add3A_38 = arith.constant 2 : i32
      %add3A_39 = arith.addi %add3A_37, %add3A_38 : i32
      %lt3A = arith.constant 24 : i32
      %lt3A_40 = arith.cmpi slt, %add3A_39, %lt3A : i32
      %convert_element_type3A = arith.extui %lt3A_40 : i1 to i32
      %cond3A = arith.constant 0 : i32
      %cond3A_41 = arith.cmpi ne, %convert_element_type3A, %cond3A : i32
      scf.if %cond3A_41 {
        %add3A_64 = arith.constant 0 : i32
        %add3A_65 = arith.addi %mul3A_23, %add3A_64 : i32
        %add3A_66 = arith.constant 2 : i32
        %add3A_67 = arith.addi %add3A_65, %add3A_66 : i32
        %dma_start3A_68 = arith.constant 0 : i32
        %dma_start3A_69 = tpu.memref_slice %arg5[%add3A_67, %dma_start3A_68] : memref<24x128xi32, #tpu.memory_space<vmem>> -> memref<1x128xi32, #tpu.memory_space<vmem>>
        %dma_start3A_70 = tpu.memref_squeeze %dma_start3A_69 : memref<1x128xi32, #tpu.memory_space<vmem>> -> memref<128xi32, #tpu.memory_space<vmem>>
        %dma_start3A_71 = arith.constant 0 : i32
        %dma_start3A_72 = arith.constant 0 : i32
        %dma_start3A_73 = tpu.memref_slice %arg2[%dma_start3A_71, %dma_start3A_72] : memref<100000x256xi32, #tpu.memory_space<hbm>> -> memref<100000x256xi32, #tpu.memory_space<hbm>>
        tpu.enqueue_indirect_dma source(%dma_start3A_73 : memref<100000x256xi32, #tpu.memory_space<hbm>>) target(%arg6 : memref<128x256xi32, #tpu.memory_space<vmem>>) offsets(%dma_start3A_70 : memref<128xi32, #tpu.memory_space<vmem>>) semaphore(%arg8 : memref<!tpu.dma_semaphore, #tpu.memory_space<semaphore_mem>>)
      } else {
      }
      %add3A_42 = arith.constant 1 : i32
      %add3A_43 = arith.addi %mul3A_23, %add3A_42 : i32
      %dma_wait3A_44 = arith.constant 0 : i32
      %dma_wait3A_45 = tpu.memref_slice %arg5[%add3A_43, %dma_wait3A_44] : memref<24x128xi32, #tpu.memory_space<vmem>> -> memref<1x128xi32, #tpu.memory_space<vmem>>
      %dma_wait3A_46 = tpu.memref_squeeze %dma_wait3A_45 : memref<1x128xi32, #tpu.memory_space<vmem>> -> memref<128xi32, #tpu.memory_space<vmem>>
      %dma_wait3A_47 = arith.constant 0 : i32
      %dma_wait3A_48 = arith.constant 0 : i32
      %dma_wait3A_49 = tpu.memref_slice %arg2[%dma_wait3A_47, %dma_wait3A_48] : memref<100000x256xi32, #tpu.memory_space<hbm>> -> memref<100000x256xi32, #tpu.memory_space<hbm>>
      tpu.wait_indirect_dma semaphore(%arg9 : memref<!tpu.dma_semaphore, #tpu.memory_space<semaphore_mem>>) src(%dma_wait3A_49 : memref<100000x256xi32, #tpu.memory_space<hbm>>) dst(%arg7 : memref<128x256xi32, #tpu.memory_space<vmem>>)
      %add3A_50 = arith.constant 1 : i32
      %add3A_51 = arith.addi %mul3A_23, %add3A_50 : i32
      %mul3A_52 = arith.constant 128 : i32
      %mul3A_53 = arith.muli %add3A_51, %mul3A_52 : i32
      %add3A_54 = arith.addi %mul3A_2, %mul3A_53 : i32
      "tpu.region"() ({
        %run_scoped3A = tpu.sem_alloc : memref<!tpu.dma_semaphore, #tpu.memory_space<semaphore_mem>>
        %dma_start3A_64 = arith.constant 0 : i32
        %dma_start3A_65 = tpu.memref_slice %arg4[%add3A_54, %dma_start3A_64] : memref<98304x256xi32, #tpu.memory_space<hbm>> -> memref<128x256xi32, #tpu.memory_space<hbm>>
        %dma_start3A_66 = arith.constant 0 : i32
        %dma_start3A_67 = tpu.memref_slice %arg4[%add3A_54, %dma_start3A_66] : memref<98304x256xi32, #tpu.memory_space<hbm>> -> memref<128x256xi32, #tpu.memory_space<hbm>>
        tpu.enqueue_dma source(%arg7 : memref<128x256xi32, #tpu.memory_space<vmem>>) target(%dma_start3A_67 : memref<128x256xi32, #tpu.memory_space<hbm>>) target_semaphore(%run_scoped3A : memref<!tpu.dma_semaphore, #tpu.memory_space<semaphore_mem>>)
        %dma_wait3A_68 = arith.constant 0 : i32
        %dma_wait3A_69 = tpu.memref_slice %arg4[%add3A_54, %dma_wait3A_68] : memref<98304x256xi32, #tpu.memory_space<hbm>> -> memref<128x256xi32, #tpu.memory_space<hbm>>
        %dma_wait3A_70 = arith.constant 0 : i32
        %dma_wait3A_71 = tpu.memref_slice %arg4[%add3A_54, %dma_wait3A_70] : memref<98304x256xi32, #tpu.memory_space<hbm>> -> memref<128x256xi32, #tpu.memory_space<hbm>>
        tpu.wait_dma2 semaphore(%run_scoped3A : memref<!tpu.dma_semaphore, #tpu.memory_space<semaphore_mem>>) src(%arg7 : memref<128x256xi32, #tpu.memory_space<vmem>>) dst(%dma_wait3A_71 : memref<128x256xi32, #tpu.memory_space<hbm>>)
        tpu.yield
      }) : () -> ()
      %add3A_55 = arith.constant 1 : i32
      %add3A_56 = arith.addi %mul3A_23, %add3A_55 : i32
      %add3A_57 = arith.constant 2 : i32
      %add3A_58 = arith.addi %add3A_56, %add3A_57 : i32
      %lt3A_59 = arith.constant 24 : i32
      %lt3A_60 = arith.cmpi slt, %add3A_58, %lt3A_59 : i32
      %convert_element_type3A_61 = arith.extui %lt3A_60 : i1 to i32
      %cond3A_62 = arith.constant 0 : i32
      %cond3A_63 = arith.cmpi ne, %convert_element_type3A_61, %cond3A_62 : i32
      scf.if %cond3A_63 {
        %add3A_64 = arith.constant 1 : i32
        %add3A_65 = arith.addi %mul3A_23, %add3A_64 : i32
        %add3A_66 = arith.constant 2 : i32
        %add3A_67 = arith.addi %add3A_65, %add3A_66 : i32
        %dma_start3A_68 = arith.constant 0 : i32
        %dma_start3A_69 = tpu.memref_slice %arg5[%add3A_67, %dma_start3A_68] : memref<24x128xi32, #tpu.memory_space<vmem>> -> memref<1x128xi32, #tpu.memory_space<vmem>>
        %dma_start3A_70 = tpu.memref_squeeze %dma_start3A_69 : memref<1x128xi32, #tpu.memory_space<vmem>> -> memref<128xi32, #tpu.memory_space<vmem>>
        %dma_start3A_71 = arith.constant 0 : i32
        %dma_start3A_72 = arith.constant 0 : i32
        %dma_start3A_73 = tpu.memref_slice %arg2[%dma_start3A_71, %dma_start3A_72] : memref<100000x256xi32, #tpu.memory_space<hbm>> -> memref<100000x256xi32, #tpu.memory_space<hbm>>
        tpu.enqueue_indirect_dma source(%dma_start3A_73 : memref<100000x256xi32, #tpu.memory_space<hbm>>) target(%arg7 : memref<128x256xi32, #tpu.memory_space<vmem>>) offsets(%dma_start3A_70 : memref<128xi32, #tpu.memory_space<vmem>>) semaphore(%arg9 : memref<!tpu.dma_semaphore, #tpu.memory_space<semaphore_mem>>)
      } else {
      }
    }
    %scan3A_20 = arith.constant 12 : i32
    return
  }
}

#map = affine_map<(d0, d1) -> (0, 0)>
#map1 = affine_map<(d0, d1) -> (0, 0, 0)>
module attributes {stable_mosaic.version = 14 : i64} {
  func.func @k(%arg0: i32, %arg1: i32, %arg2: memref<100000x256xi32, #tpu.memory_space<hbm>>, %arg3: memref<32x48x128xi32, #tpu.memory_space<hbm>>, %arg4: memref<196608x256xi32, #tpu.memory_space<hbm>>, %arg5: memref<48x128xi32, #tpu.memory_space<vmem>>, %arg6: memref<128x256xi32, #tpu.memory_space<vmem>>, %arg7: memref<128x256xi32, #tpu.memory_space<vmem>>, %arg8: memref<!tpu.dma_semaphore, #tpu.memory_space<semaphore_mem>>, %arg9: memref<!tpu.dma_semaphore, #tpu.memory_space<semaphore_mem>>) attributes {dimension_semantics = [#tpu.dimension_semantics<core_parallel>, #tpu.dimension_semantics<subcore_parallel>], iteration_bounds = array<i64: 2, 16>, scalar_prefetch = 0 : i64, scratch_operands = 5 : i64, tpu.core_type = #tpu.core_type<sc_vector_subcore>, window_params = [{transform_indices = #map}, {transform_indices = #map1}, {transform_indices = #map}]} {
    %mul3A = arith.constant 2 : i32
    %mul3A_0 = arith.muli %arg1, %mul3A : i32
    %add3A = arith.addi %mul3A_0, %arg0 : i32
    %mul3A_1 = arith.constant 6144 : i32
    %mul3A_2 = arith.muli %add3A, %mul3A_1 : i32
    "tpu.region"() ({
      %run_scoped3A = tpu.sem_alloc : memref<!tpu.dma_semaphore, #tpu.memory_space<semaphore_mem>>
      %dma_start3A_21 = arith.constant 0 : i32
      %dma_start3A_22 = arith.constant 0 : i32
      %dma_start3A_23 = tpu.memref_slice %arg3[%add3A, %dma_start3A_21, %dma_start3A_22] : memref<32x48x128xi32, #tpu.memory_space<hbm>> -> memref<1x48x128xi32, #tpu.memory_space<hbm>>
      %dma_start3A_24 = tpu.memref_squeeze %dma_start3A_23 : memref<1x48x128xi32, #tpu.memory_space<hbm>> -> memref<48x128xi32, #tpu.memory_space<hbm>>
      %dma_start3A_25 = arith.constant 0 : i32
      %dma_start3A_26 = arith.constant 0 : i32
      %dma_start3A_27 = tpu.memref_slice %arg3[%add3A, %dma_start3A_25, %dma_start3A_26] : memref<32x48x128xi32, #tpu.memory_space<hbm>> -> memref<1x48x128xi32, #tpu.memory_space<hbm>>
      %dma_start3A_28 = tpu.memref_squeeze %dma_start3A_27 : memref<1x48x128xi32, #tpu.memory_space<hbm>> -> memref<48x128xi32, #tpu.memory_space<hbm>>
      tpu.enqueue_dma source(%dma_start3A_28 : memref<48x128xi32, #tpu.memory_space<hbm>>) target(%arg5 : memref<48x128xi32, #tpu.memory_space<vmem>>) target_semaphore(%run_scoped3A : memref<!tpu.dma_semaphore, #tpu.memory_space<semaphore_mem>>)
      %dma_wait3A = arith.constant 0 : i32
      %dma_wait3A_29 = arith.constant 0 : i32
      %dma_wait3A_30 = tpu.memref_slice %arg3[%add3A, %dma_wait3A, %dma_wait3A_29] : memref<32x48x128xi32, #tpu.memory_space<hbm>> -> memref<1x48x128xi32, #tpu.memory_space<hbm>>
      %dma_wait3A_31 = tpu.memref_squeeze %dma_wait3A_30 : memref<1x48x128xi32, #tpu.memory_space<hbm>> -> memref<48x128xi32, #tpu.memory_space<hbm>>
      %dma_wait3A_32 = arith.constant 0 : i32
      %dma_wait3A_33 = arith.constant 0 : i32
      %dma_wait3A_34 = tpu.memref_slice %arg3[%add3A, %dma_wait3A_32, %dma_wait3A_33] : memref<32x48x128xi32, #tpu.memory_space<hbm>> -> memref<1x48x128xi32, #tpu.memory_space<hbm>>
      %dma_wait3A_35 = tpu.memref_squeeze %dma_wait3A_34 : memref<1x48x128xi32, #tpu.memory_space<hbm>> -> memref<48x128xi32, #tpu.memory_space<hbm>>
      tpu.wait_dma2 semaphore(%run_scoped3A : memref<!tpu.dma_semaphore, #tpu.memory_space<semaphore_mem>>) src(%dma_wait3A_35 : memref<48x128xi32, #tpu.memory_space<hbm>>) dst(%arg5 : memref<48x128xi32, #tpu.memory_space<vmem>>)
      tpu.yield
    }) : () -> ()
    %dma_start3A = arith.constant 0 : i32
    %dma_start3A_3 = arith.constant 0 : i32
    %dma_start3A_4 = tpu.memref_slice %arg5[%dma_start3A, %dma_start3A_3] : memref<48x128xi32, #tpu.memory_space<vmem>> -> memref<1x128xi32, #tpu.memory_space<vmem>>
    %dma_start3A_5 = tpu.memref_squeeze %dma_start3A_4 : memref<1x128xi32, #tpu.memory_space<vmem>> -> memref<128xi32, #tpu.memory_space<vmem>>
    %dma_start3A_6 = arith.constant 0 : i32
    %dma_start3A_7 = arith.constant 0 : i32
    %dma_start3A_8 = tpu.memref_slice %arg2[%dma_start3A_6, %dma_start3A_7] : memref<100000x256xi32, #tpu.memory_space<hbm>> -> memref<100000x256xi32, #tpu.memory_space<hbm>>
    tpu.enqueue_indirect_dma source(%dma_start3A_8 : memref<100000x256xi32, #tpu.memory_space<hbm>>) target(%arg6 : memref<128x256xi32, #tpu.memory_space<vmem>>) offsets(%dma_start3A_5 : memref<128xi32, #tpu.memory_space<vmem>>) semaphore(%arg8 : memref<!tpu.dma_semaphore, #tpu.memory_space<semaphore_mem>>)
    %dma_start3A_9 = arith.constant 1 : i32
    %dma_start3A_10 = arith.constant 0 : i32
    %dma_start3A_11 = tpu.memref_slice %arg5[%dma_start3A_9, %dma_start3A_10] : memref<48x128xi32, #tpu.memory_space<vmem>> -> memref<1x128xi32, #tpu.memory_space<vmem>>
    %dma_start3A_12 = tpu.memref_squeeze %dma_start3A_11 : memref<1x128xi32, #tpu.memory_space<vmem>> -> memref<128xi32, #tpu.memory_space<vmem>>
    %dma_start3A_13 = arith.constant 0 : i32
    %dma_start3A_14 = arith.constant 0 : i32
    %dma_start3A_15 = tpu.memref_slice %arg2[%dma_start3A_13, %dma_start3A_14] : memref<100000x256xi32, #tpu.memory_space<hbm>> -> memref<100000x256xi32, #tpu.memory_space<hbm>>
    tpu.enqueue_indirect_dma source(%dma_start3A_15 : memref<100000x256xi32, #tpu.memory_space<hbm>>) target(%arg7 : memref<128x256xi32, #tpu.memory_space<vmem>>) offsets(%dma_start3A_12 : memref<128xi32, #tpu.memory_space<vmem>>) semaphore(%arg9 : memref<!tpu.dma_semaphore, #tpu.memory_space<semaphore_mem>>)
    %scan3A = arith.constant 0 : i32
    %scan3A_16 = arith.constant 0 : i32
    %scan3A_17 = arith.constant 24 : i32
    %scan3A_18 = arith.addi %scan3A_16, %scan3A_17 : i32
    %scan3A_19 = arith.constant 1 : i32
    scf.for %scan3A_21 = %scan3A_16 to %scan3A_18 step %scan3A_19  : i32 {
      %mul3A_22 = arith.constant 2 : i32
      %mul3A_23 = arith.muli %scan3A_21, %mul3A_22 : i32
      %add3A_24 = arith.constant 0 : i32
      %add3A_25 = arith.addi %mul3A_23, %add3A_24 : i32
      %dma_wait3A = arith.constant 0 : i32
      %dma_wait3A_26 = tpu.memref_slice %arg5[%add3A_25, %dma_wait3A] : memref<48x128xi32, #tpu.memory_space<vmem>> -> memref<1x128xi32, #tpu.memory_space<vmem>>
      %dma_wait3A_27 = tpu.memref_squeeze %dma_wait3A_26 : memref<1x128xi32, #tpu.memory_space<vmem>> -> memref<128xi32, #tpu.memory_space<vmem>>
      %dma_wait3A_28 = arith.constant 0 : i32
      %dma_wait3A_29 = arith.constant 0 : i32
      %dma_wait3A_30 = tpu.memref_slice %arg2[%dma_wait3A_28, %dma_wait3A_29] : memref<100000x256xi32, #tpu.memory_space<hbm>> -> memref<100000x256xi32, #tpu.memory_space<hbm>>
      tpu.wait_indirect_dma semaphore(%arg8 : memref<!tpu.dma_semaphore, #tpu.memory_space<semaphore_mem>>) src(%dma_wait3A_30 : memref<100000x256xi32, #tpu.memory_space<hbm>>) dst(%arg6 : memref<128x256xi32, #tpu.memory_space<vmem>>)
      %add3A_31 = arith.constant 0 : i32
      %add3A_32 = arith.addi %mul3A_23, %add3A_31 : i32
      %mul3A_33 = arith.constant 128 : i32
      %mul3A_34 = arith.muli %add3A_32, %mul3A_33 : i32
      %add3A_35 = arith.addi %mul3A_2, %mul3A_34 : i32
      "tpu.region"() ({
        %run_scoped3A = tpu.sem_alloc : memref<!tpu.dma_semaphore, #tpu.memory_space<semaphore_mem>>
        %dma_start3A_64 = arith.constant 0 : i32
        %dma_start3A_65 = tpu.memref_slice %arg4[%add3A_35, %dma_start3A_64] : memref<196608x256xi32, #tpu.memory_space<hbm>> -> memref<128x256xi32, #tpu.memory_space<hbm>>
        %dma_start3A_66 = arith.constant 0 : i32
        %dma_start3A_67 = tpu.memref_slice %arg4[%add3A_35, %dma_start3A_66] : memref<196608x256xi32, #tpu.memory_space<hbm>> -> memref<128x256xi32, #tpu.memory_space<hbm>>
        tpu.enqueue_dma source(%arg6 : memref<128x256xi32, #tpu.memory_space<vmem>>) target(%dma_start3A_67 : memref<128x256xi32, #tpu.memory_space<hbm>>) target_semaphore(%run_scoped3A : memref<!tpu.dma_semaphore, #tpu.memory_space<semaphore_mem>>)
        %dma_wait3A_68 = arith.constant 0 : i32
        %dma_wait3A_69 = tpu.memref_slice %arg4[%add3A_35, %dma_wait3A_68] : memref<196608x256xi32, #tpu.memory_space<hbm>> -> memref<128x256xi32, #tpu.memory_space<hbm>>
        %dma_wait3A_70 = arith.constant 0 : i32
        %dma_wait3A_71 = tpu.memref_slice %arg4[%add3A_35, %dma_wait3A_70] : memref<196608x256xi32, #tpu.memory_space<hbm>> -> memref<128x256xi32, #tpu.memory_space<hbm>>
        tpu.wait_dma2 semaphore(%run_scoped3A : memref<!tpu.dma_semaphore, #tpu.memory_space<semaphore_mem>>) src(%arg6 : memref<128x256xi32, #tpu.memory_space<vmem>>) dst(%dma_wait3A_71 : memref<128x256xi32, #tpu.memory_space<hbm>>)
        tpu.yield
      }) : () -> ()
      %add3A_36 = arith.constant 0 : i32
      %add3A_37 = arith.addi %mul3A_23, %add3A_36 : i32
      %add3A_38 = arith.constant 2 : i32
      %add3A_39 = arith.addi %add3A_37, %add3A_38 : i32
      %lt3A = arith.constant 48 : i32
      %lt3A_40 = arith.cmpi slt, %add3A_39, %lt3A : i32
      %convert_element_type3A = arith.extui %lt3A_40 : i1 to i32
      %cond3A = arith.constant 0 : i32
      %cond3A_41 = arith.cmpi ne, %convert_element_type3A, %cond3A : i32
      scf.if %cond3A_41 {
        %add3A_64 = arith.constant 0 : i32
        %add3A_65 = arith.addi %mul3A_23, %add3A_64 : i32
        %add3A_66 = arith.constant 2 : i32
        %add3A_67 = arith.addi %add3A_65, %add3A_66 : i32
        %dma_start3A_68 = arith.constant 0 : i32
        %dma_start3A_69 = tpu.memref_slice %arg5[%add3A_67, %dma_start3A_68] : memref<48x128xi32, #tpu.memory_space<vmem>> -> memref<1x128xi32, #tpu.memory_space<vmem>>
        %dma_start3A_70 = tpu.memref_squeeze %dma_start3A_69 : memref<1x128xi32, #tpu.memory_space<vmem>> -> memref<128xi32, #tpu.memory_space<vmem>>
        %dma_start3A_71 = arith.constant 0 : i32
        %dma_start3A_72 = arith.constant 0 : i32
        %dma_start3A_73 = tpu.memref_slice %arg2[%dma_start3A_71, %dma_start3A_72] : memref<100000x256xi32, #tpu.memory_space<hbm>> -> memref<100000x256xi32, #tpu.memory_space<hbm>>
        tpu.enqueue_indirect_dma source(%dma_start3A_73 : memref<100000x256xi32, #tpu.memory_space<hbm>>) target(%arg6 : memref<128x256xi32, #tpu.memory_space<vmem>>) offsets(%dma_start3A_70 : memref<128xi32, #tpu.memory_space<vmem>>) semaphore(%arg8 : memref<!tpu.dma_semaphore, #tpu.memory_space<semaphore_mem>>)
      } else {
      }
      %add3A_42 = arith.constant 1 : i32
      %add3A_43 = arith.addi %mul3A_23, %add3A_42 : i32
      %dma_wait3A_44 = arith.constant 0 : i32
      %dma_wait3A_45 = tpu.memref_slice %arg5[%add3A_43, %dma_wait3A_44] : memref<48x128xi32, #tpu.memory_space<vmem>> -> memref<1x128xi32, #tpu.memory_space<vmem>>
      %dma_wait3A_46 = tpu.memref_squeeze %dma_wait3A_45 : memref<1x128xi32, #tpu.memory_space<vmem>> -> memref<128xi32, #tpu.memory_space<vmem>>
      %dma_wait3A_47 = arith.constant 0 : i32
      %dma_wait3A_48 = arith.constant 0 : i32
      %dma_wait3A_49 = tpu.memref_slice %arg2[%dma_wait3A_47, %dma_wait3A_48] : memref<100000x256xi32, #tpu.memory_space<hbm>> -> memref<100000x256xi32, #tpu.memory_space<hbm>>
      tpu.wait_indirect_dma semaphore(%arg9 : memref<!tpu.dma_semaphore, #tpu.memory_space<semaphore_mem>>) src(%dma_wait3A_49 : memref<100000x256xi32, #tpu.memory_space<hbm>>) dst(%arg7 : memref<128x256xi32, #tpu.memory_space<vmem>>)
      %add3A_50 = arith.constant 1 : i32
      %add3A_51 = arith.addi %mul3A_23, %add3A_50 : i32
      %mul3A_52 = arith.constant 128 : i32
      %mul3A_53 = arith.muli %add3A_51, %mul3A_52 : i32
      %add3A_54 = arith.addi %mul3A_2, %mul3A_53 : i32
      "tpu.region"() ({
        %run_scoped3A = tpu.sem_alloc : memref<!tpu.dma_semaphore, #tpu.memory_space<semaphore_mem>>
        %dma_start3A_64 = arith.constant 0 : i32
        %dma_start3A_65 = tpu.memref_slice %arg4[%add3A_54, %dma_start3A_64] : memref<196608x256xi32, #tpu.memory_space<hbm>> -> memref<128x256xi32, #tpu.memory_space<hbm>>
        %dma_start3A_66 = arith.constant 0 : i32
        %dma_start3A_67 = tpu.memref_slice %arg4[%add3A_54, %dma_start3A_66] : memref<196608x256xi32, #tpu.memory_space<hbm>> -> memref<128x256xi32, #tpu.memory_space<hbm>>
        tpu.enqueue_dma source(%arg7 : memref<128x256xi32, #tpu.memory_space<vmem>>) target(%dma_start3A_67 : memref<128x256xi32, #tpu.memory_space<hbm>>) target_semaphore(%run_scoped3A : memref<!tpu.dma_semaphore, #tpu.memory_space<semaphore_mem>>)
        %dma_wait3A_68 = arith.constant 0 : i32
        %dma_wait3A_69 = tpu.memref_slice %arg4[%add3A_54, %dma_wait3A_68] : memref<196608x256xi32, #tpu.memory_space<hbm>> -> memref<128x256xi32, #tpu.memory_space<hbm>>
        %dma_wait3A_70 = arith.constant 0 : i32
        %dma_wait3A_71 = tpu.memref_slice %arg4[%add3A_54, %dma_wait3A_70] : memref<196608x256xi32, #tpu.memory_space<hbm>> -> memref<128x256xi32, #tpu.memory_space<hbm>>
        tpu.wait_dma2 semaphore(%run_scoped3A : memref<!tpu.dma_semaphore, #tpu.memory_space<semaphore_mem>>) src(%arg7 : memref<128x256xi32, #tpu.memory_space<vmem>>) dst(%dma_wait3A_71 : memref<128x256xi32, #tpu.memory_space<hbm>>)
        tpu.yield
      }) : () -> ()
      %add3A_55 = arith.constant 1 : i32
      %add3A_56 = arith.addi %mul3A_23, %add3A_55 : i32
      %add3A_57 = arith.constant 2 : i32
      %add3A_58 = arith.addi %add3A_56, %add3A_57 : i32
      %lt3A_59 = arith.constant 48 : i32
      %lt3A_60 = arith.cmpi slt, %add3A_58, %lt3A_59 : i32
      %convert_element_type3A_61 = arith.extui %lt3A_60 : i1 to i32
      %cond3A_62 = arith.constant 0 : i32
      %cond3A_63 = arith.cmpi ne, %convert_element_type3A_61, %cond3A_62 : i32
      scf.if %cond3A_63 {
        %add3A_64 = arith.constant 1 : i32
        %add3A_65 = arith.addi %mul3A_23, %add3A_64 : i32
        %add3A_66 = arith.constant 2 : i32
        %add3A_67 = arith.addi %add3A_65, %add3A_66 : i32
        %dma_start3A_68 = arith.constant 0 : i32
        %dma_start3A_69 = tpu.memref_slice %arg5[%add3A_67, %dma_start3A_68] : memref<48x128xi32, #tpu.memory_space<vmem>> -> memref<1x128xi32, #tpu.memory_space<vmem>>
        %dma_start3A_70 = tpu.memref_squeeze %dma_start3A_69 : memref<1x128xi32, #tpu.memory_space<vmem>> -> memref<128xi32, #tpu.memory_space<vmem>>
        %dma_start3A_71 = arith.constant 0 : i32
        %dma_start3A_72 = arith.constant 0 : i32
        %dma_start3A_73 = tpu.memref_slice %arg2[%dma_start3A_71, %dma_start3A_72] : memref<100000x256xi32, #tpu.memory_space<hbm>> -> memref<100000x256xi32, #tpu.memory_space<hbm>>
        tpu.enqueue_indirect_dma source(%dma_start3A_73 : memref<100000x256xi32, #tpu.memory_space<hbm>>) target(%arg7 : memref<128x256xi32, #tpu.memory_space<vmem>>) offsets(%dma_start3A_70 : memref<128xi32, #tpu.memory_space<vmem>>) semaphore(%arg9 : memref<!tpu.dma_semaphore, #tpu.memory_space<semaphore_mem>>)
      } else {
      }
    }
    %scan3A_20 = arith.constant 24 : i32
    return
  }
}

#map = affine_map<(d0, d1) -> (0, 0)>
#map1 = affine_map<(d0, d1) -> (0, 0, 0)>
module attributes {stable_mosaic.version = 14 : i64} {
  func.func @k(%arg0: i32, %arg1: i32, %arg2: memref<100000x256xi32, #tpu.memory_space<hbm>>, %arg3: memref<32x16x128xi32, #tpu.memory_space<hbm>>, %arg4: memref<65536x256xi32, #tpu.memory_space<hbm>>, %arg5: memref<16x128xi32, #tpu.memory_space<vmem>>, %arg6: memref<128x256xi32, #tpu.memory_space<vmem>>, %arg7: memref<128x256xi32, #tpu.memory_space<vmem>>, %arg8: memref<!tpu.dma_semaphore, #tpu.memory_space<semaphore_mem>>, %arg9: memref<!tpu.dma_semaphore, #tpu.memory_space<semaphore_mem>>) attributes {dimension_semantics = [#tpu.dimension_semantics<core_parallel>, #tpu.dimension_semantics<subcore_parallel>], iteration_bounds = array<i64: 2, 16>, scalar_prefetch = 0 : i64, scratch_operands = 5 : i64, tpu.core_type = #tpu.core_type<sc_vector_subcore>, window_params = [{transform_indices = #map}, {transform_indices = #map1}, {transform_indices = #map}]} {
    %mul3A = arith.constant 2 : i32
    %mul3A_0 = arith.muli %arg1, %mul3A : i32
    %add3A = arith.addi %mul3A_0, %arg0 : i32
    %mul3A_1 = arith.constant 2048 : i32
    %mul3A_2 = arith.muli %add3A, %mul3A_1 : i32
    "tpu.region"() ({
      %run_scoped3A = tpu.sem_alloc : memref<!tpu.dma_semaphore, #tpu.memory_space<semaphore_mem>>
      %dma_start3A_21 = arith.constant 0 : i32
      %dma_start3A_22 = arith.constant 0 : i32
      %dma_start3A_23 = tpu.memref_slice %arg3[%add3A, %dma_start3A_21, %dma_start3A_22] : memref<32x16x128xi32, #tpu.memory_space<hbm>> -> memref<1x16x128xi32, #tpu.memory_space<hbm>>
      %dma_start3A_24 = tpu.memref_squeeze %dma_start3A_23 : memref<1x16x128xi32, #tpu.memory_space<hbm>> -> memref<16x128xi32, #tpu.memory_space<hbm>>
      %dma_start3A_25 = arith.constant 0 : i32
      %dma_start3A_26 = arith.constant 0 : i32
      %dma_start3A_27 = tpu.memref_slice %arg3[%add3A, %dma_start3A_25, %dma_start3A_26] : memref<32x16x128xi32, #tpu.memory_space<hbm>> -> memref<1x16x128xi32, #tpu.memory_space<hbm>>
      %dma_start3A_28 = tpu.memref_squeeze %dma_start3A_27 : memref<1x16x128xi32, #tpu.memory_space<hbm>> -> memref<16x128xi32, #tpu.memory_space<hbm>>
      tpu.enqueue_dma source(%dma_start3A_28 : memref<16x128xi32, #tpu.memory_space<hbm>>) target(%arg5 : memref<16x128xi32, #tpu.memory_space<vmem>>) target_semaphore(%run_scoped3A : memref<!tpu.dma_semaphore, #tpu.memory_space<semaphore_mem>>)
      %dma_wait3A = arith.constant 0 : i32
      %dma_wait3A_29 = arith.constant 0 : i32
      %dma_wait3A_30 = tpu.memref_slice %arg3[%add3A, %dma_wait3A, %dma_wait3A_29] : memref<32x16x128xi32, #tpu.memory_space<hbm>> -> memref<1x16x128xi32, #tpu.memory_space<hbm>>
      %dma_wait3A_31 = tpu.memref_squeeze %dma_wait3A_30 : memref<1x16x128xi32, #tpu.memory_space<hbm>> -> memref<16x128xi32, #tpu.memory_space<hbm>>
      %dma_wait3A_32 = arith.constant 0 : i32
      %dma_wait3A_33 = arith.constant 0 : i32
      %dma_wait3A_34 = tpu.memref_slice %arg3[%add3A, %dma_wait3A_32, %dma_wait3A_33] : memref<32x16x128xi32, #tpu.memory_space<hbm>> -> memref<1x16x128xi32, #tpu.memory_space<hbm>>
      %dma_wait3A_35 = tpu.memref_squeeze %dma_wait3A_34 : memref<1x16x128xi32, #tpu.memory_space<hbm>> -> memref<16x128xi32, #tpu.memory_space<hbm>>
      tpu.wait_dma2 semaphore(%run_scoped3A : memref<!tpu.dma_semaphore, #tpu.memory_space<semaphore_mem>>) src(%dma_wait3A_35 : memref<16x128xi32, #tpu.memory_space<hbm>>) dst(%arg5 : memref<16x128xi32, #tpu.memory_space<vmem>>)
      tpu.yield
    }) : () -> ()
    %dma_start3A = arith.constant 0 : i32
    %dma_start3A_3 = arith.constant 0 : i32
    %dma_start3A_4 = tpu.memref_slice %arg5[%dma_start3A, %dma_start3A_3] : memref<16x128xi32, #tpu.memory_space<vmem>> -> memref<1x128xi32, #tpu.memory_space<vmem>>
    %dma_start3A_5 = tpu.memref_squeeze %dma_start3A_4 : memref<1x128xi32, #tpu.memory_space<vmem>> -> memref<128xi32, #tpu.memory_space<vmem>>
    %dma_start3A_6 = arith.constant 0 : i32
    %dma_start3A_7 = arith.constant 0 : i32
    %dma_start3A_8 = tpu.memref_slice %arg2[%dma_start3A_6, %dma_start3A_7] : memref<100000x256xi32, #tpu.memory_space<hbm>> -> memref<100000x256xi32, #tpu.memory_space<hbm>>
    tpu.enqueue_indirect_dma source(%dma_start3A_8 : memref<100000x256xi32, #tpu.memory_space<hbm>>) target(%arg6 : memref<128x256xi32, #tpu.memory_space<vmem>>) offsets(%dma_start3A_5 : memref<128xi32, #tpu.memory_space<vmem>>) semaphore(%arg8 : memref<!tpu.dma_semaphore, #tpu.memory_space<semaphore_mem>>)
    %dma_start3A_9 = arith.constant 1 : i32
    %dma_start3A_10 = arith.constant 0 : i32
    %dma_start3A_11 = tpu.memref_slice %arg5[%dma_start3A_9, %dma_start3A_10] : memref<16x128xi32, #tpu.memory_space<vmem>> -> memref<1x128xi32, #tpu.memory_space<vmem>>
    %dma_start3A_12 = tpu.memref_squeeze %dma_start3A_11 : memref<1x128xi32, #tpu.memory_space<vmem>> -> memref<128xi32, #tpu.memory_space<vmem>>
    %dma_start3A_13 = arith.constant 0 : i32
    %dma_start3A_14 = arith.constant 0 : i32
    %dma_start3A_15 = tpu.memref_slice %arg2[%dma_start3A_13, %dma_start3A_14] : memref<100000x256xi32, #tpu.memory_space<hbm>> -> memref<100000x256xi32, #tpu.memory_space<hbm>>
    tpu.enqueue_indirect_dma source(%dma_start3A_15 : memref<100000x256xi32, #tpu.memory_space<hbm>>) target(%arg7 : memref<128x256xi32, #tpu.memory_space<vmem>>) offsets(%dma_start3A_12 : memref<128xi32, #tpu.memory_space<vmem>>) semaphore(%arg9 : memref<!tpu.dma_semaphore, #tpu.memory_space<semaphore_mem>>)
    %scan3A = arith.constant 0 : i32
    %scan3A_16 = arith.constant 0 : i32
    %scan3A_17 = arith.constant 8 : i32
    %scan3A_18 = arith.addi %scan3A_16, %scan3A_17 : i32
    %scan3A_19 = arith.constant 1 : i32
    scf.for %scan3A_21 = %scan3A_16 to %scan3A_18 step %scan3A_19  : i32 {
      %mul3A_22 = arith.constant 2 : i32
      %mul3A_23 = arith.muli %scan3A_21, %mul3A_22 : i32
      %add3A_24 = arith.constant 0 : i32
      %add3A_25 = arith.addi %mul3A_23, %add3A_24 : i32
      %dma_wait3A = arith.constant 0 : i32
      %dma_wait3A_26 = tpu.memref_slice %arg5[%add3A_25, %dma_wait3A] : memref<16x128xi32, #tpu.memory_space<vmem>> -> memref<1x128xi32, #tpu.memory_space<vmem>>
      %dma_wait3A_27 = tpu.memref_squeeze %dma_wait3A_26 : memref<1x128xi32, #tpu.memory_space<vmem>> -> memref<128xi32, #tpu.memory_space<vmem>>
      %dma_wait3A_28 = arith.constant 0 : i32
      %dma_wait3A_29 = arith.constant 0 : i32
      %dma_wait3A_30 = tpu.memref_slice %arg2[%dma_wait3A_28, %dma_wait3A_29] : memref<100000x256xi32, #tpu.memory_space<hbm>> -> memref<100000x256xi32, #tpu.memory_space<hbm>>
      tpu.wait_indirect_dma semaphore(%arg8 : memref<!tpu.dma_semaphore, #tpu.memory_space<semaphore_mem>>) src(%dma_wait3A_30 : memref<100000x256xi32, #tpu.memory_space<hbm>>) dst(%arg6 : memref<128x256xi32, #tpu.memory_space<vmem>>)
      %add3A_31 = arith.constant 0 : i32
      %add3A_32 = arith.addi %mul3A_23, %add3A_31 : i32
      %mul3A_33 = arith.constant 128 : i32
      %mul3A_34 = arith.muli %add3A_32, %mul3A_33 : i32
      %add3A_35 = arith.addi %mul3A_2, %mul3A_34 : i32
      "tpu.region"() ({
        %run_scoped3A = tpu.sem_alloc : memref<!tpu.dma_semaphore, #tpu.memory_space<semaphore_mem>>
        %dma_start3A_64 = arith.constant 0 : i32
        %dma_start3A_65 = tpu.memref_slice %arg4[%add3A_35, %dma_start3A_64] : memref<65536x256xi32, #tpu.memory_space<hbm>> -> memref<128x256xi32, #tpu.memory_space<hbm>>
        %dma_start3A_66 = arith.constant 0 : i32
        %dma_start3A_67 = tpu.memref_slice %arg4[%add3A_35, %dma_start3A_66] : memref<65536x256xi32, #tpu.memory_space<hbm>> -> memref<128x256xi32, #tpu.memory_space<hbm>>
        tpu.enqueue_dma source(%arg6 : memref<128x256xi32, #tpu.memory_space<vmem>>) target(%dma_start3A_67 : memref<128x256xi32, #tpu.memory_space<hbm>>) target_semaphore(%run_scoped3A : memref<!tpu.dma_semaphore, #tpu.memory_space<semaphore_mem>>)
        %dma_wait3A_68 = arith.constant 0 : i32
        %dma_wait3A_69 = tpu.memref_slice %arg4[%add3A_35, %dma_wait3A_68] : memref<65536x256xi32, #tpu.memory_space<hbm>> -> memref<128x256xi32, #tpu.memory_space<hbm>>
        %dma_wait3A_70 = arith.constant 0 : i32
        %dma_wait3A_71 = tpu.memref_slice %arg4[%add3A_35, %dma_wait3A_70] : memref<65536x256xi32, #tpu.memory_space<hbm>> -> memref<128x256xi32, #tpu.memory_space<hbm>>
        tpu.wait_dma2 semaphore(%run_scoped3A : memref<!tpu.dma_semaphore, #tpu.memory_space<semaphore_mem>>) src(%arg6 : memref<128x256xi32, #tpu.memory_space<vmem>>) dst(%dma_wait3A_71 : memref<128x256xi32, #tpu.memory_space<hbm>>)
        tpu.yield
      }) : () -> ()
      %add3A_36 = arith.constant 0 : i32
      %add3A_37 = arith.addi %mul3A_23, %add3A_36 : i32
      %add3A_38 = arith.constant 2 : i32
      %add3A_39 = arith.addi %add3A_37, %add3A_38 : i32
      %lt3A = arith.constant 16 : i32
      %lt3A_40 = arith.cmpi slt, %add3A_39, %lt3A : i32
      %convert_element_type3A = arith.extui %lt3A_40 : i1 to i32
      %cond3A = arith.constant 0 : i32
      %cond3A_41 = arith.cmpi ne, %convert_element_type3A, %cond3A : i32
      scf.if %cond3A_41 {
        %add3A_64 = arith.constant 0 : i32
        %add3A_65 = arith.addi %mul3A_23, %add3A_64 : i32
        %add3A_66 = arith.constant 2 : i32
        %add3A_67 = arith.addi %add3A_65, %add3A_66 : i32
        %dma_start3A_68 = arith.constant 0 : i32
        %dma_start3A_69 = tpu.memref_slice %arg5[%add3A_67, %dma_start3A_68] : memref<16x128xi32, #tpu.memory_space<vmem>> -> memref<1x128xi32, #tpu.memory_space<vmem>>
        %dma_start3A_70 = tpu.memref_squeeze %dma_start3A_69 : memref<1x128xi32, #tpu.memory_space<vmem>> -> memref<128xi32, #tpu.memory_space<vmem>>
        %dma_start3A_71 = arith.constant 0 : i32
        %dma_start3A_72 = arith.constant 0 : i32
        %dma_start3A_73 = tpu.memref_slice %arg2[%dma_start3A_71, %dma_start3A_72] : memref<100000x256xi32, #tpu.memory_space<hbm>> -> memref<100000x256xi32, #tpu.memory_space<hbm>>
        tpu.enqueue_indirect_dma source(%dma_start3A_73 : memref<100000x256xi32, #tpu.memory_space<hbm>>) target(%arg6 : memref<128x256xi32, #tpu.memory_space<vmem>>) offsets(%dma_start3A_70 : memref<128xi32, #tpu.memory_space<vmem>>) semaphore(%arg8 : memref<!tpu.dma_semaphore, #tpu.memory_space<semaphore_mem>>)
      } else {
      }
      %add3A_42 = arith.constant 1 : i32
      %add3A_43 = arith.addi %mul3A_23, %add3A_42 : i32
      %dma_wait3A_44 = arith.constant 0 : i32
      %dma_wait3A_45 = tpu.memref_slice %arg5[%add3A_43, %dma_wait3A_44] : memref<16x128xi32, #tpu.memory_space<vmem>> -> memref<1x128xi32, #tpu.memory_space<vmem>>
      %dma_wait3A_46 = tpu.memref_squeeze %dma_wait3A_45 : memref<1x128xi32, #tpu.memory_space<vmem>> -> memref<128xi32, #tpu.memory_space<vmem>>
      %dma_wait3A_47 = arith.constant 0 : i32
      %dma_wait3A_48 = arith.constant 0 : i32
      %dma_wait3A_49 = tpu.memref_slice %arg2[%dma_wait3A_47, %dma_wait3A_48] : memref<100000x256xi32, #tpu.memory_space<hbm>> -> memref<100000x256xi32, #tpu.memory_space<hbm>>
      tpu.wait_indirect_dma semaphore(%arg9 : memref<!tpu.dma_semaphore, #tpu.memory_space<semaphore_mem>>) src(%dma_wait3A_49 : memref<100000x256xi32, #tpu.memory_space<hbm>>) dst(%arg7 : memref<128x256xi32, #tpu.memory_space<vmem>>)
      %add3A_50 = arith.constant 1 : i32
      %add3A_51 = arith.addi %mul3A_23, %add3A_50 : i32
      %mul3A_52 = arith.constant 128 : i32
      %mul3A_53 = arith.muli %add3A_51, %mul3A_52 : i32
      %add3A_54 = arith.addi %mul3A_2, %mul3A_53 : i32
      "tpu.region"() ({
        %run_scoped3A = tpu.sem_alloc : memref<!tpu.dma_semaphore, #tpu.memory_space<semaphore_mem>>
        %dma_start3A_64 = arith.constant 0 : i32
        %dma_start3A_65 = tpu.memref_slice %arg4[%add3A_54, %dma_start3A_64] : memref<65536x256xi32, #tpu.memory_space<hbm>> -> memref<128x256xi32, #tpu.memory_space<hbm>>
        %dma_start3A_66 = arith.constant 0 : i32
        %dma_start3A_67 = tpu.memref_slice %arg4[%add3A_54, %dma_start3A_66] : memref<65536x256xi32, #tpu.memory_space<hbm>> -> memref<128x256xi32, #tpu.memory_space<hbm>>
        tpu.enqueue_dma source(%arg7 : memref<128x256xi32, #tpu.memory_space<vmem>>) target(%dma_start3A_67 : memref<128x256xi32, #tpu.memory_space<hbm>>) target_semaphore(%run_scoped3A : memref<!tpu.dma_semaphore, #tpu.memory_space<semaphore_mem>>)
        %dma_wait3A_68 = arith.constant 0 : i32
        %dma_wait3A_69 = tpu.memref_slice %arg4[%add3A_54, %dma_wait3A_68] : memref<65536x256xi32, #tpu.memory_space<hbm>> -> memref<128x256xi32, #tpu.memory_space<hbm>>
        %dma_wait3A_70 = arith.constant 0 : i32
        %dma_wait3A_71 = tpu.memref_slice %arg4[%add3A_54, %dma_wait3A_70] : memref<65536x256xi32, #tpu.memory_space<hbm>> -> memref<128x256xi32, #tpu.memory_space<hbm>>
        tpu.wait_dma2 semaphore(%run_scoped3A : memref<!tpu.dma_semaphore, #tpu.memory_space<semaphore_mem>>) src(%arg7 : memref<128x256xi32, #tpu.memory_space<vmem>>) dst(%dma_wait3A_71 : memref<128x256xi32, #tpu.memory_space<hbm>>)
        tpu.yield
      }) : () -> ()
      %add3A_55 = arith.constant 1 : i32
      %add3A_56 = arith.addi %mul3A_23, %add3A_55 : i32
      %add3A_57 = arith.constant 2 : i32
      %add3A_58 = arith.addi %add3A_56, %add3A_57 : i32
      %lt3A_59 = arith.constant 16 : i32
      %lt3A_60 = arith.cmpi slt, %add3A_58, %lt3A_59 : i32
      %convert_element_type3A_61 = arith.extui %lt3A_60 : i1 to i32
      %cond3A_62 = arith.constant 0 : i32
      %cond3A_63 = arith.cmpi ne, %convert_element_type3A_61, %cond3A_62 : i32
      scf.if %cond3A_63 {
        %add3A_64 = arith.constant 1 : i32
        %add3A_65 = arith.addi %mul3A_23, %add3A_64 : i32
        %add3A_66 = arith.constant 2 : i32
        %add3A_67 = arith.addi %add3A_65, %add3A_66 : i32
        %dma_start3A_68 = arith.constant 0 : i32
        %dma_start3A_69 = tpu.memref_slice %arg5[%add3A_67, %dma_start3A_68] : memref<16x128xi32, #tpu.memory_space<vmem>> -> memref<1x128xi32, #tpu.memory_space<vmem>>
        %dma_start3A_70 = tpu.memref_squeeze %dma_start3A_69 : memref<1x128xi32, #tpu.memory_space<vmem>> -> memref<128xi32, #tpu.memory_space<vmem>>
        %dma_start3A_71 = arith.constant 0 : i32
        %dma_start3A_72 = arith.constant 0 : i32
        %dma_start3A_73 = tpu.memref_slice %arg2[%dma_start3A_71, %dma_start3A_72] : memref<100000x256xi32, #tpu.memory_space<hbm>> -> memref<100000x256xi32, #tpu.memory_space<hbm>>
        tpu.enqueue_indirect_dma source(%dma_start3A_73 : memref<100000x256xi32, #tpu.memory_space<hbm>>) target(%arg7 : memref<128x256xi32, #tpu.memory_space<vmem>>) offsets(%dma_start3A_70 : memref<128xi32, #tpu.memory_space<vmem>>) semaphore(%arg9 : memref<!tpu.dma_semaphore, #tpu.memory_space<semaphore_mem>>)
      } else {
      }
    }
    %scan3A_20 = arith.constant 8 : i32
    return
  }
}

module attributes {stable_mosaic.version = 14 : i64} {
  func.func @_proj_body(%arg0: i32, %arg1: memref<300x4096xf32, #tpu.memory_space<vmem>>, %arg2: memref<512x300xf32, #tpu.memory_space<vmem>>, %arg3: memref<4096x256xi32, #tpu.memory_space<vmem>>) attributes {dimension_semantics = [#tpu.dimension_semantics<arbitrary>], iteration_bounds = array<i64: 25>, scalar_prefetch = 0 : i64, scratch_operands = 0 : i64, tpu.core_type = #tpu.core_type<tc>, window_params = [{transform_indices = @transform_0, window_bounds = array<i64: 300, 4096>}, {pipeline_mode = #tpu.pipeline_mode<synchronous>, transform_indices = @transform_1, window_bounds = array<i64: 512, 300>}, {transform_indices = @transform_2, window_bounds = array<i64: 4096, 256>}]} {
    %get3A = arith.constant 0 : index
    %get3A_0 = arith.constant 0 : index
    %get3A_1 = vector.load %arg1[%get3A, %get3A_0] : memref<300x4096xf32, #tpu.memory_space<vmem>>, vector<300x4096xf32>
    %get3A_2 = arith.constant 0 : index
    %get3A_3 = arith.constant 0 : index
    %get3A_4 = vector.load %arg2[%get3A_2, %get3A_3] : memref<512x300xf32, #tpu.memory_space<vmem>>, vector<512x300xf32>
    %dot_general3A = arith.constant dense<0.000000e+00> : vector<4096x512xf32>
    %dot_general3A_5 = tpu.matmul %get3A_1, %get3A_4, %dot_general3A {dimension_numbers = #tpu.dot_dimension_numbers<[0], [1], [1], [0], [0, 1, 1, 0], [], []>, transpose_lhs_hint = false} : vector<300x4096xf32>, vector<512x300xf32>, vector<4096x512xf32> -> vector<4096x512xf32>
    %slice3A = vector.extract_strided_slice %dot_general3A_5 {offsets = [0, 0], sizes = [4096, 256], strides = [1, 1]} : vector<4096x512xf32> to vector<4096x256xf32>
    %convert_element_type3A = arith.truncf %slice3A : vector<4096x256xf32> to vector<4096x256xbf16>
    %convert_element_type3A_6 = arith.extf %convert_element_type3A : vector<4096x256xbf16> to vector<4096x256xf32>
    %bitcast_convert_type3A = tpu.bitcast %convert_element_type3A_6 : vector<4096x256xf32> -> vector<4096x256xi32>
    %and3A = arith.constant -65536 : i32
    %and3A_7 = vector.broadcast %and3A : i32 to vector<4096x256xi32>
    %and3A_8 = arith.andi %bitcast_convert_type3A, %and3A_7 : vector<4096x256xi32>
    %shift_right_logical3A = arith.constant 16 : i32
    %shift_right_logical3A_9 = vector.broadcast %shift_right_logical3A : i32 to vector<4096x256xi32>
    %shift_right_logical3A_10 = arith.shrui %and3A_8, %shift_right_logical3A_9 : vector<4096x256xi32>
    %slice3A_11 = vector.extract_strided_slice %dot_general3A_5 {offsets = [0, 256], sizes = [4096, 256], strides = [1, 1]} : vector<4096x512xf32> to vector<4096x256xf32>
    %convert_element_type3A_12 = arith.truncf %slice3A_11 : vector<4096x256xf32> to vector<4096x256xbf16>
    %convert_element_type3A_13 = arith.extf %convert_element_type3A_12 : vector<4096x256xbf16> to vector<4096x256xf32>
    %bitcast_convert_type3A_14 = tpu.bitcast %convert_element_type3A_13 : vector<4096x256xf32> -> vector<4096x256xi32>
    %and3A_15 = arith.constant -65536 : i32
    %and3A_16 = vector.broadcast %and3A_15 : i32 to vector<4096x256xi32>
    %and3A_17 = arith.andi %bitcast_convert_type3A_14, %and3A_16 : vector<4096x256xi32>
    %or3A = arith.ori %shift_right_logical3A_10, %and3A_17 : vector<4096x256xi32>
    %bitcast_convert_type3A_18 = tpu.bitcast %or3A : vector<4096x256xi32> -> vector<4096x256xi32>
    %swap3A = arith.constant 0 : index
    %swap3A_19 = arith.constant 0 : index
    %swap3A_20 = vector.load %arg3[%swap3A, %swap3A_19] : memref<4096x256xi32, #tpu.memory_space<vmem>>, vector<4096x256xi32>
    tpu.vector_store %arg3[%swap3A, %swap3A_19], %bitcast_convert_type3A_18 {strides = array<i32>} : memref<4096x256xi32, #tpu.memory_space<vmem>>, vector<4096x256xi32>,
    return
  }
  func.func @transform_0(%arg0: i32) -> (i32, i32) {
    %c0_i32 = arith.constant 0 : i32
    %c0_i32_0 = arith.constant 0 : i32
    return %c0_i32, %arg0 : i32, i32
  }
  func.func @transform_1(%arg0: i32) -> (i32, i32) {
    %c0_i32 = arith.constant 0 : i32
    %c0_i32_0 = arith.constant 0 : i32
    %c0_i32_1 = arith.constant 0 : i32
    return %c0_i32, %c0_i32_0 : i32, i32
  }
  func.func @transform_2(%arg0: i32) -> (i32, i32) {
    %c0_i32 = arith.constant 0 : i32
    %c0_i32_0 = arith.constant 0 : i32
    return %arg0, %c0_i32 : i32, i32
  }
}

module attributes {stable_mosaic.version = 14 : i64} {
  func.func @body(%arg0: i32, %arg1: i32, %arg2: memref<8x512x256xi32, #tpu.memory_space<vmem>>, %arg3: memref<300x8x512xf32, #tpu.memory_space<vmem>>) attributes {dimension_semantics = [#tpu.dimension_semantics<arbitrary>, #tpu.dimension_semantics<arbitrary>], iteration_bounds = array<i64: 1, 8>, scalar_prefetch = 0 : i64, scratch_operands = 0 : i64, tpu.core_type = #tpu.core_type<tc>, window_params = [{transform_indices = @transform_0, window_bounds = array<i64: 8, 512, 256>}, {transform_indices = @transform_1, window_bounds = array<i64: 300, 8, 512>}]} {
    %get3A = arith.constant 0 : index
    %get3A_0 = arith.constant 0 : index
    %get3A_1 = arith.constant 0 : index
    %get3A_2 = vector.load %arg2[%get3A, %get3A_0, %get3A_1] : memref<8x512x256xi32, #tpu.memory_space<vmem>>, vector<8x512x256xi32>
    %transpose3A = tpu.transpose %get3A_2, [2, 0, 1] : vector<8x512x256xi32> -> vector<256x8x512xi32>
    %bitcast_convert_type3A = tpu.bitcast %transpose3A : vector<256x8x512xi32> -> vector<256x8x512xi32>
    %shift_left3A = arith.constant 16 : i32
    %shift_left3A_3 = vector.broadcast %shift_left3A : i32 to vector<256x8x512xi32>
    %shift_left3A_4 = arith.shli %bitcast_convert_type3A, %shift_left3A_3 : vector<256x8x512xi32>
    %bitcast_convert_type3A_5 = tpu.bitcast %shift_left3A_4 : vector<256x8x512xi32> -> vector<256x8x512xf32>
    %slice3A = vector.extract_strided_slice %bitcast_convert_type3A {offsets = [0, 0, 0], sizes = [44, 8, 512], strides = [1, 1, 1]} : vector<256x8x512xi32> to vector<44x8x512xi32>
    %and3A = arith.constant -65536 : i32
    %and3A_6 = vector.broadcast %and3A : i32 to vector<44x8x512xi32>
    %and3A_7 = arith.andi %slice3A, %and3A_6 : vector<44x8x512xi32>
    %bitcast_convert_type3A_8 = tpu.bitcast %and3A_7 : vector<44x8x512xi32> -> vector<44x8x512xf32>
    %concatenate3A = tpu.concatenate %bitcast_convert_type3A_5, %bitcast_convert_type3A_8 in 0 : vector<256x8x512xf32>, vector<44x8x512xf32> -> vector<300x8x512xf32>
    %swap3A = arith.constant 0 : index
    %swap3A_9 = arith.constant 0 : index
    %swap3A_10 = arith.constant 0 : index
    %swap3A_11 = vector.load %arg3[%swap3A, %swap3A_9, %swap3A_10] : memref<300x8x512xf32, #tpu.memory_space<vmem>>, vector<300x8x512xf32>
    tpu.vector_store %arg3[%swap3A, %swap3A_9, %swap3A_10], %concatenate3A {strides = array<i32>} : memref<300x8x512xf32, #tpu.memory_space<vmem>>, vector<300x8x512xf32>,
    return
  }
  func.func @transform_0(%arg0: i32, %arg1: i32) -> (i32, i32, i32) {
    %c0_i32 = arith.constant 0 : i32
    %c0_i32_0 = arith.constant 0 : i32
    return %arg0, %arg1, %c0_i32 : i32, i32, i32
  }
  func.func @transform_1(%arg0: i32, %arg1: i32) -> (i32, i32, i32) {
    %add3A = arith.constant 0 : i32
    %add3A_0 = arith.addi %add3A, %arg0 : i32
    %c0_i32 = arith.constant 0 : i32
    %c0_i32_1 = arith.constant 0 : i32
    return %c0_i32, %add3A_0, %arg1 : i32, i32, i32
  }
}

module attributes {stable_mosaic.version = 14 : i64} {
  func.func @body(%arg0: i32, %arg1: i32, %arg2: memref<8x512x256xi32, #tpu.memory_space<vmem>>, %arg3: memref<300x200x4096xf32, #tpu.memory_space<hbm>>, %arg4: memref<300x8x512xf32, #tpu.memory_space<vmem>>) attributes {dimension_semantics = [#tpu.dimension_semantics<arbitrary>, #tpu.dimension_semantics<arbitrary>], iteration_bounds = array<i64: 3, 8>, scalar_prefetch = 0 : i64, scratch_operands = 0 : i64, tpu.core_type = #tpu.core_type<tc>, window_params = [{transform_indices = @transform_0, window_bounds = array<i64: 8, 512, 256>}, {}, {transform_indices = @transform_2, window_bounds = array<i64: 300, 8, 512>}]} {
    %get3A = arith.constant 0 : index
    %get3A_0 = arith.constant 0 : index
    %get3A_1 = arith.constant 0 : index
    %get3A_2 = vector.load %arg2[%get3A, %get3A_0, %get3A_1] : memref<8x512x256xi32, #tpu.memory_space<vmem>>, vector<8x512x256xi32>
    %transpose3A = tpu.transpose %get3A_2, [2, 0, 1] : vector<8x512x256xi32> -> vector<256x8x512xi32>
    %bitcast_convert_type3A = tpu.bitcast %transpose3A : vector<256x8x512xi32> -> vector<256x8x512xi32>
    %shift_left3A = arith.constant 16 : i32
    %shift_left3A_3 = vector.broadcast %shift_left3A : i32 to vector<256x8x512xi32>
    %shift_left3A_4 = arith.shli %bitcast_convert_type3A, %shift_left3A_3 : vector<256x8x512xi32>
    %bitcast_convert_type3A_5 = tpu.bitcast %shift_left3A_4 : vector<256x8x512xi32> -> vector<256x8x512xf32>
    %slice3A = vector.extract_strided_slice %bitcast_convert_type3A {offsets = [0, 0, 0], sizes = [44, 8, 512], strides = [1, 1, 1]} : vector<256x8x512xi32> to vector<44x8x512xi32>
    %and3A = arith.constant -65536 : i32
    %and3A_6 = vector.broadcast %and3A : i32 to vector<44x8x512xi32>
    %and3A_7 = arith.andi %slice3A, %and3A_6 : vector<44x8x512xi32>
    %bitcast_convert_type3A_8 = tpu.bitcast %and3A_7 : vector<44x8x512xi32> -> vector<44x8x512xf32>
    %concatenate3A = tpu.concatenate %bitcast_convert_type3A_5, %bitcast_convert_type3A_8 in 0 : vector<256x8x512xf32>, vector<44x8x512xf32> -> vector<300x8x512xf32>
    %swap3A = arith.constant 0 : index
    %swap3A_9 = arith.constant 0 : index
    %swap3A_10 = arith.constant 0 : index
    %swap3A_11 = vector.load %arg4[%swap3A, %swap3A_9, %swap3A_10] : memref<300x8x512xf32, #tpu.memory_space<vmem>>, vector<300x8x512xf32>
    tpu.vector_store %arg4[%swap3A, %swap3A_9, %swap3A_10], %concatenate3A {strides = array<i32>} : memref<300x8x512xf32, #tpu.memory_space<vmem>>, vector<300x8x512xf32>,
    return
  }
  func.func @transform_0(%arg0: i32, %arg1: i32) -> (i32, i32, i32) {
    %c0_i32 = arith.constant 0 : i32
    %c0_i32_0 = arith.constant 0 : i32
    return %arg0, %arg1, %c0_i32 : i32, i32, i32
  }
  func.func @transform_2(%arg0: i32, %arg1: i32) -> (i32, i32, i32) {
    %add3A = arith.constant 1 : i32
    %add3A_0 = arith.addi %add3A, %arg0 : i32
    %c0_i32 = arith.constant 0 : i32
    %c0_i32_1 = arith.constant 0 : i32
    return %c0_i32, %add3A_0, %arg1 : i32, i32, i32
  }
}

module attributes {stable_mosaic.version = 14 : i64} {
  func.func @body(%arg0: i32, %arg1: i32, %arg2: memref<8x512x256xi32, #tpu.memory_space<vmem>>, %arg3: memref<300x200x4096xf32, #tpu.memory_space<hbm>>, %arg4: memref<300x8x512xf32, #tpu.memory_space<vmem>>) attributes {dimension_semantics = [#tpu.dimension_semantics<arbitrary>, #tpu.dimension_semantics<arbitrary>], iteration_bounds = array<i64: 6, 8>, scalar_prefetch = 0 : i64, scratch_operands = 0 : i64, tpu.core_type = #tpu.core_type<tc>, window_params = [{transform_indices = @transform_0, window_bounds = array<i64: 8, 512, 256>}, {}, {transform_indices = @transform_2, window_bounds = array<i64: 300, 8, 512>}]} {
    %get3A = arith.constant 0 : index
    %get3A_0 = arith.constant 0 : index
    %get3A_1 = arith.constant 0 : index
    %get3A_2 = vector.load %arg2[%get3A, %get3A_0, %get3A_1] : memref<8x512x256xi32, #tpu.memory_space<vmem>>, vector<8x512x256xi32>
    %transpose3A = tpu.transpose %get3A_2, [2, 0, 1] : vector<8x512x256xi32> -> vector<256x8x512xi32>
    %bitcast_convert_type3A = tpu.bitcast %transpose3A : vector<256x8x512xi32> -> vector<256x8x512xi32>
    %shift_left3A = arith.constant 16 : i32
    %shift_left3A_3 = vector.broadcast %shift_left3A : i32 to vector<256x8x512xi32>
    %shift_left3A_4 = arith.shli %bitcast_convert_type3A, %shift_left3A_3 : vector<256x8x512xi32>
    %bitcast_convert_type3A_5 = tpu.bitcast %shift_left3A_4 : vector<256x8x512xi32> -> vector<256x8x512xf32>
    %slice3A = vector.extract_strided_slice %bitcast_convert_type3A {offsets = [0, 0, 0], sizes = [44, 8, 512], strides = [1, 1, 1]} : vector<256x8x512xi32> to vector<44x8x512xi32>
    %and3A = arith.constant -65536 : i32
    %and3A_6 = vector.broadcast %and3A : i32 to vector<44x8x512xi32>
    %and3A_7 = arith.andi %slice3A, %and3A_6 : vector<44x8x512xi32>
    %bitcast_convert_type3A_8 = tpu.bitcast %and3A_7 : vector<44x8x512xi32> -> vector<44x8x512xf32>
    %concatenate3A = tpu.concatenate %bitcast_convert_type3A_5, %bitcast_convert_type3A_8 in 0 : vector<256x8x512xf32>, vector<44x8x512xf32> -> vector<300x8x512xf32>
    %swap3A = arith.constant 0 : index
    %swap3A_9 = arith.constant 0 : index
    %swap3A_10 = arith.constant 0 : index
    %swap3A_11 = vector.load %arg4[%swap3A, %swap3A_9, %swap3A_10] : memref<300x8x512xf32, #tpu.memory_space<vmem>>, vector<300x8x512xf32>
    tpu.vector_store %arg4[%swap3A, %swap3A_9, %swap3A_10], %concatenate3A {strides = array<i32>} : memref<300x8x512xf32, #tpu.memory_space<vmem>>, vector<300x8x512xf32>,
    return
  }
  func.func @transform_0(%arg0: i32, %arg1: i32) -> (i32, i32, i32) {
    %c0_i32 = arith.constant 0 : i32
    %c0_i32_0 = arith.constant 0 : i32
    return %arg0, %arg1, %c0_i32 : i32, i32, i32
  }
  func.func @transform_2(%arg0: i32, %arg1: i32) -> (i32, i32, i32) {
    %add3A = arith.constant 4 : i32
    %add3A_0 = arith.addi %add3A, %arg0 : i32
    %c0_i32 = arith.constant 0 : i32
    %c0_i32_1 = arith.constant 0 : i32
    return %c0_i32, %add3A_0, %arg1 : i32, i32, i32
  }
}

module attributes {stable_mosaic.version = 14 : i64} {
  func.func @body(%arg0: i32, %arg1: i32, %arg2: memref<8x512x256xi32, #tpu.memory_space<vmem>>, %arg3: memref<300x200x4096xf32, #tpu.memory_space<hbm>>, %arg4: memref<300x8x512xf32, #tpu.memory_space<vmem>>) attributes {dimension_semantics = [#tpu.dimension_semantics<arbitrary>, #tpu.dimension_semantics<arbitrary>], iteration_bounds = array<i64: 7, 8>, scalar_prefetch = 0 : i64, scratch_operands = 0 : i64, tpu.core_type = #tpu.core_type<tc>, window_params = [{transform_indices = @transform_0, window_bounds = array<i64: 8, 512, 256>}, {}, {transform_indices = @transform_2, window_bounds = array<i64: 300, 8, 512>}]} {
    %get3A = arith.constant 0 : index
    %get3A_0 = arith.constant 0 : index
    %get3A_1 = arith.constant 0 : index
    %get3A_2 = vector.load %arg2[%get3A, %get3A_0, %get3A_1] : memref<8x512x256xi32, #tpu.memory_space<vmem>>, vector<8x512x256xi32>
    %transpose3A = tpu.transpose %get3A_2, [2, 0, 1] : vector<8x512x256xi32> -> vector<256x8x512xi32>
    %bitcast_convert_type3A = tpu.bitcast %transpose3A : vector<256x8x512xi32> -> vector<256x8x512xi32>
    %shift_left3A = arith.constant 16 : i32
    %shift_left3A_3 = vector.broadcast %shift_left3A : i32 to vector<256x8x512xi32>
    %shift_left3A_4 = arith.shli %bitcast_convert_type3A, %shift_left3A_3 : vector<256x8x512xi32>
    %bitcast_convert_type3A_5 = tpu.bitcast %shift_left3A_4 : vector<256x8x512xi32> -> vector<256x8x512xf32>
    %slice3A = vector.extract_strided_slice %bitcast_convert_type3A {offsets = [0, 0, 0], sizes = [44, 8, 512], strides = [1, 1, 1]} : vector<256x8x512xi32> to vector<44x8x512xi32>
    %and3A = arith.constant -65536 : i32
    %and3A_6 = vector.broadcast %and3A : i32 to vector<44x8x512xi32>
    %and3A_7 = arith.andi %slice3A, %and3A_6 : vector<44x8x512xi32>
    %bitcast_convert_type3A_8 = tpu.bitcast %and3A_7 : vector<44x8x512xi32> -> vector<44x8x512xf32>
    %concatenate3A = tpu.concatenate %bitcast_convert_type3A_5, %bitcast_convert_type3A_8 in 0 : vector<256x8x512xf32>, vector<44x8x512xf32> -> vector<300x8x512xf32>
    %swap3A = arith.constant 0 : index
    %swap3A_9 = arith.constant 0 : index
    %swap3A_10 = arith.constant 0 : index
    %swap3A_11 = vector.load %arg4[%swap3A, %swap3A_9, %swap3A_10] : memref<300x8x512xf32, #tpu.memory_space<vmem>>, vector<300x8x512xf32>
    tpu.vector_store %arg4[%swap3A, %swap3A_9, %swap3A_10], %concatenate3A {strides = array<i32>} : memref<300x8x512xf32, #tpu.memory_space<vmem>>, vector<300x8x512xf32>,
    return
  }
  func.func @transform_0(%arg0: i32, %arg1: i32) -> (i32, i32, i32) {
    %c0_i32 = arith.constant 0 : i32
    %c0_i32_0 = arith.constant 0 : i32
    return %arg0, %arg1, %c0_i32 : i32, i32, i32
  }
  func.func @transform_2(%arg0: i32, %arg1: i32) -> (i32, i32, i32) {
    %add3A = arith.constant 10 : i32
    %add3A_0 = arith.addi %add3A, %arg0 : i32
    %c0_i32 = arith.constant 0 : i32
    %c0_i32_1 = arith.constant 0 : i32
    return %c0_i32, %add3A_0, %arg1 : i32, i32, i32
  }
}

module attributes {stable_mosaic.version = 14 : i64} {
  func.func @body(%arg0: i32, %arg1: i32, %arg2: memref<8x512x256xi32, #tpu.memory_space<vmem>>, %arg3: memref<300x200x4096xf32, #tpu.memory_space<hbm>>, %arg4: memref<300x8x512xf32, #tpu.memory_space<vmem>>) attributes {dimension_semantics = [#tpu.dimension_semantics<arbitrary>, #tpu.dimension_semantics<arbitrary>], iteration_bounds = array<i64: 6, 8>, scalar_prefetch = 0 : i64, scratch_operands = 0 : i64, tpu.core_type = #tpu.core_type<tc>, window_params = [{transform_indices = @transform_0, window_bounds = array<i64: 8, 512, 256>}, {}, {transform_indices = @transform_2, window_bounds = array<i64: 300, 8, 512>}]} {
    %get3A = arith.constant 0 : index
    %get3A_0 = arith.constant 0 : index
    %get3A_1 = arith.constant 0 : index
    %get3A_2 = vector.load %arg2[%get3A, %get3A_0, %get3A_1] : memref<8x512x256xi32, #tpu.memory_space<vmem>>, vector<8x512x256xi32>
    %transpose3A = tpu.transpose %get3A_2, [2, 0, 1] : vector<8x512x256xi32> -> vector<256x8x512xi32>
    %bitcast_convert_type3A = tpu.bitcast %transpose3A : vector<256x8x512xi32> -> vector<256x8x512xi32>
    %shift_left3A = arith.constant 16 : i32
    %shift_left3A_3 = vector.broadcast %shift_left3A : i32 to vector<256x8x512xi32>
    %shift_left3A_4 = arith.shli %bitcast_convert_type3A, %shift_left3A_3 : vector<256x8x512xi32>
    %bitcast_convert_type3A_5 = tpu.bitcast %shift_left3A_4 : vector<256x8x512xi32> -> vector<256x8x512xf32>
    %slice3A = vector.extract_strided_slice %bitcast_convert_type3A {offsets = [0, 0, 0], sizes = [44, 8, 512], strides = [1, 1, 1]} : vector<256x8x512xi32> to vector<44x8x512xi32>
    %and3A = arith.constant -65536 : i32
    %and3A_6 = vector.broadcast %and3A : i32 to vector<44x8x512xi32>
    %and3A_7 = arith.andi %slice3A, %and3A_6 : vector<44x8x512xi32>
    %bitcast_convert_type3A_8 = tpu.bitcast %and3A_7 : vector<44x8x512xi32> -> vector<44x8x512xf32>
    %concatenate3A = tpu.concatenate %bitcast_convert_type3A_5, %bitcast_convert_type3A_8 in 0 : vector<256x8x512xf32>, vector<44x8x512xf32> -> vector<300x8x512xf32>
    %swap3A = arith.constant 0 : index
    %swap3A_9 = arith.constant 0 : index
    %swap3A_10 = arith.constant 0 : index
    %swap3A_11 = vector.load %arg4[%swap3A, %swap3A_9, %swap3A_10] : memref<300x8x512xf32, #tpu.memory_space<vmem>>, vector<300x8x512xf32>
    tpu.vector_store %arg4[%swap3A, %swap3A_9, %swap3A_10], %concatenate3A {strides = array<i32>} : memref<300x8x512xf32, #tpu.memory_space<vmem>>, vector<300x8x512xf32>,
    return
  }
  func.func @transform_0(%arg0: i32, %arg1: i32) -> (i32, i32, i32) {
    %c0_i32 = arith.constant 0 : i32
    %c0_i32_0 = arith.constant 0 : i32
    return %arg0, %arg1, %c0_i32 : i32, i32, i32
  }
  func.func @transform_2(%arg0: i32, %arg1: i32) -> (i32, i32, i32) {
    %add3A = arith.constant 17 : i32
    %add3A_0 = arith.addi %add3A, %arg0 : i32
    %c0_i32 = arith.constant 0 : i32
    %c0_i32_1 = arith.constant 0 : i32
    return %c0_i32, %add3A_0, %arg1 : i32, i32, i32
  }
}

module attributes {stable_mosaic.version = 14 : i64} {
  func.func @body(%arg0: i32, %arg1: i32, %arg2: memref<8x512x256xi32, #tpu.memory_space<vmem>>, %arg3: memref<300x200x4096xf32, #tpu.memory_space<hbm>>, %arg4: memref<300x8x512xf32, #tpu.memory_space<vmem>>) attributes {dimension_semantics = [#tpu.dimension_semantics<arbitrary>, #tpu.dimension_semantics<arbitrary>], iteration_bounds = array<i64: 2, 8>, scalar_prefetch = 0 : i64, scratch_operands = 0 : i64, tpu.core_type = #tpu.core_type<tc>, window_params = [{transform_indices = @transform_0, window_bounds = array<i64: 8, 512, 256>}, {}, {transform_indices = @transform_2, window_bounds = array<i64: 300, 8, 512>}]} {
    %get3A = arith.constant 0 : index
    %get3A_0 = arith.constant 0 : index
    %get3A_1 = arith.constant 0 : index
    %get3A_2 = vector.load %arg2[%get3A, %get3A_0, %get3A_1] : memref<8x512x256xi32, #tpu.memory_space<vmem>>, vector<8x512x256xi32>
    %transpose3A = tpu.transpose %get3A_2, [2, 0, 1] : vector<8x512x256xi32> -> vector<256x8x512xi32>
    %bitcast_convert_type3A = tpu.bitcast %transpose3A : vector<256x8x512xi32> -> vector<256x8x512xi32>
    %shift_left3A = arith.constant 16 : i32
    %shift_left3A_3 = vector.broadcast %shift_left3A : i32 to vector<256x8x512xi32>
    %shift_left3A_4 = arith.shli %bitcast_convert_type3A, %shift_left3A_3 : vector<256x8x512xi32>
    %bitcast_convert_type3A_5 = tpu.bitcast %shift_left3A_4 : vector<256x8x512xi32> -> vector<256x8x512xf32>
    %slice3A = vector.extract_strided_slice %bitcast_convert_type3A {offsets = [0, 0, 0], sizes = [44, 8, 512], strides = [1, 1, 1]} : vector<256x8x512xi32> to vector<44x8x512xi32>
    %and3A = arith.constant -65536 : i32
    %and3A_6 = vector.broadcast %and3A : i32 to vector<44x8x512xi32>
    %and3A_7 = arith.andi %slice3A, %and3A_6 : vector<44x8x512xi32>
    %bitcast_convert_type3A_8 = tpu.bitcast %and3A_7 : vector<44x8x512xi32> -> vector<44x8x512xf32>
    %concatenate3A = tpu.concatenate %bitcast_convert_type3A_5, %bitcast_convert_type3A_8 in 0 : vector<256x8x512xf32>, vector<44x8x512xf32> -> vector<300x8x512xf32>
    %swap3A = arith.constant 0 : index
    %swap3A_9 = arith.constant 0 : index
    %swap3A_10 = arith.constant 0 : index
    %swap3A_11 = vector.load %arg4[%swap3A, %swap3A_9, %swap3A_10] : memref<300x8x512xf32, #tpu.memory_space<vmem>>, vector<300x8x512xf32>
    tpu.vector_store %arg4[%swap3A, %swap3A_9, %swap3A_10], %concatenate3A {strides = array<i32>} : memref<300x8x512xf32, #tpu.memory_space<vmem>>, vector<300x8x512xf32>,
    return
  }
  func.func @transform_0(%arg0: i32, %arg1: i32) -> (i32, i32, i32) {
    %c0_i32 = arith.constant 0 : i32
    %c0_i32_0 = arith.constant 0 : i32
    return %arg0, %arg1, %c0_i32 : i32, i32, i32
  }
  func.func @transform_2(%arg0: i32, %arg1: i32) -> (i32, i32, i32) {
    %add3A = arith.constant 23 : i32
    %add3A_0 = arith.addi %add3A, %arg0 : i32
    %c0_i32 = arith.constant 0 : i32
    %c0_i32_1 = arith.constant 0 : i32
    return %c0_i32, %add3A_0, %arg1 : i32, i32, i32
  }
}

</mosaic_0001>

<sc_bundles>
// kernel: kernel.15.cloned.1.call-start
scs
__scs_entry_jumppad:
0x0: {  	(pc) =	sbr.rel $0x88, $3  }
0x1: {  	(tag) =	ssettag $0x0;
	lr =	simm.s32 $0x1  }
0x2: {  	[smem:$0x3F9E] =	sst lr;
	_ =	strace $0xD0000000  }
0x3: {  	_ = 	snop  }
0x4: {  	_ = 	snop  }
0x5: {  	_ = 	snop  }
0x6: {  	_ = 	snop  }
0x7: {  	_ = 	snop  }
__scs_overlays_trampoline_lowered:
0x8: {  	[smem:$0x3FAD] =	sst s0  }
0x9: {  	[smem:$0x3FAE] =	sst s1  }
0xa: {  	[smem:$0x3FAF] =	sst s2  }
0xb: {  	[smem:$0x3FB0] =	sst s3  }
0xc: {  	[smem:$0x3FB1] =	sst s4  }
0xd: {  	[smem:$0x3FB2] =	sst s5  }
0xe: {  	[smem:$0x3FB3] =	sst s6  }
0xf: {  	[smem:$0x3FB4] =	sst s7  }
0x10: {  	[smem:$0x3FB5] =	sst s8  }
0x11: {  	[smem:$0x3FB6] =	sst s9;
	s0 =	simm.s32 @!p0 $0x0  }
0x12: {  	s1 =	sld [smem:$0x3F9C];
	s0 =	simm.s32 @p0 $0x1  }
0x13: {  	[smem:$0x3FB7] =	sst s0;
	s0 =	simm.s32 @!p1 $0x0  }
0x14: {  	s2 =	sld [smem:$0x3F9B];
	s0 =	simm.s32 @p1 $0x1  }
0x15: {  	[smem:$0x3FB8] =	sst s0;
	s0 =	simm.s32 @!p2 $0x0  }
0x16: {  	s3 =	sld [smem:$0x3FDB];
	s0 =	simm.s32 @p2 $0x1  }
0x17: {  	s4 =	simm.s32 $0x1BF5;
	[smem:$0x3FBA] =	sst s0  }
0x18: {  	s0 =	sld [smem:$0x3F9D];
	_ =	swait.ge [sflag:s4], $0x0  }
0x19: {  	s7 =	sld [smem:$0x3F9E]  }
0x1a: {  	s8 =	sadd.s32 $0xFFFFE003, lr  }
0x1b: {  	s9 =	sadd.s32 $0xFFFFFEF7, lr;
	s5 =	simm.s32 $0xFFFFFFFF;
	p2 =	slt.u32 s8, $0xFFFFF086  }
0x1c: {  	p1 =	slt.u32 s9, $0xF7A;
	s5 =	simm.s32 @!p2 $0x0  }
0x1d: {  	s5 =	simm.s32 @p1 $0x1;
	p0 =	seq.s32 s7, s2  }
0x1e: {  	s7 =	smul.u32 @!p0 $0xF7A, s2;
	p2 =	seq.s32 @!p0 s5, $0x0  }
0x1f: {  	s9 =	smul.u32 $0xF7A, s1;
	s8 =	simm.s32 @!p0 $0x1BF5;
	p2 =	por !p2, p0  }
0x20: {  	[sflag:s8] =	ssyncset.s32 @!p0 $0xFFFFF086;
	s6 =	sadd.s32 @!p0 s3, s7;
	s7 =	simm.s32 @!p0 $0x108  }
0x21: {  	s3 =	sadd.s32 s3, s9;
	s6 =	sadd.s32 @!p0 $0x88, s6;
	s7 =	simm.s32 @p2 $0x1082  }
0x22: {  	[simem:s7], [sflag:s8] =	dma.local @!p0 [hbm:s6], $0xF7A  }
0x23: {  	s9 =	sor.u32 $0xD0000000, s2;
	s6 =	simm.s32 $0x108;
	_ =	swait.ge @!p0 [sflag:s8], $0x0  }
0x24: {  	s3 =	sadd.s32 $0x88, s3;
	s6 =	simm.s32 @!p1 $0x1082;
	[sflag:s4] =	ssyncset.s32 $0xFFFFF086  }
0x25: {  	[simem:s6], [sflag:s4] =	dma.local [hbm:s3], $0xF7A  }
0x26: {  	[smem:$0x3F9E] =	sst s1;
	(tag) =	ssettag s2;
	_ =	strace s9  }
0x27: {  	s1 =	sld [smem:$0x3FAE]  }
0x28: {  	s2 =	sld [smem:$0x3FAF]  }
0x29: {  	s4 =	sld [smem:$0x3FB1]  }
0x2a: {  	p0 =	seq.s32 s5, $0x0;
	s5 =	sld [smem:$0x3FB2]  }
0x2b: {  	s6 =	sld [smem:$0x3FB3]  }
0x2c: {  	s7 =	sld [smem:$0x3FB4]  }
0x2d: {  	s3 =	simm.s32 $0x108;
	s8 =	sld [smem:$0x3FB5]  }
0x2e: {  	s3 =	simm.s32 @!p0 $0x1082;
	s9 =	sld [smem:$0x3FB6]  }
0x2f: {  	lr =	sadd.s32 s0, s3;
	s0 =	sld [smem:$0x3FAD]  }
0x30: {  	s3 =	sld [smem:$0x3FB0]  }
0x31: {  	[smem:$0x3FB9] =	sst s10  }
0x32: {  	s10 =	sld [smem:$0x3FB7];
	_ =	sdelay $0x3  }
0x33: {  	p0 =	seq.s32 s10, $0x1;
	s10 =	sld [smem:$0x3FB9];
	_ =	sdelay $0x3  }
0x34: {  	[smem:$0x3FB9] =	sst s10  }
0x35: {  	s10 =	sld [smem:$0x3FB8];
	_ =	sdelay $0x3  }
0x36: {  	p1 =	seq.s32 s10, $0x1;
	s10 =	sld [smem:$0x3FB9];
	_ =	sdelay $0x3  }
0x37: {  	[smem:$0x3FB9] =	sst s10  }
0x38: {  	s10 =	sld [smem:$0x3FBA]  }
0x39: {  	_ = 	snop;
	(pc) =	sbr.ind lr, $3  }
0x3a: {  	_ = 	snop  }
0x3b: {  	_ = 	snop  }
0x3c: {  	p2 =	seq.s32 s10, $0x1;
	s10 =	sld [smem:$0x3FB9]  }
0x3d: {  	_ =	shalt  }
0x3e: {  	_ =	shalt  }
0x3f: {  	_ =	shalt  }
0x40: {  	_ =	shalt  }
0x41: {  	_ =	shalt  }
0x42: {  	_ =	shalt  }
0x43: {  	_ =	shalt  }
0x44: {  	_ =	shalt  }
0x45: {  	_ =	shalt  }
0x46: {  	_ =	shalt  }
0x47: {  	_ =	shalt  }
0x48: {  	_ =	shalt  }
0x49: {  	_ =	shalt  }
0x4a: {  	_ =	shalt  }
0x4b: {  	_ =	shalt  }
0x4c: {  	_ =	shalt  }
0x4d: {  	_ =	shalt  }
0x4e: {  	_ =	shalt  }
0x4f: {  	_ =	shalt  }
0x50: {  	_ =	shalt  }
0x51: {  	_ =	shalt  }
0x52: {  	_ =	shalt  }
0x53: {  	_ =	shalt  }
0x54: {  	_ =	shalt  }
0x55: {  	_ =	shalt  }
0x56: {  	_ =	shalt  }
0x57: {  	_ =	shalt  }
0x58: {  	_ =	shalt  }
0x59: {  	_ =	shalt  }
0x5a: {  	_ =	shalt  }
0x5b: {  	_ =	shalt  }
0x5c: {  	_ =	shalt  }
0x5d: {  	_ =	shalt  }
0x5e: {  	_ =	shalt  }
0x5f: {  	_ =	shalt  }
0x60: {  	_ =	shalt  }
0x61: {  	_ =	shalt  }
0x62: {  	_ =	shalt  }
0x63: {  	_ =	shalt  }
0x64: {  	_ =	shalt  }
0x65: {  	_ =	shalt  }
0x66: {  	_ =	shalt  }
0x67: {  	_ =	shalt  }
0x68: {  	_ =	shalt  }
0x69: {  	_ =	shalt  }
0x6a: {  	_ =	shalt  }
0x6b: {  	_ =	shalt  }
0x6c: {  	_ =	shalt  }
0x6d: {  	_ =	shalt  }
0x6e: {  	_ =	shalt  }
0x6f: {  	_ =	shalt  }
0x70: {  	_ =	shalt  }
0x71: {  	_ =	shalt  }
0x72: {  	_ =	shalt  }
0x73: {  	_ =	shalt  }
0x74: {  	_ =	shalt  }
0x75: {  	_ =	shalt  }
0x76: {  	_ =	shalt  }
0x77: {  	_ =	shalt  }
0x78: {  	_ =	shalt  }
0x79: {  	_ =	shalt  }
0x7a: {  	_ =	shalt  }
0x7b: {  	_ =	shalt  }
0x7c: {  	_ =	shalt  }
0x7d: {  	_ =	shalt  }
0x7e: {  	_ =	shalt  }
0x7f: {  	_ =	shalt  }
0x80: {  	_ =	shalt  }
0x81: {  	_ =	shalt  }
0x82: {  	_ =	shalt  }
0x83: {  	_ =	shalt  }
0x84: {  	_ =	shalt  }
0x85: {  	_ =	shalt  }
0x86: {  	_ =	shalt  }
0x87: {  	_ =	shalt  }
.Lfunc_end0:
.L_simem_size_0:
called_computation_lowered:
.L_overlay_start_0:
0x88: {  	s2 =	sld [smem:$0x3FD9]  }
0x89: {  	s3 =	sld [smem:$0x3FFE];
	_ =	sdelay $0x1  }
0x8a: {  	s1 =	srdreg.scid  }
0x8b: {  	s0 =	sand.u32 $0x1, s1  }
0x8c: {  	s16 =	sshll.u32 s0, $0xA;
	s2 =	sadd.s32 s3, s2  }
0x8d: {  	s2 =	sadd.s32 s2, s16  }
0x8e: {  	[smem:$0x3FC5] =	sst s2  }
0x8f: {  	_ = 	snop  }
0x90: {  	(tm) =	ssettm $0x1  }
0x91: {  	s17 =	sld [smem:$0x3FFB];
	_ =	sdelay $0x3  }
0x92: {  	_ =	strace s17  }
0x93: {  	s2 =	sld [smem:$0x3FFC];
	_ =	sdelay $0x3  }
0x94: {  	_ =	strace s2  }
0x95: {  	s2 =	sld [smem:$0x3FFD];
	_ =	sdelay $0x3  }
0x96: {  	_ =	strace s2  }
0x97: {  	_ =	strace $0x8FFFFFFF  }
0x98: {  	s18 =	sld [smem:$0x3FDB];
	_ =	sdelay $0x1  }
0x99: {  	s19 =	simm.s32 $_scs_section_size  }
0x9a: {  	s4 =	simm.s32 $_size__tile_overlayer_lowered;
	s5 =	simm.s32 $_tile_overlayer_lowered  }
0x9b: {  	s22 =	simm.s32 $0x1BFF;
	s21 =	sshll.u32 s5, $0x1;
	s2 =	sadd.s32 s19, s18  }
0x9c: {  	s6 =	simm.s32 $0x0;
	s20 =	sshll.u32 s4, $0x1;
	s4 =	sadd.s32 s21, s2  }
0x9d: {  	[timem:s6], [sflag:s22] =	dma.local [hbm:s4], s20  }
0x9e: {  	_ =	swait.ge [sflag:s22], s20  }
0x9f: {  	s3 =	ssub.s32 $0x0, s20;
	[sflag:s22] =	ssyncset.done $0x0  }
0xa0: {  	[sflag:s22] =	ssyncadd.s32 s3;
	_ =	sdelay $0x1  }
0xa1: {  	s23 =	simm.s32 $0x1B8B  }
0xa2: {  	_ =	swait.ge [sflag:s23], $0x1  }
0xa3: {  	[sflag:s23] =	ssyncset.done $0x0  }
0xa4: {  	s25 =	simm.s32 $0x1B8E;
	s24 =	sld [smem:$0x3FFE];
	[sflag:s23] =	ssyncadd.s32 $0xFFFFFFFF  }
0xa5: {  	s26 =	simm.s32 $execute0_lowered;
	[smem:$0x3FD2] =	sst s25  }
0xa6: {  	s4 =	sshll.u32 s26, $0x1;
	_ =	strace $0x80000046;
	[dreg:$0x1] =	wrdreg $0xFFFFFFFF  }
0xa7: {  	s28 =	simm.s32 $_size_execute0_lowered;
	s2 =	sadd.s32 s2, s4;
	[dreg:$0x0] =	wrdreg $0x0  }
0xa8: {  	s4 =	sshll.u32 s28, $0x1;
	[dreg:$0x2] =	wrdreg s2  }
0xa9: {  	[dreg:$0x3] =	wrdreg s4  }
0xaa: {  	[dreg:$0x4] =	wrdreg $0xC0  }
0xab: {  	_ =	task [dreg:s6], $0x5FFFF  }
0xac: {  	[dreg:$0x1] =	wrdreg $0xFFFFFFFF  }
0xad: {  	[dreg:$0x0] =	wrdreg $0x60  }
0xae: {  	[dreg:$0x2] =	wrdreg s24  }
0xaf: {  	[dreg:$0x3] =	wrdreg $0x9  }
0xb0: {  	_ =	task.clear_ibuf [dreg:s6], $0x4FFFF;
	_ =	strace $0x90000046  }
0xb1: {  	s29 =	simm.s32 $0x9;
	_ =	strace $0x80000048  }
0xb2: {  	_ =	swait.ge [sflag:s29], $0x1  }
0xb3: {  	[sflag:s29] =	ssyncadd.s32 $0xFFFFFFFF  }
0xb4: {  	_ =	strace $0x90000048  }
0xb5: {  	_ =	sfence  }
0xb6: {  	s30 =	sld [smem:$0x0];
	_ =	sdelay $0x2  }
0xb7: {  	s31 =	sshll.u32 s1, $0xD;
	s1 =	sshrl.u32 s1, $0x2  }
0xb8: {  	s3 =	sand.u32 $0x4000, s31;
	s1 =	sadd.s32 s1, s30  }
0xb9: {  	s0 =	sor.u32 s3, s0;
	s1 =	sshll.u32 s1, $0x11  }
0xba: {  	s0 =	sor.u32 s1, s0  }
0xbb: {  	s0 =	sadd.s32 $0x8F2B, s0  }
0xbc: {  	[sflag:s0] =	ssyncadd.remote.s32 $0x1  }
0xbd: {  	_ =	sfence.sel $0xFFFF  }
0xbe: {  	[dreg:$0x0] =	wrdreg $0xFFFFFFFF;
	(pc) =	sbr.abs _section_cstart, $3  }
0xbf: {  	[dreg:$0x1] =	wrdreg $0xFFFFFFFF  }
0xc0: {  	_ =	task.clear_ibuf [dreg:s6], $0x2FFFF;
	_ =	strace $0x9FFFFFFF  }
0xc1: {  	(tm) =	ssettm $0x7FFFFFFF  }
tec
execute0_lowered:
.L_overlay_start_1:
0x0: {  	(tag) =	ssettag $0x1  }
0x1: {  	s0 =	rddreg [dreg:$0x0];
	s1 =	srdreg.scid;
	s2 =	simm.s32 $0x0  }
0x2: {  	s6 =	stileid.u32;
	s8 =	simm.s32 $0x400;
	s20 =	simm.s32 $0x6400  }
0x3: {  	s21 =	simm.s32 $0x6C00;
	s22 =	simm.s32 $0x7400;
	s28 =	simm.s32 $0x9C00  }
0x4: {  	s29 =	simm.s32 $0xA400;
	s30 =	simm.s32 $0xAC00;
	s31 =	simm.s32 $0xB400  }
0x5: {  	s9 =	simm.s32 $0xDC00;
	s10 =	simm.s32 $0xE400;
	s11 =	simm.s32 $0xEC00  }
0x6: {  	s12 =	simm.s32 $0xF400;
	s13 =	simm.s32 $0xFC00;
	s14 =	simm.s32 $0x1  }
0x7: {  	s15 =	simm.s32 $0x2;
	s17 =	simm.s32 $0x0;
	s1 =	sand.u32 $0x1, s1  }
0x8: {  	[smem:$0x7FF] =	sst s2;
	s4 =	sshll.u32 s6, $0xB;
	s3 =	sadd.s32 $0x2C00, s0  }
0x9: {  	s23 =	sshll.u32 s6, $0x10;
	s5 =	sshll.u32 s1, $0xA;
	_ =	strace $0x80000047  }
0xa: {  	s24 =	ssub.s32 $0x2, s1;
	s1 =	sshll.u32 s1, $0xF;
	s4 =	sor.u32 s5, s4  }
0xb: {  	s5 =	sadd.s32 s23, s0;
	s7 =	sshrl.u32 s24, $0x1;
	s23 =	simm.s32 $0x7C00  }
0xc: {  	s4 =	sshrl.u32 s4, $0x3;
	s25 =	ssub.s32 s24, s7;
	s1 =	sadd.s32 s1, s5  }
.Ltmp0:
0xd: {  	s7 =	simm.s32 $0x3;
	s24 =	simm.s32 $0x8400;
	(pc) =	sbr.rel .LBB2_1-.Ltmp0, $4  }
0xe: {  	s5 =	simm.s32 $0xD400;
	s0 =	sadd.s32 s4, s0;
	s26 =	smax.u32 s25, $0x1  }
0xf: {  	v2 =	vlaneseq.u32;
	s6 =	sadd.s32 $0x310000, s1;
	s25 =	simm.s32 $0x8C00;
	s1 =	simm.s32 $0xC400  }
0x10: {  	vm0 =	vmmov $0xffff;
	v1 =	vshrl.u32 v2, $0x3;
	s4 =	simm.s32 $0xCC00;
	s0 =	sadd.s32 $0x1C00, s0;
	[dreg:$0x3] =	wrdreg s26  }
0x11: {  	v0 =	vand.u32 $0x7, v2;
	v2 =	vor.u32 $0x8, v2;
	v1 =	vmul.u32 $0x8, v1;
	s26 =	simm.s32 $0x9400;
	[dreg:$0x2] =	wrdreg s0;
	s0 =	simm.s32 $0xBC00  }
.LBB2_6:
0x12: {  	s17 =	rddreg [dreg:$0x4]  }
0x13: {  	s16 =	rddreg [dreg:$0x3];
	s17 =	sadd.s32 $0x1, s17  }
0x14: {  	p0 =	sne.s32 s17, s16  }
.Ltmp1:
0x15: {  	_ = 	snop;
	(pc) =	sbr.rel @!p0 .LBB2_7-.Ltmp1, $1  }
0x16: {  	_ =	sdelay $0x3  }
.LBB2_1:
0x17: {  	[dreg:$0x4] =	wrdreg s17  }
0x18: {  	s16 =	rddreg [dreg:$0x2]  }
0x19: {  	[tilespmem:s2], [sflag:$0x3] =	stream.linear.gather [hbm4b:s16+s2], $0x400, $0x38;
	[tilespmem:$0x10400] =	vst v63  }
0x1a: {  	_ =	swait.ge [sflag:s7], $0x400  }
0x1b: {  	[sflag:s7] =	ssyncset.done $0x0  }
0x1c: {  	[sflag:s7] =	ssyncadd.s32 $0xFFFFFC00  }
0x1d: {  	v3 =	vld [tilespmem:$0x0];
	_ =	sdelay $0x4  }
0x1e: {  	v4 =	vshll.u32 v3, $0x1  }
0x1f: {  	v3 =	vand.u32 $0x7, v3;
	v4 =	vand.u32 $0xFFFFFFF0, v4  }
0x20: {  	v3 =	vor.u32 v3, v4  }
0x21: {  	v4 =	vperm.xlane v3, v0;
	_ =	sdelay $0x1  }
0x22: {  	v3 =	vperm.xlane v3, v2;
	v4 =	vadd.s32 v1, v4;
	_ =	sdelay $0x1  }
0x23: {  	v3 =	vadd.s32 v1, v3;
	_ =	sdelay $0x2  }
0x24: {  	[tilespmem:s8], [sflag:$0x1] =	stream.indirect_vreg.gather [hbm4b:s3+s2], $0x80, v4, vm0, $0xb8;
	[tilespmem:$0x10400] =	vst v63  }
0x25: {  	s18 =	simm.s32 $0xC00  }
0x26: {  	[tilespmem:s18], [sflag:$0x1] =	stream.indirect_vreg.gather [hbm4b:s3+s2], $0x80, v3, vm0, $0xb8;
	[tilespmem:$0x10400] =	vst v63  }
0x27: {  	v3 =	vld [tilespmem:$0x10];
	_ =	sdelay $0x4  }
0x28: {  	v49 =	vshll.u32 v3, $0x1  }
0x29: {  	v3 =	vand.u32 $0x7, v3;
	v4 =	vand.u32 $0xFFFFFFF0, v49  }
0x2a: {  	v3 =	vor.u32 v3, v4  }
0x2b: {  	v4 =	vperm.xlane v3, v0;
	_ =	sdelay $0x1  }
0x2c: {  	v3 =	vperm.xlane v3, v2;
	v4 =	vadd.s32 v1, v4;
	_ =	sdelay $0x1  }
0x2d: {  	v3 =	vadd.s32 v1, v3;
	_ =	sdelay $0x1  }
0x2e: {  	s19 =	simm.s32 $0x1400  }
0x2f: {  	[tilespmem:s19], [sflag:$0x1] =	stream.indirect_vreg.gather [hbm4b:s3+s2], $0x80, v4, vm0, $0xb8;
	[tilespmem:$0x10400] =	vst v63  }
0x30: {  	s17 =	simm.s32 $0x1C00  }
0x31: {  	[tilespmem:s17], [sflag:$0x1] =	stream.indirect_vreg.gather [hbm4b:s3+s2], $0x80, v3, vm0, $0xb8;
	[tilespmem:$0x10400] =	vst v63  }
0x32: {  	v3 =	vld [tilespmem:$0x20];
	_ =	sdelay $0x4  }
0x33: {  	v50 =	vshll.u32 v3, $0x1  }
0x34: {  	v3 =	vand.u32 $0x7, v3;
	v4 =	vand.u32 $0xFFFFFFF0, v50  }
0x35: {  	v3 =	vor.u32 v3, v4  }
0x36: {  	v4 =	vperm.xlane v3, v0;
	_ =	sdelay $0x1  }
0x37: {  	v3 =	vperm.xlane v3, v2;
	v4 =	vadd.s32 v1, v4;
	_ =	sdelay $0x1  }
0x38: {  	v3 =	vadd.s32 v1, v3;
	_ =	sdelay $0x1  }
0x39: {  	s18 =	simm.s32 $0x2400  }
0x3a: {  	[tilespmem:s18], [sflag:$0x1] =	stream.indirect_vreg.gather [hbm4b:s3+s2], $0x80, v4, vm0, $0xb8;
	[tilespmem:$0x10400] =	vst v63  }
0x3b: {  	s19 =	simm.s32 $0x2C00  }
0x3c: {  	[tilespmem:s19], [sflag:$0x1] =	stream.indirect_vreg.gather [hbm4b:s3+s2], $0x80, v3, vm0, $0xb8;
	[tilespmem:$0x10400] =	vst v63  }
0x3d: {  	v3 =	vld [tilespmem:$0x30];
	_ =	sdelay $0x4  }
0x3e: {  	v51 =	vshll.u32 v3, $0x1  }
0x3f: {  	v3 =	vand.u32 $0x7, v3;
	v4 =	vand.u32 $0xFFFFFFF0, v51  }
0x40: {  	v3 =	vor.u32 v3, v4  }
0x41: {  	v4 =	vperm.xlane v3, v0;
	_ =	sdelay $0x1  }
0x42: {  	v3 =	vperm.xlane v3, v2;
	v4 =	vadd.s32 v1, v4;
	_ =	sdelay $0x1  }
0x43: {  	v3 =	vadd.s32 v1, v3;
	_ =	sdelay $0x1  }
0x44: {  	s17 =	simm.s32 $0x3400  }
0x45: {  	[tilespmem:s17], [sflag:$0x1] =	stream.indirect_vreg.gather [hbm4b:s3+s2], $0x80, v4, vm0, $0xb8;
	[tilespmem:$0x10400] =	vst v63  }
0x46: {  	s18 =	simm.s32 $0x3C00  }
0x47: {  	[tilespmem:s18], [sflag:$0x1] =	stream.indirect_vreg.gather [hbm4b:s3+s2], $0x80, v3, vm0, $0xb8;
	[tilespmem:$0x10400] =	vst v63  }
0x48: {  	v3 =	vld [tilespmem:$0x40];
	_ =	sdelay $0x4  }
0x49: {  	v52 =	vshll.u32 v3, $0x1  }
0x4a: {  	v3 =	vand.u32 $0x7, v3;
	v4 =	vand.u32 $0xFFFFFFF0, v52  }
0x4b: {  	v3 =	vor.u32 v3, v4  }
0x4c: {  	v4 =	vperm.xlane v3, v0;
	_ =	sdelay $0x1  }
0x4d: {  	v3 =	vperm.xlane v3, v2;
	v4 =	vadd.s32 v1, v4;
	_ =	sdelay $0x1  }
0x4e: {  	v3 =	vadd.s32 v1, v3;
	_ =	sdelay $0x1  }
0x4f: {  	s19 =	simm.s32 $0x4400  }
0x50: {  	[tilespmem:s19], [sflag:$0x1] =	stream.indirect_vreg.gather [hbm4b:s3+s2], $0x80, v4, vm0, $0xb8;
	[tilespmem:$0x10400] =	vst v63  }
0x51: {  	s17 =	simm.s32 $0x4C00  }
0x52: {  	[tilespmem:s17], [sflag:$0x1] =	stream.indirect_vreg.gather [hbm4b:s3+s2], $0x80, v3, vm0, $0xb8;
	[tilespmem:$0x10400] =	vst v63  }
0x53: {  	v3 =	vld [tilespmem:$0x50];
	_ =	sdelay $0x4  }
0x54: {  	v53 =	vshll.u32 v3, $0x1  }
0x55: {  	v3 =	vand.u32 $0x7, v3;
	v4 =	vand.u32 $0xFFFFFFF0, v53  }
0x56: {  	v3 =	vor.u32 v3, v4  }
0x57: {  	v4 =	vperm.xlane v3, v0;
	_ =	sdelay $0x1  }
0x58: {  	v3 =	vperm.xlane v3, v2;
	v4 =	vadd.s32 v1, v4;
	_ =	sdelay $0x1  }
0x59: {  	v3 =	vadd.s32 v1, v3;
	_ =	sdelay $0x1  }
0x5a: {  	s18 =	simm.s32 $0x5400  }
0x5b: {  	[tilespmem:s18], [sflag:$0x1] =	stream.indirect_vreg.gather [hbm4b:s3+s2], $0x80, v4, vm0, $0xb8;
	[tilespmem:$0x10400] =	vst v63  }
0x5c: {  	s19 =	simm.s32 $0x5C00  }
0x5d: {  	[tilespmem:s19], [sflag:$0x1] =	stream.indirect_vreg.gather [hbm4b:s3+s2], $0x80, v3, vm0, $0xb8;
	[tilespmem:$0x10400] =	vst v63  }
0x5e: {  	v3 =	vld [tilespmem:$0x60];
	_ =	sdelay $0x4  }
0x5f: {  	v54 =	vshll.u32 v3, $0x1  }
0x60: {  	v3 =	vand.u32 $0x7, v3;
	v4 =	vand.u32 $0xFFFFFFF0, v54  }
0x61: {  	v3 =	vor.u32 v3, v4  }
0x62: {  	v4 =	vperm.xlane v3, v0;
	_ =	sdelay $0x1  }
0x63: {  	v3 =	vperm.xlane v3, v2;
	v4 =	vadd.s32 v1, v4;
	_ =	sdelay $0x1  }
0x64: {  	v3 =	vadd.s32 v1, v3;
	_ =	sdelay $0x2  }
0x65: {  	[tilespmem:s20], [sflag:$0x1] =	stream.indirect_vreg.gather [hbm4b:s3+s2], $0x80, v4, vm0, $0xb8;
	[tilespmem:$0x10400] =	vst v63  }
0x66: {  	_ = 	snop  }
0x67: {  	[tilespmem:s21], [sflag:$0x1] =	stream.indirect_vreg.gather [hbm4b:s3+s2], $0x80, v3, vm0, $0xb8;
	[tilespmem:$0x10400] =	vst v63  }
0x68: {  	v3 =	vld [tilespmem:$0x70];
	_ =	sdelay $0x4  }
0x69: {  	v55 =	vshll.u32 v3, $0x1  }
0x6a: {  	v3 =	vand.u32 $0x7, v3;
	v4 =	vand.u32 $0xFFFFFFF0, v55  }
0x6b: {  	v3 =	vor.u32 v3, v4  }
0x6c: {  	v4 =	vperm.xlane v3, v0;
	_ =	sdelay $0x1  }
0x6d: {  	v3 =	vperm.xlane v3, v2;
	v4 =	vadd.s32 v1, v4;
	_ =	sdelay $0x1  }
0x6e: {  	v3 =	vadd.s32 v1, v3;
	_ =	sdelay $0x2  }
0x6f: {  	[tilespmem:s22], [sflag:$0x1] =	stream.indirect_vreg.gather [hbm4b:s3+s2], $0x80, v4, vm0, $0xb8;
	[tilespmem:$0x10400] =	vst v63  }
0x70: {  	_ = 	snop  }
0x71: {  	[tilespmem:s23], [sflag:$0x1] =	stream.indirect_vreg.gather [hbm4b:s3+s2], $0x80, v3, vm0, $0xb8;
	[tilespmem:$0x10400] =	vst v63  }
0x72: {  	v3 =	vld [tilespmem:$0x80];
	_ =	sdelay $0x4  }
0x73: {  	v56 =	vshll.u32 v3, $0x1  }
0x74: {  	v3 =	vand.u32 $0x7, v3;
	v4 =	vand.u32 $0xFFFFFFF0, v56  }
0x75: {  	v3 =	vor.u32 v3, v4  }
0x76: {  	v4 =	vperm.xlane v3, v0;
	_ =	sdelay $0x1  }
0x77: {  	v3 =	vperm.xlane v3, v2;
	v4 =	vadd.s32 v1, v4;
	_ =	sdelay $0x1  }
0x78: {  	v3 =	vadd.s32 v1, v3;
	_ =	sdelay $0x2  }
0x79: {  	[tilespmem:s24], [sflag:$0x2] =	stream.indirect_vreg.gather [hbm4b:s3+s2], $0x80, v4, vm0, $0xb8;
	[tilespmem:$0x10400] =	vst v63  }
0x7a: {  	_ = 	snop  }
0x7b: {  	[tilespmem:s25], [sflag:$0x2] =	stream.indirect_vreg.gather [hbm4b:s3+s2], $0x80, v3, vm0, $0xb8;
	[tilespmem:$0x10400] =	vst v63  }
0x7c: {  	v3 =	vld [tilespmem:$0x90];
	_ =	sdelay $0x4  }
0x7d: {  	v57 =	vshll.u32 v3, $0x1  }
0x7e: {  	v3 =	vand.u32 $0x7, v3;
	v4 =	vand.u32 $0xFFFFFFF0, v57  }
0x7f: {  	v3 =	vor.u32 v3, v4  }
0x80: {  	v4 =	vperm.xlane v3, v0;
	_ =	sdelay $0x1  }
0x81: {  	v3 =	vperm.xlane v3, v2;
	v4 =	vadd.s32 v1, v4;
	_ =	sdelay $0x1  }
0x82: {  	v3 =	vadd.s32 v1, v3;
	_ =	sdelay $0x2  }
0x83: {  	[tilespmem:s26], [sflag:$0x2] =	stream.indirect_vreg.gather [hbm4b:s3+s2], $0x80, v4, vm0, $0xb8;
	[tilespmem:$0x10400] =	vst v63  }
0x84: {  	_ = 	snop  }
0x85: {  	[tilespmem:s28], [sflag:$0x2] =	stream.indirect_vreg.gather [hbm4b:s3+s2], $0x80, v3, vm0, $0xb8;
	[tilespmem:$0x10400] =	vst v63  }
0x86: {  	v3 =	vld [tilespmem:$0xA0];
	_ =	sdelay $0x4  }
0x87: {  	v58 =	vshll.u32 v3, $0x1  }
0x88: {  	v3 =	vand.u32 $0x7, v3;
	v4 =	vand.u32 $0xFFFFFFF0, v58  }
0x89: {  	v3 =	vor.u32 v3, v4  }
0x8a: {  	v4 =	vperm.xlane v3, v0;
	_ =	sdelay $0x1  }
0x8b: {  	v3 =	vperm.xlane v3, v2;
	v4 =	vadd.s32 v1, v4;
	_ =	sdelay $0x1  }
0x8c: {  	v3 =	vadd.s32 v1, v3;
	_ =	sdelay $0x2  }
0x8d: {  	[tilespmem:s29], [sflag:$0x2] =	stream.indirect_vreg.gather [hbm4b:s3+s2], $0x80, v4, vm0, $0xb8;
	[tilespmem:$0x10400] =	vst v63  }
0x8e: {  	_ = 	snop  }
0x8f: {  	[tilespmem:s30], [sflag:$0x2] =	stream.indirect_vreg.gather [hbm4b:s3+s2], $0x80, v3, vm0, $0xb8;
	[tilespmem:$0x10400] =	vst v63  }
0x90: {  	v3 =	vld [tilespmem:$0xB0];
	_ =	sdelay $0x4  }
0x91: {  	v59 =	vshll.u32 v3, $0x1  }
0x92: {  	v3 =	vand.u32 $0x7, v3;
	v4 =	vand.u32 $0xFFFFFFF0, v59  }
0x93: {  	v3 =	vor.u32 v3, v4  }
0x94: {  	v4 =	vperm.xlane v3, v0;
	_ =	sdelay $0x1  }
0x95: {  	v3 =	vperm.xlane v3, v2;
	v4 =	vadd.s32 v1, v4;
	_ =	sdelay $0x1  }
0x96: {  	v3 =	vadd.s32 v1, v3;
	_ =	sdelay $0x2  }
0x97: {  	[tilespmem:s31], [sflag:$0x2] =	stream.indirect_vreg.gather [hbm4b:s3+s2], $0x80, v4, vm0, $0xb8;
	[tilespmem:$0x10400] =	vst v63  }
0x98: {  	_ = 	snop  }
0x99: {  	[tilespmem:s0], [sflag:$0x2] =	stream.indirect_vreg.gather [hbm4b:s3+s2], $0x80, v3, vm0, $0xb8;
	[tilespmem:$0x10400] =	vst v63  }
0x9a: {  	v3 =	vld [tilespmem:$0xC0];
	_ =	sdelay $0x4  }
0x9b: {  	v60 =	vshll.u32 v3, $0x1  }
0x9c: {  	v3 =	vand.u32 $0x7, v3;
	v4 =	vand.u32 $0xFFFFFFF0, v60  }
0x9d: {  	v3 =	vor.u32 v3, v4  }
0x9e: {  	v4 =	vperm.xlane v3, v0;
	_ =	sdelay $0x1  }
0x9f: {  	v3 =	vperm.xlane v3, v2;
	v4 =	vadd.s32 v1, v4;
	_ =	sdelay $0x1  }
0xa0: {  	v3 =	vadd.s32 v1, v3;
	_ =	sdelay $0x2  }
0xa1: {  	[tilespmem:s1], [sflag:$0x2] =	stream.indirect_vreg.gather [hbm4b:s3+s2], $0x80, v4, vm0, $0xb8;
	[tilespmem:$0x10400] =	vst v63  }
0xa2: {  	_ = 	snop  }
0xa3: {  	[tilespmem:s4], [sflag:$0x2] =	stream.indirect_vreg.gather [hbm4b:s3+s2], $0x80, v3, vm0, $0xb8;
	[tilespmem:$0x10400] =	vst v63  }
0xa4: {  	v3 =	vld [tilespmem:$0xD0];
	_ =	sdelay $0x4  }
0xa5: {  	v61 =	vshll.u32 v3, $0x1  }
0xa6: {  	v3 =	vand.u32 $0x7, v3;
	v4 =	vand.u32 $0xFFFFFFF0, v61  }
0xa7: {  	v3 =	vor.u32 v3, v4  }
0xa8: {  	v4 =	vperm.xlane v3, v0;
	_ =	sdelay $0x1  }
0xa9: {  	v3 =	vperm.xlane v3, v2;
	v4 =	vadd.s32 v1, v4;
	_ =	sdelay $0x1  }
0xaa: {  	v3 =	vadd.s32 v1, v3;
	_ =	sdelay $0x2  }
0xab: {  	[tilespmem:s5], [sflag:$0x2] =	stream.indirect_vreg.gather [hbm4b:s3+s2], $0x80, v4, vm0, $0xb8;
	[tilespmem:$0x10400] =	vst v63  }
0xac: {  	_ = 	snop  }
0xad: {  	[tilespmem:s9], [sflag:$0x2] =	stream.indirect_vreg.gather [hbm4b:s3+s2], $0x80, v3, vm0, $0xb8;
	[tilespmem:$0x10400] =	vst v63  }
0xae: {  	v3 =	vld [tilespmem:$0xE0];
	_ =	sdelay $0x4  }
0xaf: {  	v62 =	vshll.u32 v3, $0x1  }
0xb0: {  	v3 =	vand.u32 $0x7, v3;
	v4 =	vand.u32 $0xFFFFFFF0, v62  }
0xb1: {  	v3 =	vor.u32 v3, v4  }
0xb2: {  	v4 =	vperm.xlane v3, v0;
	_ =	sdelay $0x1  }
0xb3: {  	v3 =	vperm.xlane v3, v2;
	v4 =	vadd.s32 v1, v4;
	_ =	sdelay $0x1  }
0xb4: {  	v3 =	vadd.s32 v1, v3;
	_ =	sdelay $0x2  }
0xb5: {  	[tilespmem:s10], [sflag:$0x2] =	stream.indirect_vreg.gather [hbm4b:s3+s2], $0x80, v4, vm0, $0xb8;
	[tilespmem:$0x10400] =	vst v63  }
0xb6: {  	_ = 	snop  }
0xb7: {  	[tilespmem:s11], [sflag:$0x2] =	stream.indirect_vreg.gather [hbm4b:s3+s2], $0x80, v3, vm0, $0xb8;
	[tilespmem:$0x10400] =	vst v63  }
0xb8: {  	v3 =	vld [tilespmem:$0xF0];
	_ =	sdelay $0x4  }
0xb9: {  	v63 =	vshll.u32 v3, $0x1  }
0xba: {  	v3 =	vand.u32 $0x7, v3;
	v4 =	vand.u32 $0xFFFFFFF0, v63  }
0xbb: {  	v3 =	vor.u32 v3, v4  }
0xbc: {  	v4 =	vperm.xlane v3, v0;
	_ =	sdelay $0x1  }
0xbd: {  	v3 =	vperm.xlane v3, v2;
	v4 =	vadd.s32 v1, v4;
	_ =	sdelay $0x1  }
0xbe: {  	v3 =	vadd.s32 v1, v3;
	_ =	sdelay $0x2  }
0xbf: {  	[tilespmem:s12], [sflag:$0x2] =	stream.indirect_vreg.gather [hbm4b:s3+s2], $0x80, v4, vm0, $0xb8;
	[tilespmem:$0x10400] =	vst v63  }
0xc0: {  	s16 =	simm.s32 $0x1F0;
	s17 =	simm.s32 $0x0  }
0xc1: {  	[tilespmem:s13], [sflag:$0x2] =	stream.indirect_vreg.gather [hbm4b:s3+s2], $0x80, v3, vm0, $0xb8;
	[tilespmem:$0x10400] =	vst v63  }
.LBB2_2:
0xc2: {  	_ =	swait.ge [sflag:s14], $0x8000  }
0xc3: {  	p0 =	seq.s32 s17, $0x6000;
	[sflag:s14] =	ssyncset.done $0x0  }
.Ltmp2:
0xc4: {  	s18 =	sadd.s32 s17, s6;
	[sflag:s14] =	ssyncadd.s32 $0xFFFF8000;
	(pc) =	sbr.rel @p0 .LBB2_4-.Ltmp2, $4  }
0xc5: {  	[hbm4b:s18+s2] =	stream.linear.scatter [tilespmem:s8], [sflag:$0x3], $0x8000, $0x38;
	[tilespmem:$0x10400] =	vst v63  }
0xc6: {  	_ =	swait.ge [sflag:s7], $0x8000  }
0xc7: {  	[sflag:s7] =	ssyncset.done $0x0  }
0xc8: {  	[sflag:s7] =	ssyncadd.s32 $0xFFFF8000  }
0xc9: {  	v3 =	vld [tilespmem:s16+$0xFFFFFF10];
	_ =	sdelay $0x4  }
0xca: {  	v4 =	vshll.u32 v3, $0x1  }
0xcb: {  	v3 =	vand.u32 $0x7, v3;
	v4 =	vand.u32 $0xFFFFFFF0, v4  }
0xcc: {  	v3 =	vor.u32 v3, v4  }
0xcd: {  	v4 =	vperm.xlane v3, v0;
	_ =	sdelay $0x1  }
0xce: {  	v3 =	vperm.xlane v3, v2;
	v4 =	vadd.s32 v1, v4;
	_ =	sdelay $0x1  }
0xcf: {  	v3 =	vadd.s32 v1, v3;
	_ =	sdelay $0x2  }
0xd0: {  	[tilespmem:s8], [sflag:$0x1] =	stream.indirect_vreg.gather [hbm4b:s3+s2], $0x80, v4, vm0, $0xb8;
	[tilespmem:$0x10400] =	vst v63  }
0xd1: {  	s19 =	simm.s32 $0xC00  }
0xd2: {  	[tilespmem:s19], [sflag:$0x1] =	stream.indirect_vreg.gather [hbm4b:s3+s2], $0x80, v3, vm0, $0xb8;
	[tilespmem:$0x10400] =	vst v63  }
0xd3: {  	v3 =	vld [tilespmem:s16+$0xFFFFFF20];
	_ =	sdelay $0x4  }
0xd4: {  	v57 =	vshll.u32 v3, $0x1  }
0xd5: {  	v3 =	vand.u32 $0x7, v3;
	v4 =	vand.u32 $0xFFFFFFF0, v57  }
0xd6: {  	v3 =	vor.u32 v3, v4  }
0xd7: {  	v4 =	vperm.xlane v3, v0;
	_ =	sdelay $0x1  }
0xd8: {  	v3 =	vperm.xlane v3, v2;
	v4 =	vadd.s32 v1, v4;
	_ =	sdelay $0x1  }
0xd9: {  	v3 =	vadd.s32 v1, v3;
	_ =	sdelay $0x1  }
0xda: {  	s19 =	simm.s32 $0x1400  }
0xdb: {  	[tilespmem:s19], [sflag:$0x1] =	stream.indirect_vreg.gather [hbm4b:s3+s2], $0x80, v4, vm0, $0xb8;
	[tilespmem:$0x10400] =	vst v63  }
0xdc: {  	s19 =	simm.s32 $0x1C00  }
0xdd: {  	[tilespmem:s19], [sflag:$0x1] =	stream.indirect_vreg.gather [hbm4b:s3+s2], $0x80, v3, vm0, $0xb8;
	[tilespmem:$0x10400] =	vst v63  }
0xde: {  	v3 =	vld [tilespmem:s16+$0xFFFFFF30];
	_ =	sdelay $0x4  }
0xdf: {  	v58 =	vshll.u32 v3, $0x1  }
0xe0: {  	v3 =	vand.u32 $0x7, v3;
	v4 =	vand.u32 $0xFFFFFFF0, v58  }
0xe1: {  	v3 =	vor.u32 v3, v4  }
0xe2: {  	v4 =	vperm.xlane v3, v0;
	_ =	sdelay $0x1  }
0xe3: {  	v3 =	vperm.xlane v3, v2;
	v4 =	vadd.s32 v1, v4;
	_ =	sdelay $0x1  }
0xe4: {  	v3 =	vadd.s32 v1, v3;
	_ =	sdelay $0x1  }
0xe5: {  	s19 =	simm.s32 $0x2400  }
0xe6: {  	[tilespmem:s19], [sflag:$0x1] =	stream.indirect_vreg.gather [hbm4b:s3+s2], $0x80, v4, vm0, $0xb8;
	[tilespmem:$0x10400] =	vst v63  }
0xe7: {  	s19 =	simm.s32 $0x2C00  }
0xe8: {  	[tilespmem:s19], [sflag:$0x1] =	stream.indirect_vreg.gather [hbm4b:s3+s2], $0x80, v3, vm0, $0xb8;
	[tilespmem:$0x10400] =	vst v63  }
0xe9: {  	v3 =	vld [tilespmem:s16+$0xFFFFFF40];
	_ =	sdelay $0x4  }
0xea: {  	v59 =	vshll.u32 v3, $0x1  }
0xeb: {  	v3 =	vand.u32 $0x7, v3;
	v4 =	vand.u32 $0xFFFFFFF0, v59  }
0xec: {  	v3 =	vor.u32 v3, v4  }
0xed: {  	v4 =	vperm.xlane v3, v0;
	_ =	sdelay $0x1  }
0xee: {  	v3 =	vperm.xlane v3, v2;
	v4 =	vadd.s32 v1, v4;
	_ =	sdelay $0x1  }
0xef: {  	v3 =	vadd.s32 v1, v3;
	_ =	sdelay $0x1  }
0xf0: {  	s19 =	simm.s32 $0x3400  }
0xf1: {  	[tilespmem:s19], [sflag:$0x1] =	stream.indirect_vreg.gather [hbm4b:s3+s2], $0x80, v4, vm0, $0xb8;
	[tilespmem:$0x10400] =	vst v63  }
0xf2: {  	s19 =	simm.s32 $0x3C00  }
0xf3: {  	[tilespmem:s19], [sflag:$0x1] =	stream.indirect_vreg.gather [hbm4b:s3+s2], $0x80, v3, vm0, $0xb8;
	[tilespmem:$0x10400] =	vst v63  }
0xf4: {  	v3 =	vld [tilespmem:s16+$0xFFFFFF50];
	_ =	sdelay $0x4  }
0xf5: {  	v60 =	vshll.u32 v3, $0x1  }
0xf6: {  	v3 =	vand.u32 $0x7, v3;
	v4 =	vand.u32 $0xFFFFFFF0, v60  }
0xf7: {  	v3 =	vor.u32 v3, v4  }
0xf8: {  	v4 =	vperm.xlane v3, v0;
	_ =	sdelay $0x1  }
0xf9: {  	v3 =	vperm.xlane v3, v2;
	v4 =	vadd.s32 v1, v4;
	_ =	sdelay $0x1  }
0xfa: {  	v3 =	vadd.s32 v1, v3;
	_ =	sdelay $0x1  }
0xfb: {  	s19 =	simm.s32 $0x4400  }
0xfc: {  	[tilespmem:s19], [sflag:$0x1] =	stream.indirect_vreg.gather [hbm4b:s3+s2], $0x80, v4, vm0, $0xb8;
	[tilespmem:$0x10400] =	vst v63  }
0xfd: {  	s19 =	simm.s32 $0x4C00  }
0xfe: {  	[tilespmem:s19], [sflag:$0x1] =	stream.indirect_vreg.gather [hbm4b:s3+s2], $0x80, v3, vm0, $0xb8;
	[tilespmem:$0x10400] =	vst v63  }
0xff: {  	v3 =	vld [tilespmem:s16+$0xFFFFFF60];
	_ =	sdelay $0x4  }
0x100: {  	v61 =	vshll.u32 v3, $0x1  }
0x101: {  	v3 =	vand.u32 $0x7, v3;
	v4 =	vand.u32 $0xFFFFFFF0, v61  }
0x102: {  	v3 =	vor.u32 v3, v4  }
0x103: {  	v4 =	vperm.xlane v3, v0;
	_ =	sdelay $0x1  }
0x104: {  	v3 =	vperm.xlane v3, v2;
	v4 =	vadd.s32 v1, v4;
	_ =	sdelay $0x1  }
0x105: {  	v3 =	vadd.s32 v1, v3;
	_ =	sdelay $0x1  }
0x106: {  	s19 =	simm.s32 $0x5400  }
0x107: {  	[tilespmem:s19], [sflag:$0x1] =	stream.indirect_vreg.gather [hbm4b:s3+s2], $0x80, v4, vm0, $0xb8;
	[tilespmem:$0x10400] =	vst v63  }
0x108: {  	s19 =	simm.s32 $0x5C00  }
0x109: {  	[tilespmem:s19], [sflag:$0x1] =	stream.indirect_vreg.gather [hbm4b:s3+s2], $0x80, v3, vm0, $0xb8;
	[tilespmem:$0x10400] =	vst v63  }
0x10a: {  	v3 =	vld [tilespmem:s16+$0xFFFFFF70];
	_ =	sdelay $0x4  }
0x10b: {  	v62 =	vshll.u32 v3, $0x1  }
0x10c: {  	v3 =	vand.u32 $0x7, v3;
	v4 =	vand.u32 $0xFFFFFFF0, v62  }
0x10d: {  	v3 =	vor.u32 v3, v4  }
0x10e: {  	v4 =	vperm.xlane v3, v0;
	_ =	sdelay $0x1  }
0x10f: {  	v3 =	vperm.xlane v3, v2;
	v4 =	vadd.s32 v1, v4;
	_ =	sdelay $0x1  }
0x110: {  	v3 =	vadd.s32 v1, v3;
	_ =	sdelay $0x2  }
0x111: {  	[tilespmem:s20], [sflag:$0x1] =	stream.indirect_vreg.gather [hbm4b:s3+s2], $0x80, v4, vm0, $0xb8;
	[tilespmem:$0x10400] =	vst v63  }
0x112: {  	_ = 	snop  }
0x113: {  	[tilespmem:s21], [sflag:$0x1] =	stream.indirect_vreg.gather [hbm4b:s3+s2], $0x80, v3, vm0, $0xb8;
	[tilespmem:$0x10400] =	vst v63  }
0x114: {  	v3 =	vld [tilespmem:s16+$0xFFFFFF80];
	_ =	sdelay $0x4  }
0x115: {  	v63 =	vshll.u32 v3, $0x1  }
0x116: {  	v3 =	vand.u32 $0x7, v3;
	v4 =	vand.u32 $0xFFFFFFF0, v63  }
0x117: {  	v3 =	vor.u32 v3, v4  }
0x118: {  	v4 =	vperm.xlane v3, v0;
	_ =	sdelay $0x1  }
0x119: {  	v3 =	vperm.xlane v3, v2;
	v4 =	vadd.s32 v1, v4;
	_ =	sdelay $0x1  }
0x11a: {  	v3 =	vadd.s32 v1, v3;
	_ =	sdelay $0x2  }
0x11b: {  	[tilespmem:s22], [sflag:$0x1] =	stream.indirect_vreg.gather [hbm4b:s3+s2], $0x80, v4, vm0, $0xb8;
	[tilespmem:$0x10400] =	vst v63  }
0x11c: {  	_ = 	snop  }
0x11d: {  	[tilespmem:s23], [sflag:$0x1] =	stream.indirect_vreg.gather [hbm4b:s3+s2], $0x80, v3, vm0, $0xb8;
	[tilespmem:$0x10400] =	vst v63  }
.LBB2_4:
0x11e: {  	_ =	swait.ge [sflag:s15], $0x8000  }
0x11f: {  	[sflag:s15] =	ssyncset.done $0x0  }
.Ltmp3:
0x120: {  	s18 =	sadd.s32 $0x1000, s18;
	[sflag:s15] =	ssyncadd.s32 $0xFFFF8000;
	(pc) =	sbr.rel @p0 .LBB2_6-.Ltmp3, $4  }
0x121: {  	[hbm4b:s18+s2] =	stream.linear.scatter [tilespmem:s24], [sflag:$0x3], $0x8000, $0x38;
	[tilespmem:$0x10400] =	vst v63  }
0x122: {  	_ =	swait.ge [sflag:s7], $0x8000  }
0x123: {  	[sflag:s7] =	ssyncset.done $0x0  }
0x124: {  	[sflag:s7] =	ssyncadd.s32 $0xFFFF8000  }
0x125: {  	v3 =	vld [tilespmem:s16+$0xFFFFFF90];
	_ =	sdelay $0x4  }
0x126: {  	v4 =	vshll.u32 v3, $0x1  }
0x127: {  	v3 =	vand.u32 $0x7, v3;
	v4 =	vand.u32 $0xFFFFFFF0, v4  }
0x128: {  	v3 =	vor.u32 v3, v4  }
0x129: {  	v4 =	vperm.xlane v3, v0;
	_ =	sdelay $0x1  }
0x12a: {  	v3 =	vperm.xlane v3, v2;
	v4 =	vadd.s32 v1, v4;
	_ =	sdelay $0x1  }
0x12b: {  	v3 =	vadd.s32 v1, v3;
	_ =	sdelay $0x2  }
0x12c: {  	[tilespmem:s24], [sflag:$0x2] =	stream.indirect_vreg.gather [hbm4b:s3+s2], $0x80, v4, vm0, $0xb8;
	[tilespmem:$0x10400] =	vst v63  }
0x12d: {  	_ = 	snop  }
0x12e: {  	[tilespmem:s25], [sflag:$0x2] =	stream.indirect_vreg.gather [hbm4b:s3+s2], $0x80, v3, vm0, $0xb8;
	[tilespmem:$0x10400] =	vst v63  }
0x12f: {  	v3 =	vld [tilespmem:s16+$0xFFFFFFA0];
	_ =	sdelay $0x4  }
0x130: {  	v57 =	vshll.u32 v3, $0x1  }
0x131: {  	v3 =	vand.u32 $0x7, v3;
	v4 =	vand.u32 $0xFFFFFFF0, v57  }
0x132: {  	v3 =	vor.u32 v3, v4  }
0x133: {  	v4 =	vperm.xlane v3, v0;
	_ =	sdelay $0x1  }
0x134: {  	v3 =	vperm.xlane v3, v2;
	v4 =	vadd.s32 v1, v4;
	_ =	sdelay $0x1  }
0x135: {  	v3 =	vadd.s32 v1, v3;
	_ =	sdelay $0x2  }
0x136: {  	[tilespmem:s26], [sflag:$0x2] =	stream.indirect_vreg.gather [hbm4b:s3+s2], $0x80, v4, vm0, $0xb8;
	[tilespmem:$0x10400] =	vst v63  }
0x137: {  	_ = 	snop  }
0x138: {  	[tilespmem:s28], [sflag:$0x2] =	stream.indirect_vreg.gather [hbm4b:s3+s2], $0x80, v3, vm0, $0xb8;
	[tilespmem:$0x10400] =	vst v63  }
0x139: {  	v3 =	vld [tilespmem:s16+$0xFFFFFFB0];
	_ =	sdelay $0x4  }
0x13a: {  	v58 =	vshll.u32 v3, $0x1  }
0x13b: {  	v3 =	vand.u32 $0x7, v3;
	v4 =	vand.u32 $0xFFFFFFF0, v58  }
0x13c: {  	v3 =	vor.u32 v3, v4  }
0x13d: {  	v4 =	vperm.xlane v3, v0;
	_ =	sdelay $0x1  }
0x13e: {  	v3 =	vperm.xlane v3, v2;
	v4 =	vadd.s32 v1, v4;
	_ =	sdelay $0x1  }
0x13f: {  	v3 =	vadd.s32 v1, v3;
	_ =	sdelay $0x2  }
0x140: {  	[tilespmem:s29], [sflag:$0x2] =	stream.indirect_vreg.gather [hbm4b:s3+s2], $0x80, v4, vm0, $0xb8;
	[tilespmem:$0x10400] =	vst v63  }
0x141: {  	_ = 	snop  }
0x142: {  	[tilespmem:s30], [sflag:$0x2] =	stream.indirect_vreg.gather [hbm4b:s3+s2], $0x80, v3, vm0, $0xb8;
	[tilespmem:$0x10400] =	vst v63  }
0x143: {  	v3 =	vld [tilespmem:s16+$0xFFFFFFC0];
	_ =	sdelay $0x4  }
0x144: {  	v59 =	vshll.u32 v3, $0x1  }
0x145: {  	v3 =	vand.u32 $0x7, v3;
	v4 =	vand.u32 $0xFFFFFFF0, v59  }
0x146: {  	v3 =	vor.u32 v3, v4  }
0x147: {  	v4 =	vperm.xlane v3, v0;
	_ =	sdelay $0x1  }
0x148: {  	v3 =	vperm.xlane v3, v2;
	v4 =	vadd.s32 v1, v4;
	_ =	sdelay $0x1  }
0x149: {  	v3 =	vadd.s32 v1, v3;
	_ =	sdelay $0x2  }
0x14a: {  	[tilespmem:s31], [sflag:$0x2] =	stream.indirect_vreg.gather [hbm4b:s3+s2], $0x80, v4, vm0, $0xb8;
	[tilespmem:$0x10400] =	vst v63  }
0x14b: {  	_ = 	snop  }
0x14c: {  	[tilespmem:s0], [sflag:$0x2] =	stream.indirect_vreg.gather [hbm4b:s3+s2], $0x80, v3, vm0, $0xb8;
	[tilespmem:$0x10400] =	vst v63  }
0x14d: {  	v3 =	vld [tilespmem:s16+$0xFFFFFFD0];
	_ =	sdelay $0x4  }
0x14e: {  	v60 =	vshll.u32 v3, $0x1  }
0x14f: {  	v3 =	vand.u32 $0x7, v3;
	v4 =	vand.u32 $0xFFFFFFF0, v60  }
0x150: {  	v3 =	vor.u32 v3, v4  }
0x151: {  	v4 =	vperm.xlane v3, v0;
	_ =	sdelay $0x1  }
0x152: {  	v3 =	vperm.xlane v3, v2;
	v4 =	vadd.s32 v1, v4;
	_ =	sdelay $0x1  }
0x153: {  	v3 =	vadd.s32 v1, v3;
	_ =	sdelay $0x2  }
0x154: {  	[tilespmem:s1], [sflag:$0x2] =	stream.indirect_vreg.gather [hbm4b:s3+s2], $0x80, v4, vm0, $0xb8;
	[tilespmem:$0x10400] =	vst v63  }
0x155: {  	_ = 	snop  }
0x156: {  	[tilespmem:s4], [sflag:$0x2] =	stream.indirect_vreg.gather [hbm4b:s3+s2], $0x80, v3, vm0, $0xb8;
	[tilespmem:$0x10400] =	vst v63  }
0x157: {  	v3 =	vld [tilespmem:s16+$0xFFFFFFE0];
	_ =	sdelay $0x4  }
0x158: {  	v61 =	vshll.u32 v3, $0x1  }
0x159: {  	v3 =	vand.u32 $0x7, v3;
	v4 =	vand.u32 $0xFFFFFFF0, v61  }
0x15a: {  	v3 =	vor.u32 v3, v4  }
0x15b: {  	v4 =	vperm.xlane v3, v0;
	_ =	sdelay $0x1  }
0x15c: {  	v3 =	vperm.xlane v3, v2;
	v4 =	vadd.s32 v1, v4;
	_ =	sdelay $0x1  }
0x15d: {  	v3 =	vadd.s32 v1, v3;
	_ =	sdelay $0x2  }
0x15e: {  	[tilespmem:s5], [sflag:$0x2] =	stream.indirect_vreg.gather [hbm4b:s3+s2], $0x80, v4, vm0, $0xb8;
	[tilespmem:$0x10400] =	vst v63  }
0x15f: {  	_ = 	snop  }
0x160: {  	[tilespmem:s9], [sflag:$0x2] =	stream.indirect_vreg.gather [hbm4b:s3+s2], $0x80, v3, vm0, $0xb8;
	[tilespmem:$0x10400] =	vst v63  }
0x161: {  	v3 =	vld [tilespmem:s16+$0xFFFFFFF0];
	_ =	sdelay $0x4  }
0x162: {  	v62 =	vshll.u32 v3, $0x1  }
0x163: {  	v3 =	vand.u32 $0x7, v3;
	v4 =	vand.u32 $0xFFFFFFF0, v62  }
0x164: {  	v3 =	vor.u32 v3, v4  }
0x165: {  	v4 =	vperm.xlane v3, v0;
	_ =	sdelay $0x1  }
0x166: {  	v3 =	vperm.xlane v3, v2;
	v4 =	vadd.s32 v1, v4;
	_ =	sdelay $0x1  }
0x167: {  	v3 =	vadd.s32 v1, v3;
	_ =	sdelay $0x2  }
0x168: {  	[tilespmem:s10], [sflag:$0x2] =	stream.indirect_vreg.gather [hbm4b:s3+s2], $0x80, v4, vm0, $0xb8;
	[tilespmem:$0x10400] =	vst v63  }
0x169: {  	_ = 	snop  }
0x16a: {  	[tilespmem:s11], [sflag:$0x2] =	stream.indirect_vreg.gather [hbm4b:s3+s2], $0x80, v3, vm0, $0xb8;
	[tilespmem:$0x10400] =	vst v63  }
0x16b: {  	v3 =	vld [tilespmem:s16+$0x0];
	_ =	sdelay $0x4  }
0x16c: {  	v63 =	vshll.u32 v3, $0x1  }
0x16d: {  	v3 =	vand.u32 $0x7, v3;
	v4 =	vand.u32 $0xFFFFFFF0, v63  }
0x16e: {  	v3 =	vor.u32 v3, v4  }
0x16f: {  	v4 =	vperm.xlane v3, v0;
	_ =	sdelay $0x1  }
0x170: {  	v3 =	vperm.xlane v3, v2;
	v4 =	vadd.s32 v1, v4;
	_ =	sdelay $0x1  }
0x171: {  	v3 =	vadd.s32 v1, v3  }
.Ltmp4:
0x172: {  	_ = 	snop;
	(pc) =	sbr.rel .LBB2_2-.Ltmp4, $4  }
0x173: {  	_ = 	snop  }
0x174: {  	[tilespmem:s12], [sflag:$0x2] =	stream.indirect_vreg.gather [hbm4b:s3+s2], $0x80, v4, vm0, $0xb8;
	[tilespmem:$0x10400] =	vst v63  }
0x175: {  	s17 =	sadd.s32 $0x2000, s17;
	s16 =	sadd.s32 $0x100, s16  }
0x176: {  	[tilespmem:s13], [sflag:$0x2] =	stream.indirect_vreg.gather [hbm4b:s3+s2], $0x80, v3, vm0, $0xb8;
	[tilespmem:$0x10400] =	vst v63  }
.LBB2_7:
0x177: {  	_ =	sfence.sel $0x180000  }
0x178: {  	[bflag:$0x0] =	sbarrier.arrive $0xFFFF  }
0x179: {  	_ =	strace $0x90000047  }
0x17a: {  	s0 =	stileid.u32;
	[bflag:$0x2] =	sbarrier.arrive $0xFFFF  }
0x17b: {  	p0 =	sne.s32 s0, $0x0;
	s0 =	rddreg [dreg:$0x1]  }
0x17c: {  	s0 =	sadd.s32 @!p0 $0x100000, s0  }
0x17d: {  	[sflag:s0] =	ssyncadd.tile.s32 @!p0 $0x1;
	_ =	shalt  }
.Lfunc_end2:
_tile_overlayer_lowered:
.L_overlay_start_2:
0x17e: {  	(tag) =	ssettag $0x2  }
0x17f: {  	s0 =	rddreg [dreg:$0x0];
	s2 =	stileid.u32  }
0x180: {  	s1 =	rddreg [dreg:$0x1];
	p0 =	sne.s32 s2, $0x0  }
0x181: {  	s3 =	rddreg [dreg:$0x2];
	[bflag:$0x3] =	sbarrier.arrive $0xFFFF;
	s2 =	simm.s32 @!p0 $0x1C03  }
0x182: {  	[timem:s3], [sflag:s2] =	dma.local @!p0 [hbm:s0], s1  }
0x183: {  	s0 =	simm.s32 @!p0 $0x3  }
0x184: {  	_ =	swait.ge @!p0 [sflag:s0], s1  }
0x185: {  	s1 =	ssub.s32 @!p0 $0x0, s1;
	[sflag:s0] =	ssyncset.done @!p0 $0x0  }
0x186: {  	[sflag:s0] =	ssyncadd.s32 @!p0 s1  }
0x187: {  	[bflag:$0x3] =	sbarrier.arrive $0xFFFF  }
0x188: {  	_ =	shalt  }

// kernel: kernel.18.cloned.1.call-start
scs
__scs_entry_jumppad:
0x0: {  	(pc) =	sbr.rel $0x88, $3  }
0x1: {  	(tag) =	ssettag $0x0;
	lr =	simm.s32 $0x1  }
0x2: {  	[smem:$0x3F9E] =	sst lr;
	_ =	strace $0xD0000000  }
0x3: {  	_ = 	snop  }
0x4: {  	_ = 	snop  }
0x5: {  	_ = 	snop  }
0x6: {  	_ = 	snop  }
0x7: {  	_ = 	snop  }
__scs_overlays_trampoline_lowered:
0x8: {  	[smem:$0x3FAD] =	sst s0  }
0x9: {  	[smem:$0x3FAE] =	sst s1  }
0xa: {  	[smem:$0x3FAF] =	sst s2  }
0xb: {  	[smem:$0x3FB0] =	sst s3  }
0xc: {  	[smem:$0x3FB1] =	sst s4  }
0xd: {  	[smem:$0x3FB2] =	sst s5  }
0xe: {  	[smem:$0x3FB3] =	sst s6  }
0xf: {  	[smem:$0x3FB4] =	sst s7  }
0x10: {  	[smem:$0x3FB5] =	sst s8  }
0x11: {  	[smem:$0x3FB6] =	sst s9;
	s0 =	simm.s32 @!p0 $0x0  }
0x12: {  	s1 =	sld [smem:$0x3F9C];
	s0 =	simm.s32 @p0 $0x1  }
0x13: {  	[smem:$0x3FB7] =	sst s0;
	s0 =	simm.s32 @!p1 $0x0  }
0x14: {  	s2 =	sld [smem:$0x3F9B];
	s0 =	simm.s32 @p1 $0x1  }
0x15: {  	[smem:$0x3FB8] =	sst s0;
	s0 =	simm.s32 @!p2 $0x0  }
0x16: {  	s3 =	sld [smem:$0x3FDB];
	s0 =	simm.s32 @p2 $0x1  }
0x17: {  	s4 =	simm.s32 $0x1BF5;
	[smem:$0x3FBA] =	sst s0  }
0x18: {  	s0 =	sld [smem:$0x3F9D];
	_ =	swait.ge [sflag:s4], $0x0  }
0x19: {  	s7 =	sld [smem:$0x3F9E]  }
0x1a: {  	s8 =	sadd.s32 $0xFFFFE003, lr  }
0x1b: {  	s9 =	sadd.s32 $0xFFFFFEF7, lr;
	s5 =	simm.s32 $0xFFFFFFFF;
	p2 =	slt.u32 s8, $0xFFFFF086  }
0x1c: {  	p1 =	slt.u32 s9, $0xF7A;
	s5 =	simm.s32 @!p2 $0x0  }
0x1d: {  	s5 =	simm.s32 @p1 $0x1;
	p0 =	seq.s32 s7, s2  }
0x1e: {  	s7 =	smul.u32 @!p0 $0xF7A, s2;
	p2 =	seq.s32 @!p0 s5, $0x0  }
0x1f: {  	s9 =	smul.u32 $0xF7A, s1;
	s8 =	simm.s32 @!p0 $0x1BF5;
	p2 =	por !p2, p0  }
0x20: {  	[sflag:s8] =	ssyncset.s32 @!p0 $0xFFFFF086;
	s6 =	sadd.s32 @!p0 s3, s7;
	s7 =	simm.s32 @!p0 $0x108  }
0x21: {  	s3 =	sadd.s32 s3, s9;
	s6 =	sadd.s32 @!p0 $0x88, s6;
	s7 =	simm.s32 @p2 $0x1082  }
0x22: {  	[simem:s7], [sflag:s8] =	dma.local @!p0 [hbm:s6], $0xF7A  }
0x23: {  	s9 =	sor.u32 $0xD0000000, s2;
	s6 =	simm.s32 $0x108;
	_ =	swait.ge @!p0 [sflag:s8], $0x0  }
0x24: {  	s3 =	sadd.s32 $0x88, s3;
	s6 =	simm.s32 @!p1 $0x1082;
	[sflag:s4] =	ssyncset.s32 $0xFFFFF086  }
0x25: {  	[simem:s6], [sflag:s4] =	dma.local [hbm:s3], $0xF7A  }
0x26: {  	[smem:$0x3F9E] =	sst s1;
	(tag) =	ssettag s2;
	_ =	strace s9  }
0x27: {  	s1 =	sld [smem:$0x3FAE]  }
0x28: {  	s2 =	sld [smem:$0x3FAF]  }
0x29: {  	s4 =	sld [smem:$0x3FB1]  }
0x2a: {  	p0 =	seq.s32 s5, $0x0;
	s5 =	sld [smem:$0x3FB2]  }
0x2b: {  	s6 =	sld [smem:$0x3FB3]  }
0x2c: {  	s7 =	sld [smem:$0x3FB4]  }
0x2d: {  	s3 =	simm.s32 $0x108;
	s8 =	sld [smem:$0x3FB5]  }
0x2e: {  	s3 =	simm.s32 @!p0 $0x1082;
	s9 =	sld [smem:$0x3FB6]  }
0x2f: {  	lr =	sadd.s32 s0, s3;
	s0 =	sld [smem:$0x3FAD]  }
0x30: {  	s3 =	sld [smem:$0x3FB0]  }
0x31: {  	[smem:$0x3FB9] =	sst s10  }
0x32: {  	s10 =	sld [smem:$0x3FB7];
	_ =	sdelay $0x3  }
0x33: {  	p0 =	seq.s32 s10, $0x1;
	s10 =	sld [smem:$0x3FB9];
	_ =	sdelay $0x3  }
0x34: {  	[smem:$0x3FB9] =	sst s10  }
0x35: {  	s10 =	sld [smem:$0x3FB8];
	_ =	sdelay $0x3  }
0x36: {  	p1 =	seq.s32 s10, $0x1;
	s10 =	sld [smem:$0x3FB9];
	_ =	sdelay $0x3  }
0x37: {  	[smem:$0x3FB9] =	sst s10  }
0x38: {  	s10 =	sld [smem:$0x3FBA]  }
0x39: {  	_ = 	snop;
	(pc) =	sbr.ind lr, $3  }
0x3a: {  	_ = 	snop  }
0x3b: {  	_ = 	snop  }
0x3c: {  	p2 =	seq.s32 s10, $0x1;
	s10 =	sld [smem:$0x3FB9]  }
0x3d: {  	_ =	shalt  }
0x3e: {  	_ =	shalt  }
0x3f: {  	_ =	shalt  }
0x40: {  	_ =	shalt  }
0x41: {  	_ =	shalt  }
0x42: {  	_ =	shalt  }
0x43: {  	_ =	shalt  }
0x44: {  	_ =	shalt  }
0x45: {  	_ =	shalt  }
0x46: {  	_ =	shalt  }
0x47: {  	_ =	shalt  }
0x48: {  	_ =	shalt  }
0x49: {  	_ =	shalt  }
0x4a: {  	_ =	shalt  }
0x4b: {  	_ =	shalt  }
0x4c: {  	_ =	shalt  }
0x4d: {  	_ =	shalt  }
0x4e: {  	_ =	shalt  }
0x4f: {  	_ =	shalt  }
0x50: {  	_ =	shalt  }
0x51: {  	_ =	shalt  }
0x52: {  	_ =	shalt  }
0x53: {  	_ =	shalt  }
0x54: {  	_ =	shalt  }
0x55: {  	_ =	shalt  }
0x56: {  	_ =	shalt  }
0x57: {  	_ =	shalt  }
0x58: {  	_ =	shalt  }
0x59: {  	_ =	shalt  }
0x5a: {  	_ =	shalt  }
0x5b: {  	_ =	shalt  }
0x5c: {  	_ =	shalt  }
0x5d: {  	_ =	shalt  }
0x5e: {  	_ =	shalt  }
0x5f: {  	_ =	shalt  }
0x60: {  	_ =	shalt  }
0x61: {  	_ =	shalt  }
0x62: {  	_ =	shalt  }
0x63: {  	_ =	shalt  }
0x64: {  	_ =	shalt  }
0x65: {  	_ =	shalt  }
0x66: {  	_ =	shalt  }
0x67: {  	_ =	shalt  }
0x68: {  	_ =	shalt  }
0x69: {  	_ =	shalt  }
0x6a: {  	_ =	shalt  }
0x6b: {  	_ =	shalt  }
0x6c: {  	_ =	shalt  }
0x6d: {  	_ =	shalt  }
0x6e: {  	_ =	shalt  }
0x6f: {  	_ =	shalt  }
0x70: {  	_ =	shalt  }
0x71: {  	_ =	shalt  }
0x72: {  	_ =	shalt  }
0x73: {  	_ =	shalt  }
0x74: {  	_ =	shalt  }
0x75: {  	_ =	shalt  }
0x76: {  	_ =	shalt  }
0x77: {  	_ =	shalt  }
0x78: {  	_ =	shalt  }
0x79: {  	_ =	shalt  }
0x7a: {  	_ =	shalt  }
0x7b: {  	_ =	shalt  }
0x7c: {  	_ =	shalt  }
0x7d: {  	_ =	shalt  }
0x7e: {  	_ =	shalt  }
0x7f: {  	_ =	shalt  }
0x80: {  	_ =	shalt  }
0x81: {  	_ =	shalt  }
0x82: {  	_ =	shalt  }
0x83: {  	_ =	shalt  }
0x84: {  	_ =	shalt  }
0x85: {  	_ =	shalt  }
0x86: {  	_ =	shalt  }
0x87: {  	_ =	shalt  }
.Lfunc_end0:
.L_simem_size_0:
called_computation.1_lowered:
.L_overlay_start_0:
0x88: {  	s2 =	sld [smem:$0x3FD9]  }
0x89: {  	s3 =	sld [smem:$0x3FFE];
	_ =	sdelay $0x1  }
0x8a: {  	s1 =	srdreg.scid  }
0x8b: {  	s0 =	sand.u32 $0x1, s1  }
0x8c: {  	s17 =	sshll.u32 s0, $0xA;
	s2 =	sadd.s32 s3, s2  }
0x8d: {  	s2 =	sadd.s32 s2, s17  }
0x8e: {  	[smem:$0x3FC5] =	sst s2  }
0x8f: {  	_ = 	snop  }
0x90: {  	(tm) =	ssettm $0x1  }
0x91: {  	s18 =	sld [smem:$0x3FFB];
	_ =	sdelay $0x3  }
0x92: {  	_ =	strace s18  }
0x93: {  	s2 =	sld [smem:$0x3FFC];
	_ =	sdelay $0x3  }
0x94: {  	_ =	strace s2  }
0x95: {  	s2 =	sld [smem:$0x3FFD];
	_ =	sdelay $0x3  }
0x96: {  	_ =	strace s2  }
0x97: {  	_ =	strace $0x8FFFFFFF  }
0x98: {  	s19 =	sld [smem:$0x3FDB];
	_ =	sdelay $0x1  }
0x99: {  	s20 =	simm.s32 $_scs_section_size  }
0x9a: {  	s4 =	simm.s32 $_size__tile_overlayer_lowered;
	s5 =	simm.s32 $_tile_overlayer_lowered  }
0x9b: {  	s6 =	simm.s32 $0x1BFF;
	s21 =	sshll.u32 s5, $0x1;
	s3 =	sadd.s32 s20, s19  }
0x9c: {  	s22 =	simm.s32 $0x0;
	s4 =	sshll.u32 s4, $0x1;
	s5 =	sadd.s32 s21, s3  }
0x9d: {  	[timem:s22], [sflag:s6] =	dma.local [hbm:s5], s4  }
0x9e: {  	_ =	swait.ge [sflag:s6], s4  }
0x9f: {  	s4 =	ssub.s32 $0x0, s4;
	[sflag:s6] =	ssyncset.done $0x0  }
0xa0: {  	[sflag:s6] =	ssyncadd.s32 s4;
	_ =	sdelay $0x1  }
0xa1: {  	s23 =	simm.s32 $0x1B8B  }
0xa2: {  	_ =	swait.ge [sflag:s23], $0x1  }
0xa3: {  	[sflag:s23] =	ssyncset.done $0x0  }
0xa4: {  	[sflag:s23] =	ssyncadd.s32 $0xFFFFFFFF  }
0xa5: {  	s4 =	sld [smem:$0x0]  }
0xa6: {  	s5 =	sand.u32 $0xFFFFFFFE, s1  }
0xa7: {  	p0 =	sne.s32 s1, s5  }
0xa8: {  	s5 =	sshll.u32 @p0 s5, $0xE  }
0xa9: {  	s5 =	sadd.s32 @p0 $0x11B8D, s5;
	s6 =	sshll.u32 @p0 s4, $0x11  }
0xaa: {  	s5 =	sor.u32 @p0 s6, s5  }
0xab: {  	[sflag:s5] =	ssyncadd.remote.s32 @p0 $0x1;
	_ =	sdelay $0x1  }
0xac: {  	s5 =	simm.s32 @p0 $0x1B8D  }
0xad: {  	_ =	swait.eq @p0 [sflag:s5], $0x1  }
0xae: {  	[sflag:s5] =	ssyncadd.s32 @p0 $0xFFFFFFFF  }
0xaf: {  	s6 =	sshll.u32 @!p0 s1, $0xE  }
0xb0: {  	s6 =	sor.u32 @!p0 $0x4000, s6;
	s5 =	simm.s32 @!p0 $0x1B8D  }
0xb1: {  	s4 =	sshll.u32 @!p0 s4, $0x11;
	s6 =	sadd.s32 @!p0 $0x11B8D, s6;
	_ =	swait.eq @!p0 [sflag:s5], $0x1  }
0xb2: {  	s4 =	sor.u32 @!p0 s4, s6;
	[sflag:s5] =	ssyncadd.s32 @!p0 $0xFFFFFFFF  }
0xb3: {  	s25 =	simm.s32 $0x1B8E;
	s24 =	sld [smem:$0x3FFE];
	[sflag:s4] =	ssyncadd.remote.s32 @!p0 $0x1  }
0xb4: {  	s26 =	simm.s32 $execute0_lowered;
	[smem:$0x3FD2] =	sst s25  }
0xb5: {  	s5 =	sshll.u32 s26, $0x1;
	_ =	strace $0x80000049;
	[dreg:$0x1] =	wrdreg $0xFFFFFFFF  }
0xb6: {  	s28 =	simm.s32 $_size_execute0_lowered;
	s3 =	sadd.s32 s3, s5;
	[dreg:$0x0] =	wrdreg $0x0  }
0xb7: {  	s5 =	sshll.u32 s28, $0x1;
	[dreg:$0x2] =	wrdreg s3  }
0xb8: {  	[dreg:$0x3] =	wrdreg s5  }
0xb9: {  	[dreg:$0x4] =	wrdreg $0xC0  }
0xba: {  	_ =	task [dreg:s22], $0x5FFFF  }
0xbb: {  	[dreg:$0x1] =	wrdreg $0xFFFFFFFF  }
0xbc: {  	[dreg:$0x0] =	wrdreg $0x60  }
0xbd: {  	[dreg:$0x2] =	wrdreg s24  }
0xbe: {  	[dreg:$0x3] =	wrdreg $0xA  }
0xbf: {  	_ =	task.clear_ibuf [dreg:s22], $0x4FFFF;
	_ =	strace $0x90000049  }
0xc0: {  	s29 =	simm.s32 $0xA;
	_ =	strace $0x8000004B  }
0xc1: {  	_ =	swait.ge [sflag:s29], $0x1  }
0xc2: {  	[sflag:s29] =	ssyncadd.s32 $0xFFFFFFFF  }
0xc3: {  	_ =	strace $0x9000004B  }
0xc4: {  	_ =	sfence  }
0xc5: {  	s30 =	sld [smem:$0x0];
	_ =	sdelay $0x2  }
0xc6: {  	s31 =	sshll.u32 s1, $0xD;
	s1 =	sshrl.u32 s1, $0x2  }
0xc7: {  	s4 =	sand.u32 $0x4000, s31;
	s1 =	sadd.s32 s1, s30  }
0xc8: {  	s0 =	sor.u32 s4, s0;
	s1 =	sshll.u32 s1, $0x11  }
0xc9: {  	s0 =	sor.u32 s1, s0  }
0xca: {  	s0 =	sadd.s32 $0x8F2B, s0  }
0xcb: {  	[sflag:s0] =	ssyncadd.remote.s32 $0x1  }
0xcc: {  	_ =	sfence.sel $0xFFFF  }
0xcd: {  	[dreg:$0x0] =	wrdreg $0xFFFFFFFF;
	(pc) =	sbr.abs _section_cstart, $3  }
0xce: {  	[dreg:$0x1] =	wrdreg $0xFFFFFFFF  }
0xcf: {  	_ =	task.clear_ibuf [dreg:s22], $0x2FFFF;
	_ =	strace $0x9FFFFFFF  }
0xd0: {  	(tm) =	ssettm $0x7FFFFFFF  }
0xd1: {  	_ =	shalt  }
tec
execute0_lowered:
.L_overlay_start_1:
0x0: {  	(tag) =	ssettag $0x1  }
0x1: {  	s0 =	srdreg.scid;
	s6 =	stileid.u32  }
0x2: {  	s4 =	rddreg [dreg:$0x0];
	s2 =	simm.s32 $0x0;
	s21 =	simm.s32 $0x6C00  }
0x3: {  	s22 =	simm.s32 $0x7400;
	s23 =	simm.s32 $0x7C00;
	s24 =	simm.s32 $0x8400  }
0x4: {  	s28 =	simm.s32 $0x9C00;
	s29 =	simm.s32 $0xA400;
	s30 =	simm.s32 $0xAC00  }
0x5: {  	s31 =	simm.s32 $0xB400;
	s10 =	simm.s32 $0xDC00;
	s11 =	simm.s32 $0xE400  }
0x6: {  	s12 =	simm.s32 $0xEC00;
	s13 =	simm.s32 $0xF400;
	s14 =	simm.s32 $0xFC00  }
0x7: {  	s15 =	simm.s32 $0x10400;
	s16 =	simm.s32 $0x1;
	s17 =	simm.s32 $0x2  }
0x8: {  	s19 =	simm.s32 $0x0;
	s0 =	sand.u32 $0x1, s0;
	s5 =	smul.u32 $0x30000, s6  }
0x9: {  	s1 =	sshll.u32 s6, $0x1;
	[smem:$0x7FF] =	sst s2;
	s6 =	smul.u32 $0x180000, s6  }
0xa: {  	s3 =	sadd.s32 $0x2C00, s4;
	s7 =	ssub.s32 $0x2, s0;
	s8 =	smul.u32 $0xC0000, s0  }
0xb: {  	s1 =	sor.u32 s0, s1;
	s0 =	smul.u32 $0x18000, s0;
	s9 =	sshrl.u32 s7, $0x1  }
0xc: {  	_ =	strace $0x8000004A;
	s1 =	smul.u32 $0x180, s1;
	s7 =	ssub.s32 s7, s9  }
0xd: {  	s6 =	sadd.s32 s8, s6;
	s8 =	simm.s32 $0x3;
	s9 =	simm.s32 $0xC00  }
0xe: {  	s1 =	sadd.s32 s1, s4;
	s4 =	sadd.s32 $0x413000, s4;
	s25 =	sshrl.u32 s6, $0x3  }
.Ltmp0:
0xf: {  	s26 =	smax.u32 s7, $0x1;
	s5 =	sadd.s32 s5, s4;
	(pc) =	sbr.rel .LBB2_1-.Ltmp0, $4  }
0x10: {  	s1 =	sadd.s32 $0x410000, s1;
	[dreg:$0x3] =	wrdreg s26;
	s7 =	sadd.s32 s25, s4  }
0x11: {  	v2 =	vlaneseq.u32;
	s25 =	simm.s32 $0x8C00;
	s26 =	simm.s32 $0x9400;
	s4 =	simm.s32 $0xCC00  }
0x12: {  	vm0 =	vmmov $0xffff;
	v1 =	vshrl.u32 v2, $0x3;
	[dreg:$0x2] =	wrdreg s1;
	s0 =	sadd.s32 s0, s5;
	s1 =	simm.s32 $0xBC00  }
0x13: {  	v0 =	vand.u32 $0x7, v2;
	v2 =	vor.u32 $0x8, v2;
	v1 =	vmul.u32 $0x8, v1;
	s5 =	simm.s32 $0xD400;
	s6 =	sadd.s32 $0x1000, s0;
	s0 =	simm.s32 $0xC400  }
.LBB2_6:
0x14: {  	s19 =	rddreg [dreg:$0x4]  }
0x15: {  	s18 =	rddreg [dreg:$0x3];
	s19 =	sadd.s32 $0x1, s19  }
0x16: {  	p0 =	sne.s32 s19, s18  }
.Ltmp1:
0x17: {  	_ = 	snop;
	(pc) =	sbr.rel @!p0 .LBB2_7-.Ltmp1, $1  }
0x18: {  	_ =	sdelay $0x3  }
.LBB2_1:
0x19: {  	[dreg:$0x4] =	wrdreg s19  }
0x1a: {  	s18 =	rddreg [dreg:$0x2]  }
0x1b: {  	[tilespmem:s2], [sflag:$0x3] =	stream.linear.gather [hbm4b:s18+s2], $0xC00, $0x38;
	[tilespmem:$0x10C00] =	vst v63  }
0x1c: {  	_ =	swait.ge [sflag:s8], $0xC00  }
0x1d: {  	[sflag:s8] =	ssyncset.done $0x0  }
0x1e: {  	[sflag:s8] =	ssyncadd.s32 $0xFFFFF400  }
0x1f: {  	v3 =	vld [tilespmem:$0x0];
	_ =	sdelay $0x4  }
0x20: {  	v4 =	vshll.u32 v3, $0x1  }
0x21: {  	v3 =	vand.u32 $0x7, v3;
	v4 =	vand.u32 $0xFFFFFFF0, v4  }
0x22: {  	v3 =	vor.u32 v3, v4  }
0x23: {  	v4 =	vperm.xlane v3, v0;
	_ =	sdelay $0x1  }
0x24: {  	v3 =	vperm.xlane v3, v2;
	v4 =	vadd.s32 v1, v4;
	_ =	sdelay $0x1  }
0x25: {  	v3 =	vadd.s32 v1, v3;
	_ =	sdelay $0x2  }
0x26: {  	[tilespmem:s9], [sflag:$0x1] =	stream.indirect_vreg.gather [hbm4b:s3+s2], $0x80, v4, vm0, $0xb8;
	[tilespmem:$0x10C00] =	vst v63  }
0x27: {  	s20 =	simm.s32 $0x1400  }
0x28: {  	[tilespmem:s20], [sflag:$0x1] =	stream.indirect_vreg.gather [hbm4b:s3+s2], $0x80, v3, vm0, $0xb8;
	[tilespmem:$0x10C00] =	vst v63  }
0x29: {  	v3 =	vld [tilespmem:$0x10];
	_ =	sdelay $0x4  }
0x2a: {  	v49 =	vshll.u32 v3, $0x1  }
0x2b: {  	v3 =	vand.u32 $0x7, v3;
	v4 =	vand.u32 $0xFFFFFFF0, v49  }
0x2c: {  	v3 =	vor.u32 v3, v4  }
0x2d: {  	v4 =	vperm.xlane v3, v0;
	_ =	sdelay $0x1  }
0x2e: {  	v3 =	vperm.xlane v3, v2;
	v4 =	vadd.s32 v1, v4;
	_ =	sdelay $0x1  }
0x2f: {  	v3 =	vadd.s32 v1, v3;
	_ =	sdelay $0x1  }
0x30: {  	s19 =	simm.s32 $0x1C00  }
0x31: {  	[tilespmem:s19], [sflag:$0x1] =	stream.indirect_vreg.gather [hbm4b:s3+s2], $0x80, v4, vm0, $0xb8;
	[tilespmem:$0x10C00] =	vst v63  }
0x32: {  	s20 =	simm.s32 $0x2400  }
0x33: {  	[tilespmem:s20], [sflag:$0x1] =	stream.indirect_vreg.gather [hbm4b:s3+s2], $0x80, v3, vm0, $0xb8;
	[tilespmem:$0x10C00] =	vst v63  }
0x34: {  	v3 =	vld [tilespmem:$0x20];
	_ =	sdelay $0x4  }
0x35: {  	v50 =	vshll.u32 v3, $0x1  }
0x36: {  	v3 =	vand.u32 $0x7, v3;
	v4 =	vand.u32 $0xFFFFFFF0, v50  }
0x37: {  	v3 =	vor.u32 v3, v4  }
0x38: {  	v4 =	vperm.xlane v3, v0;
	_ =	sdelay $0x1  }
0x39: {  	v3 =	vperm.xlane v3, v2;
	v4 =	vadd.s32 v1, v4;
	_ =	sdelay $0x1  }
0x3a: {  	v3 =	vadd.s32 v1, v3;
	_ =	sdelay $0x1  }
0x3b: {  	s19 =	simm.s32 $0x2C00  }
0x3c: {  	[tilespmem:s19], [sflag:$0x1] =	stream.indirect_vreg.gather [hbm4b:s3+s2], $0x80, v4, vm0, $0xb8;
	[tilespmem:$0x10C00] =	vst v63  }
0x3d: {  	s20 =	simm.s32 $0x3400  }
0x3e: {  	[tilespmem:s20], [sflag:$0x1] =	stream.indirect_vreg.gather [hbm4b:s3+s2], $0x80, v3, vm0, $0xb8;
	[tilespmem:$0x10C00] =	vst v63  }
0x3f: {  	v3 =	vld [tilespmem:$0x30];
	_ =	sdelay $0x4  }
0x40: {  	v51 =	vshll.u32 v3, $0x1  }
0x41: {  	v3 =	vand.u32 $0x7, v3;
	v4 =	vand.u32 $0xFFFFFFF0, v51  }
0x42: {  	v3 =	vor.u32 v3, v4  }
0x43: {  	v4 =	vperm.xlane v3, v0;
	_ =	sdelay $0x1  }
0x44: {  	v3 =	vperm.xlane v3, v2;
	v4 =	vadd.s32 v1, v4;
	_ =	sdelay $0x1  }
0x45: {  	v3 =	vadd.s32 v1, v3;
	_ =	sdelay $0x1  }
0x46: {  	s19 =	simm.s32 $0x3C00  }
0x47: {  	[tilespmem:s19], [sflag:$0x1] =	stream.indirect_vreg.gather [hbm4b:s3+s2], $0x80, v4, vm0, $0xb8;
	[tilespmem:$0x10C00] =	vst v63  }
0x48: {  	s20 =	simm.s32 $0x4400  }
0x49: {  	[tilespmem:s20], [sflag:$0x1] =	stream.indirect_vreg.gather [hbm4b:s3+s2], $0x80, v3, vm0, $0xb8;
	[tilespmem:$0x10C00] =	vst v63  }
0x4a: {  	v3 =	vld [tilespmem:$0x40];
	_ =	sdelay $0x4  }
0x4b: {  	v52 =	vshll.u32 v3, $0x1  }
0x4c: {  	v3 =	vand.u32 $0x7, v3;
	v4 =	vand.u32 $0xFFFFFFF0, v52  }
0x4d: {  	v3 =	vor.u32 v3, v4  }
0x4e: {  	v4 =	vperm.xlane v3, v0;
	_ =	sdelay $0x1  }
0x4f: {  	v3 =	vperm.xlane v3, v2;
	v4 =	vadd.s32 v1, v4;
	_ =	sdelay $0x1  }
0x50: {  	v3 =	vadd.s32 v1, v3;
	_ =	sdelay $0x1  }
0x51: {  	s19 =	simm.s32 $0x4C00  }
0x52: {  	[tilespmem:s19], [sflag:$0x1] =	stream.indirect_vreg.gather [hbm4b:s3+s2], $0x80, v4, vm0, $0xb8;
	[tilespmem:$0x10C00] =	vst v63  }
0x53: {  	s20 =	simm.s32 $0x5400  }
0x54: {  	[tilespmem:s20], [sflag:$0x1] =	stream.indirect_vreg.gather [hbm4b:s3+s2], $0x80, v3, vm0, $0xb8;
	[tilespmem:$0x10C00] =	vst v63  }
0x55: {  	v3 =	vld [tilespmem:$0x50];
	_ =	sdelay $0x4  }
0x56: {  	v53 =	vshll.u32 v3, $0x1  }
0x57: {  	v3 =	vand.u32 $0x7, v3;
	v4 =	vand.u32 $0xFFFFFFF0, v53  }
0x58: {  	v3 =	vor.u32 v3, v4  }
0x59: {  	v4 =	vperm.xlane v3, v0;
	_ =	sdelay $0x1  }
0x5a: {  	v3 =	vperm.xlane v3, v2;
	v4 =	vadd.s32 v1, v4;
	_ =	sdelay $0x1  }
0x5b: {  	v3 =	vadd.s32 v1, v3;
	_ =	sdelay $0x1  }
0x5c: {  	s19 =	simm.s32 $0x5C00  }
0x5d: {  	[tilespmem:s19], [sflag:$0x1] =	stream.indirect_vreg.gather [hbm4b:s3+s2], $0x80, v4, vm0, $0xb8;
	[tilespmem:$0x10C00] =	vst v63  }
0x5e: {  	s20 =	simm.s32 $0x6400  }
0x5f: {  	[tilespmem:s20], [sflag:$0x1] =	stream.indirect_vreg.gather [hbm4b:s3+s2], $0x80, v3, vm0, $0xb8;
	[tilespmem:$0x10C00] =	vst v63  }
0x60: {  	v3 =	vld [tilespmem:$0x60];
	_ =	sdelay $0x4  }
0x61: {  	v54 =	vshll.u32 v3, $0x1  }
0x62: {  	v3 =	vand.u32 $0x7, v3;
	v4 =	vand.u32 $0xFFFFFFF0, v54  }
0x63: {  	v3 =	vor.u32 v3, v4  }
0x64: {  	v4 =	vperm.xlane v3, v0;
	_ =	sdelay $0x1  }
0x65: {  	v3 =	vperm.xlane v3, v2;
	v4 =	vadd.s32 v1, v4;
	_ =	sdelay $0x1  }
0x66: {  	v3 =	vadd.s32 v1, v3;
	_ =	sdelay $0x2  }
0x67: {  	[tilespmem:s21], [sflag:$0x1] =	stream.indirect_vreg.gather [hbm4b:s3+s2], $0x80, v4, vm0, $0xb8;
	[tilespmem:$0x10C00] =	vst v63  }
0x68: {  	_ = 	snop  }
0x69: {  	[tilespmem:s22], [sflag:$0x1] =	stream.indirect_vreg.gather [hbm4b:s3+s2], $0x80, v3, vm0, $0xb8;
	[tilespmem:$0x10C00] =	vst v63  }
0x6a: {  	v3 =	vld [tilespmem:$0x70];
	_ =	sdelay $0x4  }
0x6b: {  	v55 =	vshll.u32 v3, $0x1  }
0x6c: {  	v3 =	vand.u32 $0x7, v3;
	v4 =	vand.u32 $0xFFFFFFF0, v55  }
0x6d: {  	v3 =	vor.u32 v3, v4  }
0x6e: {  	v4 =	vperm.xlane v3, v0;
	_ =	sdelay $0x1  }
0x6f: {  	v3 =	vperm.xlane v3, v2;
	v4 =	vadd.s32 v1, v4;
	_ =	sdelay $0x1  }
0x70: {  	v3 =	vadd.s32 v1, v3;
	_ =	sdelay $0x2  }
0x71: {  	[tilespmem:s23], [sflag:$0x1] =	stream.indirect_vreg.gather [hbm4b:s3+s2], $0x80, v4, vm0, $0xb8;
	[tilespmem:$0x10C00] =	vst v63  }
0x72: {  	_ = 	snop  }
0x73: {  	[tilespmem:s24], [sflag:$0x1] =	stream.indirect_vreg.gather [hbm4b:s3+s2], $0x80, v3, vm0, $0xb8;
	[tilespmem:$0x10C00] =	vst v63  }
0x74: {  	v3 =	vld [tilespmem:$0x80];
	_ =	sdelay $0x4  }
0x75: {  	v56 =	vshll.u32 v3, $0x1  }
0x76: {  	v3 =	vand.u32 $0x7, v3;
	v4 =	vand.u32 $0xFFFFFFF0, v56  }
0x77: {  	v3 =	vor.u32 v3, v4  }
0x78: {  	v4 =	vperm.xlane v3, v0;
	_ =	sdelay $0x1  }
0x79: {  	v3 =	vperm.xlane v3, v2;
	v4 =	vadd.s32 v1, v4;
	_ =	sdelay $0x1  }
0x7a: {  	v3 =	vadd.s32 v1, v3;
	_ =	sdelay $0x2  }
0x7b: {  	[tilespmem:s25], [sflag:$0x2] =	stream.indirect_vreg.gather [hbm4b:s3+s2], $0x80, v4, vm0, $0xb8;
	[tilespmem:$0x10C00] =	vst v63  }
0x7c: {  	_ = 	snop  }
0x7d: {  	[tilespmem:s26], [sflag:$0x2] =	stream.indirect_vreg.gather [hbm4b:s3+s2], $0x80, v3, vm0, $0xb8;
	[tilespmem:$0x10C00] =	vst v63  }
0x7e: {  	v3 =	vld [tilespmem:$0x90];
	_ =	sdelay $0x4  }
0x7f: {  	v57 =	vshll.u32 v3, $0x1  }
0x80: {  	v3 =	vand.u32 $0x7, v3;
	v4 =	vand.u32 $0xFFFFFFF0, v57  }
0x81: {  	v3 =	vor.u32 v3, v4  }
0x82: {  	v4 =	vperm.xlane v3, v0;
	_ =	sdelay $0x1  }
0x83: {  	v3 =	vperm.xlane v3, v2;
	v4 =	vadd.s32 v1, v4;
	_ =	sdelay $0x1  }
0x84: {  	v3 =	vadd.s32 v1, v3;
	_ =	sdelay $0x2  }
0x85: {  	[tilespmem:s28], [sflag:$0x2] =	stream.indirect_vreg.gather [hbm4b:s3+s2], $0x80, v4, vm0, $0xb8;
	[tilespmem:$0x10C00] =	vst v63  }
0x86: {  	_ = 	snop  }
0x87: {  	[tilespmem:s29], [sflag:$0x2] =	stream.indirect_vreg.gather [hbm4b:s3+s2], $0x80, v3, vm0, $0xb8;
	[tilespmem:$0x10C00] =	vst v63  }
0x88: {  	v3 =	vld [tilespmem:$0xA0];
	_ =	sdelay $0x4  }
0x89: {  	v58 =	vshll.u32 v3, $0x1  }
0x8a: {  	v3 =	vand.u32 $0x7, v3;
	v4 =	vand.u32 $0xFFFFFFF0, v58  }
0x8b: {  	v3 =	vor.u32 v3, v4  }
0x8c: {  	v4 =	vperm.xlane v3, v0;
	_ =	sdelay $0x1  }
0x8d: {  	v3 =	vperm.xlane v3, v2;
	v4 =	vadd.s32 v1, v4;
	_ =	sdelay $0x1  }
0x8e: {  	v3 =	vadd.s32 v1, v3;
	_ =	sdelay $0x2  }
0x8f: {  	[tilespmem:s30], [sflag:$0x2] =	stream.indirect_vreg.gather [hbm4b:s3+s2], $0x80, v4, vm0, $0xb8;
	[tilespmem:$0x10C00] =	vst v63  }
0x90: {  	_ = 	snop  }
0x91: {  	[tilespmem:s31], [sflag:$0x2] =	stream.indirect_vreg.gather [hbm4b:s3+s2], $0x80, v3, vm0, $0xb8;
	[tilespmem:$0x10C00] =	vst v63  }
0x92: {  	v3 =	vld [tilespmem:$0xB0];
	_ =	sdelay $0x4  }
0x93: {  	v59 =	vshll.u32 v3, $0x1  }
0x94: {  	v3 =	vand.u32 $0x7, v3;
	v4 =	vand.u32 $0xFFFFFFF0, v59  }
0x95: {  	v3 =	vor.u32 v3, v4  }
0x96: {  	v4 =	vperm.xlane v3, v0;
	_ =	sdelay $0x1  }
0x97: {  	v3 =	vperm.xlane v3, v2;
	v4 =	vadd.s32 v1, v4;
	_ =	sdelay $0x1  }
0x98: {  	v3 =	vadd.s32 v1, v3;
	_ =	sdelay $0x2  }
0x99: {  	[tilespmem:s1], [sflag:$0x2] =	stream.indirect_vreg.gather [hbm4b:s3+s2], $0x80, v4, vm0, $0xb8;
	[tilespmem:$0x10C00] =	vst v63  }
0x9a: {  	_ = 	snop  }
0x9b: {  	[tilespmem:s0], [sflag:$0x2] =	stream.indirect_vreg.gather [hbm4b:s3+s2], $0x80, v3, vm0, $0xb8;
	[tilespmem:$0x10C00] =	vst v63  }
0x9c: {  	v3 =	vld [tilespmem:$0xC0];
	_ =	sdelay $0x4  }
0x9d: {  	v60 =	vshll.u32 v3, $0x1  }
0x9e: {  	v3 =	vand.u32 $0x7, v3;
	v4 =	vand.u32 $0xFFFFFFF0, v60  }
0x9f: {  	v3 =	vor.u32 v3, v4  }
0xa0: {  	v4 =	vperm.xlane v3, v0;
	_ =	sdelay $0x1  }
0xa1: {  	v3 =	vperm.xlane v3, v2;
	v4 =	vadd.s32 v1, v4;
	_ =	sdelay $0x1  }
0xa2: {  	v3 =	vadd.s32 v1, v3;
	_ =	sdelay $0x2  }
0xa3: {  	[tilespmem:s4], [sflag:$0x2] =	stream.indirect_vreg.gather [hbm4b:s3+s2], $0x80, v4, vm0, $0xb8;
	[tilespmem:$0x10C00] =	vst v63  }
0xa4: {  	_ = 	snop  }
0xa5: {  	[tilespmem:s5], [sflag:$0x2] =	stream.indirect_vreg.gather [hbm4b:s3+s2], $0x80, v3, vm0, $0xb8;
	[tilespmem:$0x10C00] =	vst v63  }
0xa6: {  	v3 =	vld [tilespmem:$0xD0];
	_ =	sdelay $0x4  }
0xa7: {  	v61 =	vshll.u32 v3, $0x1  }
0xa8: {  	v3 =	vand.u32 $0x7, v3;
	v4 =	vand.u32 $0xFFFFFFF0, v61  }
0xa9: {  	v3 =	vor.u32 v3, v4  }
0xaa: {  	v4 =	vperm.xlane v3, v0;
	_ =	sdelay $0x1  }
0xab: {  	v3 =	vperm.xlane v3, v2;
	v4 =	vadd.s32 v1, v4;
	_ =	sdelay $0x1  }
0xac: {  	v3 =	vadd.s32 v1, v3;
	_ =	sdelay $0x2  }
0xad: {  	[tilespmem:s10], [sflag:$0x2] =	stream.indirect_vreg.gather [hbm4b:s3+s2], $0x80, v4, vm0, $0xb8;
	[tilespmem:$0x10C00] =	vst v63  }
0xae: {  	_ = 	snop  }
0xaf: {  	[tilespmem:s11], [sflag:$0x2] =	stream.indirect_vreg.gather [hbm4b:s3+s2], $0x80, v3, vm0, $0xb8;
	[tilespmem:$0x10C00] =	vst v63  }
0xb0: {  	v3 =	vld [tilespmem:$0xE0];
	_ =	sdelay $0x4  }
0xb1: {  	v62 =	vshll.u32 v3, $0x1  }
0xb2: {  	v3 =	vand.u32 $0x7, v3;
	v4 =	vand.u32 $0xFFFFFFF0, v62  }
0xb3: {  	v3 =	vor.u32 v3, v4  }
0xb4: {  	v4 =	vperm.xlane v3, v0;
	_ =	sdelay $0x1  }
0xb5: {  	v3 =	vperm.xlane v3, v2;
	v4 =	vadd.s32 v1, v4;
	_ =	sdelay $0x1  }
0xb6: {  	v3 =	vadd.s32 v1, v3;
	_ =	sdelay $0x2  }
0xb7: {  	[tilespmem:s12], [sflag:$0x2] =	stream.indirect_vreg.gather [hbm4b:s3+s2], $0x80, v4, vm0, $0xb8;
	[tilespmem:$0x10C00] =	vst v63  }
0xb8: {  	_ = 	snop  }
0xb9: {  	[tilespmem:s13], [sflag:$0x2] =	stream.indirect_vreg.gather [hbm4b:s3+s2], $0x80, v3, vm0, $0xb8;
	[tilespmem:$0x10C00] =	vst v63  }
0xba: {  	v3 =	vld [tilespmem:$0xF0];
	_ =	sdelay $0x4  }
0xbb: {  	v63 =	vshll.u32 v3, $0x1  }
0xbc: {  	v3 =	vand.u32 $0x7, v3;
	v4 =	vand.u32 $0xFFFFFFF0, v63  }
0xbd: {  	v3 =	vor.u32 v3, v4  }
0xbe: {  	v4 =	vperm.xlane v3, v0;
	_ =	sdelay $0x1  }
0xbf: {  	v3 =	vperm.xlane v3, v2;
	v4 =	vadd.s32 v1, v4;
	_ =	sdelay $0x1  }
0xc0: {  	v3 =	vadd.s32 v1, v3;
	_ =	sdelay $0x2  }
0xc1: {  	[tilespmem:s14], [sflag:$0x2] =	stream.indirect_vreg.gather [hbm4b:s3+s2], $0x80, v4, vm0, $0xb8;
	[tilespmem:$0x10C00] =	vst v63  }
0xc2: {  	s18 =	simm.s32 $0x1F0;
	s19 =	simm.s32 $0x0  }
0xc3: {  	[tilespmem:s15], [sflag:$0x2] =	stream.indirect_vreg.gather [hbm4b:s3+s2], $0x80, v3, vm0, $0xb8;
	[tilespmem:$0x10C00] =	vst v63  }
.LBB2_2:
0xc4: {  	_ =	swait.ge [sflag:s16], $0x8000  }
0xc5: {  	p0 =	seq.s32 s19, $0x16000;
	[sflag:s16] =	ssyncset.done $0x0  }
.Ltmp2:
0xc6: {  	s20 =	sadd.s32 s19, s7;
	[sflag:s16] =	ssyncadd.s32 $0xFFFF8000;
	(pc) =	sbr.rel @p0 .LBB2_4-.Ltmp2, $4  }
0xc7: {  	[hbm4b:s20+s2] =	stream.linear.scatter [tilespmem:s9], [sflag:$0x3], $0x8000, $0x38;
	[tilespmem:$0x10C00] =	vst v63  }
0xc8: {  	_ =	swait.ge [sflag:s8], $0x8000  }
0xc9: {  	[sflag:s8] =	ssyncset.done $0x0  }
0xca: {  	[sflag:s8] =	ssyncadd.s32 $0xFFFF8000  }
0xcb: {  	v3 =	vld [tilespmem:s18+$0xFFFFFF10];
	_ =	sdelay $0x4  }
0xcc: {  	v4 =	vshll.u32 v3, $0x1  }
0xcd: {  	v3 =	vand.u32 $0x7, v3;
	v4 =	vand.u32 $0xFFFFFFF0, v4  }
0xce: {  	v3 =	vor.u32 v3, v4  }
0xcf: {  	v4 =	vperm.xlane v3, v0;
	_ =	sdelay $0x1  }
0xd0: {  	v3 =	vperm.xlane v3, v2;
	v4 =	vadd.s32 v1, v4;
	_ =	sdelay $0x1  }
0xd1: {  	v3 =	vadd.s32 v1, v3;
	_ =	sdelay $0x2  }
0xd2: {  	[tilespmem:s9], [sflag:$0x1] =	stream.indirect_vreg.gather [hbm4b:s3+s2], $0x80, v4, vm0, $0xb8;
	[tilespmem:$0x10C00] =	vst v63  }
0xd3: {  	s20 =	simm.s32 $0x1400  }
0xd4: {  	[tilespmem:s20], [sflag:$0x1] =	stream.indirect_vreg.gather [hbm4b:s3+s2], $0x80, v3, vm0, $0xb8;
	[tilespmem:$0x10C00] =	vst v63  }
0xd5: {  	v3 =	vld [tilespmem:s18+$0xFFFFFF20];
	_ =	sdelay $0x4  }
0xd6: {  	v57 =	vshll.u32 v3, $0x1  }
0xd7: {  	v3 =	vand.u32 $0x7, v3;
	v4 =	vand.u32 $0xFFFFFFF0, v57  }
0xd8: {  	v3 =	vor.u32 v3, v4  }
0xd9: {  	v4 =	vperm.xlane v3, v0;
	_ =	sdelay $0x1  }
0xda: {  	v3 =	vperm.xlane v3, v2;
	v4 =	vadd.s32 v1, v4;
	_ =	sdelay $0x1  }
0xdb: {  	v3 =	vadd.s32 v1, v3;
	_ =	sdelay $0x1  }
0xdc: {  	s20 =	simm.s32 $0x1C00  }
0xdd: {  	[tilespmem:s20], [sflag:$0x1] =	stream.indirect_vreg.gather [hbm4b:s3+s2], $0x80, v4, vm0, $0xb8;
	[tilespmem:$0x10C00] =	vst v63  }
0xde: {  	s20 =	simm.s32 $0x2400  }
0xdf: {  	[tilespmem:s20], [sflag:$0x1] =	stream.indirect_vreg.gather [hbm4b:s3+s2], $0x80, v3, vm0, $0xb8;
	[tilespmem:$0x10C00] =	vst v63  }
0xe0: {  	v3 =	vld [tilespmem:s18+$0xFFFFFF30];
	_ =	sdelay $0x4  }
0xe1: {  	v58 =	vshll.u32 v3, $0x1  }
0xe2: {  	v3 =	vand.u32 $0x7, v3;
	v4 =	vand.u32 $0xFFFFFFF0, v58  }
0xe3: {  	v3 =	vor.u32 v3, v4  }
0xe4: {  	v4 =	vperm.xlane v3, v0;
	_ =	sdelay $0x1  }
0xe5: {  	v3 =	vperm.xlane v3, v2;
	v4 =	vadd.s32 v1, v4;
	_ =	sdelay $0x1  }
0xe6: {  	v3 =	vadd.s32 v1, v3;
	_ =	sdelay $0x1  }
0xe7: {  	s20 =	simm.s32 $0x2C00  }
0xe8: {  	[tilespmem:s20], [sflag:$0x1] =	stream.indirect_vreg.gather [hbm4b:s3+s2], $0x80, v4, vm0, $0xb8;
	[tilespmem:$0x10C00] =	vst v63  }
0xe9: {  	s20 =	simm.s32 $0x3400  }
0xea: {  	[tilespmem:s20], [sflag:$0x1] =	stream.indirect_vreg.gather [hbm4b:s3+s2], $0x80, v3, vm0, $0xb8;
	[tilespmem:$0x10C00] =	vst v63  }
0xeb: {  	v3 =	vld [tilespmem:s18+$0xFFFFFF40];
	_ =	sdelay $0x4  }
0xec: {  	v59 =	vshll.u32 v3, $0x1  }
0xed: {  	v3 =	vand.u32 $0x7, v3;
	v4 =	vand.u32 $0xFFFFFFF0, v59  }
0xee: {  	v3 =	vor.u32 v3, v4  }
0xef: {  	v4 =	vperm.xlane v3, v0;
	_ =	sdelay $0x1  }
0xf0: {  	v3 =	vperm.xlane v3, v2;
	v4 =	vadd.s32 v1, v4;
	_ =	sdelay $0x1  }
0xf1: {  	v3 =	vadd.s32 v1, v3;
	_ =	sdelay $0x1  }
0xf2: {  	s20 =	simm.s32 $0x3C00  }
0xf3: {  	[tilespmem:s20], [sflag:$0x1] =	stream.indirect_vreg.gather [hbm4b:s3+s2], $0x80, v4, vm0, $0xb8;
	[tilespmem:$0x10C00] =	vst v63  }
0xf4: {  	s20 =	simm.s32 $0x4400  }
0xf5: {  	[tilespmem:s20], [sflag:$0x1] =	stream.indirect_vreg.gather [hbm4b:s3+s2], $0x80, v3, vm0, $0xb8;
	[tilespmem:$0x10C00] =	vst v63  }
0xf6: {  	v3 =	vld [tilespmem:s18+$0xFFFFFF50];
	_ =	sdelay $0x4  }
0xf7: {  	v60 =	vshll.u32 v3, $0x1  }
0xf8: {  	v3 =	vand.u32 $0x7, v3;
	v4 =	vand.u32 $0xFFFFFFF0, v60  }
0xf9: {  	v3 =	vor.u32 v3, v4  }
0xfa: {  	v4 =	vperm.xlane v3, v0;
	_ =	sdelay $0x1  }
0xfb: {  	v3 =	vperm.xlane v3, v2;
	v4 =	vadd.s32 v1, v4;
	_ =	sdelay $0x1  }
0xfc: {  	v3 =	vadd.s32 v1, v3;
	_ =	sdelay $0x1  }
0xfd: {  	s20 =	simm.s32 $0x4C00  }
0xfe: {  	[tilespmem:s20], [sflag:$0x1] =	stream.indirect_vreg.gather [hbm4b:s3+s2], $0x80, v4, vm0, $0xb8;
	[tilespmem:$0x10C00] =	vst v63  }
0xff: {  	s20 =	simm.s32 $0x5400  }
0x100: {  	[tilespmem:s20], [sflag:$0x1] =	stream.indirect_vreg.gather [hbm4b:s3+s2], $0x80, v3, vm0, $0xb8;
	[tilespmem:$0x10C00] =	vst v63  }
0x101: {  	v3 =	vld [tilespmem:s18+$0xFFFFFF60];
	_ =	sdelay $0x4  }
0x102: {  	v61 =	vshll.u32 v3, $0x1  }
0x103: {  	v3 =	vand.u32 $0x7, v3;
	v4 =	vand.u32 $0xFFFFFFF0, v61  }
0x104: {  	v3 =	vor.u32 v3, v4  }
0x105: {  	v4 =	vperm.xlane v3, v0;
	_ =	sdelay $0x1  }
0x106: {  	v3 =	vperm.xlane v3, v2;
	v4 =	vadd.s32 v1, v4;
	_ =	sdelay $0x1  }
0x107: {  	v3 =	vadd.s32 v1, v3;
	_ =	sdelay $0x1  }
0x108: {  	s20 =	simm.s32 $0x5C00  }
0x109: {  	[tilespmem:s20], [sflag:$0x1] =	stream.indirect_vreg.gather [hbm4b:s3+s2], $0x80, v4, vm0, $0xb8;
	[tilespmem:$0x10C00] =	vst v63  }
0x10a: {  	s20 =	simm.s32 $0x6400  }
0x10b: {  	[tilespmem:s20], [sflag:$0x1] =	stream.indirect_vreg.gather [hbm4b:s3+s2], $0x80, v3, vm0, $0xb8;
	[tilespmem:$0x10C00] =	vst v63  }
0x10c: {  	v3 =	vld [tilespmem:s18+$0xFFFFFF70];
	_ =	sdelay $0x4  }
0x10d: {  	v62 =	vshll.u32 v3, $0x1  }
0x10e: {  	v3 =	vand.u32 $0x7, v3;
	v4 =	vand.u32 $0xFFFFFFF0, v62  }
0x10f: {  	v3 =	vor.u32 v3, v4  }
0x110: {  	v4 =	vperm.xlane v3, v0;
	_ =	sdelay $0x1  }
0x111: {  	v3 =	vperm.xlane v3, v2;
	v4 =	vadd.s32 v1, v4;
	_ =	sdelay $0x1  }
0x112: {  	v3 =	vadd.s32 v1, v3;
	_ =	sdelay $0x2  }
0x113: {  	[tilespmem:s21], [sflag:$0x1] =	stream.indirect_vreg.gather [hbm4b:s3+s2], $0x80, v4, vm0, $0xb8;
	[tilespmem:$0x10C00] =	vst v63  }
0x114: {  	_ = 	snop  }
0x115: {  	[tilespmem:s22], [sflag:$0x1] =	stream.indirect_vreg.gather [hbm4b:s3+s2], $0x80, v3, vm0, $0xb8;
	[tilespmem:$0x10C00] =	vst v63  }
0x116: {  	v3 =	vld [tilespmem:s18+$0xFFFFFF80];
	_ =	sdelay $0x4  }
0x117: {  	v63 =	vshll.u32 v3, $0x1  }
0x118: {  	v3 =	vand.u32 $0x7, v3;
	v4 =	vand.u32 $0xFFFFFFF0, v63  }
0x119: {  	v3 =	vor.u32 v3, v4  }
0x11a: {  	v4 =	vperm.xlane v3, v0;
	_ =	sdelay $0x1  }
0x11b: {  	v3 =	vperm.xlane v3, v2;
	v4 =	vadd.s32 v1, v4;
	_ =	sdelay $0x1  }
0x11c: {  	v3 =	vadd.s32 v1, v3;
	_ =	sdelay $0x2  }
0x11d: {  	[tilespmem:s23], [sflag:$0x1] =	stream.indirect_vreg.gather [hbm4b:s3+s2], $0x80, v4, vm0, $0xb8;
	[tilespmem:$0x10C00] =	vst v63  }
0x11e: {  	_ = 	snop  }
0x11f: {  	[tilespmem:s24], [sflag:$0x1] =	stream.indirect_vreg.gather [hbm4b:s3+s2], $0x80, v3, vm0, $0xb8;
	[tilespmem:$0x10C00] =	vst v63  }
.LBB2_4:
0x120: {  	_ =	swait.ge [sflag:s17], $0x8000  }
0x121: {  	[sflag:s17] =	ssyncset.done $0x0  }
.Ltmp3:
0x122: {  	s20 =	sadd.s32 s19, s6;
	[sflag:s17] =	ssyncadd.s32 $0xFFFF8000;
	(pc) =	sbr.rel @p0 .LBB2_6-.Ltmp3, $4  }
0x123: {  	[hbm4b:s20+s2] =	stream.linear.scatter [tilespmem:s25], [sflag:$0x3], $0x8000, $0x38;
	[tilespmem:$0x10C00] =	vst v63  }
0x124: {  	_ =	swait.ge [sflag:s8], $0x8000  }
0x125: {  	[sflag:s8] =	ssyncset.done $0x0  }
0x126: {  	[sflag:s8] =	ssyncadd.s32 $0xFFFF8000  }
0x127: {  	v3 =	vld [tilespmem:s18+$0xFFFFFF90];
	_ =	sdelay $0x4  }
0x128: {  	v4 =	vshll.u32 v3, $0x1  }
0x129: {  	v3 =	vand.u32 $0x7, v3;
	v4 =	vand.u32 $0xFFFFFFF0, v4  }
0x12a: {  	v3 =	vor.u32 v3, v4  }
0x12b: {  	v4 =	vperm.xlane v3, v0;
	_ =	sdelay $0x1  }
0x12c: {  	v3 =	vperm.xlane v3, v2;
	v4 =	vadd.s32 v1, v4;
	_ =	sdelay $0x1  }
0x12d: {  	v3 =	vadd.s32 v1, v3;
	_ =	sdelay $0x2  }
0x12e: {  	[tilespmem:s25], [sflag:$0x2] =	stream.indirect_vreg.gather [hbm4b:s3+s2], $0x80, v4, vm0, $0xb8;
	[tilespmem:$0x10C00] =	vst v63  }
0x12f: {  	_ = 	snop  }
0x130: {  	[tilespmem:s26], [sflag:$0x2] =	stream.indirect_vreg.gather [hbm4b:s3+s2], $0x80, v3, vm0, $0xb8;
	[tilespmem:$0x10C00] =	vst v63  }
0x131: {  	v3 =	vld [tilespmem:s18+$0xFFFFFFA0];
	_ =	sdelay $0x4  }
0x132: {  	v57 =	vshll.u32 v3, $0x1  }
0x133: {  	v3 =	vand.u32 $0x7, v3;
	v4 =	vand.u32 $0xFFFFFFF0, v57  }
0x134: {  	v3 =	vor.u32 v3, v4  }
0x135: {  	v4 =	vperm.xlane v3, v0;
	_ =	sdelay $0x1  }
0x136: {  	v3 =	vperm.xlane v3, v2;
	v4 =	vadd.s32 v1, v4;
	_ =	sdelay $0x1  }
0x137: {  	v3 =	vadd.s32 v1, v3;
	_ =	sdelay $0x2  }
0x138: {  	[tilespmem:s28], [sflag:$0x2] =	stream.indirect_vreg.gather [hbm4b:s3+s2], $0x80, v4, vm0, $0xb8;
	[tilespmem:$0x10C00] =	vst v63  }
0x139: {  	_ = 	snop  }
0x13a: {  	[tilespmem:s29], [sflag:$0x2] =	stream.indirect_vreg.gather [hbm4b:s3+s2], $0x80, v3, vm0, $0xb8;
	[tilespmem:$0x10C00] =	vst v63  }
0x13b: {  	v3 =	vld [tilespmem:s18+$0xFFFFFFB0];
	_ =	sdelay $0x4  }
0x13c: {  	v58 =	vshll.u32 v3, $0x1  }
0x13d: {  	v3 =	vand.u32 $0x7, v3;
	v4 =	vand.u32 $0xFFFFFFF0, v58  }
0x13e: {  	v3 =	vor.u32 v3, v4  }
0x13f: {  	v4 =	vperm.xlane v3, v0;
	_ =	sdelay $0x1  }
0x140: {  	v3 =	vperm.xlane v3, v2;
	v4 =	vadd.s32 v1, v4;
	_ =	sdelay $0x1  }
0x141: {  	v3 =	vadd.s32 v1, v3;
	_ =	sdelay $0x2  }
0x142: {  	[tilespmem:s30], [sflag:$0x2] =	stream.indirect_vreg.gather [hbm4b:s3+s2], $0x80, v4, vm0, $0xb8;
	[tilespmem:$0x10C00] =	vst v63  }
0x143: {  	_ = 	snop  }
0x144: {  	[tilespmem:s31], [sflag:$0x2] =	stream.indirect_vreg.gather [hbm4b:s3+s2], $0x80, v3, vm0, $0xb8;
	[tilespmem:$0x10C00] =	vst v63  }
0x145: {  	v3 =	vld [tilespmem:s18+$0xFFFFFFC0];
	_ =	sdelay $0x4  }
0x146: {  	v59 =	vshll.u32 v3, $0x1  }
0x147: {  	v3 =	vand.u32 $0x7, v3;
	v4 =	vand.u32 $0xFFFFFFF0, v59  }
0x148: {  	v3 =	vor.u32 v3, v4  }
0x149: {  	v4 =	vperm.xlane v3, v0;
	_ =	sdelay $0x1  }
0x14a: {  	v3 =	vperm.xlane v3, v2;
	v4 =	vadd.s32 v1, v4;
	_ =	sdelay $0x1  }
0x14b: {  	v3 =	vadd.s32 v1, v3;
	_ =	sdelay $0x2  }
0x14c: {  	[tilespmem:s1], [sflag:$0x2] =	stream.indirect_vreg.gather [hbm4b:s3+s2], $0x80, v4, vm0, $0xb8;
	[tilespmem:$0x10C00] =	vst v63  }
0x14d: {  	_ = 	snop  }
0x14e: {  	[tilespmem:s0], [sflag:$0x2] =	stream.indirect_vreg.gather [hbm4b:s3+s2], $0x80, v3, vm0, $0xb8;
	[tilespmem:$0x10C00] =	vst v63  }
0x14f: {  	v3 =	vld [tilespmem:s18+$0xFFFFFFD0];
	_ =	sdelay $0x4  }
0x150: {  	v60 =	vshll.u32 v3, $0x1  }
0x151: {  	v3 =	vand.u32 $0x7, v3;
	v4 =	vand.u32 $0xFFFFFFF0, v60  }
0x152: {  	v3 =	vor.u32 v3, v4  }
0x153: {  	v4 =	vperm.xlane v3, v0;
	_ =	sdelay $0x1  }
0x154: {  	v3 =	vperm.xlane v3, v2;
	v4 =	vadd.s32 v1, v4;
	_ =	sdelay $0x1  }
0x155: {  	v3 =	vadd.s32 v1, v3;
	_ =	sdelay $0x2  }
0x156: {  	[tilespmem:s4], [sflag:$0x2] =	stream.indirect_vreg.gather [hbm4b:s3+s2], $0x80, v4, vm0, $0xb8;
	[tilespmem:$0x10C00] =	vst v63  }
0x157: {  	_ = 	snop  }
0x158: {  	[tilespmem:s5], [sflag:$0x2] =	stream.indirect_vreg.gather [hbm4b:s3+s2], $0x80, v3, vm0, $0xb8;
	[tilespmem:$0x10C00] =	vst v63  }
0x159: {  	v3 =	vld [tilespmem:s18+$0xFFFFFFE0];
	_ =	sdelay $0x4  }
0x15a: {  	v61 =	vshll.u32 v3, $0x1  }
0x15b: {  	v3 =	vand.u32 $0x7, v3;
	v4 =	vand.u32 $0xFFFFFFF0, v61  }
0x15c: {  	v3 =	vor.u32 v3, v4  }
0x15d: {  	v4 =	vperm.xlane v3, v0;
	_ =	sdelay $0x1  }
0x15e: {  	v3 =	vperm.xlane v3, v2;
	v4 =	vadd.s32 v1, v4;
	_ =	sdelay $0x1  }
0x15f: {  	v3 =	vadd.s32 v1, v3;
	_ =	sdelay $0x2  }
0x160: {  	[tilespmem:s10], [sflag:$0x2] =	stream.indirect_vreg.gather [hbm4b:s3+s2], $0x80, v4, vm0, $0xb8;
	[tilespmem:$0x10C00] =	vst v63  }
0x161: {  	_ = 	snop  }
0x162: {  	[tilespmem:s11], [sflag:$0x2] =	stream.indirect_vreg.gather [hbm4b:s3+s2], $0x80, v3, vm0, $0xb8;
	[tilespmem:$0x10C00] =	vst v63  }
0x163: {  	v3 =	vld [tilespmem:s18+$0xFFFFFFF0];
	_ =	sdelay $0x4  }
0x164: {  	v62 =	vshll.u32 v3, $0x1  }
0x165: {  	v3 =	vand.u32 $0x7, v3;
	v4 =	vand.u32 $0xFFFFFFF0, v62  }
0x166: {  	v3 =	vor.u32 v3, v4  }
0x167: {  	v4 =	vperm.xlane v3, v0;
	_ =	sdelay $0x1  }
0x168: {  	v3 =	vperm.xlane v3, v2;
	v4 =	vadd.s32 v1, v4;
	_ =	sdelay $0x1  }
0x169: {  	v3 =	vadd.s32 v1, v3;
	_ =	sdelay $0x2  }
0x16a: {  	[tilespmem:s12], [sflag:$0x2] =	stream.indirect_vreg.gather [hbm4b:s3+s2], $0x80, v4, vm0, $0xb8;
	[tilespmem:$0x10C00] =	vst v63  }
0x16b: {  	_ = 	snop  }
0x16c: {  	[tilespmem:s13], [sflag:$0x2] =	stream.indirect_vreg.gather [hbm4b:s3+s2], $0x80, v3, vm0, $0xb8;
	[tilespmem:$0x10C00] =	vst v63  }
0x16d: {  	v3 =	vld [tilespmem:s18+$0x0];
	_ =	sdelay $0x4  }
0x16e: {  	v63 =	vshll.u32 v3, $0x1  }
0x16f: {  	v3 =	vand.u32 $0x7, v3;
	v4 =	vand.u32 $0xFFFFFFF0, v63  }
0x170: {  	v3 =	vor.u32 v3, v4  }
0x171: {  	v4 =	vperm.xlane v3, v0;
	_ =	sdelay $0x1  }
0x172: {  	v3 =	vperm.xlane v3, v2;
	v4 =	vadd.s32 v1, v4;
	_ =	sdelay $0x1  }
0x173: {  	v3 =	vadd.s32 v1, v3  }
.Ltmp4:
0x174: {  	_ = 	snop;
	(pc) =	sbr.rel .LBB2_2-.Ltmp4, $4  }
0x175: {  	_ = 	snop  }
0x176: {  	[tilespmem:s14], [sflag:$0x2] =	stream.indirect_vreg.gather [hbm4b:s3+s2], $0x80, v4, vm0, $0xb8;
	[tilespmem:$0x10C00] =	vst v63  }
0x177: {  	s19 =	sadd.s32 $0x2000, s19;
	s18 =	sadd.s32 $0x100, s18  }
0x178: {  	[tilespmem:s15], [sflag:$0x2] =	stream.indirect_vreg.gather [hbm4b:s3+s2], $0x80, v3, vm0, $0xb8;
	[tilespmem:$0x10C00] =	vst v63  }
.LBB2_7:
0x179: {  	_ =	sfence.sel $0x180000  }
0x17a: {  	[bflag:$0x0] =	sbarrier.arrive $0xFFFF  }
0x17b: {  	_ =	strace $0x9000004A  }
0x17c: {  	s0 =	stileid.u32;
	[bflag:$0x2] =	sbarrier.arrive $0xFFFF  }
0x17d: {  	p0 =	sne.s32 s0, $0x0;
	s0 =	rddreg [dreg:$0x1]  }
0x17e: {  	s0 =	sadd.s32 @!p0 $0x100000, s0  }
0x17f: {  	[sflag:s0] =	ssyncadd.tile.s32 @!p0 $0x1;
	_ =	shalt  }
.Lfunc_end2:
_tile_overlayer_lowered:
.L_overlay_start_2:
0x180: {  	(tag) =	ssettag $0x2  }
0x181: {  	s0 =	rddreg [dreg:$0x0];
	s2 =	stileid.u32  }
0x182: {  	s1 =	rddreg [dreg:$0x1];
	p0 =	sne.s32 s2, $0x0  }
0x183: {  	s3 =	rddreg [dreg:$0x2];
	[bflag:$0x3] =	sbarrier.arrive $0xFFFF;
	s2 =	simm.s32 @!p0 $0x1C03  }
0x184: {  	[timem:s3], [sflag:s2] =	dma.local @!p0 [hbm:s0], s1  }
0x185: {  	s0 =	simm.s32 @!p0 $0x3  }
0x186: {  	_ =	swait.ge @!p0 [sflag:s0], s1  }
0x187: {  	s1 =	ssub.s32 @!p0 $0x0, s1;
	[sflag:s0] =	ssyncset.done @!p0 $0x0  }
0x188: {  	[sflag:s0] =	ssyncadd.s32 @!p0 s1  }
0x189: {  	[bflag:$0x3] =	sbarrier.arrive $0xFFFF  }
0x18a: {  	_ =	shalt  }

// kernel: kernel.21.cloned.1.call-start
scs
__scs_entry_jumppad:
0x0: {  	(pc) =	sbr.rel $0x88, $3  }
0x1: {  	(tag) =	ssettag $0x0;
	lr =	simm.s32 $0x1  }
0x2: {  	[smem:$0x3F9E] =	sst lr;
	_ =	strace $0xD0000000  }
0x3: {  	_ = 	snop  }
0x4: {  	_ = 	snop  }
0x5: {  	_ = 	snop  }
0x6: {  	_ = 	snop  }
0x7: {  	_ = 	snop  }
__scs_overlays_trampoline_lowered:
0x8: {  	[smem:$0x3FAD] =	sst s0  }
0x9: {  	[smem:$0x3FAE] =	sst s1  }
0xa: {  	[smem:$0x3FAF] =	sst s2  }
0xb: {  	[smem:$0x3FB0] =	sst s3  }
0xc: {  	[smem:$0x3FB1] =	sst s4  }
0xd: {  	[smem:$0x3FB2] =	sst s5  }
0xe: {  	[smem:$0x3FB3] =	sst s6  }
0xf: {  	[smem:$0x3FB4] =	sst s7  }
0x10: {  	[smem:$0x3FB5] =	sst s8  }
0x11: {  	[smem:$0x3FB6] =	sst s9;
	s0 =	simm.s32 @!p0 $0x0  }
0x12: {  	s1 =	sld [smem:$0x3F9C];
	s0 =	simm.s32 @p0 $0x1  }
0x13: {  	[smem:$0x3FB7] =	sst s0;
	s0 =	simm.s32 @!p1 $0x0  }
0x14: {  	s2 =	sld [smem:$0x3F9B];
	s0 =	simm.s32 @p1 $0x1  }
0x15: {  	[smem:$0x3FB8] =	sst s0;
	s0 =	simm.s32 @!p2 $0x0  }
0x16: {  	s3 =	sld [smem:$0x3FDB];
	s0 =	simm.s32 @p2 $0x1  }
0x17: {  	s4 =	simm.s32 $0x1BF5;
	[smem:$0x3FBA] =	sst s0  }
0x18: {  	s0 =	sld [smem:$0x3F9D];
	_ =	swait.ge [sflag:s4], $0x0  }
0x19: {  	s7 =	sld [smem:$0x3F9E]  }
0x1a: {  	s8 =	sadd.s32 $0xFFFFE003, lr  }
0x1b: {  	s9 =	sadd.s32 $0xFFFFFEF7, lr;
	s5 =	simm.s32 $0xFFFFFFFF;
	p2 =	slt.u32 s8, $0xFFFFF086  }
0x1c: {  	p1 =	slt.u32 s9, $0xF7A;
	s5 =	simm.s32 @!p2 $0x0  }
0x1d: {  	s5 =	simm.s32 @p1 $0x1;
	p0 =	seq.s32 s7, s2  }
0x1e: {  	s7 =	smul.u32 @!p0 $0xF7A, s2;
	p2 =	seq.s32 @!p0 s5, $0x0  }
0x1f: {  	s9 =	smul.u32 $0xF7A, s1;
	s8 =	simm.s32 @!p0 $0x1BF5;
	p2 =	por !p2, p0  }
0x20: {  	[sflag:s8] =	ssyncset.s32 @!p0 $0xFFFFF086;
	s6 =	sadd.s32 @!p0 s3, s7;
	s7 =	simm.s32 @!p0 $0x108  }
0x21: {  	s3 =	sadd.s32 s3, s9;
	s6 =	sadd.s32 @!p0 $0x88, s6;
	s7 =	simm.s32 @p2 $0x1082  }
0x22: {  	[simem:s7], [sflag:s8] =	dma.local @!p0 [hbm:s6], $0xF7A  }
0x23: {  	s9 =	sor.u32 $0xD0000000, s2;
	s6 =	simm.s32 $0x108;
	_ =	swait.ge @!p0 [sflag:s8], $0x0  }
0x24: {  	s3 =	sadd.s32 $0x88, s3;
	s6 =	simm.s32 @!p1 $0x1082;
	[sflag:s4] =	ssyncset.s32 $0xFFFFF086  }
0x25: {  	[simem:s6], [sflag:s4] =	dma.local [hbm:s3], $0xF7A  }
0x26: {  	[smem:$0x3F9E] =	sst s1;
	(tag) =	ssettag s2;
	_ =	strace s9  }
0x27: {  	s1 =	sld [smem:$0x3FAE]  }
0x28: {  	s2 =	sld [smem:$0x3FAF]  }
0x29: {  	s4 =	sld [smem:$0x3FB1]  }
0x2a: {  	p0 =	seq.s32 s5, $0x0;
	s5 =	sld [smem:$0x3FB2]  }
0x2b: {  	s6 =	sld [smem:$0x3FB3]  }
0x2c: {  	s7 =	sld [smem:$0x3FB4]  }
0x2d: {  	s3 =	simm.s32 $0x108;
	s8 =	sld [smem:$0x3FB5]  }
0x2e: {  	s3 =	simm.s32 @!p0 $0x1082;
	s9 =	sld [smem:$0x3FB6]  }
0x2f: {  	lr =	sadd.s32 s0, s3;
	s0 =	sld [smem:$0x3FAD]  }
0x30: {  	s3 =	sld [smem:$0x3FB0]  }
0x31: {  	[smem:$0x3FB9] =	sst s10  }
0x32: {  	s10 =	sld [smem:$0x3FB7];
	_ =	sdelay $0x3  }
0x33: {  	p0 =	seq.s32 s10, $0x1;
	s10 =	sld [smem:$0x3FB9];
	_ =	sdelay $0x3  }
0x34: {  	[smem:$0x3FB9] =	sst s10  }
0x35: {  	s10 =	sld [smem:$0x3FB8];
	_ =	sdelay $0x3  }
0x36: {  	p1 =	seq.s32 s10, $0x1;
	s10 =	sld [smem:$0x3FB9];
	_ =	sdelay $0x3  }
0x37: {  	[smem:$0x3FB9] =	sst s10  }
0x38: {  	s10 =	sld [smem:$0x3FBA]  }
0x39: {  	_ = 	snop;
	(pc) =	sbr.ind lr, $3  }
0x3a: {  	_ = 	snop  }
0x3b: {  	_ = 	snop  }
0x3c: {  	p2 =	seq.s32 s10, $0x1;
	s10 =	sld [smem:$0x3FB9]  }
0x3d: {  	_ =	shalt  }
0x3e: {  	_ =	shalt  }
0x3f: {  	_ =	shalt  }
0x40: {  	_ =	shalt  }
0x41: {  	_ =	shalt  }
0x42: {  	_ =	shalt  }
0x43: {  	_ =	shalt  }
0x44: {  	_ =	shalt  }
0x45: {  	_ =	shalt  }
0x46: {  	_ =	shalt  }
0x47: {  	_ =	shalt  }
0x48: {  	_ =	shalt  }
0x49: {  	_ =	shalt  }
0x4a: {  	_ =	shalt  }
0x4b: {  	_ =	shalt  }
0x4c: {  	_ =	shalt  }
0x4d: {  	_ =	shalt  }
0x4e: {  	_ =	shalt  }
0x4f: {  	_ =	shalt  }
0x50: {  	_ =	shalt  }
0x51: {  	_ =	shalt  }
0x52: {  	_ =	shalt  }
0x53: {  	_ =	shalt  }
0x54: {  	_ =	shalt  }
0x55: {  	_ =	shalt  }
0x56: {  	_ =	shalt  }
0x57: {  	_ =	shalt  }
0x58: {  	_ =	shalt  }
0x59: {  	_ =	shalt  }
0x5a: {  	_ =	shalt  }
0x5b: {  	_ =	shalt  }
0x5c: {  	_ =	shalt  }
0x5d: {  	_ =	shalt  }
0x5e: {  	_ =	shalt  }
0x5f: {  	_ =	shalt  }
0x60: {  	_ =	shalt  }
0x61: {  	_ =	shalt  }
0x62: {  	_ =	shalt  }
0x63: {  	_ =	shalt  }
0x64: {  	_ =	shalt  }
0x65: {  	_ =	shalt  }
0x66: {  	_ =	shalt  }
0x67: {  	_ =	shalt  }
0x68: {  	_ =	shalt  }
0x69: {  	_ =	shalt  }
0x6a: {  	_ =	shalt  }
0x6b: {  	_ =	shalt  }
0x6c: {  	_ =	shalt  }
0x6d: {  	_ =	shalt  }
0x6e: {  	_ =	shalt  }
0x6f: {  	_ =	shalt  }
0x70: {  	_ =	shalt  }
0x71: {  	_ =	shalt  }
0x72: {  	_ =	shalt  }
0x73: {  	_ =	shalt  }
0x74: {  	_ =	shalt  }
0x75: {  	_ =	shalt  }
0x76: {  	_ =	shalt  }
0x77: {  	_ =	shalt  }
0x78: {  	_ =	shalt  }
0x79: {  	_ =	shalt  }
0x7a: {  	_ =	shalt  }
0x7b: {  	_ =	shalt  }
0x7c: {  	_ =	shalt  }
0x7d: {  	_ =	shalt  }
0x7e: {  	_ =	shalt  }
0x7f: {  	_ =	shalt  }
0x80: {  	_ =	shalt  }
0x81: {  	_ =	shalt  }
0x82: {  	_ =	shalt  }
0x83: {  	_ =	shalt  }
0x84: {  	_ =	shalt  }
0x85: {  	_ =	shalt  }
0x86: {  	_ =	shalt  }
0x87: {  	_ =	shalt  }
.Lfunc_end0:
.L_simem_size_0:
called_computation.2_lowered:
.L_overlay_start_0:
0x88: {  	s2 =	sld [smem:$0x3FD9]  }
0x89: {  	s3 =	sld [smem:$0x3FFE];
	_ =	sdelay $0x1  }
0x8a: {  	s1 =	srdreg.scid  }
0x8b: {  	s0 =	sand.u32 $0x1, s1  }
0x8c: {  	s17 =	sshll.u32 s0, $0xA;
	s2 =	sadd.s32 s3, s2  }
0x8d: {  	s2 =	sadd.s32 s2, s17  }
0x8e: {  	[smem:$0x3FC5] =	sst s2  }
0x8f: {  	_ = 	snop  }
0x90: {  	(tm) =	ssettm $0x1  }
0x91: {  	s18 =	sld [smem:$0x3FFB];
	_ =	sdelay $0x3  }
0x92: {  	_ =	strace s18  }
0x93: {  	s2 =	sld [smem:$0x3FFC];
	_ =	sdelay $0x3  }
0x94: {  	_ =	strace s2  }
0x95: {  	s2 =	sld [smem:$0x3FFD];
	_ =	sdelay $0x3  }
0x96: {  	_ =	strace s2  }
0x97: {  	_ =	strace $0x8FFFFFFF  }
0x98: {  	s19 =	sld [smem:$0x3FDB];
	_ =	sdelay $0x1  }
0x99: {  	s20 =	simm.s32 $_scs_section_size  }
0x9a: {  	s4 =	simm.s32 $_size__tile_overlayer_lowered;
	s5 =	simm.s32 $_tile_overlayer_lowered  }
0x9b: {  	s6 =	simm.s32 $0x1BFF;
	s21 =	sshll.u32 s5, $0x1;
	s3 =	sadd.s32 s20, s19  }
0x9c: {  	s22 =	simm.s32 $0x0;
	s4 =	sshll.u32 s4, $0x1;
	s5 =	sadd.s32 s21, s3  }
0x9d: {  	[timem:s22], [sflag:s6] =	dma.local [hbm:s5], s4  }
0x9e: {  	_ =	swait.ge [sflag:s6], s4  }
0x9f: {  	s4 =	ssub.s32 $0x0, s4;
	[sflag:s6] =	ssyncset.done $0x0  }
0xa0: {  	[sflag:s6] =	ssyncadd.s32 s4;
	_ =	sdelay $0x1  }
0xa1: {  	s23 =	simm.s32 $0x1B8B  }
0xa2: {  	_ =	swait.ge [sflag:s23], $0x1  }
0xa3: {  	[sflag:s23] =	ssyncset.done $0x0  }
0xa4: {  	[sflag:s23] =	ssyncadd.s32 $0xFFFFFFFF  }
0xa5: {  	s4 =	sld [smem:$0x0]  }
0xa6: {  	s5 =	sand.u32 $0xFFFFFFFE, s1  }
0xa7: {  	p0 =	sne.s32 s1, s5  }
0xa8: {  	s5 =	sshll.u32 @p0 s5, $0xE  }
0xa9: {  	s5 =	sadd.s32 @p0 $0x11B8D, s5;
	s6 =	sshll.u32 @p0 s4, $0x11  }
0xaa: {  	s5 =	sor.u32 @p0 s6, s5  }
0xab: {  	[sflag:s5] =	ssyncadd.remote.s32 @p0 $0x1;
	_ =	sdelay $0x1  }
0xac: {  	s5 =	simm.s32 @p0 $0x1B8D  }
0xad: {  	_ =	swait.eq @p0 [sflag:s5], $0x1  }
0xae: {  	[sflag:s5] =	ssyncadd.s32 @p0 $0xFFFFFFFF  }
0xaf: {  	s6 =	sshll.u32 @!p0 s1, $0xE  }
0xb0: {  	s6 =	sor.u32 @!p0 $0x4000, s6;
	s5 =	simm.s32 @!p0 $0x1B8D  }
0xb1: {  	s4 =	sshll.u32 @!p0 s4, $0x11;
	s6 =	sadd.s32 @!p0 $0x11B8D, s6;
	_ =	swait.eq @!p0 [sflag:s5], $0x1  }
0xb2: {  	s4 =	sor.u32 @!p0 s4, s6;
	[sflag:s5] =	ssyncadd.s32 @!p0 $0xFFFFFFFF  }
0xb3: {  	s25 =	simm.s32 $0x1B8E;
	s24 =	sld [smem:$0x3FFE];
	[sflag:s4] =	ssyncadd.remote.s32 @!p0 $0x1  }
0xb4: {  	s26 =	simm.s32 $execute0_lowered;
	[smem:$0x3FD2] =	sst s25  }
0xb5: {  	s5 =	sshll.u32 s26, $0x1;
	_ =	strace $0x8000004C;
	[dreg:$0x1] =	wrdreg $0xFFFFFFFF  }
0xb6: {  	s28 =	simm.s32 $_size_execute0_lowered;
	s3 =	sadd.s32 s3, s5;
	[dreg:$0x0] =	wrdreg $0x0  }
0xb7: {  	s5 =	sshll.u32 s28, $0x1;
	[dreg:$0x2] =	wrdreg s3  }
0xb8: {  	[dreg:$0x3] =	wrdreg s5  }
0xb9: {  	[dreg:$0x4] =	wrdreg $0xC0  }
0xba: {  	_ =	task [dreg:s22], $0x5FFFF  }
0xbb: {  	[dreg:$0x1] =	wrdreg $0xFFFFFFFF  }
0xbc: {  	[dreg:$0x0] =	wrdreg $0x60  }
0xbd: {  	[dreg:$0x2] =	wrdreg s24  }
0xbe: {  	[dreg:$0x3] =	wrdreg $0xB  }
0xbf: {  	_ =	task.clear_ibuf [dreg:s22], $0x4FFFF;
	_ =	strace $0x9000004C  }
0xc0: {  	s29 =	simm.s32 $0xB;
	_ =	strace $0x8000004E  }
0xc1: {  	_ =	swait.ge [sflag:s29], $0x1  }
0xc2: {  	[sflag:s29] =	ssyncadd.s32 $0xFFFFFFFF  }
0xc3: {  	_ =	strace $0x9000004E  }
0xc4: {  	_ =	sfence  }
0xc5: {  	s30 =	sld [smem:$0x0];
	_ =	sdelay $0x2  }
0xc6: {  	s31 =	sshll.u32 s1, $0xD;
	s1 =	sshrl.u32 s1, $0x2  }
0xc7: {  	s4 =	sand.u32 $0x4000, s31;
	s1 =	sadd.s32 s1, s30  }
0xc8: {  	s0 =	sor.u32 s4, s0;
	s1 =	sshll.u32 s1, $0x11  }
0xc9: {  	s0 =	sor.u32 s1, s0  }
0xca: {  	s0 =	sadd.s32 $0x8F2B, s0  }
0xcb: {  	[sflag:s0] =	ssyncadd.remote.s32 $0x1  }
0xcc: {  	_ =	sfence.sel $0xFFFF  }
0xcd: {  	[dreg:$0x0] =	wrdreg $0xFFFFFFFF;
	(pc) =	sbr.abs _section_cstart, $3  }
0xce: {  	[dreg:$0x1] =	wrdreg $0xFFFFFFFF  }
0xcf: {  	_ =	task.clear_ibuf [dreg:s22], $0x2FFFF;
	_ =	strace $0x9FFFFFFF  }
0xd0: {  	(tm) =	ssettm $0x7FFFFFFF  }
0xd1: {  	_ =	shalt  }
tec
execute0_lowered:
.L_overlay_start_1:
0x0: {  	(tag) =	ssettag $0x1  }
0x1: {  	s0 =	srdreg.scid;
	s6 =	stileid.u32  }
0x2: {  	s4 =	rddreg [dreg:$0x0];
	s2 =	simm.s32 $0x0;
	s21 =	simm.s32 $0x7800  }
0x3: {  	s22 =	simm.s32 $0x8000;
	s23 =	simm.s32 $0x8800;
	s24 =	simm.s32 $0x9000  }
0x4: {  	s28 =	simm.s32 $0xA800;
	s29 =	simm.s32 $0xB000;
	s30 =	simm.s32 $0xB800  }
0x5: {  	s31 =	simm.s32 $0xC000;
	s10 =	simm.s32 $0xE800;
	s11 =	simm.s32 $0xF000  }
0x6: {  	s12 =	simm.s32 $0xF800;
	s13 =	simm.s32 $0x10000;
	s14 =	simm.s32 $0x10800  }
0x7: {  	s15 =	simm.s32 $0x11000;
	s16 =	simm.s32 $0x1;
	s17 =	simm.s32 $0x2  }
0x8: {  	s19 =	simm.s32 $0x0;
	s0 =	sand.u32 $0x1, s0;
	s5 =	smul.u32 $0x60000, s6  }
0x9: {  	s1 =	sshll.u32 s6, $0x1;
	[smem:$0x7FF] =	sst s2;
	s6 =	smul.u32 $0x300000, s6  }
0xa: {  	s3 =	sadd.s32 $0x2C00, s4;
	s7 =	ssub.s32 $0x2, s0;
	s8 =	smul.u32 $0x180000, s0  }
0xb: {  	s1 =	sor.u32 s0, s1;
	s0 =	smul.u32 $0x30000, s0;
	s9 =	sshrl.u32 s7, $0x1  }
0xc: {  	_ =	strace $0x8000004D;
	s1 =	smul.u32 $0x300, s1;
	s7 =	ssub.s32 s7, s9  }
0xd: {  	s6 =	sadd.s32 s8, s6;
	s8 =	simm.s32 $0x3;
	s9 =	simm.s32 $0x1800  }
0xe: {  	s1 =	sadd.s32 s1, s4;
	s4 =	sadd.s32 $0x719000, s4;
	s25 =	sshrl.u32 s6, $0x3  }
.Ltmp0:
0xf: {  	s26 =	smax.u32 s7, $0x1;
	s5 =	sadd.s32 s5, s4;
	(pc) =	sbr.rel .LBB2_1-.Ltmp0, $4  }
0x10: {  	s1 =	sadd.s32 $0x713000, s1;
	[dreg:$0x3] =	wrdreg s26;
	s7 =	sadd.s32 s25, s4  }
0x11: {  	v2 =	vlaneseq.u32;
	s25 =	simm.s32 $0x9800;
	s26 =	simm.s32 $0xA000;
	s4 =	simm.s32 $0xD800  }
0x12: {  	vm0 =	vmmov $0xffff;
	v1 =	vshrl.u32 v2, $0x3;
	[dreg:$0x2] =	wrdreg s1;
	s0 =	sadd.s32 s0, s5;
	s1 =	simm.s32 $0xC800  }
0x13: {  	v0 =	vand.u32 $0x7, v2;
	v2 =	vor.u32 $0x8, v2;
	v1 =	vmul.u32 $0x8, v1;
	s5 =	simm.s32 $0xE000;
	s6 =	sadd.s32 $0x1000, s0;
	s0 =	simm.s32 $0xD000  }
.LBB2_6:
0x14: {  	s19 =	rddreg [dreg:$0x4]  }
0x15: {  	s18 =	rddreg [dreg:$0x3];
	s19 =	sadd.s32 $0x1, s19  }
0x16: {  	p0 =	sne.s32 s19, s18  }
.Ltmp1:
0x17: {  	_ = 	snop;
	(pc) =	sbr.rel @!p0 .LBB2_7-.Ltmp1, $1  }
0x18: {  	_ =	sdelay $0x3  }
.LBB2_1:
0x19: {  	[dreg:$0x4] =	wrdreg s19  }
0x1a: {  	s18 =	rddreg [dreg:$0x2]  }
0x1b: {  	[tilespmem:s2], [sflag:$0x3] =	stream.linear.gather [hbm4b:s18+s2], $0x1800, $0x38;
	[tilespmem:$0x11800] =	vst v63  }
0x1c: {  	_ =	swait.ge [sflag:s8], $0x1800  }
0x1d: {  	[sflag:s8] =	ssyncset.done $0x0  }
0x1e: {  	[sflag:s8] =	ssyncadd.s32 $0xFFFFE800  }
0x1f: {  	v3 =	vld [tilespmem:$0x0];
	_ =	sdelay $0x4  }
0x20: {  	v4 =	vshll.u32 v3, $0x1  }
0x21: {  	v3 =	vand.u32 $0x7, v3;
	v4 =	vand.u32 $0xFFFFFFF0, v4  }
0x22: {  	v3 =	vor.u32 v3, v4  }
0x23: {  	v4 =	vperm.xlane v3, v0;
	_ =	sdelay $0x1  }
0x24: {  	v3 =	vperm.xlane v3, v2;
	v4 =	vadd.s32 v1, v4;
	_ =	sdelay $0x1  }
0x25: {  	v3 =	vadd.s32 v1, v3;
	_ =	sdelay $0x2  }
0x26: {  	[tilespmem:s9], [sflag:$0x1] =	stream.indirect_vreg.gather [hbm4b:s3+s2], $0x80, v4, vm0, $0xb8;
	[tilespmem:$0x11800] =	vst v63  }
0x27: {  	s20 =	simm.s32 $0x2000  }
0x28: {  	[tilespmem:s20], [sflag:$0x1] =	stream.indirect_vreg.gather [hbm4b:s3+s2], $0x80, v3, vm0, $0xb8;
	[tilespmem:$0x11800] =	vst v63  }
0x29: {  	v3 =	vld [tilespmem:$0x10];
	_ =	sdelay $0x4  }
0x2a: {  	v49 =	vshll.u32 v3, $0x1  }
0x2b: {  	v3 =	vand.u32 $0x7, v3;
	v4 =	vand.u32 $0xFFFFFFF0, v49  }
0x2c: {  	v3 =	vor.u32 v3, v4  }
0x2d: {  	v4 =	vperm.xlane v3, v0;
	_ =	sdelay $0x1  }
0x2e: {  	v3 =	vperm.xlane v3, v2;
	v4 =	vadd.s32 v1, v4;
	_ =	sdelay $0x1  }
0x2f: {  	v3 =	vadd.s32 v1, v3;
	_ =	sdelay $0x1  }
0x30: {  	s19 =	simm.s32 $0x2800  }
0x31: {  	[tilespmem:s19], [sflag:$0x1] =	stream.indirect_vreg.gather [hbm4b:s3+s2], $0x80, v4, vm0, $0xb8;
	[tilespmem:$0x11800] =	vst v63  }
0x32: {  	s20 =	simm.s32 $0x3000  }
0x33: {  	[tilespmem:s20], [sflag:$0x1] =	stream.indirect_vreg.gather [hbm4b:s3+s2], $0x80, v3, vm0, $0xb8;
	[tilespmem:$0x11800] =	vst v63  }
0x34: {  	v3 =	vld [tilespmem:$0x20];
	_ =	sdelay $0x4  }
0x35: {  	v50 =	vshll.u32 v3, $0x1  }
0x36: {  	v3 =	vand.u32 $0x7, v3;
	v4 =	vand.u32 $0xFFFFFFF0, v50  }
0x37: {  	v3 =	vor.u32 v3, v4  }
0x38: {  	v4 =	vperm.xlane v3, v0;
	_ =	sdelay $0x1  }
0x39: {  	v3 =	vperm.xlane v3, v2;
	v4 =	vadd.s32 v1, v4;
	_ =	sdelay $0x1  }
0x3a: {  	v3 =	vadd.s32 v1, v3;
	_ =	sdelay $0x1  }
0x3b: {  	s19 =	simm.s32 $0x3800  }
0x3c: {  	[tilespmem:s19], [sflag:$0x1] =	stream.indirect_vreg.gather [hbm4b:s3+s2], $0x80, v4, vm0, $0xb8;
	[tilespmem:$0x11800] =	vst v63  }
0x3d: {  	s20 =	simm.s32 $0x4000  }
0x3e: {  	[tilespmem:s20], [sflag:$0x1] =	stream.indirect_vreg.gather [hbm4b:s3+s2], $0x80, v3, vm0, $0xb8;
	[tilespmem:$0x11800] =	vst v63  }
0x3f: {  	v3 =	vld [tilespmem:$0x30];
	_ =	sdelay $0x4  }
0x40: {  	v51 =	vshll.u32 v3, $0x1  }
0x41: {  	v3 =	vand.u32 $0x7, v3;
	v4 =	vand.u32 $0xFFFFFFF0, v51  }
0x42: {  	v3 =	vor.u32 v3, v4  }
0x43: {  	v4 =	vperm.xlane v3, v0;
	_ =	sdelay $0x1  }
0x44: {  	v3 =	vperm.xlane v3, v2;
	v4 =	vadd.s32 v1, v4;
	_ =	sdelay $0x1  }
0x45: {  	v3 =	vadd.s32 v1, v3;
	_ =	sdelay $0x1  }
0x46: {  	s19 =	simm.s32 $0x4800  }
0x47: {  	[tilespmem:s19], [sflag:$0x1] =	stream.indirect_vreg.gather [hbm4b:s3+s2], $0x80, v4, vm0, $0xb8;
	[tilespmem:$0x11800] =	vst v63  }
0x48: {  	s20 =	simm.s32 $0x5000  }
0x49: {  	[tilespmem:s20], [sflag:$0x1] =	stream.indirect_vreg.gather [hbm4b:s3+s2], $0x80, v3, vm0, $0xb8;
	[tilespmem:$0x11800] =	vst v63  }
0x4a: {  	v3 =	vld [tilespmem:$0x40];
	_ =	sdelay $0x4  }
0x4b: {  	v52 =	vshll.u32 v3, $0x1  }
0x4c: {  	v3 =	vand.u32 $0x7, v3;
	v4 =	vand.u32 $0xFFFFFFF0, v52  }
0x4d: {  	v3 =	vor.u32 v3, v4  }
0x4e: {  	v4 =	vperm.xlane v3, v0;
	_ =	sdelay $0x1  }
0x4f: {  	v3 =	vperm.xlane v3, v2;
	v4 =	vadd.s32 v1, v4;
	_ =	sdelay $0x1  }
0x50: {  	v3 =	vadd.s32 v1, v3;
	_ =	sdelay $0x1  }
0x51: {  	s19 =	simm.s32 $0x5800  }
0x52: {  	[tilespmem:s19], [sflag:$0x1] =	stream.indirect_vreg.gather [hbm4b:s3+s2], $0x80, v4, vm0, $0xb8;
	[tilespmem:$0x11800] =	vst v63  }
0x53: {  	s20 =	simm.s32 $0x6000  }
0x54: {  	[tilespmem:s20], [sflag:$0x1] =	stream.indirect_vreg.gather [hbm4b:s3+s2], $0x80, v3, vm0, $0xb8;
	[tilespmem:$0x11800] =	vst v63  }
0x55: {  	v3 =	vld [tilespmem:$0x50];
	_ =	sdelay $0x4  }
0x56: {  	v53 =	vshll.u32 v3, $0x1  }
0x57: {  	v3 =	vand.u32 $0x7, v3;
	v4 =	vand.u32 $0xFFFFFFF0, v53  }
0x58: {  	v3 =	vor.u32 v3, v4  }
0x59: {  	v4 =	vperm.xlane v3, v0;
	_ =	sdelay $0x1  }
0x5a: {  	v3 =	vperm.xlane v3, v2;
	v4 =	vadd.s32 v1, v4;
	_ =	sdelay $0x1  }
0x5b: {  	v3 =	vadd.s32 v1, v3;
	_ =	sdelay $0x1  }
0x5c: {  	s19 =	simm.s32 $0x6800  }
0x5d: {  	[tilespmem:s19], [sflag:$0x1] =	stream.indirect_vreg.gather [hbm4b:s3+s2], $0x80, v4, vm0, $0xb8;
	[tilespmem:$0x11800] =	vst v63  }
0x5e: {  	s20 =	simm.s32 $0x7000  }
0x5f: {  	[tilespmem:s20], [sflag:$0x1] =	stream.indirect_vreg.gather [hbm4b:s3+s2], $0x80, v3, vm0, $0xb8;
	[tilespmem:$0x11800] =	vst v63  }
0x60: {  	v3 =	vld [tilespmem:$0x60];
	_ =	sdelay $0x4  }
0x61: {  	v54 =	vshll.u32 v3, $0x1  }
0x62: {  	v3 =	vand.u32 $0x7, v3;
	v4 =	vand.u32 $0xFFFFFFF0, v54  }
0x63: {  	v3 =	vor.u32 v3, v4  }
0x64: {  	v4 =	vperm.xlane v3, v0;
	_ =	sdelay $0x1  }
0x65: {  	v3 =	vperm.xlane v3, v2;
	v4 =	vadd.s32 v1, v4;
	_ =	sdelay $0x1  }
0x66: {  	v3 =	vadd.s32 v1, v3;
	_ =	sdelay $0x2  }
0x67: {  	[tilespmem:s21], [sflag:$0x1] =	stream.indirect_vreg.gather [hbm4b:s3+s2], $0x80, v4, vm0, $0xb8;
	[tilespmem:$0x11800] =	vst v63  }
0x68: {  	_ = 	snop  }
0x69: {  	[tilespmem:s22], [sflag:$0x1] =	stream.indirect_vreg.gather [hbm4b:s3+s2], $0x80, v3, vm0, $0xb8;
	[tilespmem:$0x11800] =	vst v63  }
0x6a: {  	v3 =	vld [tilespmem:$0x70];
	_ =	sdelay $0x4  }
0x6b: {  	v55 =	vshll.u32 v3, $0x1  }
0x6c: {  	v3 =	vand.u32 $0x7, v3;
	v4 =	vand.u32 $0xFFFFFFF0, v55  }
0x6d: {  	v3 =	vor.u32 v3, v4  }
0x6e: {  	v4 =	vperm.xlane v3, v0;
	_ =	sdelay $0x1  }
0x6f: {  	v3 =	vperm.xlane v3, v2;
	v4 =	vadd.s32 v1, v4;
	_ =	sdelay $0x1  }
0x70: {  	v3 =	vadd.s32 v1, v3;
	_ =	sdelay $0x2  }
0x71: {  	[tilespmem:s23], [sflag:$0x1] =	stream.indirect_vreg.gather [hbm4b:s3+s2], $0x80, v4, vm0, $0xb8;
	[tilespmem:$0x11800] =	vst v63  }
0x72: {  	_ = 	snop  }
0x73: {  	[tilespmem:s24], [sflag:$0x1] =	stream.indirect_vreg.gather [hbm4b:s3+s2], $0x80, v3, vm0, $0xb8;
	[tilespmem:$0x11800] =	vst v63  }
0x74: {  	v3 =	vld [tilespmem:$0x80];
	_ =	sdelay $0x4  }
0x75: {  	v56 =	vshll.u32 v3, $0x1  }
0x76: {  	v3 =	vand.u32 $0x7, v3;
	v4 =	vand.u32 $0xFFFFFFF0, v56  }
0x77: {  	v3 =	vor.u32 v3, v4  }
0x78: {  	v4 =	vperm.xlane v3, v0;
	_ =	sdelay $0x1  }
0x79: {  	v3 =	vperm.xlane v3, v2;
	v4 =	vadd.s32 v1, v4;
	_ =	sdelay $0x1  }
0x7a: {  	v3 =	vadd.s32 v1, v3;
	_ =	sdelay $0x2  }
0x7b: {  	[tilespmem:s25], [sflag:$0x2] =	stream.indirect_vreg.gather [hbm4b:s3+s2], $0x80, v4, vm0, $0xb8;
	[tilespmem:$0x11800] =	vst v63  }
0x7c: {  	_ = 	snop  }
0x7d: {  	[tilespmem:s26], [sflag:$0x2] =	stream.indirect_vreg.gather [hbm4b:s3+s2], $0x80, v3, vm0, $0xb8;
	[tilespmem:$0x11800] =	vst v63  }
0x7e: {  	v3 =	vld [tilespmem:$0x90];
	_ =	sdelay $0x4  }
0x7f: {  	v57 =	vshll.u32 v3, $0x1  }
0x80: {  	v3 =	vand.u32 $0x7, v3;
	v4 =	vand.u32 $0xFFFFFFF0, v57  }
0x81: {  	v3 =	vor.u32 v3, v4  }
0x82: {  	v4 =	vperm.xlane v3, v0;
	_ =	sdelay $0x1  }
0x83: {  	v3 =	vperm.xlane v3, v2;
	v4 =	vadd.s32 v1, v4;
	_ =	sdelay $0x1  }
0x84: {  	v3 =	vadd.s32 v1, v3;
	_ =	sdelay $0x2  }
0x85: {  	[tilespmem:s28], [sflag:$0x2] =	stream.indirect_vreg.gather [hbm4b:s3+s2], $0x80, v4, vm0, $0xb8;
	[tilespmem:$0x11800] =	vst v63  }
0x86: {  	_ = 	snop  }
0x87: {  	[tilespmem:s29], [sflag:$0x2] =	stream.indirect_vreg.gather [hbm4b:s3+s2], $0x80, v3, vm0, $0xb8;
	[tilespmem:$0x11800] =	vst v63  }
0x88: {  	v3 =	vld [tilespmem:$0xA0];
	_ =	sdelay $0x4  }
0x89: {  	v58 =	vshll.u32 v3, $0x1  }
0x8a: {  	v3 =	vand.u32 $0x7, v3;
	v4 =	vand.u32 $0xFFFFFFF0, v58  }
0x8b: {  	v3 =	vor.u32 v3, v4  }
0x8c: {  	v4 =	vperm.xlane v3, v0;
	_ =	sdelay $0x1  }
0x8d: {  	v3 =	vperm.xlane v3, v2;
	v4 =	vadd.s32 v1, v4;
	_ =	sdelay $0x1  }
0x8e: {  	v3 =	vadd.s32 v1, v3;
	_ =	sdelay $0x2  }
0x8f: {  	[tilespmem:s30], [sflag:$0x2] =	stream.indirect_vreg.gather [hbm4b:s3+s2], $0x80, v4, vm0, $0xb8;
	[tilespmem:$0x11800] =	vst v63  }
0x90: {  	_ = 	snop  }
0x91: {  	[tilespmem:s31], [sflag:$0x2] =	stream.indirect_vreg.gather [hbm4b:s3+s2], $0x80, v3, vm0, $0xb8;
	[tilespmem:$0x11800] =	vst v63  }
0x92: {  	v3 =	vld [tilespmem:$0xB0];
	_ =	sdelay $0x4  }
0x93: {  	v59 =	vshll.u32 v3, $0x1  }
0x94: {  	v3 =	vand.u32 $0x7, v3;
	v4 =	vand.u32 $0xFFFFFFF0, v59  }
0x95: {  	v3 =	vor.u32 v3, v4  }
0x96: {  	v4 =	vperm.xlane v3, v0;
	_ =	sdelay $0x1  }
0x97: {  	v3 =	vperm.xlane v3, v2;
	v4 =	vadd.s32 v1, v4;
	_ =	sdelay $0x1  }
0x98: {  	v3 =	vadd.s32 v1, v3;
	_ =	sdelay $0x2  }
0x99: {  	[tilespmem:s1], [sflag:$0x2] =	stream.indirect_vreg.gather [hbm4b:s3+s2], $0x80, v4, vm0, $0xb8;
	[tilespmem:$0x11800] =	vst v63  }
0x9a: {  	_ = 	snop  }
0x9b: {  	[tilespmem:s0], [sflag:$0x2] =	stream.indirect_vreg.gather [hbm4b:s3+s2], $0x80, v3, vm0, $0xb8;
	[tilespmem:$0x11800] =	vst v63  }
0x9c: {  	v3 =	vld [tilespmem:$0xC0];
	_ =	sdelay $0x4  }
0x9d: {  	v60 =	vshll.u32 v3, $0x1  }
0x9e: {  	v3 =	vand.u32 $0x7, v3;
	v4 =	vand.u32 $0xFFFFFFF0, v60  }
0x9f: {  	v3 =	vor.u32 v3, v4  }
0xa0: {  	v4 =	vperm.xlane v3, v0;
	_ =	sdelay $0x1  }
0xa1: {  	v3 =	vperm.xlane v3, v2;
	v4 =	vadd.s32 v1, v4;
	_ =	sdelay $0x1  }
0xa2: {  	v3 =	vadd.s32 v1, v3;
	_ =	sdelay $0x2  }
0xa3: {  	[tilespmem:s4], [sflag:$0x2] =	stream.indirect_vreg.gather [hbm4b:s3+s2], $0x80, v4, vm0, $0xb8;
	[tilespmem:$0x11800] =	vst v63  }
0xa4: {  	_ = 	snop  }
0xa5: {  	[tilespmem:s5], [sflag:$0x2] =	stream.indirect_vreg.gather [hbm4b:s3+s2], $0x80, v3, vm0, $0xb8;
	[tilespmem:$0x11800] =	vst v63  }
0xa6: {  	v3 =	vld [tilespmem:$0xD0];
	_ =	sdelay $0x4  }
0xa7: {  	v61 =	vshll.u32 v3, $0x1  }
0xa8: {  	v3 =	vand.u32 $0x7, v3;
	v4 =	vand.u32 $0xFFFFFFF0, v61  }
0xa9: {  	v3 =	vor.u32 v3, v4  }
0xaa: {  	v4 =	vperm.xlane v3, v0;
	_ =	sdelay $0x1  }
0xab: {  	v3 =	vperm.xlane v3, v2;
	v4 =	vadd.s32 v1, v4;
	_ =	sdelay $0x1  }
0xac: {  	v3 =	vadd.s32 v1, v3;
	_ =	sdelay $0x2  }
0xad: {  	[tilespmem:s10], [sflag:$0x2] =	stream.indirect_vreg.gather [hbm4b:s3+s2], $0x80, v4, vm0, $0xb8;
	[tilespmem:$0x11800] =	vst v63  }
0xae: {  	_ = 	snop  }
0xaf: {  	[tilespmem:s11], [sflag:$0x2] =	stream.indirect_vreg.gather [hbm4b:s3+s2], $0x80, v3, vm0, $0xb8;
	[tilespmem:$0x11800] =	vst v63  }
0xb0: {  	v3 =	vld [tilespmem:$0xE0];
	_ =	sdelay $0x4  }
0xb1: {  	v62 =	vshll.u32 v3, $0x1  }
0xb2: {  	v3 =	vand.u32 $0x7, v3;
	v4 =	vand.u32 $0xFFFFFFF0, v62  }
0xb3: {  	v3 =	vor.u32 v3, v4  }
0xb4: {  	v4 =	vperm.xlane v3, v0;
	_ =	sdelay $0x1  }
0xb5: {  	v3 =	vperm.xlane v3, v2;
	v4 =	vadd.s32 v1, v4;
	_ =	sdelay $0x1  }
0xb6: {  	v3 =	vadd.s32 v1, v3;
	_ =	sdelay $0x2  }
0xb7: {  	[tilespmem:s12], [sflag:$0x2] =	stream.indirect_vreg.gather [hbm4b:s3+s2], $0x80, v4, vm0, $0xb8;
	[tilespmem:$0x11800] =	vst v63  }
0xb8: {  	_ = 	snop  }
0xb9: {  	[tilespmem:s13], [sflag:$0x2] =	stream.indirect_vreg.gather [hbm4b:s3+s2], $0x80, v3, vm0, $0xb8;
	[tilespmem:$0x11800] =	vst v63  }
0xba: {  	v3 =	vld [tilespmem:$0xF0];
	_ =	sdelay $0x4  }
0xbb: {  	v63 =	vshll.u32 v3, $0x1  }
0xbc: {  	v3 =	vand.u32 $0x7, v3;
	v4 =	vand.u32 $0xFFFFFFF0, v63  }
0xbd: {  	v3 =	vor.u32 v3, v4  }
0xbe: {  	v4 =	vperm.xlane v3, v0;
	_ =	sdelay $0x1  }
0xbf: {  	v3 =	vperm.xlane v3, v2;
	v4 =	vadd.s32 v1, v4;
	_ =	sdelay $0x1  }
0xc0: {  	v3 =	vadd.s32 v1, v3;
	_ =	sdelay $0x2  }
0xc1: {  	[tilespmem:s14], [sflag:$0x2] =	stream.indirect_vreg.gather [hbm4b:s3+s2], $0x80, v4, vm0, $0xb8;
	[tilespmem:$0x11800] =	vst v63  }
0xc2: {  	s18 =	simm.s32 $0x1F0;
	s19 =	simm.s32 $0x0  }
0xc3: {  	[tilespmem:s15], [sflag:$0x2] =	stream.indirect_vreg.gather [hbm4b:s3+s2], $0x80, v3, vm0, $0xb8;
	[tilespmem:$0x11800] =	vst v63  }
.LBB2_2:
0xc4: {  	_ =	swait.ge [sflag:s16], $0x8000  }
0xc5: {  	p0 =	seq.s32 s19, $0x2E000;
	[sflag:s16] =	ssyncset.done $0x0  }
.Ltmp2:
0xc6: {  	s20 =	sadd.s32 s19, s7;
	[sflag:s16] =	ssyncadd.s32 $0xFFFF8000;
	(pc) =	sbr.rel @p0 .LBB2_4-.Ltmp2, $4  }
0xc7: {  	[hbm4b:s20+s2] =	stream.linear.scatter [tilespmem:s9], [sflag:$0x3], $0x8000, $0x38;
	[tilespmem:$0x11800] =	vst v63  }
0xc8: {  	_ =	swait.ge [sflag:s8], $0x8000  }
0xc9: {  	[sflag:s8] =	ssyncset.done $0x0  }
0xca: {  	[sflag:s8] =	ssyncadd.s32 $0xFFFF8000  }
0xcb: {  	v3 =	vld [tilespmem:s18+$0xFFFFFF10];
	_ =	sdelay $0x4  }
0xcc: {  	v4 =	vshll.u32 v3, $0x1  }
0xcd: {  	v3 =	vand.u32 $0x7, v3;
	v4 =	vand.u32 $0xFFFFFFF0, v4  }
0xce: {  	v3 =	vor.u32 v3, v4  }
0xcf: {  	v4 =	vperm.xlane v3, v0;
	_ =	sdelay $0x1  }
0xd0: {  	v3 =	vperm.xlane v3, v2;
	v4 =	vadd.s32 v1, v4;
	_ =	sdelay $0x1  }
0xd1: {  	v3 =	vadd.s32 v1, v3;
	_ =	sdelay $0x2  }
0xd2: {  	[tilespmem:s9], [sflag:$0x1] =	stream.indirect_vreg.gather [hbm4b:s3+s2], $0x80, v4, vm0, $0xb8;
	[tilespmem:$0x11800] =	vst v63  }
0xd3: {  	s20 =	simm.s32 $0x2000  }
0xd4: {  	[tilespmem:s20], [sflag:$0x1] =	stream.indirect_vreg.gather [hbm4b:s3+s2], $0x80, v3, vm0, $0xb8;
	[tilespmem:$0x11800] =	vst v63  }
0xd5: {  	v3 =	vld [tilespmem:s18+$0xFFFFFF20];
	_ =	sdelay $0x4  }
0xd6: {  	v57 =	vshll.u32 v3, $0x1  }
0xd7: {  	v3 =	vand.u32 $0x7, v3;
	v4 =	vand.u32 $0xFFFFFFF0, v57  }
0xd8: {  	v3 =	vor.u32 v3, v4  }
0xd9: {  	v4 =	vperm.xlane v3, v0;
	_ =	sdelay $0x1  }
0xda: {  	v3 =	vperm.xlane v3, v2;
	v4 =	vadd.s32 v1, v4;
	_ =	sdelay $0x1  }
0xdb: {  	v3 =	vadd.s32 v1, v3;
	_ =	sdelay $0x1  }
0xdc: {  	s20 =	simm.s32 $0x2800  }
0xdd: {  	[tilespmem:s20], [sflag:$0x1] =	stream.indirect_vreg.gather [hbm4b:s3+s2], $0x80, v4, vm0, $0xb8;
	[tilespmem:$0x11800] =	vst v63  }
0xde: {  	s20 =	simm.s32 $0x3000  }
0xdf: {  	[tilespmem:s20], [sflag:$0x1] =	stream.indirect_vreg.gather [hbm4b:s3+s2], $0x80, v3, vm0, $0xb8;
	[tilespmem:$0x11800] =	vst v63  }
0xe0: {  	v3 =	vld [tilespmem:s18+$0xFFFFFF30];
	_ =	sdelay $0x4  }
0xe1: {  	v58 =	vshll.u32 v3, $0x1  }
0xe2: {  	v3 =	vand.u32 $0x7, v3;
	v4 =	vand.u32 $0xFFFFFFF0, v58  }
0xe3: {  	v3 =	vor.u32 v3, v4  }
0xe4: {  	v4 =	vperm.xlane v3, v0;
	_ =	sdelay $0x1  }
0xe5: {  	v3 =	vperm.xlane v3, v2;
	v4 =	vadd.s32 v1, v4;
	_ =	sdelay $0x1  }
0xe6: {  	v3 =	vadd.s32 v1, v3;
	_ =	sdelay $0x1  }
0xe7: {  	s20 =	simm.s32 $0x3800  }
0xe8: {  	[tilespmem:s20], [sflag:$0x1] =	stream.indirect_vreg.gather [hbm4b:s3+s2], $0x80, v4, vm0, $0xb8;
	[tilespmem:$0x11800] =	vst v63  }
0xe9: {  	s20 =	simm.s32 $0x4000  }
0xea: {  	[tilespmem:s20], [sflag:$0x1] =	stream.indirect_vreg.gather [hbm4b:s3+s2], $0x80, v3, vm0, $0xb8;
	[tilespmem:$0x11800] =	vst v63  }
0xeb: {  	v3 =	vld [tilespmem:s18+$0xFFFFFF40];
	_ =	sdelay $0x4  }
0xec: {  	v59 =	vshll.u32 v3, $0x1  }
0xed: {  	v3 =	vand.u32 $0x7, v3;
	v4 =	vand.u32 $0xFFFFFFF0, v59  }
0xee: {  	v3 =	vor.u32 v3, v4  }
0xef: {  	v4 =	vperm.xlane v3, v0;
	_ =	sdelay $0x1  }
0xf0: {  	v3 =	vperm.xlane v3, v2;
	v4 =	vadd.s32 v1, v4;
	_ =	sdelay $0x1  }
0xf1: {  	v3 =	vadd.s32 v1, v3;
	_ =	sdelay $0x1  }
0xf2: {  	s20 =	simm.s32 $0x4800  }
0xf3: {  	[tilespmem:s20], [sflag:$0x1] =	stream.indirect_vreg.gather [hbm4b:s3+s2], $0x80, v4, vm0, $0xb8;
	[tilespmem:$0x11800] =	vst v63  }
0xf4: {  	s20 =	simm.s32 $0x5000  }
0xf5: {  	[tilespmem:s20], [sflag:$0x1] =	stream.indirect_vreg.gather [hbm4b:s3+s2], $0x80, v3, vm0, $0xb8;
	[tilespmem:$0x11800] =	vst v63  }
0xf6: {  	v3 =	vld [tilespmem:s18+$0xFFFFFF50];
	_ =	sdelay $0x4  }
0xf7: {  	v60 =	vshll.u32 v3, $0x1  }
0xf8: {  	v3 =	vand.u32 $0x7, v3;
	v4 =	vand.u32 $0xFFFFFFF0, v60  }
0xf9: {  	v3 =	vor.u32 v3, v4  }
0xfa: {  	v4 =	vperm.xlane v3, v0;
	_ =	sdelay $0x1  }
0xfb: {  	v3 =	vperm.xlane v3, v2;
	v4 =	vadd.s32 v1, v4;
	_ =	sdelay $0x1  }
0xfc: {  	v3 =	vadd.s32 v1, v3;
	_ =	sdelay $0x1  }
0xfd: {  	s20 =	simm.s32 $0x5800  }
0xfe: {  	[tilespmem:s20], [sflag:$0x1] =	stream.indirect_vreg.gather [hbm4b:s3+s2], $0x80, v4, vm0, $0xb8;
	[tilespmem:$0x11800] =	vst v63  }
0xff: {  	s20 =	simm.s32 $0x6000  }
0x100: {  	[tilespmem:s20], [sflag:$0x1] =	stream.indirect_vreg.gather [hbm4b:s3+s2], $0x80, v3, vm0, $0xb8;
	[tilespmem:$0x11800] =	vst v63  }
0x101: {  	v3 =	vld [tilespmem:s18+$0xFFFFFF60];
	_ =	sdelay $0x4  }
0x102: {  	v61 =	vshll.u32 v3, $0x1  }
0x103: {  	v3 =	vand.u32 $0x7, v3;
	v4 =	vand.u32 $0xFFFFFFF0, v61  }
0x104: {  	v3 =	vor.u32 v3, v4  }
0x105: {  	v4 =	vperm.xlane v3, v0;
	_ =	sdelay $0x1  }
0x106: {  	v3 =	vperm.xlane v3, v2;
	v4 =	vadd.s32 v1, v4;
	_ =	sdelay $0x1  }
0x107: {  	v3 =	vadd.s32 v1, v3;
	_ =	sdelay $0x1  }
0x108: {  	s20 =	simm.s32 $0x6800  }
0x109: {  	[tilespmem:s20], [sflag:$0x1] =	stream.indirect_vreg.gather [hbm4b:s3+s2], $0x80, v4, vm0, $0xb8;
	[tilespmem:$0x11800] =	vst v63  }
0x10a: {  	s20 =	simm.s32 $0x7000  }
0x10b: {  	[tilespmem:s20], [sflag:$0x1] =	stream.indirect_vreg.gather [hbm4b:s3+s2], $0x80, v3, vm0, $0xb8;
	[tilespmem:$0x11800] =	vst v63  }
0x10c: {  	v3 =	vld [tilespmem:s18+$0xFFFFFF70];
	_ =	sdelay $0x4  }
0x10d: {  	v62 =	vshll.u32 v3, $0x1  }
0x10e: {  	v3 =	vand.u32 $0x7, v3;
	v4 =	vand.u32 $0xFFFFFFF0, v62  }
0x10f: {  	v3 =	vor.u32 v3, v4  }
0x110: {  	v4 =	vperm.xlane v3, v0;
	_ =	sdelay $0x1  }
0x111: {  	v3 =	vperm.xlane v3, v2;
	v4 =	vadd.s32 v1, v4;
	_ =	sdelay $0x1  }
0x112: {  	v3 =	vadd.s32 v1, v3;
	_ =	sdelay $0x2  }
0x113: {  	[tilespmem:s21], [sflag:$0x1] =	stream.indirect_vreg.gather [hbm4b:s3+s2], $0x80, v4, vm0, $0xb8;
	[tilespmem:$0x11800] =	vst v63  }
0x114: {  	_ = 	snop  }
0x115: {  	[tilespmem:s22], [sflag:$0x1] =	stream.indirect_vreg.gather [hbm4b:s3+s2], $0x80, v3, vm0, $0xb8;
	[tilespmem:$0x11800] =	vst v63  }
0x116: {  	v3 =	vld [tilespmem:s18+$0xFFFFFF80];
	_ =	sdelay $0x4  }
0x117: {  	v63 =	vshll.u32 v3, $0x1  }
0x118: {  	v3 =	vand.u32 $0x7, v3;
	v4 =	vand.u32 $0xFFFFFFF0, v63  }
0x119: {  	v3 =	vor.u32 v3, v4  }
0x11a: {  	v4 =	vperm.xlane v3, v0;
	_ =	sdelay $0x1  }
0x11b: {  	v3 =	vperm.xlane v3, v2;
	v4 =	vadd.s32 v1, v4;
	_ =	sdelay $0x1  }
0x11c: {  	v3 =	vadd.s32 v1, v3;
	_ =	sdelay $0x2  }
0x11d: {  	[tilespmem:s23], [sflag:$0x1] =	stream.indirect_vreg.gather [hbm4b:s3+s2], $0x80, v4, vm0, $0xb8;
	[tilespmem:$0x11800] =	vst v63  }
0x11e: {  	_ = 	snop  }
0x11f: {  	[tilespmem:s24], [sflag:$0x1] =	stream.indirect_vreg.gather [hbm4b:s3+s2], $0x80, v3, vm0, $0xb8;
	[tilespmem:$0x11800] =	vst v63  }
.LBB2_4:
0x120: {  	_ =	swait.ge [sflag:s17], $0x8000  }
0x121: {  	[sflag:s17] =	ssyncset.done $0x0  }
.Ltmp3:
0x122: {  	s20 =	sadd.s32 s19, s6;
	[sflag:s17] =	ssyncadd.s32 $0xFFFF8000;
	(pc) =	sbr.rel @p0 .LBB2_6-.Ltmp3, $4  }
0x123: {  	[hbm4b:s20+s2] =	stream.linear.scatter [tilespmem:s25], [sflag:$0x3], $0x8000, $0x38;
	[tilespmem:$0x11800] =	vst v63  }
0x124: {  	_ =	swait.ge [sflag:s8], $0x8000  }
0x125: {  	[sflag:s8] =	ssyncset.done $0x0  }
0x126: {  	[sflag:s8] =	ssyncadd.s32 $0xFFFF8000  }
0x127: {  	v3 =	vld [tilespmem:s18+$0xFFFFFF90];
	_ =	sdelay $0x4  }
0x128: {  	v4 =	vshll.u32 v3, $0x1  }
0x129: {  	v3 =	vand.u32 $0x7, v3;
	v4 =	vand.u32 $0xFFFFFFF0, v4  }
0x12a: {  	v3 =	vor.u32 v3, v4  }
0x12b: {  	v4 =	vperm.xlane v3, v0;
	_ =	sdelay $0x1  }
0x12c: {  	v3 =	vperm.xlane v3, v2;
	v4 =	vadd.s32 v1, v4;
	_ =	sdelay $0x1  }
0x12d: {  	v3 =	vadd.s32 v1, v3;
	_ =	sdelay $0x2  }
0x12e: {  	[tilespmem:s25], [sflag:$0x2] =	stream.indirect_vreg.gather [hbm4b:s3+s2], $0x80, v4, vm0, $0xb8;
	[tilespmem:$0x11800] =	vst v63  }
0x12f: {  	_ = 	snop  }
0x130: {  	[tilespmem:s26], [sflag:$0x2] =	stream.indirect_vreg.gather [hbm4b:s3+s2], $0x80, v3, vm0, $0xb8;
	[tilespmem:$0x11800] =	vst v63  }
0x131: {  	v3 =	vld [tilespmem:s18+$0xFFFFFFA0];
	_ =	sdelay $0x4  }
0x132: {  	v57 =	vshll.u32 v3, $0x1  }
0x133: {  	v3 =	vand.u32 $0x7, v3;
	v4 =	vand.u32 $0xFFFFFFF0, v57  }
0x134: {  	v3 =	vor.u32 v3, v4  }
0x135: {  	v4 =	vperm.xlane v3, v0;
	_ =	sdelay $0x1  }
0x136: {  	v3 =	vperm.xlane v3, v2;
	v4 =	vadd.s32 v1, v4;
	_ =	sdelay $0x1  }
0x137: {  	v3 =	vadd.s32 v1, v3;
	_ =	sdelay $0x2  }
0x138: {  	[tilespmem:s28], [sflag:$0x2] =	stream.indirect_vreg.gather [hbm4b:s3+s2], $0x80, v4, vm0, $0xb8;
	[tilespmem:$0x11800] =	vst v63  }
0x139: {  	_ = 	snop  }
0x13a: {  	[tilespmem:s29], [sflag:$0x2] =	stream.indirect_vreg.gather [hbm4b:s3+s2], $0x80, v3, vm0, $0xb8;
	[tilespmem:$0x11800] =	vst v63  }
0x13b: {  	v3 =	vld [tilespmem:s18+$0xFFFFFFB0];
	_ =	sdelay $0x4  }
0x13c: {  	v58 =	vshll.u32 v3, $0x1  }
0x13d: {  	v3 =	vand.u32 $0x7, v3;
	v4 =	vand.u32 $0xFFFFFFF0, v58  }
0x13e: {  	v3 =	vor.u32 v3, v4  }
0x13f: {  	v4 =	vperm.xlane v3, v0;
	_ =	sdelay $0x1  }
0x140: {  	v3 =	vperm.xlane v3, v2;
	v4 =	vadd.s32 v1, v4;
	_ =	sdelay $0x1  }
0x141: {  	v3 =	vadd.s32 v1, v3;
	_ =	sdelay $0x2  }
0x142: {  	[tilespmem:s30], [sflag:$0x2] =	stream.indirect_vreg.gather [hbm4b:s3+s2], $0x80, v4, vm0, $0xb8;
	[tilespmem:$0x11800] =	vst v63  }
0x143: {  	_ = 	snop  }
0x144: {  	[tilespmem:s31], [sflag:$0x2] =	stream.indirect_vreg.gather [hbm4b:s3+s2], $0x80, v3, vm0, $0xb8;
	[tilespmem:$0x11800] =	vst v63  }
0x145: {  	v3 =	vld [tilespmem:s18+$0xFFFFFFC0];
	_ =	sdelay $0x4  }
0x146: {  	v59 =	vshll.u32 v3, $0x1  }
0x147: {  	v3 =	vand.u32 $0x7, v3;
	v4 =	vand.u32 $0xFFFFFFF0, v59  }
0x148: {  	v3 =	vor.u32 v3, v4  }
0x149: {  	v4 =	vperm.xlane v3, v0;
	_ =	sdelay $0x1  }
0x14a: {  	v3 =	vperm.xlane v3, v2;
	v4 =	vadd.s32 v1, v4;
	_ =	sdelay $0x1  }
0x14b: {  	v3 =	vadd.s32 v1, v3;
	_ =	sdelay $0x2  }
0x14c: {  	[tilespmem:s1], [sflag:$0x2] =	stream.indirect_vreg.gather [hbm4b:s3+s2], $0x80, v4, vm0, $0xb8;
	[tilespmem:$0x11800] =	vst v63  }
0x14d: {  	_ = 	snop  }
0x14e: {  	[tilespmem:s0], [sflag:$0x2] =	stream.indirect_vreg.gather [hbm4b:s3+s2], $0x80, v3, vm0, $0xb8;
	[tilespmem:$0x11800] =	vst v63  }
0x14f: {  	v3 =	vld [tilespmem:s18+$0xFFFFFFD0];
	_ =	sdelay $0x4  }
0x150: {  	v60 =	vshll.u32 v3, $0x1  }
0x151: {  	v3 =	vand.u32 $0x7, v3;
	v4 =	vand.u32 $0xFFFFFFF0, v60  }
0x152: {  	v3 =	vor.u32 v3, v4  }
0x153: {  	v4 =	vperm.xlane v3, v0;
	_ =	sdelay $0x1  }
0x154: {  	v3 =	vperm.xlane v3, v2;
	v4 =	vadd.s32 v1, v4;
	_ =	sdelay $0x1  }
0x155: {  	v3 =	vadd.s32 v1, v3;
	_ =	sdelay $0x2  }
0x156: {  	[tilespmem:s4], [sflag:$0x2] =	stream.indirect_vreg.gather [hbm4b:s3+s2], $0x80, v4, vm0, $0xb8;
	[tilespmem:$0x11800] =	vst v63  }
0x157: {  	_ = 	snop  }
0x158: {  	[tilespmem:s5], [sflag:$0x2] =	stream.indirect_vreg.gather [hbm4b:s3+s2], $0x80, v3, vm0, $0xb8;
	[tilespmem:$0x11800] =	vst v63  }
0x159: {  	v3 =	vld [tilespmem:s18+$0xFFFFFFE0];
	_ =	sdelay $0x4  }
0x15a: {  	v61 =	vshll.u32 v3, $0x1  }
0x15b: {  	v3 =	vand.u32 $0x7, v3;
	v4 =	vand.u32 $0xFFFFFFF0, v61  }
0x15c: {  	v3 =	vor.u32 v3, v4  }
0x15d: {  	v4 =	vperm.xlane v3, v0;
	_ =	sdelay $0x1  }
0x15e: {  	v3 =	vperm.xlane v3, v2;
	v4 =	vadd.s32 v1, v4;
	_ =	sdelay $0x1  }
0x15f: {  	v3 =	vadd.s32 v1, v3;
	_ =	sdelay $0x2  }
0x160: {  	[tilespmem:s10], [sflag:$0x2] =	stream.indirect_vreg.gather [hbm4b:s3+s2], $0x80, v4, vm0, $0xb8;
	[tilespmem:$0x11800] =	vst v63  }
0x161: {  	_ = 	snop  }
0x162: {  	[tilespmem:s11], [sflag:$0x2] =	stream.indirect_vreg.gather [hbm4b:s3+s2], $0x80, v3, vm0, $0xb8;
	[tilespmem:$0x11800] =	vst v63  }
0x163: {  	v3 =	vld [tilespmem:s18+$0xFFFFFFF0];
	_ =	sdelay $0x4  }
0x164: {  	v62 =	vshll.u32 v3, $0x1  }
0x165: {  	v3 =	vand.u32 $0x7, v3;
	v4 =	vand.u32 $0xFFFFFFF0, v62  }
0x166: {  	v3 =	vor.u32 v3, v4  }
0x167: {  	v4 =	vperm.xlane v3, v0;
	_ =	sdelay $0x1  }
0x168: {  	v3 =	vperm.xlane v3, v2;
	v4 =	vadd.s32 v1, v4;
	_ =	sdelay $0x1  }
0x169: {  	v3 =	vadd.s32 v1, v3;
	_ =	sdelay $0x2  }
0x16a: {  	[tilespmem:s12], [sflag:$0x2] =	stream.indirect_vreg.gather [hbm4b:s3+s2], $0x80, v4, vm0, $0xb8;
	[tilespmem:$0x11800] =	vst v63  }
0x16b: {  	_ = 	snop  }
0x16c: {  	[tilespmem:s13], [sflag:$0x2] =	stream.indirect_vreg.gather [hbm4b:s3+s2], $0x80, v3, vm0, $0xb8;
	[tilespmem:$0x11800] =	vst v63  }
0x16d: {  	v3 =	vld [tilespmem:s18+$0x0];
	_ =	sdelay $0x4  }
0x16e: {  	v63 =	vshll.u32 v3, $0x1  }
0x16f: {  	v3 =	vand.u32 $0x7, v3;
	v4 =	vand.u32 $0xFFFFFFF0, v63  }
0x170: {  	v3 =	vor.u32 v3, v4  }
0x171: {  	v4 =	vperm.xlane v3, v0;
	_ =	sdelay $0x1  }
0x172: {  	v3 =	vperm.xlane v3, v2;
	v4 =	vadd.s32 v1, v4;
	_ =	sdelay $0x1  }
0x173: {  	v3 =	vadd.s32 v1, v3  }
.Ltmp4:
0x174: {  	_ = 	snop;
	(pc) =	sbr.rel .LBB2_2-.Ltmp4, $4  }
0x175: {  	_ = 	snop  }
0x176: {  	[tilespmem:s14], [sflag:$0x2] =	stream.indirect_vreg.gather [hbm4b:s3+s2], $0x80, v4, vm0, $0xb8;
	[tilespmem:$0x11800] =	vst v63  }
0x177: {  	s19 =	sadd.s32 $0x2000, s19;
	s18 =	sadd.s32 $0x100, s18  }
0x178: {  	[tilespmem:s15], [sflag:$0x2] =	stream.indirect_vreg.gather [hbm4b:s3+s2], $0x80, v3, vm0, $0xb8;
	[tilespmem:$0x11800] =	vst v63  }
.LBB2_7:
0x179: {  	_ =	sfence.sel $0x180000  }
0x17a: {  	[bflag:$0x0] =	sbarrier.arrive $0xFFFF  }
0x17b: {  	_ =	strace $0x9000004D  }
0x17c: {  	s0 =	stileid.u32;
	[bflag:$0x2] =	sbarrier.arrive $0xFFFF  }
0x17d: {  	p0 =	sne.s32 s0, $0x0;
	s0 =	rddreg [dreg:$0x1]  }
0x17e: {  	s0 =	sadd.s32 @!p0 $0x100000, s0  }
0x17f: {  	[sflag:s0] =	ssyncadd.tile.s32 @!p0 $0x1;
	_ =	shalt  }
.Lfunc_end2:
_tile_overlayer_lowered:
.L_overlay_start_2:
0x180: {  	(tag) =	ssettag $0x2  }
0x181: {  	s0 =	rddreg [dreg:$0x0];
	s2 =	stileid.u32  }
0x182: {  	s1 =	rddreg [dreg:$0x1];
	p0 =	sne.s32 s2, $0x0  }
0x183: {  	s3 =	rddreg [dreg:$0x2];
	[bflag:$0x3] =	sbarrier.arrive $0xFFFF;
	s2 =	simm.s32 @!p0 $0x1C03  }
0x184: {  	[timem:s3], [sflag:s2] =	dma.local @!p0 [hbm:s0], s1  }
0x185: {  	s0 =	simm.s32 @!p0 $0x3  }
0x186: {  	_ =	swait.ge @!p0 [sflag:s0], s1  }
0x187: {  	s1 =	ssub.s32 @!p0 $0x0, s1;
	[sflag:s0] =	ssyncset.done @!p0 $0x0  }
0x188: {  	[sflag:s0] =	ssyncadd.s32 @!p0 s1  }
0x189: {  	[bflag:$0x3] =	sbarrier.arrive $0xFFFF  }
0x18a: {  	_ =	shalt  }

// kernel: kernel.24.cloned.1.call-start
scs
__scs_entry_jumppad:
0x0: {  	(pc) =	sbr.rel $0x88, $3  }
0x1: {  	(tag) =	ssettag $0x0;
	lr =	simm.s32 $0x1  }
0x2: {  	[smem:$0x3F9E] =	sst lr;
	_ =	strace $0xD0000000  }
0x3: {  	_ = 	snop  }
0x4: {  	_ = 	snop  }
0x5: {  	_ = 	snop  }
0x6: {  	_ = 	snop  }
0x7: {  	_ = 	snop  }
__scs_overlays_trampoline_lowered:
0x8: {  	[smem:$0x3FAD] =	sst s0  }
0x9: {  	[smem:$0x3FAE] =	sst s1  }
0xa: {  	[smem:$0x3FAF] =	sst s2  }
0xb: {  	[smem:$0x3FB0] =	sst s3  }
0xc: {  	[smem:$0x3FB1] =	sst s4  }
0xd: {  	[smem:$0x3FB2] =	sst s5  }
0xe: {  	[smem:$0x3FB3] =	sst s6  }
0xf: {  	[smem:$0x3FB4] =	sst s7  }
0x10: {  	[smem:$0x3FB5] =	sst s8  }
0x11: {  	[smem:$0x3FB6] =	sst s9;
	s0 =	simm.s32 @!p0 $0x0  }
0x12: {  	s1 =	sld [smem:$0x3F9C];
	s0 =	simm.s32 @p0 $0x1  }
0x13: {  	[smem:$0x3FB7] =	sst s0;
	s0 =	simm.s32 @!p1 $0x0  }
0x14: {  	s2 =	sld [smem:$0x3F9B];
	s0 =	simm.s32 @p1 $0x1  }
0x15: {  	[smem:$0x3FB8] =	sst s0;
	s0 =	simm.s32 @!p2 $0x0  }
0x16: {  	s3 =	sld [smem:$0x3FDB];
	s0 =	simm.s32 @p2 $0x1  }
0x17: {  	s4 =	simm.s32 $0x1BF5;
	[smem:$0x3FBA] =	sst s0  }
0x18: {  	s0 =	sld [smem:$0x3F9D];
	_ =	swait.ge [sflag:s4], $0x0  }
0x19: {  	s7 =	sld [smem:$0x3F9E]  }
0x1a: {  	s8 =	sadd.s32 $0xFFFFE003, lr  }
0x1b: {  	s9 =	sadd.s32 $0xFFFFFEF7, lr;
	s5 =	simm.s32 $0xFFFFFFFF;
	p2 =	slt.u32 s8, $0xFFFFF086  }
0x1c: {  	p1 =	slt.u32 s9, $0xF7A;
	s5 =	simm.s32 @!p2 $0x0  }
0x1d: {  	s5 =	simm.s32 @p1 $0x1;
	p0 =	seq.s32 s7, s2  }
0x1e: {  	s7 =	smul.u32 @!p0 $0xF7A, s2;
	p2 =	seq.s32 @!p0 s5, $0x0  }
0x1f: {  	s9 =	smul.u32 $0xF7A, s1;
	s8 =	simm.s32 @!p0 $0x1BF5;
	p2 =	por !p2, p0  }
0x20: {  	[sflag:s8] =	ssyncset.s32 @!p0 $0xFFFFF086;
	s6 =	sadd.s32 @!p0 s3, s7;
	s7 =	simm.s32 @!p0 $0x108  }
0x21: {  	s3 =	sadd.s32 s3, s9;
	s6 =	sadd.s32 @!p0 $0x88, s6;
	s7 =	simm.s32 @p2 $0x1082  }
0x22: {  	[simem:s7], [sflag:s8] =	dma.local @!p0 [hbm:s6], $0xF7A  }
0x23: {  	s9 =	sor.u32 $0xD0000000, s2;
	s6 =	simm.s32 $0x108;
	_ =	swait.ge @!p0 [sflag:s8], $0x0  }
0x24: {  	s3 =	sadd.s32 $0x88, s3;
	s6 =	simm.s32 @!p1 $0x1082;
	[sflag:s4] =	ssyncset.s32 $0xFFFFF086  }
0x25: {  	[simem:s6], [sflag:s4] =	dma.local [hbm:s3], $0xF7A  }
0x26: {  	[smem:$0x3F9E] =	sst s1;
	(tag) =	ssettag s2;
	_ =	strace s9  }
0x27: {  	s1 =	sld [smem:$0x3FAE]  }
0x28: {  	s2 =	sld [smem:$0x3FAF]  }
0x29: {  	s4 =	sld [smem:$0x3FB1]  }
0x2a: {  	p0 =	seq.s32 s5, $0x0;
	s5 =	sld [smem:$0x3FB2]  }
0x2b: {  	s6 =	sld [smem:$0x3FB3]  }
0x2c: {  	s7 =	sld [smem:$0x3FB4]  }
0x2d: {  	s3 =	simm.s32 $0x108;
	s8 =	sld [smem:$0x3FB5]  }
0x2e: {  	s3 =	simm.s32 @!p0 $0x1082;
	s9 =	sld [smem:$0x3FB6]  }
0x2f: {  	lr =	sadd.s32 s0, s3;
	s0 =	sld [smem:$0x3FAD]  }
0x30: {  	s3 =	sld [smem:$0x3FB0]  }
0x31: {  	[smem:$0x3FB9] =	sst s10  }
0x32: {  	s10 =	sld [smem:$0x3FB7];
	_ =	sdelay $0x3  }
0x33: {  	p0 =	seq.s32 s10, $0x1;
	s10 =	sld [smem:$0x3FB9];
	_ =	sdelay $0x3  }
0x34: {  	[smem:$0x3FB9] =	sst s10  }
0x35: {  	s10 =	sld [smem:$0x3FB8];
	_ =	sdelay $0x3  }
0x36: {  	p1 =	seq.s32 s10, $0x1;
	s10 =	sld [smem:$0x3FB9];
	_ =	sdelay $0x3  }
0x37: {  	[smem:$0x3FB9] =	sst s10  }
0x38: {  	s10 =	sld [smem:$0x3FBA]  }
0x39: {  	_ = 	snop;
	(pc) =	sbr.ind lr, $3  }
0x3a: {  	_ = 	snop  }
0x3b: {  	_ = 	snop  }
0x3c: {  	p2 =	seq.s32 s10, $0x1;
	s10 =	sld [smem:$0x3FB9]  }
0x3d: {  	_ =	shalt  }
0x3e: {  	_ =	shalt  }
0x3f: {  	_ =	shalt  }
0x40: {  	_ =	shalt  }
0x41: {  	_ =	shalt  }
0x42: {  	_ =	shalt  }
0x43: {  	_ =	shalt  }
0x44: {  	_ =	shalt  }
0x45: {  	_ =	shalt  }
0x46: {  	_ =	shalt  }
0x47: {  	_ =	shalt  }
0x48: {  	_ =	shalt  }
0x49: {  	_ =	shalt  }
0x4a: {  	_ =	shalt  }
0x4b: {  	_ =	shalt  }
0x4c: {  	_ =	shalt  }
0x4d: {  	_ =	shalt  }
0x4e: {  	_ =	shalt  }
0x4f: {  	_ =	shalt  }
0x50: {  	_ =	shalt  }
0x51: {  	_ =	shalt  }
0x52: {  	_ =	shalt  }
0x53: {  	_ =	shalt  }
0x54: {  	_ =	shalt  }
0x55: {  	_ =	shalt  }
0x56: {  	_ =	shalt  }
0x57: {  	_ =	shalt  }
0x58: {  	_ =	shalt  }
0x59: {  	_ =	shalt  }
0x5a: {  	_ =	shalt  }
0x5b: {  	_ =	shalt  }
0x5c: {  	_ =	shalt  }
0x5d: {  	_ =	shalt  }
0x5e: {  	_ =	shalt  }
0x5f: {  	_ =	shalt  }
0x60: {  	_ =	shalt  }
0x61: {  	_ =	shalt  }
0x62: {  	_ =	shalt  }
0x63: {  	_ =	shalt  }
0x64: {  	_ =	shalt  }
0x65: {  	_ =	shalt  }
0x66: {  	_ =	shalt  }
0x67: {  	_ =	shalt  }
0x68: {  	_ =	shalt  }
0x69: {  	_ =	shalt  }
0x6a: {  	_ =	shalt  }
0x6b: {  	_ =	shalt  }
0x6c: {  	_ =	shalt  }
0x6d: {  	_ =	shalt  }
0x6e: {  	_ =	shalt  }
0x6f: {  	_ =	shalt  }
0x70: {  	_ =	shalt  }
0x71: {  	_ =	shalt  }
0x72: {  	_ =	shalt  }
0x73: {  	_ =	shalt  }
0x74: {  	_ =	shalt  }
0x75: {  	_ =	shalt  }
0x76: {  	_ =	shalt  }
0x77: {  	_ =	shalt  }
0x78: {  	_ =	shalt  }
0x79: {  	_ =	shalt  }
0x7a: {  	_ =	shalt  }
0x7b: {  	_ =	shalt  }
0x7c: {  	_ =	shalt  }
0x7d: {  	_ =	shalt  }
0x7e: {  	_ =	shalt  }
0x7f: {  	_ =	shalt  }
0x80: {  	_ =	shalt  }
0x81: {  	_ =	shalt  }
0x82: {  	_ =	shalt  }
0x83: {  	_ =	shalt  }
0x84: {  	_ =	shalt  }
0x85: {  	_ =	shalt  }
0x86: {  	_ =	shalt  }
0x87: {  	_ =	shalt  }
.Lfunc_end0:
.L_simem_size_0:
called_computation.3_lowered:
.L_overlay_start_0:
0x88: {  	s2 =	sld [smem:$0x3FD9]  }
0x89: {  	s3 =	sld [smem:$0x3FFE];
	_ =	sdelay $0x1  }
0x8a: {  	s1 =	srdreg.scid  }
0x8b: {  	s0 =	sand.u32 $0x1, s1  }
0x8c: {  	s17 =	sshll.u32 s0, $0xA;
	s2 =	sadd.s32 s3, s2  }
0x8d: {  	s2 =	sadd.s32 s2, s17  }
0x8e: {  	[smem:$0x3FC5] =	sst s2  }
0x8f: {  	_ = 	snop  }
0x90: {  	(tm) =	ssettm $0x1  }
0x91: {  	s18 =	sld [smem:$0x3FFB];
	_ =	sdelay $0x3  }
0x92: {  	_ =	strace s18  }
0x93: {  	s2 =	sld [smem:$0x3FFC];
	_ =	sdelay $0x3  }
0x94: {  	_ =	strace s2  }
0x95: {  	s2 =	sld [smem:$0x3FFD];
	_ =	sdelay $0x3  }
0x96: {  	_ =	strace s2  }
0x97: {  	_ =	strace $0x8FFFFFFF  }
0x98: {  	s19 =	sld [smem:$0x3FDB];
	_ =	sdelay $0x1  }
0x99: {  	s20 =	simm.s32 $_scs_section_size  }
0x9a: {  	s4 =	simm.s32 $_size__tile_overlayer_lowered;
	s5 =	simm.s32 $_tile_overlayer_lowered  }
0x9b: {  	s6 =	simm.s32 $0x1BFF;
	s21 =	sshll.u32 s5, $0x1;
	s3 =	sadd.s32 s20, s19  }
0x9c: {  	s22 =	simm.s32 $0x0;
	s4 =	sshll.u32 s4, $0x1;
	s5 =	sadd.s32 s21, s3  }
0x9d: {  	[timem:s22], [sflag:s6] =	dma.local [hbm:s5], s4  }
0x9e: {  	_ =	swait.ge [sflag:s6], s4  }
0x9f: {  	s4 =	ssub.s32 $0x0, s4;
	[sflag:s6] =	ssyncset.done $0x0  }
0xa0: {  	[sflag:s6] =	ssyncadd.s32 s4;
	_ =	sdelay $0x1  }
0xa1: {  	s23 =	simm.s32 $0x1B8B  }
0xa2: {  	_ =	swait.ge [sflag:s23], $0x1  }
0xa3: {  	[sflag:s23] =	ssyncset.done $0x0  }
0xa4: {  	[sflag:s23] =	ssyncadd.s32 $0xFFFFFFFF  }
0xa5: {  	s4 =	sld [smem:$0x0]  }
0xa6: {  	s5 =	sand.u32 $0xFFFFFFFE, s1  }
0xa7: {  	p0 =	sne.s32 s1, s5  }
0xa8: {  	s5 =	sshll.u32 @p0 s5, $0xE  }
0xa9: {  	s5 =	sadd.s32 @p0 $0x11B8D, s5;
	s6 =	sshll.u32 @p0 s4, $0x11  }
0xaa: {  	s5 =	sor.u32 @p0 s6, s5  }
0xab: {  	[sflag:s5] =	ssyncadd.remote.s32 @p0 $0x1;
	_ =	sdelay $0x1  }
0xac: {  	s5 =	simm.s32 @p0 $0x1B8D  }
0xad: {  	_ =	swait.eq @p0 [sflag:s5], $0x1  }
0xae: {  	[sflag:s5] =	ssyncadd.s32 @p0 $0xFFFFFFFF  }
0xaf: {  	s6 =	sshll.u32 @!p0 s1, $0xE  }
0xb0: {  	s6 =	sor.u32 @!p0 $0x4000, s6;
	s5 =	simm.s32 @!p0 $0x1B8D  }
0xb1: {  	s4 =	sshll.u32 @!p0 s4, $0x11;
	s6 =	sadd.s32 @!p0 $0x11B8D, s6;
	_ =	swait.eq @!p0 [sflag:s5], $0x1  }
0xb2: {  	s4 =	sor.u32 @!p0 s4, s6;
	[sflag:s5] =	ssyncadd.s32 @!p0 $0xFFFFFFFF  }
0xb3: {  	s25 =	simm.s32 $0x1B8E;
	s24 =	sld [smem:$0x3FFE];
	[sflag:s4] =	ssyncadd.remote.s32 @!p0 $0x1  }
0xb4: {  	s26 =	simm.s32 $execute0_lowered;
	[smem:$0x3FD2] =	sst s25  }
0xb5: {  	s5 =	sshll.u32 s26, $0x1;
	_ =	strace $0x8000004F;
	[dreg:$0x1] =	wrdreg $0xFFFFFFFF  }
0xb6: {  	s28 =	simm.s32 $_size_execute0_lowered;
	s3 =	sadd.s32 s3, s5;
	[dreg:$0x0] =	wrdreg $0x0  }
0xb7: {  	s5 =	sshll.u32 s28, $0x1;
	[dreg:$0x2] =	wrdreg s3  }
0xb8: {  	[dreg:$0x3] =	wrdreg s5  }
0xb9: {  	[dreg:$0x4] =	wrdreg $0xC0  }
0xba: {  	_ =	task [dreg:s22], $0x5FFFF  }
0xbb: {  	[dreg:$0x1] =	wrdreg $0xFFFFFFFF  }
0xbc: {  	[dreg:$0x0] =	wrdreg $0x60  }
0xbd: {  	[dreg:$0x2] =	wrdreg s24  }
0xbe: {  	[dreg:$0x3] =	wrdreg $0xC  }
0xbf: {  	_ =	task.clear_ibuf [dreg:s22], $0x4FFFF;
	_ =	strace $0x9000004F  }
0xc0: {  	s29 =	simm.s32 $0xC;
	_ =	strace $0x80000051  }
0xc1: {  	_ =	swait.ge [sflag:s29], $0x1  }
0xc2: {  	[sflag:s29] =	ssyncadd.s32 $0xFFFFFFFF  }
0xc3: {  	_ =	strace $0x90000051  }
0xc4: {  	_ =	sfence  }
0xc5: {  	s30 =	sld [smem:$0x0];
	_ =	sdelay $0x2  }
0xc6: {  	s31 =	sshll.u32 s1, $0xD;
	s1 =	sshrl.u32 s1, $0x2  }
0xc7: {  	s4 =	sand.u32 $0x4000, s31;
	s1 =	sadd.s32 s1, s30  }
0xc8: {  	s0 =	sor.u32 s4, s0;
	s1 =	sshll.u32 s1, $0x11  }
0xc9: {  	s0 =	sor.u32 s1, s0  }
0xca: {  	s0 =	sadd.s32 $0x8F2B, s0  }
0xcb: {  	[sflag:s0] =	ssyncadd.remote.s32 $0x1  }
0xcc: {  	_ =	sfence.sel $0xFFFF  }
0xcd: {  	[dreg:$0x0] =	wrdreg $0xFFFFFFFF;
	(pc) =	sbr.abs _section_cstart, $3  }
0xce: {  	[dreg:$0x1] =	wrdreg $0xFFFFFFFF  }
0xcf: {  	_ =	task.clear_ibuf [dreg:s22], $0x2FFFF;
	_ =	strace $0x9FFFFFFF  }
0xd0: {  	(tm) =	ssettm $0x7FFFFFFF  }
0xd1: {  	_ =	shalt  }
tec
execute0_lowered:
.L_overlay_start_1:
0x0: {  	(tag) =	ssettag $0x1  }
0x1: {  	s0 =	srdreg.scid;
	s6 =	stileid.u32  }
0x2: {  	s4 =	rddreg [dreg:$0x0];
	s2 =	simm.s32 $0x0;
	s21 =	simm.s32 $0x7C00  }
0x3: {  	s22 =	simm.s32 $0x8400;
	s23 =	simm.s32 $0x8C00;
	s24 =	simm.s32 $0x9400  }
0x4: {  	s28 =	simm.s32 $0xAC00;
	s29 =	simm.s32 $0xB400;
	s30 =	simm.s32 $0xBC00  }
0x5: {  	s31 =	simm.s32 $0xC400;
	s10 =	simm.s32 $0xEC00;
	s11 =	simm.s32 $0xF400  }
0x6: {  	s12 =	simm.s32 $0xFC00;
	s13 =	simm.s32 $0x10400;
	s14 =	simm.s32 $0x10C00  }
0x7: {  	s15 =	simm.s32 $0x11400;
	s16 =	simm.s32 $0x1;
	s17 =	simm.s32 $0x2  }
0x8: {  	s19 =	simm.s32 $0x0;
	s0 =	sand.u32 $0x1, s0;
	s5 =	smul.u32 $0x70000, s6  }
0x9: {  	s1 =	sshll.u32 s6, $0x1;
	[smem:$0x7FF] =	sst s2;
	s6 =	smul.u32 $0x380000, s6  }
0xa: {  	s3 =	sadd.s32 $0x2C00, s4;
	s7 =	ssub.s32 $0x2, s0;
	s8 =	smul.u32 $0x1C0000, s0  }
0xb: {  	s1 =	sor.u32 s0, s1;
	s0 =	smul.u32 $0x38000, s0;
	s9 =	sshrl.u32 s7, $0x1  }
0xc: {  	_ =	strace $0x80000050;
	s1 =	smul.u32 $0x380, s1;
	s7 =	ssub.s32 s7, s9  }
0xd: {  	s6 =	sadd.s32 s8, s6;
	s8 =	simm.s32 $0x3;
	s9 =	simm.s32 $0x1C00  }
0xe: {  	s1 =	sadd.s32 s1, s4;
	s4 =	sadd.s32 $0xD20000, s4;
	s25 =	sshrl.u32 s6, $0x3  }
.Ltmp0:
0xf: {  	s26 =	smax.u32 s7, $0x1;
	s5 =	sadd.s32 s5, s4;
	(pc) =	sbr.rel .LBB2_1-.Ltmp0, $4  }
0x10: {  	s1 =	sadd.s32 $0xD19000, s1;
	[dreg:$0x3] =	wrdreg s26;
	s7 =	sadd.s32 s25, s4  }
0x11: {  	v2 =	vlaneseq.u32;
	s25 =	simm.s32 $0x9C00;
	s26 =	simm.s32 $0xA400;
	s4 =	simm.s32 $0xDC00  }
0x12: {  	vm0 =	vmmov $0xffff;
	v1 =	vshrl.u32 v2, $0x3;
	[dreg:$0x2] =	wrdreg s1;
	s0 =	sadd.s32 s0, s5;
	s1 =	simm.s32 $0xCC00  }
0x13: {  	v0 =	vand.u32 $0x7, v2;
	v2 =	vor.u32 $0x8, v2;
	v1 =	vmul.u32 $0x8, v1;
	s5 =	simm.s32 $0xE400;
	s6 =	sadd.s32 $0x1000, s0;
	s0 =	simm.s32 $0xD400  }
.LBB2_6:
0x14: {  	s19 =	rddreg [dreg:$0x4]  }
0x15: {  	s18 =	rddreg [dreg:$0x3];
	s19 =	sadd.s32 $0x1, s19  }
0x16: {  	p0 =	sne.s32 s19, s18  }
.Ltmp1:
0x17: {  	_ = 	snop;
	(pc) =	sbr.rel @!p0 .LBB2_7-.Ltmp1, $1  }
0x18: {  	_ =	sdelay $0x3  }
.LBB2_1:
0x19: {  	[dreg:$0x4] =	wrdreg s19  }
0x1a: {  	s18 =	rddreg [dreg:$0x2]  }
0x1b: {  	[tilespmem:s2], [sflag:$0x3] =	stream.linear.gather [hbm4b:s18+s2], $0x1C00, $0x38;
	[tilespmem:$0x11C00] =	vst v63  }
0x1c: {  	_ =	swait.ge [sflag:s8], $0x1C00  }
0x1d: {  	[sflag:s8] =	ssyncset.done $0x0  }
0x1e: {  	[sflag:s8] =	ssyncadd.s32 $0xFFFFE400  }
0x1f: {  	v3 =	vld [tilespmem:$0x0];
	_ =	sdelay $0x4  }
0x20: {  	v4 =	vshll.u32 v3, $0x1  }
0x21: {  	v3 =	vand.u32 $0x7, v3;
	v4 =	vand.u32 $0xFFFFFFF0, v4  }
0x22: {  	v3 =	vor.u32 v3, v4  }
0x23: {  	v4 =	vperm.xlane v3, v0;
	_ =	sdelay $0x1  }
0x24: {  	v3 =	vperm.xlane v3, v2;
	v4 =	vadd.s32 v1, v4;
	_ =	sdelay $0x1  }
0x25: {  	v3 =	vadd.s32 v1, v3;
	_ =	sdelay $0x2  }
0x26: {  	[tilespmem:s9], [sflag:$0x1] =	stream.indirect_vreg.gather [hbm4b:s3+s2], $0x80, v4, vm0, $0xb8;
	[tilespmem:$0x11C00] =	vst v63  }
0x27: {  	s20 =	simm.s32 $0x2400  }
0x28: {  	[tilespmem:s20], [sflag:$0x1] =	stream.indirect_vreg.gather [hbm4b:s3+s2], $0x80, v3, vm0, $0xb8;
	[tilespmem:$0x11C00] =	vst v63  }
0x29: {  	v3 =	vld [tilespmem:$0x10];
	_ =	sdelay $0x4  }
0x2a: {  	v49 =	vshll.u32 v3, $0x1  }
0x2b: {  	v3 =	vand.u32 $0x7, v3;
	v4 =	vand.u32 $0xFFFFFFF0, v49  }
0x2c: {  	v3 =	vor.u32 v3, v4  }
0x2d: {  	v4 =	vperm.xlane v3, v0;
	_ =	sdelay $0x1  }
0x2e: {  	v3 =	vperm.xlane v3, v2;
	v4 =	vadd.s32 v1, v4;
	_ =	sdelay $0x1  }
0x2f: {  	v3 =	vadd.s32 v1, v3;
	_ =	sdelay $0x1  }
0x30: {  	s19 =	simm.s32 $0x2C00  }
0x31: {  	[tilespmem:s19], [sflag:$0x1] =	stream.indirect_vreg.gather [hbm4b:s3+s2], $0x80, v4, vm0, $0xb8;
	[tilespmem:$0x11C00] =	vst v63  }
0x32: {  	s20 =	simm.s32 $0x3400  }
0x33: {  	[tilespmem:s20], [sflag:$0x1] =	stream.indirect_vreg.gather [hbm4b:s3+s2], $0x80, v3, vm0, $0xb8;
	[tilespmem:$0x11C00] =	vst v63  }
0x34: {  	v3 =	vld [tilespmem:$0x20];
	_ =	sdelay $0x4  }
0x35: {  	v50 =	vshll.u32 v3, $0x1  }
0x36: {  	v3 =	vand.u32 $0x7, v3;
	v4 =	vand.u32 $0xFFFFFFF0, v50  }
0x37: {  	v3 =	vor.u32 v3, v4  }
0x38: {  	v4 =	vperm.xlane v3, v0;
	_ =	sdelay $0x1  }
0x39: {  	v3 =	vperm.xlane v3, v2;
	v4 =	vadd.s32 v1, v4;
	_ =	sdelay $0x1  }
0x3a: {  	v3 =	vadd.s32 v1, v3;
	_ =	sdelay $0x1  }
0x3b: {  	s19 =	simm.s32 $0x3C00  }
0x3c: {  	[tilespmem:s19], [sflag:$0x1] =	stream.indirect_vreg.gather [hbm4b:s3+s2], $0x80, v4, vm0, $0xb8;
	[tilespmem:$0x11C00] =	vst v63  }
0x3d: {  	s20 =	simm.s32 $0x4400  }
0x3e: {  	[tilespmem:s20], [sflag:$0x1] =	stream.indirect_vreg.gather [hbm4b:s3+s2], $0x80, v3, vm0, $0xb8;
	[tilespmem:$0x11C00] =	vst v63  }
0x3f: {  	v3 =	vld [tilespmem:$0x30];
	_ =	sdelay $0x4  }
0x40: {  	v51 =	vshll.u32 v3, $0x1  }
0x41: {  	v3 =	vand.u32 $0x7, v3;
	v4 =	vand.u32 $0xFFFFFFF0, v51  }
0x42: {  	v3 =	vor.u32 v3, v4  }
0x43: {  	v4 =	vperm.xlane v3, v0;
	_ =	sdelay $0x1  }
0x44: {  	v3 =	vperm.xlane v3, v2;
	v4 =	vadd.s32 v1, v4;
	_ =	sdelay $0x1  }
0x45: {  	v3 =	vadd.s32 v1, v3;
	_ =	sdelay $0x1  }
0x46: {  	s19 =	simm.s32 $0x4C00  }
0x47: {  	[tilespmem:s19], [sflag:$0x1] =	stream.indirect_vreg.gather [hbm4b:s3+s2], $0x80, v4, vm0, $0xb8;
	[tilespmem:$0x11C00] =	vst v63  }
0x48: {  	s20 =	simm.s32 $0x5400  }
0x49: {  	[tilespmem:s20], [sflag:$0x1] =	stream.indirect_vreg.gather [hbm4b:s3+s2], $0x80, v3, vm0, $0xb8;
	[tilespmem:$0x11C00] =	vst v63  }
0x4a: {  	v3 =	vld [tilespmem:$0x40];
	_ =	sdelay $0x4  }
0x4b: {  	v52 =	vshll.u32 v3, $0x1  }
0x4c: {  	v3 =	vand.u32 $0x7, v3;
	v4 =	vand.u32 $0xFFFFFFF0, v52  }
0x4d: {  	v3 =	vor.u32 v3, v4  }
0x4e: {  	v4 =	vperm.xlane v3, v0;
	_ =	sdelay $0x1  }
0x4f: {  	v3 =	vperm.xlane v3, v2;
	v4 =	vadd.s32 v1, v4;
	_ =	sdelay $0x1  }
0x50: {  	v3 =	vadd.s32 v1, v3;
	_ =	sdelay $0x1  }
0x51: {  	s19 =	simm.s32 $0x5C00  }
0x52: {  	[tilespmem:s19], [sflag:$0x1] =	stream.indirect_vreg.gather [hbm4b:s3+s2], $0x80, v4, vm0, $0xb8;
	[tilespmem:$0x11C00] =	vst v63  }
0x53: {  	s20 =	simm.s32 $0x6400  }
0x54: {  	[tilespmem:s20], [sflag:$0x1] =	stream.indirect_vreg.gather [hbm4b:s3+s2], $0x80, v3, vm0, $0xb8;
	[tilespmem:$0x11C00] =	vst v63  }
0x55: {  	v3 =	vld [tilespmem:$0x50];
	_ =	sdelay $0x4  }
0x56: {  	v53 =	vshll.u32 v3, $0x1  }
0x57: {  	v3 =	vand.u32 $0x7, v3;
	v4 =	vand.u32 $0xFFFFFFF0, v53  }
0x58: {  	v3 =	vor.u32 v3, v4  }
0x59: {  	v4 =	vperm.xlane v3, v0;
	_ =	sdelay $0x1  }
0x5a: {  	v3 =	vperm.xlane v3, v2;
	v4 =	vadd.s32 v1, v4;
	_ =	sdelay $0x1  }
0x5b: {  	v3 =	vadd.s32 v1, v3;
	_ =	sdelay $0x1  }
0x5c: {  	s19 =	simm.s32 $0x6C00  }
0x5d: {  	[tilespmem:s19], [sflag:$0x1] =	stream.indirect_vreg.gather [hbm4b:s3+s2], $0x80, v4, vm0, $0xb8;
	[tilespmem:$0x11C00] =	vst v63  }
0x5e: {  	s20 =	simm.s32 $0x7400  }
0x5f: {  	[tilespmem:s20], [sflag:$0x1] =	stream.indirect_vreg.gather [hbm4b:s3+s2], $0x80, v3, vm0, $0xb8;
	[tilespmem:$0x11C00] =	vst v63  }
0x60: {  	v3 =	vld [tilespmem:$0x60];
	_ =	sdelay $0x4  }
0x61: {  	v54 =	vshll.u32 v3, $0x1  }
0x62: {  	v3 =	vand.u32 $0x7, v3;
	v4 =	vand.u32 $0xFFFFFFF0, v54  }
0x63: {  	v3 =	vor.u32 v3, v4  }
0x64: {  	v4 =	vperm.xlane v3, v0;
	_ =	sdelay $0x1  }
0x65: {  	v3 =	vperm.xlane v3, v2;
	v4 =	vadd.s32 v1, v4;
	_ =	sdelay $0x1  }
0x66: {  	v3 =	vadd.s32 v1, v3;
	_ =	sdelay $0x2  }
0x67: {  	[tilespmem:s21], [sflag:$0x1] =	stream.indirect_vreg.gather [hbm4b:s3+s2], $0x80, v4, vm0, $0xb8;
	[tilespmem:$0x11C00] =	vst v63  }
0x68: {  	_ = 	snop  }
0x69: {  	[tilespmem:s22], [sflag:$0x1] =	stream.indirect_vreg.gather [hbm4b:s3+s2], $0x80, v3, vm0, $0xb8;
	[tilespmem:$0x11C00] =	vst v63  }
0x6a: {  	v3 =	vld [tilespmem:$0x70];
	_ =	sdelay $0x4  }
0x6b: {  	v55 =	vshll.u32 v3, $0x1  }
0x6c: {  	v3 =	vand.u32 $0x7, v3;
	v4 =	vand.u32 $0xFFFFFFF0, v55  }
0x6d: {  	v3 =	vor.u32 v3, v4  }
0x6e: {  	v4 =	vperm.xlane v3, v0;
	_ =	sdelay $0x1  }
0x6f: {  	v3 =	vperm.xlane v3, v2;
	v4 =	vadd.s32 v1, v4;
	_ =	sdelay $0x1  }
0x70: {  	v3 =	vadd.s32 v1, v3;
	_ =	sdelay $0x2  }
0x71: {  	[tilespmem:s23], [sflag:$0x1] =	stream.indirect_vreg.gather [hbm4b:s3+s2], $0x80, v4, vm0, $0xb8;
	[tilespmem:$0x11C00] =	vst v63  }
0x72: {  	_ = 	snop  }
0x73: {  	[tilespmem:s24], [sflag:$0x1] =	stream.indirect_vreg.gather [hbm4b:s3+s2], $0x80, v3, vm0, $0xb8;
	[tilespmem:$0x11C00] =	vst v63  }
0x74: {  	v3 =	vld [tilespmem:$0x80];
	_ =	sdelay $0x4  }
0x75: {  	v56 =	vshll.u32 v3, $0x1  }
0x76: {  	v3 =	vand.u32 $0x7, v3;
	v4 =	vand.u32 $0xFFFFFFF0, v56  }
0x77: {  	v3 =	vor.u32 v3, v4  }
0x78: {  	v4 =	vperm.xlane v3, v0;
	_ =	sdelay $0x1  }
0x79: {  	v3 =	vperm.xlane v3, v2;
	v4 =	vadd.s32 v1, v4;
	_ =	sdelay $0x1  }
0x7a: {  	v3 =	vadd.s32 v1, v3;
	_ =	sdelay $0x2  }
0x7b: {  	[tilespmem:s25], [sflag:$0x2] =	stream.indirect_vreg.gather [hbm4b:s3+s2], $0x80, v4, vm0, $0xb8;
	[tilespmem:$0x11C00] =	vst v63  }
0x7c: {  	_ = 	snop  }
0x7d: {  	[tilespmem:s26], [sflag:$0x2] =	stream.indirect_vreg.gather [hbm4b:s3+s2], $0x80, v3, vm0, $0xb8;
	[tilespmem:$0x11C00] =	vst v63  }
0x7e: {  	v3 =	vld [tilespmem:$0x90];
	_ =	sdelay $0x4  }
0x7f: {  	v57 =	vshll.u32 v3, $0x1  }
0x80: {  	v3 =	vand.u32 $0x7, v3;
	v4 =	vand.u32 $0xFFFFFFF0, v57  }
0x81: {  	v3 =	vor.u32 v3, v4  }
0x82: {  	v4 =	vperm.xlane v3, v0;
	_ =	sdelay $0x1  }
0x83: {  	v3 =	vperm.xlane v3, v2;
	v4 =	vadd.s32 v1, v4;
	_ =	sdelay $0x1  }
0x84: {  	v3 =	vadd.s32 v1, v3;
	_ =	sdelay $0x2  }
0x85: {  	[tilespmem:s28], [sflag:$0x2] =	stream.indirect_vreg.gather [hbm4b:s3+s2], $0x80, v4, vm0, $0xb8;
	[tilespmem:$0x11C00] =	vst v63  }
0x86: {  	_ = 	snop  }
0x87: {  	[tilespmem:s29], [sflag:$0x2] =	stream.indirect_vreg.gather [hbm4b:s3+s2], $0x80, v3, vm0, $0xb8;
	[tilespmem:$0x11C00] =	vst v63  }
0x88: {  	v3 =	vld [tilespmem:$0xA0];
	_ =	sdelay $0x4  }
0x89: {  	v58 =	vshll.u32 v3, $0x1  }
0x8a: {  	v3 =	vand.u32 $0x7, v3;
	v4 =	vand.u32 $0xFFFFFFF0, v58  }
0x8b: {  	v3 =	vor.u32 v3, v4  }
0x8c: {  	v4 =	vperm.xlane v3, v0;
	_ =	sdelay $0x1  }
0x8d: {  	v3 =	vperm.xlane v3, v2;
	v4 =	vadd.s32 v1, v4;
	_ =	sdelay $0x1  }
0x8e: {  	v3 =	vadd.s32 v1, v3;
	_ =	sdelay $0x2  }
0x8f: {  	[tilespmem:s30], [sflag:$0x2] =	stream.indirect_vreg.gather [hbm4b:s3+s2], $0x80, v4, vm0, $0xb8;
	[tilespmem:$0x11C00] =	vst v63  }
0x90: {  	_ = 	snop  }
0x91: {  	[tilespmem:s31], [sflag:$0x2] =	stream.indirect_vreg.gather [hbm4b:s3+s2], $0x80, v3, vm0, $0xb8;
	[tilespmem:$0x11C00] =	vst v63  }
0x92: {  	v3 =	vld [tilespmem:$0xB0];
	_ =	sdelay $0x4  }
0x93: {  	v59 =	vshll.u32 v3, $0x1  }
0x94: {  	v3 =	vand.u32 $0x7, v3;
	v4 =	vand.u32 $0xFFFFFFF0, v59  }
0x95: {  	v3 =	vor.u32 v3, v4  }
0x96: {  	v4 =	vperm.xlane v3, v0;
	_ =	sdelay $0x1  }
0x97: {  	v3 =	vperm.xlane v3, v2;
	v4 =	vadd.s32 v1, v4;
	_ =	sdelay $0x1  }
0x98: {  	v3 =	vadd.s32 v1, v3;
	_ =	sdelay $0x2  }
0x99: {  	[tilespmem:s1], [sflag:$0x2] =	stream.indirect_vreg.gather [hbm4b:s3+s2], $0x80, v4, vm0, $0xb8;
	[tilespmem:$0x11C00] =	vst v63  }
0x9a: {  	_ = 	snop  }
0x9b: {  	[tilespmem:s0], [sflag:$0x2] =	stream.indirect_vreg.gather [hbm4b:s3+s2], $0x80, v3, vm0, $0xb8;
	[tilespmem:$0x11C00] =	vst v63  }
0x9c: {  	v3 =	vld [tilespmem:$0xC0];
	_ =	sdelay $0x4  }
0x9d: {  	v60 =	vshll.u32 v3, $0x1  }
0x9e: {  	v3 =	vand.u32 $0x7, v3;
	v4 =	vand.u32 $0xFFFFFFF0, v60  }
0x9f: {  	v3 =	vor.u32 v3, v4  }
0xa0: {  	v4 =	vperm.xlane v3, v0;
	_ =	sdelay $0x1  }
0xa1: {  	v3 =	vperm.xlane v3, v2;
	v4 =	vadd.s32 v1, v4;
	_ =	sdelay $0x1  }
0xa2: {  	v3 =	vadd.s32 v1, v3;
	_ =	sdelay $0x2  }
0xa3: {  	[tilespmem:s4], [sflag:$0x2] =	stream.indirect_vreg.gather [hbm4b:s3+s2], $0x80, v4, vm0, $0xb8;
	[tilespmem:$0x11C00] =	vst v63  }
0xa4: {  	_ = 	snop  }
0xa5: {  	[tilespmem:s5], [sflag:$0x2] =	stream.indirect_vreg.gather [hbm4b:s3+s2], $0x80, v3, vm0, $0xb8;
	[tilespmem:$0x11C00] =	vst v63  }
0xa6: {  	v3 =	vld [tilespmem:$0xD0];
	_ =	sdelay $0x4  }
0xa7: {  	v61 =	vshll.u32 v3, $0x1  }
0xa8: {  	v3 =	vand.u32 $0x7, v3;
	v4 =	vand.u32 $0xFFFFFFF0, v61  }
0xa9: {  	v3 =	vor.u32 v3, v4  }
0xaa: {  	v4 =	vperm.xlane v3, v0;
	_ =	sdelay $0x1  }
0xab: {  	v3 =	vperm.xlane v3, v2;
	v4 =	vadd.s32 v1, v4;
	_ =	sdelay $0x1  }
0xac: {  	v3 =	vadd.s32 v1, v3;
	_ =	sdelay $0x2  }
0xad: {  	[tilespmem:s10], [sflag:$0x2] =	stream.indirect_vreg.gather [hbm4b:s3+s2], $0x80, v4, vm0, $0xb8;
	[tilespmem:$0x11C00] =	vst v63  }
0xae: {  	_ = 	snop  }
0xaf: {  	[tilespmem:s11], [sflag:$0x2] =	stream.indirect_vreg.gather [hbm4b:s3+s2], $0x80, v3, vm0, $0xb8;
	[tilespmem:$0x11C00] =	vst v63  }
0xb0: {  	v3 =	vld [tilespmem:$0xE0];
	_ =	sdelay $0x4  }
0xb1: {  	v62 =	vshll.u32 v3, $0x1  }
0xb2: {  	v3 =	vand.u32 $0x7, v3;
	v4 =	vand.u32 $0xFFFFFFF0, v62  }
0xb3: {  	v3 =	vor.u32 v3, v4  }
0xb4: {  	v4 =	vperm.xlane v3, v0;
	_ =	sdelay $0x1  }
0xb5: {  	v3 =	vperm.xlane v3, v2;
	v4 =	vadd.s32 v1, v4;
	_ =	sdelay $0x1  }
0xb6: {  	v3 =	vadd.s32 v1, v3;
	_ =	sdelay $0x2  }
0xb7: {  	[tilespmem:s12], [sflag:$0x2] =	stream.indirect_vreg.gather [hbm4b:s3+s2], $0x80, v4, vm0, $0xb8;
	[tilespmem:$0x11C00] =	vst v63  }
0xb8: {  	_ = 	snop  }
0xb9: {  	[tilespmem:s13], [sflag:$0x2] =	stream.indirect_vreg.gather [hbm4b:s3+s2], $0x80, v3, vm0, $0xb8;
	[tilespmem:$0x11C00] =	vst v63  }
0xba: {  	v3 =	vld [tilespmem:$0xF0];
	_ =	sdelay $0x4  }
0xbb: {  	v63 =	vshll.u32 v3, $0x1  }
0xbc: {  	v3 =	vand.u32 $0x7, v3;
	v4 =	vand.u32 $0xFFFFFFF0, v63  }
0xbd: {  	v3 =	vor.u32 v3, v4  }
0xbe: {  	v4 =	vperm.xlane v3, v0;
	_ =	sdelay $0x1  }
0xbf: {  	v3 =	vperm.xlane v3, v2;
	v4 =	vadd.s32 v1, v4;
	_ =	sdelay $0x1  }
0xc0: {  	v3 =	vadd.s32 v1, v3;
	_ =	sdelay $0x2  }
0xc1: {  	[tilespmem:s14], [sflag:$0x2] =	stream.indirect_vreg.gather [hbm4b:s3+s2], $0x80, v4, vm0, $0xb8;
	[tilespmem:$0x11C00] =	vst v63  }
0xc2: {  	s18 =	simm.s32 $0x1F0;
	s19 =	simm.s32 $0x0  }
0xc3: {  	[tilespmem:s15], [sflag:$0x2] =	stream.indirect_vreg.gather [hbm4b:s3+s2], $0x80, v3, vm0, $0xb8;
	[tilespmem:$0x11C00] =	vst v63  }
.LBB2_2:
0xc4: {  	_ =	swait.ge [sflag:s16], $0x8000  }
0xc5: {  	p0 =	seq.s32 s19, $0x36000;
	[sflag:s16] =	ssyncset.done $0x0  }
.Ltmp2:
0xc6: {  	s20 =	sadd.s32 s19, s7;
	[sflag:s16] =	ssyncadd.s32 $0xFFFF8000;
	(pc) =	sbr.rel @p0 .LBB2_4-.Ltmp2, $4  }
0xc7: {  	[hbm4b:s20+s2] =	stream.linear.scatter [tilespmem:s9], [sflag:$0x3], $0x8000, $0x38;
	[tilespmem:$0x11C00] =	vst v63  }
0xc8: {  	_ =	swait.ge [sflag:s8], $0x8000  }
0xc9: {  	[sflag:s8] =	ssyncset.done $0x0  }
0xca: {  	[sflag:s8] =	ssyncadd.s32 $0xFFFF8000  }
0xcb: {  	v3 =	vld [tilespmem:s18+$0xFFFFFF10];
	_ =	sdelay $0x4  }
0xcc: {  	v4 =	vshll.u32 v3, $0x1  }
0xcd: {  	v3 =	vand.u32 $0x7, v3;
	v4 =	vand.u32 $0xFFFFFFF0, v4  }
0xce: {  	v3 =	vor.u32 v3, v4  }
0xcf: {  	v4 =	vperm.xlane v3, v0;
	_ =	sdelay $0x1  }
0xd0: {  	v3 =	vperm.xlane v3, v2;
	v4 =	vadd.s32 v1, v4;
	_ =	sdelay $0x1  }
0xd1: {  	v3 =	vadd.s32 v1, v3;
	_ =	sdelay $0x2  }
0xd2: {  	[tilespmem:s9], [sflag:$0x1] =	stream.indirect_vreg.gather [hbm4b:s3+s2], $0x80, v4, vm0, $0xb8;
	[tilespmem:$0x11C00] =	vst v63  }
0xd3: {  	s20 =	simm.s32 $0x2400  }
0xd4: {  	[tilespmem:s20], [sflag:$0x1] =	stream.indirect_vreg.gather [hbm4b:s3+s2], $0x80, v3, vm0, $0xb8;
	[tilespmem:$0x11C00] =	vst v63  }
0xd5: {  	v3 =	vld [tilespmem:s18+$0xFFFFFF20];
	_ =	sdelay $0x4  }
0xd6: {  	v57 =	vshll.u32 v3, $0x1  }
0xd7: {  	v3 =	vand.u32 $0x7, v3;
	v4 =	vand.u32 $0xFFFFFFF0, v57  }
0xd8: {  	v3 =	vor.u32 v3, v4  }
0xd9: {  	v4 =	vperm.xlane v3, v0;
	_ =	sdelay $0x1  }
0xda: {  	v3 =	vperm.xlane v3, v2;
	v4 =	vadd.s32 v1, v4;
	_ =	sdelay $0x1  }
0xdb: {  	v3 =	vadd.s32 v1, v3;
	_ =	sdelay $0x1  }
0xdc: {  	s20 =	simm.s32 $0x2C00  }
0xdd: {  	[tilespmem:s20], [sflag:$0x1] =	stream.indirect_vreg.gather [hbm4b:s3+s2], $0x80, v4, vm0, $0xb8;
	[tilespmem:$0x11C00] =	vst v63  }
0xde: {  	s20 =	simm.s32 $0x3400  }
0xdf: {  	[tilespmem:s20], [sflag:$0x1] =	stream.indirect_vreg.gather [hbm4b:s3+s2], $0x80, v3, vm0, $0xb8;
	[tilespmem:$0x11C00] =	vst v63  }
0xe0: {  	v3 =	vld [tilespmem:s18+$0xFFFFFF30];
	_ =	sdelay $0x4  }
0xe1: {  	v58 =	vshll.u32 v3, $0x1  }
0xe2: {  	v3 =	vand.u32 $0x7, v3;
	v4 =	vand.u32 $0xFFFFFFF0, v58  }
0xe3: {  	v3 =	vor.u32 v3, v4  }
0xe4: {  	v4 =	vperm.xlane v3, v0;
	_ =	sdelay $0x1  }
0xe5: {  	v3 =	vperm.xlane v3, v2;
	v4 =	vadd.s32 v1, v4;
	_ =	sdelay $0x1  }
0xe6: {  	v3 =	vadd.s32 v1, v3;
	_ =	sdelay $0x1  }
0xe7: {  	s20 =	simm.s32 $0x3C00  }
0xe8: {  	[tilespmem:s20], [sflag:$0x1] =	stream.indirect_vreg.gather [hbm4b:s3+s2], $0x80, v4, vm0, $0xb8;
	[tilespmem:$0x11C00] =	vst v63  }
0xe9: {  	s20 =	simm.s32 $0x4400  }
0xea: {  	[tilespmem:s20], [sflag:$0x1] =	stream.indirect_vreg.gather [hbm4b:s3+s2], $0x80, v3, vm0, $0xb8;
	[tilespmem:$0x11C00] =	vst v63  }
0xeb: {  	v3 =	vld [tilespmem:s18+$0xFFFFFF40];
	_ =	sdelay $0x4  }
0xec: {  	v59 =	vshll.u32 v3, $0x1  }
0xed: {  	v3 =	vand.u32 $0x7, v3;
	v4 =	vand.u32 $0xFFFFFFF0, v59  }
0xee: {  	v3 =	vor.u32 v3, v4  }
0xef: {  	v4 =	vperm.xlane v3, v0;
	_ =	sdelay $0x1  }
0xf0: {  	v3 =	vperm.xlane v3, v2;
	v4 =	vadd.s32 v1, v4;
	_ =	sdelay $0x1  }
0xf1: {  	v3 =	vadd.s32 v1, v3;
	_ =	sdelay $0x1  }
0xf2: {  	s20 =	simm.s32 $0x4C00  }
0xf3: {  	[tilespmem:s20], [sflag:$0x1] =	stream.indirect_vreg.gather [hbm4b:s3+s2], $0x80, v4, vm0, $0xb8;
	[tilespmem:$0x11C00] =	vst v63  }
0xf4: {  	s20 =	simm.s32 $0x5400  }
0xf5: {  	[tilespmem:s20], [sflag:$0x1] =	stream.indirect_vreg.gather [hbm4b:s3+s2], $0x80, v3, vm0, $0xb8;
	[tilespmem:$0x11C00] =	vst v63  }
0xf6: {  	v3 =	vld [tilespmem:s18+$0xFFFFFF50];
	_ =	sdelay $0x4  }
0xf7: {  	v60 =	vshll.u32 v3, $0x1  }
0xf8: {  	v3 =	vand.u32 $0x7, v3;
	v4 =	vand.u32 $0xFFFFFFF0, v60  }
0xf9: {  	v3 =	vor.u32 v3, v4  }
0xfa: {  	v4 =	vperm.xlane v3, v0;
	_ =	sdelay $0x1  }
0xfb: {  	v3 =	vperm.xlane v3, v2;
	v4 =	vadd.s32 v1, v4;
	_ =	sdelay $0x1  }
0xfc: {  	v3 =	vadd.s32 v1, v3;
	_ =	sdelay $0x1  }
0xfd: {  	s20 =	simm.s32 $0x5C00  }
0xfe: {  	[tilespmem:s20], [sflag:$0x1] =	stream.indirect_vreg.gather [hbm4b:s3+s2], $0x80, v4, vm0, $0xb8;
	[tilespmem:$0x11C00] =	vst v63  }
0xff: {  	s20 =	simm.s32 $0x6400  }
0x100: {  	[tilespmem:s20], [sflag:$0x1] =	stream.indirect_vreg.gather [hbm4b:s3+s2], $0x80, v3, vm0, $0xb8;
	[tilespmem:$0x11C00] =	vst v63  }
0x101: {  	v3 =	vld [tilespmem:s18+$0xFFFFFF60];
	_ =	sdelay $0x4  }
0x102: {  	v61 =	vshll.u32 v3, $0x1  }
0x103: {  	v3 =	vand.u32 $0x7, v3;
	v4 =	vand.u32 $0xFFFFFFF0, v61  }
0x104: {  	v3 =	vor.u32 v3, v4  }
0x105: {  	v4 =	vperm.xlane v3, v0;
	_ =	sdelay $0x1  }
0x106: {  	v3 =	vperm.xlane v3, v2;
	v4 =	vadd.s32 v1, v4;
	_ =	sdelay $0x1  }
0x107: {  	v3 =	vadd.s32 v1, v3;
	_ =	sdelay $0x1  }
0x108: {  	s20 =	simm.s32 $0x6C00  }
0x109: {  	[tilespmem:s20], [sflag:$0x1] =	stream.indirect_vreg.gather [hbm4b:s3+s2], $0x80, v4, vm0, $0xb8;
	[tilespmem:$0x11C00] =	vst v63  }
0x10a: {  	s20 =	simm.s32 $0x7400  }
0x10b: {  	[tilespmem:s20], [sflag:$0x1] =	stream.indirect_vreg.gather [hbm4b:s3+s2], $0x80, v3, vm0, $0xb8;
	[tilespmem:$0x11C00] =	vst v63  }
0x10c: {  	v3 =	vld [tilespmem:s18+$0xFFFFFF70];
	_ =	sdelay $0x4  }
0x10d: {  	v62 =	vshll.u32 v3, $0x1  }
0x10e: {  	v3 =	vand.u32 $0x7, v3;
	v4 =	vand.u32 $0xFFFFFFF0, v62  }
0x10f: {  	v3 =	vor.u32 v3, v4  }
0x110: {  	v4 =	vperm.xlane v3, v0;
	_ =	sdelay $0x1  }
0x111: {  	v3 =	vperm.xlane v3, v2;
	v4 =	vadd.s32 v1, v4;
	_ =	sdelay $0x1  }
0x112: {  	v3 =	vadd.s32 v1, v3;
	_ =	sdelay $0x2  }
0x113: {  	[tilespmem:s21], [sflag:$0x1] =	stream.indirect_vreg.gather [hbm4b:s3+s2], $0x80, v4, vm0, $0xb8;
	[tilespmem:$0x11C00] =	vst v63  }
0x114: {  	_ = 	snop  }
0x115: {  	[tilespmem:s22], [sflag:$0x1] =	stream.indirect_vreg.gather [hbm4b:s3+s2], $0x80, v3, vm0, $0xb8;
	[tilespmem:$0x11C00] =	vst v63  }
0x116: {  	v3 =	vld [tilespmem:s18+$0xFFFFFF80];
	_ =	sdelay $0x4  }
0x117: {  	v63 =	vshll.u32 v3, $0x1  }
0x118: {  	v3 =	vand.u32 $0x7, v3;
	v4 =	vand.u32 $0xFFFFFFF0, v63  }
0x119: {  	v3 =	vor.u32 v3, v4  }
0x11a: {  	v4 =	vperm.xlane v3, v0;
	_ =	sdelay $0x1  }
0x11b: {  	v3 =	vperm.xlane v3, v2;
	v4 =	vadd.s32 v1, v4;
	_ =	sdelay $0x1  }
0x11c: {  	v3 =	vadd.s32 v1, v3;
	_ =	sdelay $0x2  }
0x11d: {  	[tilespmem:s23], [sflag:$0x1] =	stream.indirect_vreg.gather [hbm4b:s3+s2], $0x80, v4, vm0, $0xb8;
	[tilespmem:$0x11C00] =	vst v63  }
0x11e: {  	_ = 	snop  }
0x11f: {  	[tilespmem:s24], [sflag:$0x1] =	stream.indirect_vreg.gather [hbm4b:s3+s2], $0x80, v3, vm0, $0xb8;
	[tilespmem:$0x11C00] =	vst v63  }
.LBB2_4:
0x120: {  	_ =	swait.ge [sflag:s17], $0x8000  }
0x121: {  	[sflag:s17] =	ssyncset.done $0x0  }
.Ltmp3:
0x122: {  	s20 =	sadd.s32 s19, s6;
	[sflag:s17] =	ssyncadd.s32 $0xFFFF8000;
	(pc) =	sbr.rel @p0 .LBB2_6-.Ltmp3, $4  }
0x123: {  	[hbm4b:s20+s2] =	stream.linear.scatter [tilespmem:s25], [sflag:$0x3], $0x8000, $0x38;
	[tilespmem:$0x11C00] =	vst v63  }
0x124: {  	_ =	swait.ge [sflag:s8], $0x8000  }
0x125: {  	[sflag:s8] =	ssyncset.done $0x0  }
0x126: {  	[sflag:s8] =	ssyncadd.s32 $0xFFFF8000  }
0x127: {  	v3 =	vld [tilespmem:s18+$0xFFFFFF90];
	_ =	sdelay $0x4  }
0x128: {  	v4 =	vshll.u32 v3, $0x1  }
0x129: {  	v3 =	vand.u32 $0x7, v3;
	v4 =	vand.u32 $0xFFFFFFF0, v4  }
0x12a: {  	v3 =	vor.u32 v3, v4  }
0x12b: {  	v4 =	vperm.xlane v3, v0;
	_ =	sdelay $0x1  }
0x12c: {  	v3 =	vperm.xlane v3, v2;
	v4 =	vadd.s32 v1, v4;
	_ =	sdelay $0x1  }
0x12d: {  	v3 =	vadd.s32 v1, v3;
	_ =	sdelay $0x2  }
0x12e: {  	[tilespmem:s25], [sflag:$0x2] =	stream.indirect_vreg.gather [hbm4b:s3+s2], $0x80, v4, vm0, $0xb8;
	[tilespmem:$0x11C00] =	vst v63  }
0x12f: {  	_ = 	snop  }
0x130: {  	[tilespmem:s26], [sflag:$0x2] =	stream.indirect_vreg.gather [hbm4b:s3+s2], $0x80, v3, vm0, $0xb8;
	[tilespmem:$0x11C00] =	vst v63  }
0x131: {  	v3 =	vld [tilespmem:s18+$0xFFFFFFA0];
	_ =	sdelay $0x4  }
0x132: {  	v57 =	vshll.u32 v3, $0x1  }
0x133: {  	v3 =	vand.u32 $0x7, v3;
	v4 =	vand.u32 $0xFFFFFFF0, v57  }
0x134: {  	v3 =	vor.u32 v3, v4  }
0x135: {  	v4 =	vperm.xlane v3, v0;
	_ =	sdelay $0x1  }
0x136: {  	v3 =	vperm.xlane v3, v2;
	v4 =	vadd.s32 v1, v4;
	_ =	sdelay $0x1  }
0x137: {  	v3 =	vadd.s32 v1, v3;
	_ =	sdelay $0x2  }
0x138: {  	[tilespmem:s28], [sflag:$0x2] =	stream.indirect_vreg.gather [hbm4b:s3+s2], $0x80, v4, vm0, $0xb8;
	[tilespmem:$0x11C00] =	vst v63  }
0x139: {  	_ = 	snop  }
0x13a: {  	[tilespmem:s29], [sflag:$0x2] =	stream.indirect_vreg.gather [hbm4b:s3+s2], $0x80, v3, vm0, $0xb8;
	[tilespmem:$0x11C00] =	vst v63  }
0x13b: {  	v3 =	vld [tilespmem:s18+$0xFFFFFFB0];
	_ =	sdelay $0x4  }
0x13c: {  	v58 =	vshll.u32 v3, $0x1  }
0x13d: {  	v3 =	vand.u32 $0x7, v3;
	v4 =	vand.u32 $0xFFFFFFF0, v58  }
0x13e: {  	v3 =	vor.u32 v3, v4  }
0x13f: {  	v4 =	vperm.xlane v3, v0;
	_ =	sdelay $0x1  }
0x140: {  	v3 =	vperm.xlane v3, v2;
	v4 =	vadd.s32 v1, v4;
	_ =	sdelay $0x1  }
0x141: {  	v3 =	vadd.s32 v1, v3;
	_ =	sdelay $0x2  }
0x142: {  	[tilespmem:s30], [sflag:$0x2] =	stream.indirect_vreg.gather [hbm4b:s3+s2], $0x80, v4, vm0, $0xb8;
	[tilespmem:$0x11C00] =	vst v63  }
0x143: {  	_ = 	snop  }
0x144: {  	[tilespmem:s31], [sflag:$0x2] =	stream.indirect_vreg.gather [hbm4b:s3+s2], $0x80, v3, vm0, $0xb8;
	[tilespmem:$0x11C00] =	vst v63  }
0x145: {  	v3 =	vld [tilespmem:s18+$0xFFFFFFC0];
	_ =	sdelay $0x4  }
0x146: {  	v59 =	vshll.u32 v3, $0x1  }
0x147: {  	v3 =	vand.u32 $0x7, v3;
	v4 =	vand.u32 $0xFFFFFFF0, v59  }
0x148: {  	v3 =	vor.u32 v3, v4  }
0x149: {  	v4 =	vperm.xlane v3, v0;
	_ =	sdelay $0x1  }
0x14a: {  	v3 =	vperm.xlane v3, v2;
	v4 =	vadd.s32 v1, v4;
	_ =	sdelay $0x1  }
0x14b: {  	v3 =	vadd.s32 v1, v3;
	_ =	sdelay $0x2  }
0x14c: {  	[tilespmem:s1], [sflag:$0x2] =	stream.indirect_vreg.gather [hbm4b:s3+s2], $0x80, v4, vm0, $0xb8;
	[tilespmem:$0x11C00] =	vst v63  }
0x14d: {  	_ = 	snop  }
0x14e: {  	[tilespmem:s0], [sflag:$0x2] =	stream.indirect_vreg.gather [hbm4b:s3+s2], $0x80, v3, vm0, $0xb8;
	[tilespmem:$0x11C00] =	vst v63  }
0x14f: {  	v3 =	vld [tilespmem:s18+$0xFFFFFFD0];
	_ =	sdelay $0x4  }
0x150: {  	v60 =	vshll.u32 v3, $0x1  }
0x151: {  	v3 =	vand.u32 $0x7, v3;
	v4 =	vand.u32 $0xFFFFFFF0, v60  }
0x152: {  	v3 =	vor.u32 v3, v4  }
0x153: {  	v4 =	vperm.xlane v3, v0;
	_ =	sdelay $0x1  }
0x154: {  	v3 =	vperm.xlane v3, v2;
	v4 =	vadd.s32 v1, v4;
	_ =	sdelay $0x1  }
0x155: {  	v3 =	vadd.s32 v1, v3;
	_ =	sdelay $0x2  }
0x156: {  	[tilespmem:s4], [sflag:$0x2] =	stream.indirect_vreg.gather [hbm4b:s3+s2], $0x80, v4, vm0, $0xb8;
	[tilespmem:$0x11C00] =	vst v63  }
0x157: {  	_ = 	snop  }
0x158: {  	[tilespmem:s5], [sflag:$0x2] =	stream.indirect_vreg.gather [hbm4b:s3+s2], $0x80, v3, vm0, $0xb8;
	[tilespmem:$0x11C00] =	vst v63  }
0x159: {  	v3 =	vld [tilespmem:s18+$0xFFFFFFE0];
	_ =	sdelay $0x4  }
0x15a: {  	v61 =	vshll.u32 v3, $0x1  }
0x15b: {  	v3 =	vand.u32 $0x7, v3;
	v4 =	vand.u32 $0xFFFFFFF0, v61  }
0x15c: {  	v3 =	vor.u32 v3, v4  }
0x15d: {  	v4 =	vperm.xlane v3, v0;
	_ =	sdelay $0x1  }
0x15e: {  	v3 =	vperm.xlane v3, v2;
	v4 =	vadd.s32 v1, v4;
	_ =	sdelay $0x1  }
0x15f: {  	v3 =	vadd.s32 v1, v3;
	_ =	sdelay $0x2  }
0x160: {  	[tilespmem:s10], [sflag:$0x2] =	stream.indirect_vreg.gather [hbm4b:s3+s2], $0x80, v4, vm0, $0xb8;
	[tilespmem:$0x11C00] =	vst v63  }
0x161: {  	_ = 	snop  }
0x162: {  	[tilespmem:s11], [sflag:$0x2] =	stream.indirect_vreg.gather [hbm4b:s3+s2], $0x80, v3, vm0, $0xb8;
	[tilespmem:$0x11C00] =	vst v63  }
0x163: {  	v3 =	vld [tilespmem:s18+$0xFFFFFFF0];
	_ =	sdelay $0x4  }
0x164: {  	v62 =	vshll.u32 v3, $0x1  }
0x165: {  	v3 =	vand.u32 $0x7, v3;
	v4 =	vand.u32 $0xFFFFFFF0, v62  }
0x166: {  	v3 =	vor.u32 v3, v4  }
0x167: {  	v4 =	vperm.xlane v3, v0;
	_ =	sdelay $0x1  }
0x168: {  	v3 =	vperm.xlane v3, v2;
	v4 =	vadd.s32 v1, v4;
	_ =	sdelay $0x1  }
0x169: {  	v3 =	vadd.s32 v1, v3;
	_ =	sdelay $0x2  }
0x16a: {  	[tilespmem:s12], [sflag:$0x2] =	stream.indirect_vreg.gather [hbm4b:s3+s2], $0x80, v4, vm0, $0xb8;
	[tilespmem:$0x11C00] =	vst v63  }
0x16b: {  	_ = 	snop  }
0x16c: {  	[tilespmem:s13], [sflag:$0x2] =	stream.indirect_vreg.gather [hbm4b:s3+s2], $0x80, v3, vm0, $0xb8;
	[tilespmem:$0x11C00] =	vst v63  }
0x16d: {  	v3 =	vld [tilespmem:s18+$0x0];
	_ =	sdelay $0x4  }
0x16e: {  	v63 =	vshll.u32 v3, $0x1  }
0x16f: {  	v3 =	vand.u32 $0x7, v3;
	v4 =	vand.u32 $0xFFFFFFF0, v63  }
0x170: {  	v3 =	vor.u32 v3, v4  }
0x171: {  	v4 =	vperm.xlane v3, v0;
	_ =	sdelay $0x1  }
0x172: {  	v3 =	vperm.xlane v3, v2;
	v4 =	vadd.s32 v1, v4;
	_ =	sdelay $0x1  }
0x173: {  	v3 =	vadd.s32 v1, v3  }
.Ltmp4:
0x174: {  	_ = 	snop;
	(pc) =	sbr.rel .LBB2_2-.Ltmp4, $4  }
0x175: {  	_ = 	snop  }
0x176: {  	[tilespmem:s14], [sflag:$0x2] =	stream.indirect_vreg.gather [hbm4b:s3+s2], $0x80, v4, vm0, $0xb8;
	[tilespmem:$0x11C00] =	vst v63  }
0x177: {  	s19 =	sadd.s32 $0x2000, s19;
	s18 =	sadd.s32 $0x100, s18  }
0x178: {  	[tilespmem:s15], [sflag:$0x2] =	stream.indirect_vreg.gather [hbm4b:s3+s2], $0x80, v3, vm0, $0xb8;
	[tilespmem:$0x11C00] =	vst v63  }
.LBB2_7:
0x179: {  	_ =	sfence.sel $0x180000  }
0x17a: {  	[bflag:$0x0] =	sbarrier.arrive $0xFFFF  }
0x17b: {  	_ =	strace $0x90000050  }
0x17c: {  	s0 =	stileid.u32;
	[bflag:$0x2] =	sbarrier.arrive $0xFFFF  }
0x17d: {  	p0 =	sne.s32 s0, $0x0;
	s0 =	rddreg [dreg:$0x1]  }
0x17e: {  	s0 =	sadd.s32 @!p0 $0x100000, s0  }
0x17f: {  	[sflag:s0] =	ssyncadd.tile.s32 @!p0 $0x1;
	_ =	shalt  }
.Lfunc_end2:
_tile_overlayer_lowered:
.L_overlay_start_2:
0x180: {  	(tag) =	ssettag $0x2  }
0x181: {  	s0 =	rddreg [dreg:$0x0];
	s2 =	stileid.u32  }
0x182: {  	s1 =	rddreg [dreg:$0x1];
	p0 =	sne.s32 s2, $0x0  }
0x183: {  	s3 =	rddreg [dreg:$0x2];
	[bflag:$0x3] =	sbarrier.arrive $0xFFFF;
	s2 =	simm.s32 @!p0 $0x1C03  }
0x184: {  	[timem:s3], [sflag:s2] =	dma.local @!p0 [hbm:s0], s1  }
0x185: {  	s0 =	simm.s32 @!p0 $0x3  }
0x186: {  	_ =	swait.ge @!p0 [sflag:s0], s1  }
0x187: {  	s1 =	ssub.s32 @!p0 $0x0, s1;
	[sflag:s0] =	ssyncset.done @!p0 $0x0  }
0x188: {  	[sflag:s0] =	ssyncadd.s32 @!p0 s1  }
0x189: {  	[bflag:$0x3] =	sbarrier.arrive $0xFFFF  }
0x18a: {  	_ =	shalt  }

// kernel: kernel.27.cloned.1.call-start
scs
__scs_entry_jumppad:
0x0: {  	(pc) =	sbr.rel $0x88, $3  }
0x1: {  	(tag) =	ssettag $0x0;
	lr =	simm.s32 $0x1  }
0x2: {  	[smem:$0x3F9E] =	sst lr;
	_ =	strace $0xD0000000  }
0x3: {  	_ = 	snop  }
0x4: {  	_ = 	snop  }
0x5: {  	_ = 	snop  }
0x6: {  	_ = 	snop  }
0x7: {  	_ = 	snop  }
__scs_overlays_trampoline_lowered:
0x8: {  	[smem:$0x3FAD] =	sst s0  }
0x9: {  	[smem:$0x3FAE] =	sst s1  }
0xa: {  	[smem:$0x3FAF] =	sst s2  }
0xb: {  	[smem:$0x3FB0] =	sst s3  }
0xc: {  	[smem:$0x3FB1] =	sst s4  }
0xd: {  	[smem:$0x3FB2] =	sst s5  }
0xe: {  	[smem:$0x3FB3] =	sst s6  }
0xf: {  	[smem:$0x3FB4] =	sst s7  }
0x10: {  	[smem:$0x3FB5] =	sst s8  }
0x11: {  	[smem:$0x3FB6] =	sst s9;
	s0 =	simm.s32 @!p0 $0x0  }
0x12: {  	s1 =	sld [smem:$0x3F9C];
	s0 =	simm.s32 @p0 $0x1  }
0x13: {  	[smem:$0x3FB7] =	sst s0;
	s0 =	simm.s32 @!p1 $0x0  }
0x14: {  	s2 =	sld [smem:$0x3F9B];
	s0 =	simm.s32 @p1 $0x1  }
0x15: {  	[smem:$0x3FB8] =	sst s0;
	s0 =	simm.s32 @!p2 $0x0  }
0x16: {  	s3 =	sld [smem:$0x3FDB];
	s0 =	simm.s32 @p2 $0x1  }
0x17: {  	s4 =	simm.s32 $0x1BF5;
	[smem:$0x3FBA] =	sst s0  }
0x18: {  	s0 =	sld [smem:$0x3F9D];
	_ =	swait.ge [sflag:s4], $0x0  }
0x19: {  	s7 =	sld [smem:$0x3F9E]  }
0x1a: {  	s8 =	sadd.s32 $0xFFFFE003, lr  }
0x1b: {  	s9 =	sadd.s32 $0xFFFFFEF7, lr;
	s5 =	simm.s32 $0xFFFFFFFF;
	p2 =	slt.u32 s8, $0xFFFFF086  }
0x1c: {  	p1 =	slt.u32 s9, $0xF7A;
	s5 =	simm.s32 @!p2 $0x0  }
0x1d: {  	s5 =	simm.s32 @p1 $0x1;
	p0 =	seq.s32 s7, s2  }
0x1e: {  	s7 =	smul.u32 @!p0 $0xF7A, s2;
	p2 =	seq.s32 @!p0 s5, $0x0  }
0x1f: {  	s9 =	smul.u32 $0xF7A, s1;
	s8 =	simm.s32 @!p0 $0x1BF5;
	p2 =	por !p2, p0  }
0x20: {  	[sflag:s8] =	ssyncset.s32 @!p0 $0xFFFFF086;
	s6 =	sadd.s32 @!p0 s3, s7;
	s7 =	simm.s32 @!p0 $0x108  }
0x21: {  	s3 =	sadd.s32 s3, s9;
	s6 =	sadd.s32 @!p0 $0x88, s6;
	s7 =	simm.s32 @p2 $0x1082  }
0x22: {  	[simem:s7], [sflag:s8] =	dma.local @!p0 [hbm:s6], $0xF7A  }
0x23: {  	s9 =	sor.u32 $0xD0000000, s2;
	s6 =	simm.s32 $0x108;
	_ =	swait.ge @!p0 [sflag:s8], $0x0  }
0x24: {  	s3 =	sadd.s32 $0x88, s3;
	s6 =	simm.s32 @!p1 $0x1082;
	[sflag:s4] =	ssyncset.s32 $0xFFFFF086  }
0x25: {  	[simem:s6], [sflag:s4] =	dma.local [hbm:s3], $0xF7A  }
0x26: {  	[smem:$0x3F9E] =	sst s1;
	(tag) =	ssettag s2;
	_ =	strace s9  }
0x27: {  	s1 =	sld [smem:$0x3FAE]  }
0x28: {  	s2 =	sld [smem:$0x3FAF]  }
0x29: {  	s4 =	sld [smem:$0x3FB1]  }
0x2a: {  	p0 =	seq.s32 s5, $0x0;
	s5 =	sld [smem:$0x3FB2]  }
0x2b: {  	s6 =	sld [smem:$0x3FB3]  }
0x2c: {  	s7 =	sld [smem:$0x3FB4]  }
0x2d: {  	s3 =	simm.s32 $0x108;
	s8 =	sld [smem:$0x3FB5]  }
0x2e: {  	s3 =	simm.s32 @!p0 $0x1082;
	s9 =	sld [smem:$0x3FB6]  }
0x2f: {  	lr =	sadd.s32 s0, s3;
	s0 =	sld [smem:$0x3FAD]  }
0x30: {  	s3 =	sld [smem:$0x3FB0]  }
0x31: {  	[smem:$0x3FB9] =	sst s10  }
0x32: {  	s10 =	sld [smem:$0x3FB7];
	_ =	sdelay $0x3  }
0x33: {  	p0 =	seq.s32 s10, $0x1;
	s10 =	sld [smem:$0x3FB9];
	_ =	sdelay $0x3  }
0x34: {  	[smem:$0x3FB9] =	sst s10  }
0x35: {  	s10 =	sld [smem:$0x3FB8];
	_ =	sdelay $0x3  }
0x36: {  	p1 =	seq.s32 s10, $0x1;
	s10 =	sld [smem:$0x3FB9];
	_ =	sdelay $0x3  }
0x37: {  	[smem:$0x3FB9] =	sst s10  }
0x38: {  	s10 =	sld [smem:$0x3FBA]  }
0x39: {  	_ = 	snop;
	(pc) =	sbr.ind lr, $3  }
0x3a: {  	_ = 	snop  }
0x3b: {  	_ = 	snop  }
0x3c: {  	p2 =	seq.s32 s10, $0x1;
	s10 =	sld [smem:$0x3FB9]  }
0x3d: {  	_ =	shalt  }
0x3e: {  	_ =	shalt  }
0x3f: {  	_ =	shalt  }
0x40: {  	_ =	shalt  }
0x41: {  	_ =	shalt  }
0x42: {  	_ =	shalt  }
0x43: {  	_ =	shalt  }
0x44: {  	_ =	shalt  }
0x45: {  	_ =	shalt  }
0x46: {  	_ =	shalt  }
0x47: {  	_ =	shalt  }
0x48: {  	_ =	shalt  }
0x49: {  	_ =	shalt  }
0x4a: {  	_ =	shalt  }
0x4b: {  	_ =	shalt  }
0x4c: {  	_ =	shalt  }
0x4d: {  	_ =	shalt  }
0x4e: {  	_ =	shalt  }
0x4f: {  	_ =	shalt  }
0x50: {  	_ =	shalt  }
0x51: {  	_ =	shalt  }
0x52: {  	_ =	shalt  }
0x53: {  	_ =	shalt  }
0x54: {  	_ =	shalt  }
0x55: {  	_ =	shalt  }
0x56: {  	_ =	shalt  }
0x57: {  	_ =	shalt  }
0x58: {  	_ =	shalt  }
0x59: {  	_ =	shalt  }
0x5a: {  	_ =	shalt  }
0x5b: {  	_ =	shalt  }
0x5c: {  	_ =	shalt  }
0x5d: {  	_ =	shalt  }
0x5e: {  	_ =	shalt  }
0x5f: {  	_ =	shalt  }
0x60: {  	_ =	shalt  }
0x61: {  	_ =	shalt  }
0x62: {  	_ =	shalt  }
0x63: {  	_ =	shalt  }
0x64: {  	_ =	shalt  }
0x65: {  	_ =	shalt  }
0x66: {  	_ =	shalt  }
0x67: {  	_ =	shalt  }
0x68: {  	_ =	shalt  }
0x69: {  	_ =	shalt  }
0x6a: {  	_ =	shalt  }
0x6b: {  	_ =	shalt  }
0x6c: {  	_ =	shalt  }
0x6d: {  	_ =	shalt  }
0x6e: {  	_ =	shalt  }
0x6f: {  	_ =	shalt  }
0x70: {  	_ =	shalt  }
0x71: {  	_ =	shalt  }
0x72: {  	_ =	shalt  }
0x73: {  	_ =	shalt  }
0x74: {  	_ =	shalt  }
0x75: {  	_ =	shalt  }
0x76: {  	_ =	shalt  }
0x77: {  	_ =	shalt  }
0x78: {  	_ =	shalt  }
0x79: {  	_ =	shalt  }
0x7a: {  	_ =	shalt  }
0x7b: {  	_ =	shalt  }
0x7c: {  	_ =	shalt  }
0x7d: {  	_ =	shalt  }
0x7e: {  	_ =	shalt  }
0x7f: {  	_ =	shalt  }
0x80: {  	_ =	shalt  }
0x81: {  	_ =	shalt  }
0x82: {  	_ =	shalt  }
0x83: {  	_ =	shalt  }
0x84: {  	_ =	shalt  }
0x85: {  	_ =	shalt  }
0x86: {  	_ =	shalt  }
0x87: {  	_ =	shalt  }
.Lfunc_end0:
.L_simem_size_0:
called_computation.4_lowered:
.L_overlay_start_0:
0x88: {  	s2 =	sld [smem:$0x3FD9]  }
0x89: {  	s3 =	sld [smem:$0x3FFE];
	_ =	sdelay $0x1  }
0x8a: {  	s1 =	srdreg.scid  }
0x8b: {  	s0 =	sand.u32 $0x1, s1  }
0x8c: {  	s17 =	sshll.u32 s0, $0xA;
	s2 =	sadd.s32 s3, s2  }
0x8d: {  	s2 =	sadd.s32 s2, s17  }
0x8e: {  	[smem:$0x3FC5] =	sst s2  }
0x8f: {  	_ = 	snop  }
0x90: {  	(tm) =	ssettm $0x1  }
0x91: {  	s18 =	sld [smem:$0x3FFB];
	_ =	sdelay $0x3  }
0x92: {  	_ =	strace s18  }
0x93: {  	s2 =	sld [smem:$0x3FFC];
	_ =	sdelay $0x3  }
0x94: {  	_ =	strace s2  }
0x95: {  	s2 =	sld [smem:$0x3FFD];
	_ =	sdelay $0x3  }
0x96: {  	_ =	strace s2  }
0x97: {  	_ =	strace $0x8FFFFFFF  }
0x98: {  	s19 =	sld [smem:$0x3FDB];
	_ =	sdelay $0x1  }
0x99: {  	s20 =	simm.s32 $_scs_section_size  }
0x9a: {  	s4 =	simm.s32 $_size__tile_overlayer_lowered;
	s5 =	simm.s32 $_tile_overlayer_lowered  }
0x9b: {  	s6 =	simm.s32 $0x1BFF;
	s21 =	sshll.u32 s5, $0x1;
	s3 =	sadd.s32 s20, s19  }
0x9c: {  	s22 =	simm.s32 $0x0;
	s4 =	sshll.u32 s4, $0x1;
	s5 =	sadd.s32 s21, s3  }
0x9d: {  	[timem:s22], [sflag:s6] =	dma.local [hbm:s5], s4  }
0x9e: {  	_ =	swait.ge [sflag:s6], s4  }
0x9f: {  	s4 =	ssub.s32 $0x0, s4;
	[sflag:s6] =	ssyncset.done $0x0  }
0xa0: {  	[sflag:s6] =	ssyncadd.s32 s4;
	_ =	sdelay $0x1  }
0xa1: {  	s23 =	simm.s32 $0x1B8B  }
0xa2: {  	_ =	swait.ge [sflag:s23], $0x1  }
0xa3: {  	[sflag:s23] =	ssyncset.done $0x0  }
0xa4: {  	[sflag:s23] =	ssyncadd.s32 $0xFFFFFFFF  }
0xa5: {  	s4 =	sld [smem:$0x0]  }
0xa6: {  	s5 =	sand.u32 $0xFFFFFFFE, s1  }
0xa7: {  	p0 =	sne.s32 s1, s5  }
0xa8: {  	s5 =	sshll.u32 @p0 s5, $0xE  }
0xa9: {  	s5 =	sadd.s32 @p0 $0x11B8D, s5;
	s6 =	sshll.u32 @p0 s4, $0x11  }
0xaa: {  	s5 =	sor.u32 @p0 s6, s5  }
0xab: {  	[sflag:s5] =	ssyncadd.remote.s32 @p0 $0x1;
	_ =	sdelay $0x1  }
0xac: {  	s5 =	simm.s32 @p0 $0x1B8D  }
0xad: {  	_ =	swait.eq @p0 [sflag:s5], $0x1  }
0xae: {  	[sflag:s5] =	ssyncadd.s32 @p0 $0xFFFFFFFF  }
0xaf: {  	s6 =	sshll.u32 @!p0 s1, $0xE  }
0xb0: {  	s6 =	sor.u32 @!p0 $0x4000, s6;
	s5 =	simm.s32 @!p0 $0x1B8D  }
0xb1: {  	s4 =	sshll.u32 @!p0 s4, $0x11;
	s6 =	sadd.s32 @!p0 $0x11B8D, s6;
	_ =	swait.eq @!p0 [sflag:s5], $0x1  }
0xb2: {  	s4 =	sor.u32 @!p0 s4, s6;
	[sflag:s5] =	ssyncadd.s32 @!p0 $0xFFFFFFFF  }
0xb3: {  	s25 =	simm.s32 $0x1B8E;
	s24 =	sld [smem:$0x3FFE];
	[sflag:s4] =	ssyncadd.remote.s32 @!p0 $0x1  }
0xb4: {  	s26 =	simm.s32 $execute0_lowered;
	[smem:$0x3FD2] =	sst s25  }
0xb5: {  	s5 =	sshll.u32 s26, $0x1;
	_ =	strace $0x80000052;
	[dreg:$0x1] =	wrdreg $0xFFFFFFFF  }
0xb6: {  	s28 =	simm.s32 $_size_execute0_lowered;
	s3 =	sadd.s32 s3, s5;
	[dreg:$0x0] =	wrdreg $0x0  }
0xb7: {  	s5 =	sshll.u32 s28, $0x1;
	[dreg:$0x2] =	wrdreg s3  }
0xb8: {  	[dreg:$0x3] =	wrdreg s5  }
0xb9: {  	[dreg:$0x4] =	wrdreg $0xC0  }
0xba: {  	_ =	task [dreg:s22], $0x5FFFF  }
0xbb: {  	[dreg:$0x1] =	wrdreg $0xFFFFFFFF  }
0xbc: {  	[dreg:$0x0] =	wrdreg $0x60  }
0xbd: {  	[dreg:$0x2] =	wrdreg s24  }
0xbe: {  	[dreg:$0x3] =	wrdreg $0xD  }
0xbf: {  	_ =	task.clear_ibuf [dreg:s22], $0x4FFFF;
	_ =	strace $0x90000052  }
0xc0: {  	s29 =	simm.s32 $0xD;
	_ =	strace $0x80000054  }
0xc1: {  	_ =	swait.ge [sflag:s29], $0x1  }
0xc2: {  	[sflag:s29] =	ssyncadd.s32 $0xFFFFFFFF  }
0xc3: {  	_ =	strace $0x90000054  }
0xc4: {  	_ =	sfence  }
0xc5: {  	s30 =	sld [smem:$0x0];
	_ =	sdelay $0x2  }
0xc6: {  	s31 =	sshll.u32 s1, $0xD;
	s1 =	sshrl.u32 s1, $0x2  }
0xc7: {  	s4 =	sand.u32 $0x4000, s31;
	s1 =	sadd.s32 s1, s30  }
0xc8: {  	s0 =	sor.u32 s4, s0;
	s1 =	sshll.u32 s1, $0x11  }
0xc9: {  	s0 =	sor.u32 s1, s0  }
0xca: {  	s0 =	sadd.s32 $0x8F2B, s0  }
0xcb: {  	[sflag:s0] =	ssyncadd.remote.s32 $0x1  }
0xcc: {  	_ =	sfence.sel $0xFFFF  }
0xcd: {  	[dreg:$0x0] =	wrdreg $0xFFFFFFFF;
	(pc) =	sbr.abs _section_cstart, $3  }
0xce: {  	[dreg:$0x1] =	wrdreg $0xFFFFFFFF  }
0xcf: {  	_ =	task.clear_ibuf [dreg:s22], $0x2FFFF;
	_ =	strace $0x9FFFFFFF  }
0xd0: {  	(tm) =	ssettm $0x7FFFFFFF  }
0xd1: {  	_ =	shalt  }
tec
execute0_lowered:
.L_overlay_start_1:
0x0: {  	(tag) =	ssettag $0x1  }
0x1: {  	s0 =	srdreg.scid;
	s6 =	stileid.u32  }
0x2: {  	s4 =	rddreg [dreg:$0x0];
	s2 =	simm.s32 $0x0;
	s21 =	simm.s32 $0x7800  }
0x3: {  	s22 =	simm.s32 $0x8000;
	s23 =	simm.s32 $0x8800;
	s24 =	simm.s32 $0x9000  }
0x4: {  	s28 =	simm.s32 $0xA800;
	s29 =	simm.s32 $0xB000;
	s30 =	simm.s32 $0xB800  }
0x5: {  	s31 =	simm.s32 $0xC000;
	s10 =	simm.s32 $0xE800;
	s11 =	simm.s32 $0xF000  }
0x6: {  	s12 =	simm.s32 $0xF800;
	s13 =	simm.s32 $0x10000;
	s14 =	simm.s32 $0x10800  }
0x7: {  	s15 =	simm.s32 $0x11000;
	s16 =	simm.s32 $0x1;
	s17 =	simm.s32 $0x2  }
0x8: {  	s19 =	simm.s32 $0x0;
	s0 =	sand.u32 $0x1, s0;
	s5 =	smul.u32 $0x60000, s6  }
0x9: {  	s1 =	sshll.u32 s6, $0x1;
	[smem:$0x7FF] =	sst s2;
	s6 =	smul.u32 $0x300000, s6  }
0xa: {  	s3 =	sadd.s32 $0x2C00, s4;
	s7 =	ssub.s32 $0x2, s0;
	s8 =	smul.u32 $0x180000, s0  }
0xb: {  	s1 =	sor.u32 s0, s1;
	s0 =	smul.u32 $0x30000, s0;
	s9 =	sshrl.u32 s7, $0x1  }
0xc: {  	_ =	strace $0x80000053;
	s1 =	smul.u32 $0x300, s1;
	s7 =	ssub.s32 s7, s9  }
0xd: {  	s6 =	sadd.s32 s8, s6;
	s8 =	simm.s32 $0x3;
	s9 =	simm.s32 $0x1800  }
0xe: {  	s1 =	sadd.s32 s1, s4;
	s4 =	sadd.s32 $0x1426000, s4;
	s25 =	sshrl.u32 s6, $0x3  }
.Ltmp0:
0xf: {  	s26 =	smax.u32 s7, $0x1;
	s5 =	sadd.s32 s5, s4;
	(pc) =	sbr.rel .LBB2_1-.Ltmp0, $4  }
0x10: {  	s1 =	sadd.s32 $0x1420000, s1;
	[dreg:$0x3] =	wrdreg s26;
	s7 =	sadd.s32 s25, s4  }
0x11: {  	v2 =	vlaneseq.u32;
	s25 =	simm.s32 $0x9800;
	s26 =	simm.s32 $0xA000;
	s4 =	simm.s32 $0xD800  }
0x12: {  	vm0 =	vmmov $0xffff;
	v1 =	vshrl.u32 v2, $0x3;
	[dreg:$0x2] =	wrdreg s1;
	s0 =	sadd.s32 s0, s5;
	s1 =	simm.s32 $0xC800  }
0x13: {  	v0 =	vand.u32 $0x7, v2;
	v2 =	vor.u32 $0x8, v2;
	v1 =	vmul.u32 $0x8, v1;
	s5 =	simm.s32 $0xE000;
	s6 =	sadd.s32 $0x1000, s0;
	s0 =	simm.s32 $0xD000  }
.LBB2_6:
0x14: {  	s19 =	rddreg [dreg:$0x4]  }
0x15: {  	s18 =	rddreg [dreg:$0x3];
	s19 =	sadd.s32 $0x1, s19  }
0x16: {  	p0 =	sne.s32 s19, s18  }
.Ltmp1:
0x17: {  	_ = 	snop;
	(pc) =	sbr.rel @!p0 .LBB2_7-.Ltmp1, $1  }
0x18: {  	_ =	sdelay $0x3  }
.LBB2_1:
0x19: {  	[dreg:$0x4] =	wrdreg s19  }
0x1a: {  	s18 =	rddreg [dreg:$0x2]  }
0x1b: {  	[tilespmem:s2], [sflag:$0x3] =	stream.linear.gather [hbm4b:s18+s2], $0x1800, $0x38;
	[tilespmem:$0x11800] =	vst v63  }
0x1c: {  	_ =	swait.ge [sflag:s8], $0x1800  }
0x1d: {  	[sflag:s8] =	ssyncset.done $0x0  }
0x1e: {  	[sflag:s8] =	ssyncadd.s32 $0xFFFFE800  }
0x1f: {  	v3 =	vld [tilespmem:$0x0];
	_ =	sdelay $0x4  }
0x20: {  	v4 =	vshll.u32 v3, $0x1  }
0x21: {  	v3 =	vand.u32 $0x7, v3;
	v4 =	vand.u32 $0xFFFFFFF0, v4  }
0x22: {  	v3 =	vor.u32 v3, v4  }
0x23: {  	v4 =	vperm.xlane v3, v0;
	_ =	sdelay $0x1  }
0x24: {  	v3 =	vperm.xlane v3, v2;
	v4 =	vadd.s32 v1, v4;
	_ =	sdelay $0x1  }
0x25: {  	v3 =	vadd.s32 v1, v3;
	_ =	sdelay $0x2  }
0x26: {  	[tilespmem:s9], [sflag:$0x1] =	stream.indirect_vreg.gather [hbm4b:s3+s2], $0x80, v4, vm0, $0xb8;
	[tilespmem:$0x11800] =	vst v63  }
0x27: {  	s20 =	simm.s32 $0x2000  }
0x28: {  	[tilespmem:s20], [sflag:$0x1] =	stream.indirect_vreg.gather [hbm4b:s3+s2], $0x80, v3, vm0, $0xb8;
	[tilespmem:$0x11800] =	vst v63  }
0x29: {  	v3 =	vld [tilespmem:$0x10];
	_ =	sdelay $0x4  }
0x2a: {  	v49 =	vshll.u32 v3, $0x1  }
0x2b: {  	v3 =	vand.u32 $0x7, v3;
	v4 =	vand.u32 $0xFFFFFFF0, v49  }
0x2c: {  	v3 =	vor.u32 v3, v4  }
0x2d: {  	v4 =	vperm.xlane v3, v0;
	_ =	sdelay $0x1  }
0x2e: {  	v3 =	vperm.xlane v3, v2;
	v4 =	vadd.s32 v1, v4;
	_ =	sdelay $0x1  }
0x2f: {  	v3 =	vadd.s32 v1, v3;
	_ =	sdelay $0x1  }
0x30: {  	s19 =	simm.s32 $0x2800  }
0x31: {  	[tilespmem:s19], [sflag:$0x1] =	stream.indirect_vreg.gather [hbm4b:s3+s2], $0x80, v4, vm0, $0xb8;
	[tilespmem:$0x11800] =	vst v63  }
0x32: {  	s20 =	simm.s32 $0x3000  }
0x33: {  	[tilespmem:s20], [sflag:$0x1] =	stream.indirect_vreg.gather [hbm4b:s3+s2], $0x80, v3, vm0, $0xb8;
	[tilespmem:$0x11800] =	vst v63  }
0x34: {  	v3 =	vld [tilespmem:$0x20];
	_ =	sdelay $0x4  }
0x35: {  	v50 =	vshll.u32 v3, $0x1  }
0x36: {  	v3 =	vand.u32 $0x7, v3;
	v4 =	vand.u32 $0xFFFFFFF0, v50  }
0x37: {  	v3 =	vor.u32 v3, v4  }
0x38: {  	v4 =	vperm.xlane v3, v0;
	_ =	sdelay $0x1  }
0x39: {  	v3 =	vperm.xlane v3, v2;
	v4 =	vadd.s32 v1, v4;
	_ =	sdelay $0x1  }
0x3a: {  	v3 =	vadd.s32 v1, v3;
	_ =	sdelay $0x1  }
0x3b: {  	s19 =	simm.s32 $0x3800  }
0x3c: {  	[tilespmem:s19], [sflag:$0x1] =	stream.indirect_vreg.gather [hbm4b:s3+s2], $0x80, v4, vm0, $0xb8;
	[tilespmem:$0x11800] =	vst v63  }
0x3d: {  	s20 =	simm.s32 $0x4000  }
0x3e: {  	[tilespmem:s20], [sflag:$0x1] =	stream.indirect_vreg.gather [hbm4b:s3+s2], $0x80, v3, vm0, $0xb8;
	[tilespmem:$0x11800] =	vst v63  }
0x3f: {  	v3 =	vld [tilespmem:$0x30];
	_ =	sdelay $0x4  }
0x40: {  	v51 =	vshll.u32 v3, $0x1  }
0x41: {  	v3 =	vand.u32 $0x7, v3;
	v4 =	vand.u32 $0xFFFFFFF0, v51  }
0x42: {  	v3 =	vor.u32 v3, v4  }
0x43: {  	v4 =	vperm.xlane v3, v0;
	_ =	sdelay $0x1  }
0x44: {  	v3 =	vperm.xlane v3, v2;
	v4 =	vadd.s32 v1, v4;
	_ =	sdelay $0x1  }
0x45: {  	v3 =	vadd.s32 v1, v3;
	_ =	sdelay $0x1  }
0x46: {  	s19 =	simm.s32 $0x4800  }
0x47: {  	[tilespmem:s19], [sflag:$0x1] =	stream.indirect_vreg.gather [hbm4b:s3+s2], $0x80, v4, vm0, $0xb8;
	[tilespmem:$0x11800] =	vst v63  }
0x48: {  	s20 =	simm.s32 $0x5000  }
0x49: {  	[tilespmem:s20], [sflag:$0x1] =	stream.indirect_vreg.gather [hbm4b:s3+s2], $0x80, v3, vm0, $0xb8;
	[tilespmem:$0x11800] =	vst v63  }
0x4a: {  	v3 =	vld [tilespmem:$0x40];
	_ =	sdelay $0x4  }
0x4b: {  	v52 =	vshll.u32 v3, $0x1  }
0x4c: {  	v3 =	vand.u32 $0x7, v3;
	v4 =	vand.u32 $0xFFFFFFF0, v52  }
0x4d: {  	v3 =	vor.u32 v3, v4  }
0x4e: {  	v4 =	vperm.xlane v3, v0;
	_ =	sdelay $0x1  }
0x4f: {  	v3 =	vperm.xlane v3, v2;
	v4 =	vadd.s32 v1, v4;
	_ =	sdelay $0x1  }
0x50: {  	v3 =	vadd.s32 v1, v3;
	_ =	sdelay $0x1  }
0x51: {  	s19 =	simm.s32 $0x5800  }
0x52: {  	[tilespmem:s19], [sflag:$0x1] =	stream.indirect_vreg.gather [hbm4b:s3+s2], $0x80, v4, vm0, $0xb8;
	[tilespmem:$0x11800] =	vst v63  }
0x53: {  	s20 =	simm.s32 $0x6000  }
0x54: {  	[tilespmem:s20], [sflag:$0x1] =	stream.indirect_vreg.gather [hbm4b:s3+s2], $0x80, v3, vm0, $0xb8;
	[tilespmem:$0x11800] =	vst v63  }
0x55: {  	v3 =	vld [tilespmem:$0x50];
	_ =	sdelay $0x4  }
0x56: {  	v53 =	vshll.u32 v3, $0x1  }
0x57: {  	v3 =	vand.u32 $0x7, v3;
	v4 =	vand.u32 $0xFFFFFFF0, v53  }
0x58: {  	v3 =	vor.u32 v3, v4  }
0x59: {  	v4 =	vperm.xlane v3, v0;
	_ =	sdelay $0x1  }
0x5a: {  	v3 =	vperm.xlane v3, v2;
	v4 =	vadd.s32 v1, v4;
	_ =	sdelay $0x1  }
0x5b: {  	v3 =	vadd.s32 v1, v3;
	_ =	sdelay $0x1  }
0x5c: {  	s19 =	simm.s32 $0x6800  }
0x5d: {  	[tilespmem:s19], [sflag:$0x1] =	stream.indirect_vreg.gather [hbm4b:s3+s2], $0x80, v4, vm0, $0xb8;
	[tilespmem:$0x11800] =	vst v63  }
0x5e: {  	s20 =	simm.s32 $0x7000  }
0x5f: {  	[tilespmem:s20], [sflag:$0x1] =	stream.indirect_vreg.gather [hbm4b:s3+s2], $0x80, v3, vm0, $0xb8;
	[tilespmem:$0x11800] =	vst v63  }
0x60: {  	v3 =	vld [tilespmem:$0x60];
	_ =	sdelay $0x4  }
0x61: {  	v54 =	vshll.u32 v3, $0x1  }
0x62: {  	v3 =	vand.u32 $0x7, v3;
	v4 =	vand.u32 $0xFFFFFFF0, v54  }
0x63: {  	v3 =	vor.u32 v3, v4  }
0x64: {  	v4 =	vperm.xlane v3, v0;
	_ =	sdelay $0x1  }
0x65: {  	v3 =	vperm.xlane v3, v2;
	v4 =	vadd.s32 v1, v4;
	_ =	sdelay $0x1  }
0x66: {  	v3 =	vadd.s32 v1, v3;
	_ =	sdelay $0x2  }
0x67: {  	[tilespmem:s21], [sflag:$0x1] =	stream.indirect_vreg.gather [hbm4b:s3+s2], $0x80, v4, vm0, $0xb8;
	[tilespmem:$0x11800] =	vst v63  }
0x68: {  	_ = 	snop  }
0x69: {  	[tilespmem:s22], [sflag:$0x1] =	stream.indirect_vreg.gather [hbm4b:s3+s2], $0x80, v3, vm0, $0xb8;
	[tilespmem:$0x11800] =	vst v63  }
0x6a: {  	v3 =	vld [tilespmem:$0x70];
	_ =	sdelay $0x4  }
0x6b: {  	v55 =	vshll.u32 v3, $0x1  }
0x6c: {  	v3 =	vand.u32 $0x7, v3;
	v4 =	vand.u32 $0xFFFFFFF0, v55  }
0x6d: {  	v3 =	vor.u32 v3, v4  }
0x6e: {  	v4 =	vperm.xlane v3, v0;
	_ =	sdelay $0x1  }
0x6f: {  	v3 =	vperm.xlane v3, v2;
	v4 =	vadd.s32 v1, v4;
	_ =	sdelay $0x1  }
0x70: {  	v3 =	vadd.s32 v1, v3;
	_ =	sdelay $0x2  }
0x71: {  	[tilespmem:s23], [sflag:$0x1] =	stream.indirect_vreg.gather [hbm4b:s3+s2], $0x80, v4, vm0, $0xb8;
	[tilespmem:$0x11800] =	vst v63  }
0x72: {  	_ = 	snop  }
0x73: {  	[tilespmem:s24], [sflag:$0x1] =	stream.indirect_vreg.gather [hbm4b:s3+s2], $0x80, v3, vm0, $0xb8;
	[tilespmem:$0x11800] =	vst v63  }
0x74: {  	v3 =	vld [tilespmem:$0x80];
	_ =	sdelay $0x4  }
0x75: {  	v56 =	vshll.u32 v3, $0x1  }
0x76: {  	v3 =	vand.u32 $0x7, v3;
	v4 =	vand.u32 $0xFFFFFFF0, v56  }
0x77: {  	v3 =	vor.u32 v3, v4  }
0x78: {  	v4 =	vperm.xlane v3, v0;
	_ =	sdelay $0x1  }
0x79: {  	v3 =	vperm.xlane v3, v2;
	v4 =	vadd.s32 v1, v4;
	_ =	sdelay $0x1  }
0x7a: {  	v3 =	vadd.s32 v1, v3;
	_ =	sdelay $0x2  }
0x7b: {  	[tilespmem:s25], [sflag:$0x2] =	stream.indirect_vreg.gather [hbm4b:s3+s2], $0x80, v4, vm0, $0xb8;
	[tilespmem:$0x11800] =	vst v63  }
0x7c: {  	_ = 	snop  }
0x7d: {  	[tilespmem:s26], [sflag:$0x2] =	stream.indirect_vreg.gather [hbm4b:s3+s2], $0x80, v3, vm0, $0xb8;
	[tilespmem:$0x11800] =	vst v63  }
0x7e: {  	v3 =	vld [tilespmem:$0x90];
	_ =	sdelay $0x4  }
0x7f: {  	v57 =	vshll.u32 v3, $0x1  }
0x80: {  	v3 =	vand.u32 $0x7, v3;
	v4 =	vand.u32 $0xFFFFFFF0, v57  }
0x81: {  	v3 =	vor.u32 v3, v4  }
0x82: {  	v4 =	vperm.xlane v3, v0;
	_ =	sdelay $0x1  }
0x83: {  	v3 =	vperm.xlane v3, v2;
	v4 =	vadd.s32 v1, v4;
	_ =	sdelay $0x1  }
0x84: {  	v3 =	vadd.s32 v1, v3;
	_ =	sdelay $0x2  }
0x85: {  	[tilespmem:s28], [sflag:$0x2] =	stream.indirect_vreg.gather [hbm4b:s3+s2], $0x80, v4, vm0, $0xb8;
	[tilespmem:$0x11800] =	vst v63  }
0x86: {  	_ = 	snop  }
0x87: {  	[tilespmem:s29], [sflag:$0x2] =	stream.indirect_vreg.gather [hbm4b:s3+s2], $0x80, v3, vm0, $0xb8;
	[tilespmem:$0x11800] =	vst v63  }
0x88: {  	v3 =	vld [tilespmem:$0xA0];
	_ =	sdelay $0x4  }
0x89: {  	v58 =	vshll.u32 v3, $0x1  }
0x8a: {  	v3 =	vand.u32 $0x7, v3;
	v4 =	vand.u32 $0xFFFFFFF0, v58  }
0x8b: {  	v3 =	vor.u32 v3, v4  }
0x8c: {  	v4 =	vperm.xlane v3, v0;
	_ =	sdelay $0x1  }
0x8d: {  	v3 =	vperm.xlane v3, v2;
	v4 =	vadd.s32 v1, v4;
	_ =	sdelay $0x1  }
0x8e: {  	v3 =	vadd.s32 v1, v3;
	_ =	sdelay $0x2  }
0x8f: {  	[tilespmem:s30], [sflag:$0x2] =	stream.indirect_vreg.gather [hbm4b:s3+s2], $0x80, v4, vm0, $0xb8;
	[tilespmem:$0x11800] =	vst v63  }
0x90: {  	_ = 	snop  }
0x91: {  	[tilespmem:s31], [sflag:$0x2] =	stream.indirect_vreg.gather [hbm4b:s3+s2], $0x80, v3, vm0, $0xb8;
	[tilespmem:$0x11800] =	vst v63  }
0x92: {  	v3 =	vld [tilespmem:$0xB0];
	_ =	sdelay $0x4  }
0x93: {  	v59 =	vshll.u32 v3, $0x1  }
0x94: {  	v3 =	vand.u32 $0x7, v3;
	v4 =	vand.u32 $0xFFFFFFF0, v59  }
0x95: {  	v3 =	vor.u32 v3, v4  }
0x96: {  	v4 =	vperm.xlane v3, v0;
	_ =	sdelay $0x1  }
0x97: {  	v3 =	vperm.xlane v3, v2;
	v4 =	vadd.s32 v1, v4;
	_ =	sdelay $0x1  }
0x98: {  	v3 =	vadd.s32 v1, v3;
	_ =	sdelay $0x2  }
0x99: {  	[tilespmem:s1], [sflag:$0x2] =	stream.indirect_vreg.gather [hbm4b:s3+s2], $0x80, v4, vm0, $0xb8;
	[tilespmem:$0x11800] =	vst v63  }
0x9a: {  	_ = 	snop  }
0x9b: {  	[tilespmem:s0], [sflag:$0x2] =	stream.indirect_vreg.gather [hbm4b:s3+s2], $0x80, v3, vm0, $0xb8;
	[tilespmem:$0x11800] =	vst v63  }
0x9c: {  	v3 =	vld [tilespmem:$0xC0];
	_ =	sdelay $0x4  }
0x9d: {  	v60 =	vshll.u32 v3, $0x1  }
0x9e: {  	v3 =	vand.u32 $0x7, v3;
	v4 =	vand.u32 $0xFFFFFFF0, v60  }
0x9f: {  	v3 =	vor.u32 v3, v4  }
0xa0: {  	v4 =	vperm.xlane v3, v0;
	_ =	sdelay $0x1  }
0xa1: {  	v3 =	vperm.xlane v3, v2;
	v4 =	vadd.s32 v1, v4;
	_ =	sdelay $0x1  }
0xa2: {  	v3 =	vadd.s32 v1, v3;
	_ =	sdelay $0x2  }
0xa3: {  	[tilespmem:s4], [sflag:$0x2] =	stream.indirect_vreg.gather [hbm4b:s3+s2], $0x80, v4, vm0, $0xb8;
	[tilespmem:$0x11800] =	vst v63  }
0xa4: {  	_ = 	snop  }
0xa5: {  	[tilespmem:s5], [sflag:$0x2] =	stream.indirect_vreg.gather [hbm4b:s3+s2], $0x80, v3, vm0, $0xb8;
	[tilespmem:$0x11800] =	vst v63  }
0xa6: {  	v3 =	vld [tilespmem:$0xD0];
	_ =	sdelay $0x4  }
0xa7: {  	v61 =	vshll.u32 v3, $0x1  }
0xa8: {  	v3 =	vand.u32 $0x7, v3;
	v4 =	vand.u32 $0xFFFFFFF0, v61  }
0xa9: {  	v3 =	vor.u32 v3, v4  }
0xaa: {  	v4 =	vperm.xlane v3, v0;
	_ =	sdelay $0x1  }
0xab: {  	v3 =	vperm.xlane v3, v2;
	v4 =	vadd.s32 v1, v4;
	_ =	sdelay $0x1  }
0xac: {  	v3 =	vadd.s32 v1, v3;
	_ =	sdelay $0x2  }
0xad: {  	[tilespmem:s10], [sflag:$0x2] =	stream.indirect_vreg.gather [hbm4b:s3+s2], $0x80, v4, vm0, $0xb8;
	[tilespmem:$0x11800] =	vst v63  }
0xae: {  	_ = 	snop  }
0xaf: {  	[tilespmem:s11], [sflag:$0x2] =	stream.indirect_vreg.gather [hbm4b:s3+s2], $0x80, v3, vm0, $0xb8;
	[tilespmem:$0x11800] =	vst v63  }
0xb0: {  	v3 =	vld [tilespmem:$0xE0];
	_ =	sdelay $0x4  }
0xb1: {  	v62 =	vshll.u32 v3, $0x1  }
0xb2: {  	v3 =	vand.u32 $0x7, v3;
	v4 =	vand.u32 $0xFFFFFFF0, v62  }
0xb3: {  	v3 =	vor.u32 v3, v4  }
0xb4: {  	v4 =	vperm.xlane v3, v0;
	_ =	sdelay $0x1  }
0xb5: {  	v3 =	vperm.xlane v3, v2;
	v4 =	vadd.s32 v1, v4;
	_ =	sdelay $0x1  }
0xb6: {  	v3 =	vadd.s32 v1, v3;
	_ =	sdelay $0x2  }
0xb7: {  	[tilespmem:s12], [sflag:$0x2] =	stream.indirect_vreg.gather [hbm4b:s3+s2], $0x80, v4, vm0, $0xb8;
	[tilespmem:$0x11800] =	vst v63  }
0xb8: {  	_ = 	snop  }
0xb9: {  	[tilespmem:s13], [sflag:$0x2] =	stream.indirect_vreg.gather [hbm4b:s3+s2], $0x80, v3, vm0, $0xb8;
	[tilespmem:$0x11800] =	vst v63  }
0xba: {  	v3 =	vld [tilespmem:$0xF0];
	_ =	sdelay $0x4  }
0xbb: {  	v63 =	vshll.u32 v3, $0x1  }
0xbc: {  	v3 =	vand.u32 $0x7, v3;
	v4 =	vand.u32 $0xFFFFFFF0, v63  }
0xbd: {  	v3 =	vor.u32 v3, v4  }
0xbe: {  	v4 =	vperm.xlane v3, v0;
	_ =	sdelay $0x1  }
0xbf: {  	v3 =	vperm.xlane v3, v2;
	v4 =	vadd.s32 v1, v4;
	_ =	sdelay $0x1  }
0xc0: {  	v3 =	vadd.s32 v1, v3;
	_ =	sdelay $0x2  }
0xc1: {  	[tilespmem:s14], [sflag:$0x2] =	stream.indirect_vreg.gather [hbm4b:s3+s2], $0x80, v4, vm0, $0xb8;
	[tilespmem:$0x11800] =	vst v63  }
0xc2: {  	s18 =	simm.s32 $0x1F0;
	s19 =	simm.s32 $0x0  }
0xc3: {  	[tilespmem:s15], [sflag:$0x2] =	stream.indirect_vreg.gather [hbm4b:s3+s2], $0x80, v3, vm0, $0xb8;
	[tilespmem:$0x11800] =	vst v63  }
.LBB2_2:
0xc4: {  	_ =	swait.ge [sflag:s16], $0x8000  }
0xc5: {  	p0 =	seq.s32 s19, $0x2E000;
	[sflag:s16] =	ssyncset.done $0x0  }
.Ltmp2:
0xc6: {  	s20 =	sadd.s32 s19, s7;
	[sflag:s16] =	ssyncadd.s32 $0xFFFF8000;
	(pc) =	sbr.rel @p0 .LBB2_4-.Ltmp2, $4  }
0xc7: {  	[hbm4b:s20+s2] =	stream.linear.scatter [tilespmem:s9], [sflag:$0x3], $0x8000, $0x38;
	[tilespmem:$0x11800] =	vst v63  }
0xc8: {  	_ =	swait.ge [sflag:s8], $0x8000  }
0xc9: {  	[sflag:s8] =	ssyncset.done $0x0  }
0xca: {  	[sflag:s8] =	ssyncadd.s32 $0xFFFF8000  }
0xcb: {  	v3 =	vld [tilespmem:s18+$0xFFFFFF10];
	_ =	sdelay $0x4  }
0xcc: {  	v4 =	vshll.u32 v3, $0x1  }
0xcd: {  	v3 =	vand.u32 $0x7, v3;
	v4 =	vand.u32 $0xFFFFFFF0, v4  }
0xce: {  	v3 =	vor.u32 v3, v4  }
0xcf: {  	v4 =	vperm.xlane v3, v0;
	_ =	sdelay $0x1  }
0xd0: {  	v3 =	vperm.xlane v3, v2;
	v4 =	vadd.s32 v1, v4;
	_ =	sdelay $0x1  }
0xd1: {  	v3 =	vadd.s32 v1, v3;
	_ =	sdelay $0x2  }
0xd2: {  	[tilespmem:s9], [sflag:$0x1] =	stream.indirect_vreg.gather [hbm4b:s3+s2], $0x80, v4, vm0, $0xb8;
	[tilespmem:$0x11800] =	vst v63  }
0xd3: {  	s20 =	simm.s32 $0x2000  }
0xd4: {  	[tilespmem:s20], [sflag:$0x1] =	stream.indirect_vreg.gather [hbm4b:s3+s2], $0x80, v3, vm0, $0xb8;
	[tilespmem:$0x11800] =	vst v63  }
0xd5: {  	v3 =	vld [tilespmem:s18+$0xFFFFFF20];
	_ =	sdelay $0x4  }
0xd6: {  	v57 =	vshll.u32 v3, $0x1  }
0xd7: {  	v3 =	vand.u32 $0x7, v3;
	v4 =	vand.u32 $0xFFFFFFF0, v57  }
0xd8: {  	v3 =	vor.u32 v3, v4  }
0xd9: {  	v4 =	vperm.xlane v3, v0;
	_ =	sdelay $0x1  }
0xda: {  	v3 =	vperm.xlane v3, v2;
	v4 =	vadd.s32 v1, v4;
	_ =	sdelay $0x1  }
0xdb: {  	v3 =	vadd.s32 v1, v3;
	_ =	sdelay $0x1  }
0xdc: {  	s20 =	simm.s32 $0x2800  }
0xdd: {  	[tilespmem:s20], [sflag:$0x1] =	stream.indirect_vreg.gather [hbm4b:s3+s2], $0x80, v4, vm0, $0xb8;
	[tilespmem:$0x11800] =	vst v63  }
0xde: {  	s20 =	simm.s32 $0x3000  }
0xdf: {  	[tilespmem:s20], [sflag:$0x1] =	stream.indirect_vreg.gather [hbm4b:s3+s2], $0x80, v3, vm0, $0xb8;
	[tilespmem:$0x11800] =	vst v63  }
0xe0: {  	v3 =	vld [tilespmem:s18+$0xFFFFFF30];
	_ =	sdelay $0x4  }
0xe1: {  	v58 =	vshll.u32 v3, $0x1  }
0xe2: {  	v3 =	vand.u32 $0x7, v3;
	v4 =	vand.u32 $0xFFFFFFF0, v58  }
0xe3: {  	v3 =	vor.u32 v3, v4  }
0xe4: {  	v4 =	vperm.xlane v3, v0;
	_ =	sdelay $0x1  }
0xe5: {  	v3 =	vperm.xlane v3, v2;
	v4 =	vadd.s32 v1, v4;
	_ =	sdelay $0x1  }
0xe6: {  	v3 =	vadd.s32 v1, v3;
	_ =	sdelay $0x1  }
0xe7: {  	s20 =	simm.s32 $0x3800  }
0xe8: {  	[tilespmem:s20], [sflag:$0x1] =	stream.indirect_vreg.gather [hbm4b:s3+s2], $0x80, v4, vm0, $0xb8;
	[tilespmem:$0x11800] =	vst v63  }
0xe9: {  	s20 =	simm.s32 $0x4000  }
0xea: {  	[tilespmem:s20], [sflag:$0x1] =	stream.indirect_vreg.gather [hbm4b:s3+s2], $0x80, v3, vm0, $0xb8;
	[tilespmem:$0x11800] =	vst v63  }
0xeb: {  	v3 =	vld [tilespmem:s18+$0xFFFFFF40];
	_ =	sdelay $0x4  }
0xec: {  	v59 =	vshll.u32 v3, $0x1  }
0xed: {  	v3 =	vand.u32 $0x7, v3;
	v4 =	vand.u32 $0xFFFFFFF0, v59  }
0xee: {  	v3 =	vor.u32 v3, v4  }
0xef: {  	v4 =	vperm.xlane v3, v0;
	_ =	sdelay $0x1  }
0xf0: {  	v3 =	vperm.xlane v3, v2;
	v4 =	vadd.s32 v1, v4;
	_ =	sdelay $0x1  }
0xf1: {  	v3 =	vadd.s32 v1, v3;
	_ =	sdelay $0x1  }
0xf2: {  	s20 =	simm.s32 $0x4800  }
0xf3: {  	[tilespmem:s20], [sflag:$0x1] =	stream.indirect_vreg.gather [hbm4b:s3+s2], $0x80, v4, vm0, $0xb8;
	[tilespmem:$0x11800] =	vst v63  }
0xf4: {  	s20 =	simm.s32 $0x5000  }
0xf5: {  	[tilespmem:s20], [sflag:$0x1] =	stream.indirect_vreg.gather [hbm4b:s3+s2], $0x80, v3, vm0, $0xb8;
	[tilespmem:$0x11800] =	vst v63  }
0xf6: {  	v3 =	vld [tilespmem:s18+$0xFFFFFF50];
	_ =	sdelay $0x4  }
0xf7: {  	v60 =	vshll.u32 v3, $0x1  }
0xf8: {  	v3 =	vand.u32 $0x7, v3;
	v4 =	vand.u32 $0xFFFFFFF0, v60  }
0xf9: {  	v3 =	vor.u32 v3, v4  }
0xfa: {  	v4 =	vperm.xlane v3, v0;
	_ =	sdelay $0x1  }
0xfb: {  	v3 =	vperm.xlane v3, v2;
	v4 =	vadd.s32 v1, v4;
	_ =	sdelay $0x1  }
0xfc: {  	v3 =	vadd.s32 v1, v3;
	_ =	sdelay $0x1  }
0xfd: {  	s20 =	simm.s32 $0x5800  }
0xfe: {  	[tilespmem:s20], [sflag:$0x1] =	stream.indirect_vreg.gather [hbm4b:s3+s2], $0x80, v4, vm0, $0xb8;
	[tilespmem:$0x11800] =	vst v63  }
0xff: {  	s20 =	simm.s32 $0x6000  }
0x100: {  	[tilespmem:s20], [sflag:$0x1] =	stream.indirect_vreg.gather [hbm4b:s3+s2], $0x80, v3, vm0, $0xb8;
	[tilespmem:$0x11800] =	vst v63  }
0x101: {  	v3 =	vld [tilespmem:s18+$0xFFFFFF60];
	_ =	sdelay $0x4  }
0x102: {  	v61 =	vshll.u32 v3, $0x1  }
0x103: {  	v3 =	vand.u32 $0x7, v3;
	v4 =	vand.u32 $0xFFFFFFF0, v61  }
0x104: {  	v3 =	vor.u32 v3, v4  }
0x105: {  	v4 =	vperm.xlane v3, v0;
	_ =	sdelay $0x1  }
0x106: {  	v3 =	vperm.xlane v3, v2;
	v4 =	vadd.s32 v1, v4;
	_ =	sdelay $0x1  }
0x107: {  	v3 =	vadd.s32 v1, v3;
	_ =	sdelay $0x1  }
0x108: {  	s20 =	simm.s32 $0x6800  }
0x109: {  	[tilespmem:s20], [sflag:$0x1] =	stream.indirect_vreg.gather [hbm4b:s3+s2], $0x80, v4, vm0, $0xb8;
	[tilespmem:$0x11800] =	vst v63  }
0x10a: {  	s20 =	simm.s32 $0x7000  }
0x10b: {  	[tilespmem:s20], [sflag:$0x1] =	stream.indirect_vreg.gather [hbm4b:s3+s2], $0x80, v3, vm0, $0xb8;
	[tilespmem:$0x11800] =	vst v63  }
0x10c: {  	v3 =	vld [tilespmem:s18+$0xFFFFFF70];
	_ =	sdelay $0x4  }
0x10d: {  	v62 =	vshll.u32 v3, $0x1  }
0x10e: {  	v3 =	vand.u32 $0x7, v3;
	v4 =	vand.u32 $0xFFFFFFF0, v62  }
0x10f: {  	v3 =	vor.u32 v3, v4  }
0x110: {  	v4 =	vperm.xlane v3, v0;
	_ =	sdelay $0x1  }
0x111: {  	v3 =	vperm.xlane v3, v2;
	v4 =	vadd.s32 v1, v4;
	_ =	sdelay $0x1  }
0x112: {  	v3 =	vadd.s32 v1, v3;
	_ =	sdelay $0x2  }
0x113: {  	[tilespmem:s21], [sflag:$0x1] =	stream.indirect_vreg.gather [hbm4b:s3+s2], $0x80, v4, vm0, $0xb8;
	[tilespmem:$0x11800] =	vst v63  }
0x114: {  	_ = 	snop  }
0x115: {  	[tilespmem:s22], [sflag:$0x1] =	stream.indirect_vreg.gather [hbm4b:s3+s2], $0x80, v3, vm0, $0xb8;
	[tilespmem:$0x11800] =	vst v63  }
0x116: {  	v3 =	vld [tilespmem:s18+$0xFFFFFF80];
	_ =	sdelay $0x4  }
0x117: {  	v63 =	vshll.u32 v3, $0x1  }
0x118: {  	v3 =	vand.u32 $0x7, v3;
	v4 =	vand.u32 $0xFFFFFFF0, v63  }
0x119: {  	v3 =	vor.u32 v3, v4  }
0x11a: {  	v4 =	vperm.xlane v3, v0;
	_ =	sdelay $0x1  }
0x11b: {  	v3 =	vperm.xlane v3, v2;
	v4 =	vadd.s32 v1, v4;
	_ =	sdelay $0x1  }
0x11c: {  	v3 =	vadd.s32 v1, v3;
	_ =	sdelay $0x2  }
0x11d: {  	[tilespmem:s23], [sflag:$0x1] =	stream.indirect_vreg.gather [hbm4b:s3+s2], $0x80, v4, vm0, $0xb8;
	[tilespmem:$0x11800] =	vst v63  }
0x11e: {  	_ = 	snop  }
0x11f: {  	[tilespmem:s24], [sflag:$0x1] =	stream.indirect_vreg.gather [hbm4b:s3+s2], $0x80, v3, vm0, $0xb8;
	[tilespmem:$0x11800] =	vst v63  }
.LBB2_4:
0x120: {  	_ =	swait.ge [sflag:s17], $0x8000  }
0x121: {  	[sflag:s17] =	ssyncset.done $0x0  }
.Ltmp3:
0x122: {  	s20 =	sadd.s32 s19, s6;
	[sflag:s17] =	ssyncadd.s32 $0xFFFF8000;
	(pc) =	sbr.rel @p0 .LBB2_6-.Ltmp3, $4  }
0x123: {  	[hbm4b:s20+s2] =	stream.linear.scatter [tilespmem:s25], [sflag:$0x3], $0x8000, $0x38;
	[tilespmem:$0x11800] =	vst v63  }
0x124: {  	_ =	swait.ge [sflag:s8], $0x8000  }
0x125: {  	[sflag:s8] =	ssyncset.done $0x0  }
0x126: {  	[sflag:s8] =	ssyncadd.s32 $0xFFFF8000  }
0x127: {  	v3 =	vld [tilespmem:s18+$0xFFFFFF90];
	_ =	sdelay $0x4  }
0x128: {  	v4 =	vshll.u32 v3, $0x1  }
0x129: {  	v3 =	vand.u32 $0x7, v3;
	v4 =	vand.u32 $0xFFFFFFF0, v4  }
0x12a: {  	v3 =	vor.u32 v3, v4  }
0x12b: {  	v4 =	vperm.xlane v3, v0;
	_ =	sdelay $0x1  }
0x12c: {  	v3 =	vperm.xlane v3, v2;
	v4 =	vadd.s32 v1, v4;
	_ =	sdelay $0x1  }
0x12d: {  	v3 =	vadd.s32 v1, v3;
	_ =	sdelay $0x2  }
0x12e: {  	[tilespmem:s25], [sflag:$0x2] =	stream.indirect_vreg.gather [hbm4b:s3+s2], $0x80, v4, vm0, $0xb8;
	[tilespmem:$0x11800] =	vst v63  }
0x12f: {  	_ = 	snop  }
0x130: {  	[tilespmem:s26], [sflag:$0x2] =	stream.indirect_vreg.gather [hbm4b:s3+s2], $0x80, v3, vm0, $0xb8;
	[tilespmem:$0x11800] =	vst v63  }
0x131: {  	v3 =	vld [tilespmem:s18+$0xFFFFFFA0];
	_ =	sdelay $0x4  }
0x132: {  	v57 =	vshll.u32 v3, $0x1  }
0x133: {  	v3 =	vand.u32 $0x7, v3;
	v4 =	vand.u32 $0xFFFFFFF0, v57  }
0x134: {  	v3 =	vor.u32 v3, v4  }
0x135: {  	v4 =	vperm.xlane v3, v0;
	_ =	sdelay $0x1  }
0x136: {  	v3 =	vperm.xlane v3, v2;
	v4 =	vadd.s32 v1, v4;
	_ =	sdelay $0x1  }
0x137: {  	v3 =	vadd.s32 v1, v3;
	_ =	sdelay $0x2  }
0x138: {  	[tilespmem:s28], [sflag:$0x2] =	stream.indirect_vreg.gather [hbm4b:s3+s2], $0x80, v4, vm0, $0xb8;
	[tilespmem:$0x11800] =	vst v63  }
0x139: {  	_ = 	snop  }
0x13a: {  	[tilespmem:s29], [sflag:$0x2] =	stream.indirect_vreg.gather [hbm4b:s3+s2], $0x80, v3, vm0, $0xb8;
	[tilespmem:$0x11800] =	vst v63  }
0x13b: {  	v3 =	vld [tilespmem:s18+$0xFFFFFFB0];
	_ =	sdelay $0x4  }
0x13c: {  	v58 =	vshll.u32 v3, $0x1  }
0x13d: {  	v3 =	vand.u32 $0x7, v3;
	v4 =	vand.u32 $0xFFFFFFF0, v58  }
0x13e: {  	v3 =	vor.u32 v3, v4  }
0x13f: {  	v4 =	vperm.xlane v3, v0;
	_ =	sdelay $0x1  }
0x140: {  	v3 =	vperm.xlane v3, v2;
	v4 =	vadd.s32 v1, v4;
	_ =	sdelay $0x1  }
0x141: {  	v3 =	vadd.s32 v1, v3;
	_ =	sdelay $0x2  }
0x142: {  	[tilespmem:s30], [sflag:$0x2] =	stream.indirect_vreg.gather [hbm4b:s3+s2], $0x80, v4, vm0, $0xb8;
	[tilespmem:$0x11800] =	vst v63  }
0x143: {  	_ = 	snop  }
0x144: {  	[tilespmem:s31], [sflag:$0x2] =	stream.indirect_vreg.gather [hbm4b:s3+s2], $0x80, v3, vm0, $0xb8;
	[tilespmem:$0x11800] =	vst v63  }
0x145: {  	v3 =	vld [tilespmem:s18+$0xFFFFFFC0];
	_ =	sdelay $0x4  }
0x146: {  	v59 =	vshll.u32 v3, $0x1  }
0x147: {  	v3 =	vand.u32 $0x7, v3;
	v4 =	vand.u32 $0xFFFFFFF0, v59  }
0x148: {  	v3 =	vor.u32 v3, v4  }
0x149: {  	v4 =	vperm.xlane v3, v0;
	_ =	sdelay $0x1  }
0x14a: {  	v3 =	vperm.xlane v3, v2;
	v4 =	vadd.s32 v1, v4;
	_ =	sdelay $0x1  }
0x14b: {  	v3 =	vadd.s32 v1, v3;
	_ =	sdelay $0x2  }
0x14c: {  	[tilespmem:s1], [sflag:$0x2] =	stream.indirect_vreg.gather [hbm4b:s3+s2], $0x80, v4, vm0, $0xb8;
	[tilespmem:$0x11800] =	vst v63  }
0x14d: {  	_ = 	snop  }
0x14e: {  	[tilespmem:s0], [sflag:$0x2] =	stream.indirect_vreg.gather [hbm4b:s3+s2], $0x80, v3, vm0, $0xb8;
	[tilespmem:$0x11800] =	vst v63  }
0x14f: {  	v3 =	vld [tilespmem:s18+$0xFFFFFFD0];
	_ =	sdelay $0x4  }
0x150: {  	v60 =	vshll.u32 v3, $0x1  }
0x151: {  	v3 =	vand.u32 $0x7, v3;
	v4 =	vand.u32 $0xFFFFFFF0, v60  }
0x152: {  	v3 =	vor.u32 v3, v4  }
0x153: {  	v4 =	vperm.xlane v3, v0;
	_ =	sdelay $0x1  }
0x154: {  	v3 =	vperm.xlane v3, v2;
	v4 =	vadd.s32 v1, v4;
	_ =	sdelay $0x1  }
0x155: {  	v3 =	vadd.s32 v1, v3;
	_ =	sdelay $0x2  }
0x156: {  	[tilespmem:s4], [sflag:$0x2] =	stream.indirect_vreg.gather [hbm4b:s3+s2], $0x80, v4, vm0, $0xb8;
	[tilespmem:$0x11800] =	vst v63  }
0x157: {  	_ = 	snop  }
0x158: {  	[tilespmem:s5], [sflag:$0x2] =	stream.indirect_vreg.gather [hbm4b:s3+s2], $0x80, v3, vm0, $0xb8;
	[tilespmem:$0x11800] =	vst v63  }
0x159: {  	v3 =	vld [tilespmem:s18+$0xFFFFFFE0];
	_ =	sdelay $0x4  }
0x15a: {  	v61 =	vshll.u32 v3, $0x1  }
0x15b: {  	v3 =	vand.u32 $0x7, v3;
	v4 =	vand.u32 $0xFFFFFFF0, v61  }
0x15c: {  	v3 =	vor.u32 v3, v4  }
0x15d: {  	v4 =	vperm.xlane v3, v0;
	_ =	sdelay $0x1  }
0x15e: {  	v3 =	vperm.xlane v3, v2;
	v4 =	vadd.s32 v1, v4;
	_ =	sdelay $0x1  }
0x15f: {  	v3 =	vadd.s32 v1, v3;
	_ =	sdelay $0x2  }
0x160: {  	[tilespmem:s10], [sflag:$0x2] =	stream.indirect_vreg.gather [hbm4b:s3+s2], $0x80, v4, vm0, $0xb8;
	[tilespmem:$0x11800] =	vst v63  }
0x161: {  	_ = 	snop  }
0x162: {  	[tilespmem:s11], [sflag:$0x2] =	stream.indirect_vreg.gather [hbm4b:s3+s2], $0x80, v3, vm0, $0xb8;
	[tilespmem:$0x11800] =	vst v63  }
0x163: {  	v3 =	vld [tilespmem:s18+$0xFFFFFFF0];
	_ =	sdelay $0x4  }
0x164: {  	v62 =	vshll.u32 v3, $0x1  }
0x165: {  	v3 =	vand.u32 $0x7, v3;
	v4 =	vand.u32 $0xFFFFFFF0, v62  }
0x166: {  	v3 =	vor.u32 v3, v4  }
0x167: {  	v4 =	vperm.xlane v3, v0;
	_ =	sdelay $0x1  }
0x168: {  	v3 =	vperm.xlane v3, v2;
	v4 =	vadd.s32 v1, v4;
	_ =	sdelay $0x1  }
0x169: {  	v3 =	vadd.s32 v1, v3;
	_ =	sdelay $0x2  }
0x16a: {  	[tilespmem:s12], [sflag:$0x2] =	stream.indirect_vreg.gather [hbm4b:s3+s2], $0x80, v4, vm0, $0xb8;
	[tilespmem:$0x11800] =	vst v63  }
0x16b: {  	_ = 	snop  }
0x16c: {  	[tilespmem:s13], [sflag:$0x2] =	stream.indirect_vreg.gather [hbm4b:s3+s2], $0x80, v3, vm0, $0xb8;
	[tilespmem:$0x11800] =	vst v63  }
0x16d: {  	v3 =	vld [tilespmem:s18+$0x0];
	_ =	sdelay $0x4  }
0x16e: {  	v63 =	vshll.u32 v3, $0x1  }
0x16f: {  	v3 =	vand.u32 $0x7, v3;
	v4 =	vand.u32 $0xFFFFFFF0, v63  }
0x170: {  	v3 =	vor.u32 v3, v4  }
0x171: {  	v4 =	vperm.xlane v3, v0;
	_ =	sdelay $0x1  }
0x172: {  	v3 =	vperm.xlane v3, v2;
	v4 =	vadd.s32 v1, v4;
	_ =	sdelay $0x1  }
0x173: {  	v3 =	vadd.s32 v1, v3  }
.Ltmp4:
0x174: {  	_ = 	snop;
	(pc) =	sbr.rel .LBB2_2-.Ltmp4, $4  }
0x175: {  	_ = 	snop  }
0x176: {  	[tilespmem:s14], [sflag:$0x2] =	stream.indirect_vreg.gather [hbm4b:s3+s2], $0x80, v4, vm0, $0xb8;
	[tilespmem:$0x11800] =	vst v63  }
0x177: {  	s19 =	sadd.s32 $0x2000, s19;
	s18 =	sadd.s32 $0x100, s18  }
0x178: {  	[tilespmem:s15], [sflag:$0x2] =	stream.indirect_vreg.gather [hbm4b:s3+s2], $0x80, v3, vm0, $0xb8;
	[tilespmem:$0x11800] =	vst v63  }
.LBB2_7:
0x179: {  	_ =	sfence.sel $0x180000  }
0x17a: {  	[bflag:$0x0] =	sbarrier.arrive $0xFFFF  }
0x17b: {  	_ =	strace $0x90000053  }
0x17c: {  	s0 =	stileid.u32;
	[bflag:$0x2] =	sbarrier.arrive $0xFFFF  }
0x17d: {  	p0 =	sne.s32 s0, $0x0;
	s0 =	rddreg [dreg:$0x1]  }
0x17e: {  	s0 =	sadd.s32 @!p0 $0x100000, s0  }
0x17f: {  	[sflag:s0] =	ssyncadd.tile.s32 @!p0 $0x1;
	_ =	shalt  }
.Lfunc_end2:
_tile_overlayer_lowered:
.L_overlay_start_2:
0x180: {  	(tag) =	ssettag $0x2  }
0x181: {  	s0 =	rddreg [dreg:$0x0];
	s2 =	stileid.u32  }
0x182: {  	s1 =	rddreg [dreg:$0x1];
	p0 =	sne.s32 s2, $0x0  }
0x183: {  	s3 =	rddreg [dreg:$0x2];
	[bflag:$0x3] =	sbarrier.arrive $0xFFFF;
	s2 =	simm.s32 @!p0 $0x1C03  }
0x184: {  	[timem:s3], [sflag:s2] =	dma.local @!p0 [hbm:s0], s1  }
0x185: {  	s0 =	simm.s32 @!p0 $0x3  }
0x186: {  	_ =	swait.ge @!p0 [sflag:s0], s1  }
0x187: {  	s1 =	ssub.s32 @!p0 $0x0, s1;
	[sflag:s0] =	ssyncset.done @!p0 $0x0  }
0x188: {  	[sflag:s0] =	ssyncadd.s32 @!p0 s1  }
0x189: {  	[bflag:$0x3] =	sbarrier.arrive $0xFFFF  }
0x18a: {  	_ =	shalt  }

// kernel: kernel.30.cloned.1.call-start
scs
__scs_entry_jumppad:
0x0: {  	(pc) =	sbr.rel $0x88, $3  }
0x1: {  	(tag) =	ssettag $0x0;
	lr =	simm.s32 $0x1  }
0x2: {  	[smem:$0x3F9E] =	sst lr;
	_ =	strace $0xD0000000  }
0x3: {  	_ = 	snop  }
0x4: {  	_ = 	snop  }
0x5: {  	_ = 	snop  }
0x6: {  	_ = 	snop  }
0x7: {  	_ = 	snop  }
__scs_overlays_trampoline_lowered:
0x8: {  	[smem:$0x3FAD] =	sst s0  }
0x9: {  	[smem:$0x3FAE] =	sst s1  }
0xa: {  	[smem:$0x3FAF] =	sst s2  }
0xb: {  	[smem:$0x3FB0] =	sst s3  }
0xc: {  	[smem:$0x3FB1] =	sst s4  }
0xd: {  	[smem:$0x3FB2] =	sst s5  }
0xe: {  	[smem:$0x3FB3] =	sst s6  }
0xf: {  	[smem:$0x3FB4] =	sst s7  }
0x10: {  	[smem:$0x3FB5] =	sst s8  }
0x11: {  	[smem:$0x3FB6] =	sst s9;
	s0 =	simm.s32 @!p0 $0x0  }
0x12: {  	s1 =	sld [smem:$0x3F9C];
	s0 =	simm.s32 @p0 $0x1  }
0x13: {  	[smem:$0x3FB7] =	sst s0;
	s0 =	simm.s32 @!p1 $0x0  }
0x14: {  	s2 =	sld [smem:$0x3F9B];
	s0 =	simm.s32 @p1 $0x1  }
0x15: {  	[smem:$0x3FB8] =	sst s0;
	s0 =	simm.s32 @!p2 $0x0  }
0x16: {  	s3 =	sld [smem:$0x3FDB];
	s0 =	simm.s32 @p2 $0x1  }
0x17: {  	s4 =	simm.s32 $0x1BF5;
	[smem:$0x3FBA] =	sst s0  }
0x18: {  	s0 =	sld [smem:$0x3F9D];
	_ =	swait.ge [sflag:s4], $0x0  }
0x19: {  	s7 =	sld [smem:$0x3F9E]  }
0x1a: {  	s8 =	sadd.s32 $0xFFFFE003, lr  }
0x1b: {  	s9 =	sadd.s32 $0xFFFFFEF7, lr;
	s5 =	simm.s32 $0xFFFFFFFF;
	p2 =	slt.u32 s8, $0xFFFFF086  }
0x1c: {  	p1 =	slt.u32 s9, $0xF7A;
	s5 =	simm.s32 @!p2 $0x0  }
0x1d: {  	s5 =	simm.s32 @p1 $0x1;
	p0 =	seq.s32 s7, s2  }
0x1e: {  	s7 =	smul.u32 @!p0 $0xF7A, s2;
	p2 =	seq.s32 @!p0 s5, $0x0  }
0x1f: {  	s9 =	smul.u32 $0xF7A, s1;
	s8 =	simm.s32 @!p0 $0x1BF5;
	p2 =	por !p2, p0  }
0x20: {  	[sflag:s8] =	ssyncset.s32 @!p0 $0xFFFFF086;
	s6 =	sadd.s32 @!p0 s3, s7;
	s7 =	simm.s32 @!p0 $0x108  }
0x21: {  	s3 =	sadd.s32 s3, s9;
	s6 =	sadd.s32 @!p0 $0x88, s6;
	s7 =	simm.s32 @p2 $0x1082  }
0x22: {  	[simem:s7], [sflag:s8] =	dma.local @!p0 [hbm:s6], $0xF7A  }
0x23: {  	s9 =	sor.u32 $0xD0000000, s2;
	s6 =	simm.s32 $0x108;
	_ =	swait.ge @!p0 [sflag:s8], $0x0  }
0x24: {  	s3 =	sadd.s32 $0x88, s3;
	s6 =	simm.s32 @!p1 $0x1082;
	[sflag:s4] =	ssyncset.s32 $0xFFFFF086  }
0x25: {  	[simem:s6], [sflag:s4] =	dma.local [hbm:s3], $0xF7A  }
0x26: {  	[smem:$0x3F9E] =	sst s1;
	(tag) =	ssettag s2;
	_ =	strace s9  }
0x27: {  	s1 =	sld [smem:$0x3FAE]  }
0x28: {  	s2 =	sld [smem:$0x3FAF]  }
0x29: {  	s4 =	sld [smem:$0x3FB1]  }
0x2a: {  	p0 =	seq.s32 s5, $0x0;
	s5 =	sld [smem:$0x3FB2]  }
0x2b: {  	s6 =	sld [smem:$0x3FB3]  }
0x2c: {  	s7 =	sld [smem:$0x3FB4]  }
0x2d: {  	s3 =	simm.s32 $0x108;
	s8 =	sld [smem:$0x3FB5]  }
0x2e: {  	s3 =	simm.s32 @!p0 $0x1082;
	s9 =	sld [smem:$0x3FB6]  }
0x2f: {  	lr =	sadd.s32 s0, s3;
	s0 =	sld [smem:$0x3FAD]  }
0x30: {  	s3 =	sld [smem:$0x3FB0]  }
0x31: {  	[smem:$0x3FB9] =	sst s10  }
0x32: {  	s10 =	sld [smem:$0x3FB7];
	_ =	sdelay $0x3  }
0x33: {  	p0 =	seq.s32 s10, $0x1;
	s10 =	sld [smem:$0x3FB9];
	_ =	sdelay $0x3  }
0x34: {  	[smem:$0x3FB9] =	sst s10  }
0x35: {  	s10 =	sld [smem:$0x3FB8];
	_ =	sdelay $0x3  }
0x36: {  	p1 =	seq.s32 s10, $0x1;
	s10 =	sld [smem:$0x3FB9];
	_ =	sdelay $0x3  }
0x37: {  	[smem:$0x3FB9] =	sst s10  }
0x38: {  	s10 =	sld [smem:$0x3FBA]  }
0x39: {  	_ = 	snop;
	(pc) =	sbr.ind lr, $3  }
0x3a: {  	_ = 	snop  }
0x3b: {  	_ = 	snop  }
0x3c: {  	p2 =	seq.s32 s10, $0x1;
	s10 =	sld [smem:$0x3FB9]  }
0x3d: {  	_ =	shalt  }
0x3e: {  	_ =	shalt  }
0x3f: {  	_ =	shalt  }
0x40: {  	_ =	shalt  }
0x41: {  	_ =	shalt  }
0x42: {  	_ =	shalt  }
0x43: {  	_ =	shalt  }
0x44: {  	_ =	shalt  }
0x45: {  	_ =	shalt  }
0x46: {  	_ =	shalt  }
0x47: {  	_ =	shalt  }
0x48: {  	_ =	shalt  }
0x49: {  	_ =	shalt  }
0x4a: {  	_ =	shalt  }
0x4b: {  	_ =	shalt  }
0x4c: {  	_ =	shalt  }
0x4d: {  	_ =	shalt  }
0x4e: {  	_ =	shalt  }
0x4f: {  	_ =	shalt  }
0x50: {  	_ =	shalt  }
0x51: {  	_ =	shalt  }
0x52: {  	_ =	shalt  }
0x53: {  	_ =	shalt  }
0x54: {  	_ =	shalt  }
0x55: {  	_ =	shalt  }
0x56: {  	_ =	shalt  }
0x57: {  	_ =	shalt  }
0x58: {  	_ =	shalt  }
0x59: {  	_ =	shalt  }
0x5a: {  	_ =	shalt  }
0x5b: {  	_ =	shalt  }
0x5c: {  	_ =	shalt  }
0x5d: {  	_ =	shalt  }
0x5e: {  	_ =	shalt  }
0x5f: {  	_ =	shalt  }
0x60: {  	_ =	shalt  }
0x61: {  	_ =	shalt  }
0x62: {  	_ =	shalt  }
0x63: {  	_ =	shalt  }
0x64: {  	_ =	shalt  }
0x65: {  	_ =	shalt  }
0x66: {  	_ =	shalt  }
0x67: {  	_ =	shalt  }
0x68: {  	_ =	shalt  }
0x69: {  	_ =	shalt  }
0x6a: {  	_ =	shalt  }
0x6b: {  	_ =	shalt  }
0x6c: {  	_ =	shalt  }
0x6d: {  	_ =	shalt  }
0x6e: {  	_ =	shalt  }
0x6f: {  	_ =	shalt  }
0x70: {  	_ =	shalt  }
0x71: {  	_ =	shalt  }
0x72: {  	_ =	shalt  }
0x73: {  	_ =	shalt  }
0x74: {  	_ =	shalt  }
0x75: {  	_ =	shalt  }
0x76: {  	_ =	shalt  }
0x77: {  	_ =	shalt  }
0x78: {  	_ =	shalt  }
0x79: {  	_ =	shalt  }
0x7a: {  	_ =	shalt  }
0x7b: {  	_ =	shalt  }
0x7c: {  	_ =	shalt  }
0x7d: {  	_ =	shalt  }
0x7e: {  	_ =	shalt  }
0x7f: {  	_ =	shalt  }
0x80: {  	_ =	shalt  }
0x81: {  	_ =	shalt  }
0x82: {  	_ =	shalt  }
0x83: {  	_ =	shalt  }
0x84: {  	_ =	shalt  }
0x85: {  	_ =	shalt  }
0x86: {  	_ =	shalt  }
0x87: {  	_ =	shalt  }
.Lfunc_end0:
.L_simem_size_0:
called_computation.5_lowered:
.L_overlay_start_0:
0x88: {  	s2 =	sld [smem:$0x3FD9]  }
0x89: {  	s3 =	sld [smem:$0x3FFE];
	_ =	sdelay $0x1  }
0x8a: {  	s1 =	srdreg.scid  }
0x8b: {  	s0 =	sand.u32 $0x1, s1  }
0x8c: {  	s17 =	sshll.u32 s0, $0xA;
	s2 =	sadd.s32 s3, s2  }
0x8d: {  	s2 =	sadd.s32 s2, s17  }
0x8e: {  	[smem:$0x3FC5] =	sst s2  }
0x8f: {  	_ = 	snop  }
0x90: {  	(tm) =	ssettm $0x1  }
0x91: {  	s18 =	sld [smem:$0x3FFB];
	_ =	sdelay $0x3  }
0x92: {  	_ =	strace s18  }
0x93: {  	s2 =	sld [smem:$0x3FFC];
	_ =	sdelay $0x3  }
0x94: {  	_ =	strace s2  }
0x95: {  	s2 =	sld [smem:$0x3FFD];
	_ =	sdelay $0x3  }
0x96: {  	_ =	strace s2  }
0x97: {  	_ =	strace $0x8FFFFFFF  }
0x98: {  	s19 =	sld [smem:$0x3FDB];
	_ =	sdelay $0x1  }
0x99: {  	s20 =	simm.s32 $_scs_section_size  }
0x9a: {  	s4 =	simm.s32 $_size__tile_overlayer_lowered;
	s5 =	simm.s32 $_tile_overlayer_lowered  }
0x9b: {  	s6 =	simm.s32 $0x1BFF;
	s21 =	sshll.u32 s5, $0x1;
	s3 =	sadd.s32 s20, s19  }
0x9c: {  	s22 =	simm.s32 $0x0;
	s4 =	sshll.u32 s4, $0x1;
	s5 =	sadd.s32 s21, s3  }
0x9d: {  	[timem:s22], [sflag:s6] =	dma.local [hbm:s5], s4  }
0x9e: {  	_ =	swait.ge [sflag:s6], s4  }
0x9f: {  	s4 =	ssub.s32 $0x0, s4;
	[sflag:s6] =	ssyncset.done $0x0  }
0xa0: {  	[sflag:s6] =	ssyncadd.s32 s4;
	_ =	sdelay $0x1  }
0xa1: {  	s23 =	simm.s32 $0x1B8B  }
0xa2: {  	_ =	swait.ge [sflag:s23], $0x1  }
0xa3: {  	[sflag:s23] =	ssyncset.done $0x0  }
0xa4: {  	[sflag:s23] =	ssyncadd.s32 $0xFFFFFFFF  }
0xa5: {  	s4 =	sld [smem:$0x0]  }
0xa6: {  	s5 =	sand.u32 $0xFFFFFFFE, s1  }
0xa7: {  	p0 =	sne.s32 s1, s5  }
0xa8: {  	s5 =	sshll.u32 @p0 s5, $0xE  }
0xa9: {  	s5 =	sadd.s32 @p0 $0x11B8D, s5;
	s6 =	sshll.u32 @p0 s4, $0x11  }
0xaa: {  	s5 =	sor.u32 @p0 s6, s5  }
0xab: {  	[sflag:s5] =	ssyncadd.remote.s32 @p0 $0x1;
	_ =	sdelay $0x1  }
0xac: {  	s5 =	simm.s32 @p0 $0x1B8D  }
0xad: {  	_ =	swait.eq @p0 [sflag:s5], $0x1  }
0xae: {  	[sflag:s5] =	ssyncadd.s32 @p0 $0xFFFFFFFF  }
0xaf: {  	s6 =	sshll.u32 @!p0 s1, $0xE  }
0xb0: {  	s6 =	sor.u32 @!p0 $0x4000, s6;
	s5 =	simm.s32 @!p0 $0x1B8D  }
0xb1: {  	s4 =	sshll.u32 @!p0 s4, $0x11;
	s6 =	sadd.s32 @!p0 $0x11B8D, s6;
	_ =	swait.eq @!p0 [sflag:s5], $0x1  }
0xb2: {  	s4 =	sor.u32 @!p0 s4, s6;
	[sflag:s5] =	ssyncadd.s32 @!p0 $0xFFFFFFFF  }
0xb3: {  	s25 =	simm.s32 $0x1B8E;
	s24 =	sld [smem:$0x3FFE];
	[sflag:s4] =	ssyncadd.remote.s32 @!p0 $0x1  }
0xb4: {  	s26 =	simm.s32 $execute0_lowered;
	[smem:$0x3FD2] =	sst s25  }
0xb5: {  	s5 =	sshll.u32 s26, $0x1;
	_ =	strace $0x80000055;
	[dreg:$0x1] =	wrdreg $0xFFFFFFFF  }
0xb6: {  	s28 =	simm.s32 $_size_execute0_lowered;
	s3 =	sadd.s32 s3, s5;
	[dreg:$0x0] =	wrdreg $0x0  }
0xb7: {  	s5 =	sshll.u32 s28, $0x1;
	[dreg:$0x2] =	wrdreg s3  }
0xb8: {  	[dreg:$0x3] =	wrdreg s5  }
0xb9: {  	[dreg:$0x4] =	wrdreg $0xC0  }
0xba: {  	_ =	task [dreg:s22], $0x5FFFF  }
0xbb: {  	[dreg:$0x1] =	wrdreg $0xFFFFFFFF  }
0xbc: {  	[dreg:$0x0] =	wrdreg $0x60  }
0xbd: {  	[dreg:$0x2] =	wrdreg s24  }
0xbe: {  	[dreg:$0x3] =	wrdreg $0xE  }
0xbf: {  	_ =	task.clear_ibuf [dreg:s22], $0x4FFFF;
	_ =	strace $0x90000055  }
0xc0: {  	s29 =	simm.s32 $0xE;
	_ =	strace $0x80000057  }
0xc1: {  	_ =	swait.ge [sflag:s29], $0x1  }
0xc2: {  	[sflag:s29] =	ssyncadd.s32 $0xFFFFFFFF  }
0xc3: {  	_ =	strace $0x90000057  }
0xc4: {  	_ =	sfence  }
0xc5: {  	s30 =	sld [smem:$0x0];
	_ =	sdelay $0x2  }
0xc6: {  	s31 =	sshll.u32 s1, $0xD;
	s1 =	sshrl.u32 s1, $0x2  }
0xc7: {  	s4 =	sand.u32 $0x4000, s31;
	s1 =	sadd.s32 s1, s30  }
0xc8: {  	s0 =	sor.u32 s4, s0;
	s1 =	sshll.u32 s1, $0x11  }
0xc9: {  	s0 =	sor.u32 s1, s0  }
0xca: {  	s0 =	sadd.s32 $0x8F2B, s0  }
0xcb: {  	[sflag:s0] =	ssyncadd.remote.s32 $0x1  }
0xcc: {  	_ =	sfence.sel $0xFFFF  }
0xcd: {  	[dreg:$0x0] =	wrdreg $0xFFFFFFFF;
	(pc) =	sbr.abs _section_cstart, $3  }
0xce: {  	[dreg:$0x1] =	wrdreg $0xFFFFFFFF  }
0xcf: {  	_ =	task.clear_ibuf [dreg:s22], $0x2FFFF;
	_ =	strace $0x9FFFFFFF  }
0xd0: {  	(tm) =	ssettm $0x7FFFFFFF  }
0xd1: {  	_ =	shalt  }
tec
execute0_lowered:
.L_overlay_start_1:
0x0: {  	(tag) =	ssettag $0x1  }
0x1: {  	s0 =	rddreg [dreg:$0x0];
	s1 =	srdreg.scid;
	s2 =	simm.s32 $0x0  }
0x2: {  	s6 =	stileid.u32;
	s8 =	simm.s32 $0x800;
	s20 =	simm.s32 $0x6800  }
0x3: {  	s21 =	simm.s32 $0x7000;
	s22 =	simm.s32 $0x7800;
	s28 =	simm.s32 $0xA000  }
0x4: {  	s29 =	simm.s32 $0xA800;
	s30 =	simm.s32 $0xB000;
	s31 =	simm.s32 $0xB800  }
0x5: {  	s9 =	simm.s32 $0xE000;
	s10 =	simm.s32 $0xE800;
	s11 =	simm.s32 $0xF000  }
0x6: {  	s12 =	simm.s32 $0xF800;
	s13 =	simm.s32 $0x10000;
	s14 =	simm.s32 $0x1  }
0x7: {  	s15 =	simm.s32 $0x2;
	s17 =	simm.s32 $0x0;
	s1 =	sand.u32 $0x1, s1  }
0x8: {  	[smem:$0x7FF] =	sst s2;
	s4 =	sshll.u32 s6, $0xC;
	s3 =	sadd.s32 $0x2C00, s0  }
0x9: {  	s23 =	sshll.u32 s6, $0x11;
	s5 =	sshll.u32 s1, $0xB;
	_ =	strace $0x80000056  }
0xa: {  	s24 =	ssub.s32 $0x2, s1;
	s1 =	sshll.u32 s1, $0x10;
	s4 =	sor.u32 s5, s4  }
0xb: {  	s5 =	sadd.s32 s23, s0;
	s7 =	sshrl.u32 s24, $0x1;
	s23 =	simm.s32 $0x8000  }
0xc: {  	s4 =	sshrl.u32 s4, $0x3;
	s25 =	ssub.s32 s24, s7;
	s1 =	sadd.s32 s1, s5  }
.Ltmp0:
0xd: {  	s7 =	simm.s32 $0x3;
	s24 =	simm.s32 $0x8800;
	(pc) =	sbr.rel .LBB2_1-.Ltmp0, $4  }
0xe: {  	s5 =	simm.s32 $0xD800;
	s0 =	sadd.s32 s4, s0;
	s26 =	smax.u32 s25, $0x1  }
0xf: {  	v2 =	vlaneseq.u32;
	s6 =	sadd.s32 $0x1A28000, s1;
	s25 =	simm.s32 $0x9000;
	s1 =	simm.s32 $0xC800  }
0x10: {  	vm0 =	vmmov $0xffff;
	v1 =	vshrl.u32 v2, $0x3;
	s4 =	simm.s32 $0xD000;
	s0 =	sadd.s32 $0x1A26000, s0;
	[dreg:$0x3] =	wrdreg s26  }
0x11: {  	v0 =	vand.u32 $0x7, v2;
	v2 =	vor.u32 $0x8, v2;
	v1 =	vmul.u32 $0x8, v1;
	s26 =	simm.s32 $0x9800;
	[dreg:$0x2] =	wrdreg s0;
	s0 =	simm.s32 $0xC000  }
.LBB2_6:
0x12: {  	s17 =	rddreg [dreg:$0x4]  }
0x13: {  	s16 =	rddreg [dreg:$0x3];
	s17 =	sadd.s32 $0x1, s17  }
0x14: {  	p0 =	sne.s32 s17, s16  }
.Ltmp1:
0x15: {  	_ = 	snop;
	(pc) =	sbr.rel @!p0 .LBB2_7-.Ltmp1, $1  }
0x16: {  	_ =	sdelay $0x3  }
.LBB2_1:
0x17: {  	[dreg:$0x4] =	wrdreg s17  }
0x18: {  	s16 =	rddreg [dreg:$0x2]  }
0x19: {  	[tilespmem:s2], [sflag:$0x3] =	stream.linear.gather [hbm4b:s16+s2], $0x800, $0x38;
	[tilespmem:$0x10800] =	vst v63  }
0x1a: {  	_ =	swait.ge [sflag:s7], $0x800  }
0x1b: {  	[sflag:s7] =	ssyncset.done $0x0  }
0x1c: {  	[sflag:s7] =	ssyncadd.s32 $0xFFFFF800  }
0x1d: {  	v3 =	vld [tilespmem:$0x0];
	_ =	sdelay $0x4  }
0x1e: {  	v4 =	vshll.u32 v3, $0x1  }
0x1f: {  	v3 =	vand.u32 $0x7, v3;
	v4 =	vand.u32 $0xFFFFFFF0, v4  }
0x20: {  	v3 =	vor.u32 v3, v4  }
0x21: {  	v4 =	vperm.xlane v3, v0;
	_ =	sdelay $0x1  }
0x22: {  	v3 =	vperm.xlane v3, v2;
	v4 =	vadd.s32 v1, v4;
	_ =	sdelay $0x1  }
0x23: {  	v3 =	vadd.s32 v1, v3;
	_ =	sdelay $0x2  }
0x24: {  	[tilespmem:s8], [sflag:$0x1] =	stream.indirect_vreg.gather [hbm4b:s3+s2], $0x80, v4, vm0, $0xb8;
	[tilespmem:$0x10800] =	vst v63  }
0x25: {  	s18 =	simm.s32 $0x1000  }
0x26: {  	[tilespmem:s18], [sflag:$0x1] =	stream.indirect_vreg.gather [hbm4b:s3+s2], $0x80, v3, vm0, $0xb8;
	[tilespmem:$0x10800] =	vst v63  }
0x27: {  	v3 =	vld [tilespmem:$0x10];
	_ =	sdelay $0x4  }
0x28: {  	v49 =	vshll.u32 v3, $0x1  }
0x29: {  	v3 =	vand.u32 $0x7, v3;
	v4 =	vand.u32 $0xFFFFFFF0, v49  }
0x2a: {  	v3 =	vor.u32 v3, v4  }
0x2b: {  	v4 =	vperm.xlane v3, v0;
	_ =	sdelay $0x1  }
0x2c: {  	v3 =	vperm.xlane v3, v2;
	v4 =	vadd.s32 v1, v4;
	_ =	sdelay $0x1  }
0x2d: {  	v3 =	vadd.s32 v1, v3;
	_ =	sdelay $0x1  }
0x2e: {  	s19 =	simm.s32 $0x1800  }
0x2f: {  	[tilespmem:s19], [sflag:$0x1] =	stream.indirect_vreg.gather [hbm4b:s3+s2], $0x80, v4, vm0, $0xb8;
	[tilespmem:$0x10800] =	vst v63  }
0x30: {  	s17 =	simm.s32 $0x2000  }
0x31: {  	[tilespmem:s17], [sflag:$0x1] =	stream.indirect_vreg.gather [hbm4b:s3+s2], $0x80, v3, vm0, $0xb8;
	[tilespmem:$0x10800] =	vst v63  }
0x32: {  	v3 =	vld [tilespmem:$0x20];
	_ =	sdelay $0x4  }
0x33: {  	v50 =	vshll.u32 v3, $0x1  }
0x34: {  	v3 =	vand.u32 $0x7, v3;
	v4 =	vand.u32 $0xFFFFFFF0, v50  }
0x35: {  	v3 =	vor.u32 v3, v4  }
0x36: {  	v4 =	vperm.xlane v3, v0;
	_ =	sdelay $0x1  }
0x37: {  	v3 =	vperm.xlane v3, v2;
	v4 =	vadd.s32 v1, v4;
	_ =	sdelay $0x1  }
0x38: {  	v3 =	vadd.s32 v1, v3;
	_ =	sdelay $0x1  }
0x39: {  	s18 =	simm.s32 $0x2800  }
0x3a: {  	[tilespmem:s18], [sflag:$0x1] =	stream.indirect_vreg.gather [hbm4b:s3+s2], $0x80, v4, vm0, $0xb8;
	[tilespmem:$0x10800] =	vst v63  }
0x3b: {  	s19 =	simm.s32 $0x3000  }
0x3c: {  	[tilespmem:s19], [sflag:$0x1] =	stream.indirect_vreg.gather [hbm4b:s3+s2], $0x80, v3, vm0, $0xb8;
	[tilespmem:$0x10800] =	vst v63  }
0x3d: {  	v3 =	vld [tilespmem:$0x30];
	_ =	sdelay $0x4  }
0x3e: {  	v51 =	vshll.u32 v3, $0x1  }
0x3f: {  	v3 =	vand.u32 $0x7, v3;
	v4 =	vand.u32 $0xFFFFFFF0, v51  }
0x40: {  	v3 =	vor.u32 v3, v4  }
0x41: {  	v4 =	vperm.xlane v3, v0;
	_ =	sdelay $0x1  }
0x42: {  	v3 =	vperm.xlane v3, v2;
	v4 =	vadd.s32 v1, v4;
	_ =	sdelay $0x1  }
0x43: {  	v3 =	vadd.s32 v1, v3;
	_ =	sdelay $0x1  }
0x44: {  	s17 =	simm.s32 $0x3800  }
0x45: {  	[tilespmem:s17], [sflag:$0x1] =	stream.indirect_vreg.gather [hbm4b:s3+s2], $0x80, v4, vm0, $0xb8;
	[tilespmem:$0x10800] =	vst v63  }
0x46: {  	s18 =	simm.s32 $0x4000  }
0x47: {  	[tilespmem:s18], [sflag:$0x1] =	stream.indirect_vreg.gather [hbm4b:s3+s2], $0x80, v3, vm0, $0xb8;
	[tilespmem:$0x10800] =	vst v63  }
0x48: {  	v3 =	vld [tilespmem:$0x40];
	_ =	sdelay $0x4  }
0x49: {  	v52 =	vshll.u32 v3, $0x1  }
0x4a: {  	v3 =	vand.u32 $0x7, v3;
	v4 =	vand.u32 $0xFFFFFFF0, v52  }
0x4b: {  	v3 =	vor.u32 v3, v4  }
0x4c: {  	v4 =	vperm.xlane v3, v0;
	_ =	sdelay $0x1  }
0x4d: {  	v3 =	vperm.xlane v3, v2;
	v4 =	vadd.s32 v1, v4;
	_ =	sdelay $0x1  }
0x4e: {  	v3 =	vadd.s32 v1, v3;
	_ =	sdelay $0x1  }
0x4f: {  	s19 =	simm.s32 $0x4800  }
0x50: {  	[tilespmem:s19], [sflag:$0x1] =	stream.indirect_vreg.gather [hbm4b:s3+s2], $0x80, v4, vm0, $0xb8;
	[tilespmem:$0x10800] =	vst v63  }
0x51: {  	s17 =	simm.s32 $0x5000  }
0x52: {  	[tilespmem:s17], [sflag:$0x1] =	stream.indirect_vreg.gather [hbm4b:s3+s2], $0x80, v3, vm0, $0xb8;
	[tilespmem:$0x10800] =	vst v63  }
0x53: {  	v3 =	vld [tilespmem:$0x50];
	_ =	sdelay $0x4  }
0x54: {  	v53 =	vshll.u32 v3, $0x1  }
0x55: {  	v3 =	vand.u32 $0x7, v3;
	v4 =	vand.u32 $0xFFFFFFF0, v53  }
0x56: {  	v3 =	vor.u32 v3, v4  }
0x57: {  	v4 =	vperm.xlane v3, v0;
	_ =	sdelay $0x1  }
0x58: {  	v3 =	vperm.xlane v3, v2;
	v4 =	vadd.s32 v1, v4;
	_ =	sdelay $0x1  }
0x59: {  	v3 =	vadd.s32 v1, v3;
	_ =	sdelay $0x1  }
0x5a: {  	s18 =	simm.s32 $0x5800  }
0x5b: {  	[tilespmem:s18], [sflag:$0x1] =	stream.indirect_vreg.gather [hbm4b:s3+s2], $0x80, v4, vm0, $0xb8;
	[tilespmem:$0x10800] =	vst v63  }
0x5c: {  	s19 =	simm.s32 $0x6000  }
0x5d: {  	[tilespmem:s19], [sflag:$0x1] =	stream.indirect_vreg.gather [hbm4b:s3+s2], $0x80, v3, vm0, $0xb8;
	[tilespmem:$0x10800] =	vst v63  }
0x5e: {  	v3 =	vld [tilespmem:$0x60];
	_ =	sdelay $0x4  }
0x5f: {  	v54 =	vshll.u32 v3, $0x1  }
0x60: {  	v3 =	vand.u32 $0x7, v3;
	v4 =	vand.u32 $0xFFFFFFF0, v54  }
0x61: {  	v3 =	vor.u32 v3, v4  }
0x62: {  	v4 =	vperm.xlane v3, v0;
	_ =	sdelay $0x1  }
0x63: {  	v3 =	vperm.xlane v3, v2;
	v4 =	vadd.s32 v1, v4;
	_ =	sdelay $0x1  }
0x64: {  	v3 =	vadd.s32 v1, v3;
	_ =	sdelay $0x2  }
0x65: {  	[tilespmem:s20], [sflag:$0x1] =	stream.indirect_vreg.gather [hbm4b:s3+s2], $0x80, v4, vm0, $0xb8;
	[tilespmem:$0x10800] =	vst v63  }
0x66: {  	_ = 	snop  }
0x67: {  	[tilespmem:s21], [sflag:$0x1] =	stream.indirect_vreg.gather [hbm4b:s3+s2], $0x80, v3, vm0, $0xb8;
	[tilespmem:$0x10800] =	vst v63  }
0x68: {  	v3 =	vld [tilespmem:$0x70];
	_ =	sdelay $0x4  }
0x69: {  	v55 =	vshll.u32 v3, $0x1  }
0x6a: {  	v3 =	vand.u32 $0x7, v3;
	v4 =	vand.u32 $0xFFFFFFF0, v55  }
0x6b: {  	v3 =	vor.u32 v3, v4  }
0x6c: {  	v4 =	vperm.xlane v3, v0;
	_ =	sdelay $0x1  }
0x6d: {  	v3 =	vperm.xlane v3, v2;
	v4 =	vadd.s32 v1, v4;
	_ =	sdelay $0x1  }
0x6e: {  	v3 =	vadd.s32 v1, v3;
	_ =	sdelay $0x2  }
0x6f: {  	[tilespmem:s22], [sflag:$0x1] =	stream.indirect_vreg.gather [hbm4b:s3+s2], $0x80, v4, vm0, $0xb8;
	[tilespmem:$0x10800] =	vst v63  }
0x70: {  	_ = 	snop  }
0x71: {  	[tilespmem:s23], [sflag:$0x1] =	stream.indirect_vreg.gather [hbm4b:s3+s2], $0x80, v3, vm0, $0xb8;
	[tilespmem:$0x10800] =	vst v63  }
0x72: {  	v3 =	vld [tilespmem:$0x80];
	_ =	sdelay $0x4  }
0x73: {  	v56 =	vshll.u32 v3, $0x1  }
0x74: {  	v3 =	vand.u32 $0x7, v3;
	v4 =	vand.u32 $0xFFFFFFF0, v56  }
0x75: {  	v3 =	vor.u32 v3, v4  }
0x76: {  	v4 =	vperm.xlane v3, v0;
	_ =	sdelay $0x1  }
0x77: {  	v3 =	vperm.xlane v3, v2;
	v4 =	vadd.s32 v1, v4;
	_ =	sdelay $0x1  }
0x78: {  	v3 =	vadd.s32 v1, v3;
	_ =	sdelay $0x2  }
0x79: {  	[tilespmem:s24], [sflag:$0x2] =	stream.indirect_vreg.gather [hbm4b:s3+s2], $0x80, v4, vm0, $0xb8;
	[tilespmem:$0x10800] =	vst v63  }
0x7a: {  	_ = 	snop  }
0x7b: {  	[tilespmem:s25], [sflag:$0x2] =	stream.indirect_vreg.gather [hbm4b:s3+s2], $0x80, v3, vm0, $0xb8;
	[tilespmem:$0x10800] =	vst v63  }
0x7c: {  	v3 =	vld [tilespmem:$0x90];
	_ =	sdelay $0x4  }
0x7d: {  	v57 =	vshll.u32 v3, $0x1  }
0x7e: {  	v3 =	vand.u32 $0x7, v3;
	v4 =	vand.u32 $0xFFFFFFF0, v57  }
0x7f: {  	v3 =	vor.u32 v3, v4  }
0x80: {  	v4 =	vperm.xlane v3, v0;
	_ =	sdelay $0x1  }
0x81: {  	v3 =	vperm.xlane v3, v2;
	v4 =	vadd.s32 v1, v4;
	_ =	sdelay $0x1  }
0x82: {  	v3 =	vadd.s32 v1, v3;
	_ =	sdelay $0x2  }
0x83: {  	[tilespmem:s26], [sflag:$0x2] =	stream.indirect_vreg.gather [hbm4b:s3+s2], $0x80, v4, vm0, $0xb8;
	[tilespmem:$0x10800] =	vst v63  }
0x84: {  	_ = 	snop  }
0x85: {  	[tilespmem:s28], [sflag:$0x2] =	stream.indirect_vreg.gather [hbm4b:s3+s2], $0x80, v3, vm0, $0xb8;
	[tilespmem:$0x10800] =	vst v63  }
0x86: {  	v3 =	vld [tilespmem:$0xA0];
	_ =	sdelay $0x4  }
0x87: {  	v58 =	vshll.u32 v3, $0x1  }
0x88: {  	v3 =	vand.u32 $0x7, v3;
	v4 =	vand.u32 $0xFFFFFFF0, v58  }
0x89: {  	v3 =	vor.u32 v3, v4  }
0x8a: {  	v4 =	vperm.xlane v3, v0;
	_ =	sdelay $0x1  }
0x8b: {  	v3 =	vperm.xlane v3, v2;
	v4 =	vadd.s32 v1, v4;
	_ =	sdelay $0x1  }
0x8c: {  	v3 =	vadd.s32 v1, v3;
	_ =	sdelay $0x2  }
0x8d: {  	[tilespmem:s29], [sflag:$0x2] =	stream.indirect_vreg.gather [hbm4b:s3+s2], $0x80, v4, vm0, $0xb8;
	[tilespmem:$0x10800] =	vst v63  }
0x8e: {  	_ = 	snop  }
0x8f: {  	[tilespmem:s30], [sflag:$0x2] =	stream.indirect_vreg.gather [hbm4b:s3+s2], $0x80, v3, vm0, $0xb8;
	[tilespmem:$0x10800] =	vst v63  }
0x90: {  	v3 =	vld [tilespmem:$0xB0];
	_ =	sdelay $0x4  }
0x91: {  	v59 =	vshll.u32 v3, $0x1  }
0x92: {  	v3 =	vand.u32 $0x7, v3;
	v4 =	vand.u32 $0xFFFFFFF0, v59  }
0x93: {  	v3 =	vor.u32 v3, v4  }
0x94: {  	v4 =	vperm.xlane v3, v0;
	_ =	sdelay $0x1  }
0x95: {  	v3 =	vperm.xlane v3, v2;
	v4 =	vadd.s32 v1, v4;
	_ =	sdelay $0x1  }
0x96: {  	v3 =	vadd.s32 v1, v3;
	_ =	sdelay $0x2  }
0x97: {  	[tilespmem:s31], [sflag:$0x2] =	stream.indirect_vreg.gather [hbm4b:s3+s2], $0x80, v4, vm0, $0xb8;
	[tilespmem:$0x10800] =	vst v63  }
0x98: {  	_ = 	snop  }
0x99: {  	[tilespmem:s0], [sflag:$0x2] =	stream.indirect_vreg.gather [hbm4b:s3+s2], $0x80, v3, vm0, $0xb8;
	[tilespmem:$0x10800] =	vst v63  }
0x9a: {  	v3 =	vld [tilespmem:$0xC0];
	_ =	sdelay $0x4  }
0x9b: {  	v60 =	vshll.u32 v3, $0x1  }
0x9c: {  	v3 =	vand.u32 $0x7, v3;
	v4 =	vand.u32 $0xFFFFFFF0, v60  }
0x9d: {  	v3 =	vor.u32 v3, v4  }
0x9e: {  	v4 =	vperm.xlane v3, v0;
	_ =	sdelay $0x1  }
0x9f: {  	v3 =	vperm.xlane v3, v2;
	v4 =	vadd.s32 v1, v4;
	_ =	sdelay $0x1  }
0xa0: {  	v3 =	vadd.s32 v1, v3;
	_ =	sdelay $0x2  }
0xa1: {  	[tilespmem:s1], [sflag:$0x2] =	stream.indirect_vreg.gather [hbm4b:s3+s2], $0x80, v4, vm0, $0xb8;
	[tilespmem:$0x10800] =	vst v63  }
0xa2: {  	_ = 	snop  }
0xa3: {  	[tilespmem:s4], [sflag:$0x2] =	stream.indirect_vreg.gather [hbm4b:s3+s2], $0x80, v3, vm0, $0xb8;
	[tilespmem:$0x10800] =	vst v63  }
0xa4: {  	v3 =	vld [tilespmem:$0xD0];
	_ =	sdelay $0x4  }
0xa5: {  	v61 =	vshll.u32 v3, $0x1  }
0xa6: {  	v3 =	vand.u32 $0x7, v3;
	v4 =	vand.u32 $0xFFFFFFF0, v61  }
0xa7: {  	v3 =	vor.u32 v3, v4  }
0xa8: {  	v4 =	vperm.xlane v3, v0;
	_ =	sdelay $0x1  }
0xa9: {  	v3 =	vperm.xlane v3, v2;
	v4 =	vadd.s32 v1, v4;
	_ =	sdelay $0x1  }
0xaa: {  	v3 =	vadd.s32 v1, v3;
	_ =	sdelay $0x2  }
0xab: {  	[tilespmem:s5], [sflag:$0x2] =	stream.indirect_vreg.gather [hbm4b:s3+s2], $0x80, v4, vm0, $0xb8;
	[tilespmem:$0x10800] =	vst v63  }
0xac: {  	_ = 	snop  }
0xad: {  	[tilespmem:s9], [sflag:$0x2] =	stream.indirect_vreg.gather [hbm4b:s3+s2], $0x80, v3, vm0, $0xb8;
	[tilespmem:$0x10800] =	vst v63  }
0xae: {  	v3 =	vld [tilespmem:$0xE0];
	_ =	sdelay $0x4  }
0xaf: {  	v62 =	vshll.u32 v3, $0x1  }
0xb0: {  	v3 =	vand.u32 $0x7, v3;
	v4 =	vand.u32 $0xFFFFFFF0, v62  }
0xb1: {  	v3 =	vor.u32 v3, v4  }
0xb2: {  	v4 =	vperm.xlane v3, v0;
	_ =	sdelay $0x1  }
0xb3: {  	v3 =	vperm.xlane v3, v2;
	v4 =	vadd.s32 v1, v4;
	_ =	sdelay $0x1  }
0xb4: {  	v3 =	vadd.s32 v1, v3;
	_ =	sdelay $0x2  }
0xb5: {  	[tilespmem:s10], [sflag:$0x2] =	stream.indirect_vreg.gather [hbm4b:s3+s2], $0x80, v4, vm0, $0xb8;
	[tilespmem:$0x10800] =	vst v63  }
0xb6: {  	_ = 	snop  }
0xb7: {  	[tilespmem:s11], [sflag:$0x2] =	stream.indirect_vreg.gather [hbm4b:s3+s2], $0x80, v3, vm0, $0xb8;
	[tilespmem:$0x10800] =	vst v63  }
0xb8: {  	v3 =	vld [tilespmem:$0xF0];
	_ =	sdelay $0x4  }
0xb9: {  	v63 =	vshll.u32 v3, $0x1  }
0xba: {  	v3 =	vand.u32 $0x7, v3;
	v4 =	vand.u32 $0xFFFFFFF0, v63  }
0xbb: {  	v3 =	vor.u32 v3, v4  }
0xbc: {  	v4 =	vperm.xlane v3, v0;
	_ =	sdelay $0x1  }
0xbd: {  	v3 =	vperm.xlane v3, v2;
	v4 =	vadd.s32 v1, v4;
	_ =	sdelay $0x1  }
0xbe: {  	v3 =	vadd.s32 v1, v3;
	_ =	sdelay $0x2  }
0xbf: {  	[tilespmem:s12], [sflag:$0x2] =	stream.indirect_vreg.gather [hbm4b:s3+s2], $0x80, v4, vm0, $0xb8;
	[tilespmem:$0x10800] =	vst v63  }
0xc0: {  	s16 =	simm.s32 $0x1F0;
	s17 =	simm.s32 $0x0  }
0xc1: {  	[tilespmem:s13], [sflag:$0x2] =	stream.indirect_vreg.gather [hbm4b:s3+s2], $0x80, v3, vm0, $0xb8;
	[tilespmem:$0x10800] =	vst v63  }
.LBB2_2:
0xc2: {  	_ =	swait.ge [sflag:s14], $0x8000  }
0xc3: {  	p0 =	seq.s32 s17, $0xE000;
	[sflag:s14] =	ssyncset.done $0x0  }
.Ltmp2:
0xc4: {  	s18 =	sadd.s32 s17, s6;
	[sflag:s14] =	ssyncadd.s32 $0xFFFF8000;
	(pc) =	sbr.rel @p0 .LBB2_4-.Ltmp2, $4  }
0xc5: {  	[hbm4b:s18+s2] =	stream.linear.scatter [tilespmem:s8], [sflag:$0x3], $0x8000, $0x38;
	[tilespmem:$0x10800] =	vst v63  }
0xc6: {  	_ =	swait.ge [sflag:s7], $0x8000  }
0xc7: {  	[sflag:s7] =	ssyncset.done $0x0  }
0xc8: {  	[sflag:s7] =	ssyncadd.s32 $0xFFFF8000  }
0xc9: {  	v3 =	vld [tilespmem:s16+$0xFFFFFF10];
	_ =	sdelay $0x4  }
0xca: {  	v4 =	vshll.u32 v3, $0x1  }
0xcb: {  	v3 =	vand.u32 $0x7, v3;
	v4 =	vand.u32 $0xFFFFFFF0, v4  }
0xcc: {  	v3 =	vor.u32 v3, v4  }
0xcd: {  	v4 =	vperm.xlane v3, v0;
	_ =	sdelay $0x1  }
0xce: {  	v3 =	vperm.xlane v3, v2;
	v4 =	vadd.s32 v1, v4;
	_ =	sdelay $0x1  }
0xcf: {  	v3 =	vadd.s32 v1, v3;
	_ =	sdelay $0x2  }
0xd0: {  	[tilespmem:s8], [sflag:$0x1] =	stream.indirect_vreg.gather [hbm4b:s3+s2], $0x80, v4, vm0, $0xb8;
	[tilespmem:$0x10800] =	vst v63  }
0xd1: {  	s19 =	simm.s32 $0x1000  }
0xd2: {  	[tilespmem:s19], [sflag:$0x1] =	stream.indirect_vreg.gather [hbm4b:s3+s2], $0x80, v3, vm0, $0xb8;
	[tilespmem:$0x10800] =	vst v63  }
0xd3: {  	v3 =	vld [tilespmem:s16+$0xFFFFFF20];
	_ =	sdelay $0x4  }
0xd4: {  	v57 =	vshll.u32 v3, $0x1  }
0xd5: {  	v3 =	vand.u32 $0x7, v3;
	v4 =	vand.u32 $0xFFFFFFF0, v57  }
0xd6: {  	v3 =	vor.u32 v3, v4  }
0xd7: {  	v4 =	vperm.xlane v3, v0;
	_ =	sdelay $0x1  }
0xd8: {  	v3 =	vperm.xlane v3, v2;
	v4 =	vadd.s32 v1, v4;
	_ =	sdelay $0x1  }
0xd9: {  	v3 =	vadd.s32 v1, v3;
	_ =	sdelay $0x1  }
0xda: {  	s19 =	simm.s32 $0x1800  }
0xdb: {  	[tilespmem:s19], [sflag:$0x1] =	stream.indirect_vreg.gather [hbm4b:s3+s2], $0x80, v4, vm0, $0xb8;
	[tilespmem:$0x10800] =	vst v63  }
0xdc: {  	s19 =	simm.s32 $0x2000  }
0xdd: {  	[tilespmem:s19], [sflag:$0x1] =	stream.indirect_vreg.gather [hbm4b:s3+s2], $0x80, v3, vm0, $0xb8;
	[tilespmem:$0x10800] =	vst v63  }
0xde: {  	v3 =	vld [tilespmem:s16+$0xFFFFFF30];
	_ =	sdelay $0x4  }
0xdf: {  	v58 =	vshll.u32 v3, $0x1  }
0xe0: {  	v3 =	vand.u32 $0x7, v3;
	v4 =	vand.u32 $0xFFFFFFF0, v58  }
0xe1: {  	v3 =	vor.u32 v3, v4  }
0xe2: {  	v4 =	vperm.xlane v3, v0;
	_ =	sdelay $0x1  }
0xe3: {  	v3 =	vperm.xlane v3, v2;
	v4 =	vadd.s32 v1, v4;
	_ =	sdelay $0x1  }
0xe4: {  	v3 =	vadd.s32 v1, v3;
	_ =	sdelay $0x1  }
0xe5: {  	s19 =	simm.s32 $0x2800  }
0xe6: {  	[tilespmem:s19], [sflag:$0x1] =	stream.indirect_vreg.gather [hbm4b:s3+s2], $0x80, v4, vm0, $0xb8;
	[tilespmem:$0x10800] =	vst v63  }
0xe7: {  	s19 =	simm.s32 $0x3000  }
0xe8: {  	[tilespmem:s19], [sflag:$0x1] =	stream.indirect_vreg.gather [hbm4b:s3+s2], $0x80, v3, vm0, $0xb8;
	[tilespmem:$0x10800] =	vst v63  }
0xe9: {  	v3 =	vld [tilespmem:s16+$0xFFFFFF40];
	_ =	sdelay $0x4  }
0xea: {  	v59 =	vshll.u32 v3, $0x1  }
0xeb: {  	v3 =	vand.u32 $0x7, v3;
	v4 =	vand.u32 $0xFFFFFFF0, v59  }
0xec: {  	v3 =	vor.u32 v3, v4  }
0xed: {  	v4 =	vperm.xlane v3, v0;
	_ =	sdelay $0x1  }
0xee: {  	v3 =	vperm.xlane v3, v2;
	v4 =	vadd.s32 v1, v4;
	_ =	sdelay $0x1  }
0xef: {  	v3 =	vadd.s32 v1, v3;
	_ =	sdelay $0x1  }
0xf0: {  	s19 =	simm.s32 $0x3800  }
0xf1: {  	[tilespmem:s19], [sflag:$0x1] =	stream.indirect_vreg.gather [hbm4b:s3+s2], $0x80, v4, vm0, $0xb8;
	[tilespmem:$0x10800] =	vst v63  }
0xf2: {  	s19 =	simm.s32 $0x4000  }
0xf3: {  	[tilespmem:s19], [sflag:$0x1] =	stream.indirect_vreg.gather [hbm4b:s3+s2], $0x80, v3, vm0, $0xb8;
	[tilespmem:$0x10800] =	vst v63  }
0xf4: {  	v3 =	vld [tilespmem:s16+$0xFFFFFF50];
	_ =	sdelay $0x4  }
0xf5: {  	v60 =	vshll.u32 v3, $0x1  }
0xf6: {  	v3 =	vand.u32 $0x7, v3;
	v4 =	vand.u32 $0xFFFFFFF0, v60  }
0xf7: {  	v3 =	vor.u32 v3, v4  }
0xf8: {  	v4 =	vperm.xlane v3, v0;
	_ =	sdelay $0x1  }
0xf9: {  	v3 =	vperm.xlane v3, v2;
	v4 =	vadd.s32 v1, v4;
	_ =	sdelay $0x1  }
0xfa: {  	v3 =	vadd.s32 v1, v3;
	_ =	sdelay $0x1  }
0xfb: {  	s19 =	simm.s32 $0x4800  }
0xfc: {  	[tilespmem:s19], [sflag:$0x1] =	stream.indirect_vreg.gather [hbm4b:s3+s2], $0x80, v4, vm0, $0xb8;
	[tilespmem:$0x10800] =	vst v63  }
0xfd: {  	s19 =	simm.s32 $0x5000  }
0xfe: {  	[tilespmem:s19], [sflag:$0x1] =	stream.indirect_vreg.gather [hbm4b:s3+s2], $0x80, v3, vm0, $0xb8;
	[tilespmem:$0x10800] =	vst v63  }
0xff: {  	v3 =	vld [tilespmem:s16+$0xFFFFFF60];
	_ =	sdelay $0x4  }
0x100: {  	v61 =	vshll.u32 v3, $0x1  }
0x101: {  	v3 =	vand.u32 $0x7, v3;
	v4 =	vand.u32 $0xFFFFFFF0, v61  }
0x102: {  	v3 =	vor.u32 v3, v4  }
0x103: {  	v4 =	vperm.xlane v3, v0;
	_ =	sdelay $0x1  }
0x104: {  	v3 =	vperm.xlane v3, v2;
	v4 =	vadd.s32 v1, v4;
	_ =	sdelay $0x1  }
0x105: {  	v3 =	vadd.s32 v1, v3;
	_ =	sdelay $0x1  }
0x106: {  	s19 =	simm.s32 $0x5800  }
0x107: {  	[tilespmem:s19], [sflag:$0x1] =	stream.indirect_vreg.gather [hbm4b:s3+s2], $0x80, v4, vm0, $0xb8;
	[tilespmem:$0x10800] =	vst v63  }
0x108: {  	s19 =	simm.s32 $0x6000  }
0x109: {  	[tilespmem:s19], [sflag:$0x1] =	stream.indirect_vreg.gather [hbm4b:s3+s2], $0x80, v3, vm0, $0xb8;
	[tilespmem:$0x10800] =	vst v63  }
0x10a: {  	v3 =	vld [tilespmem:s16+$0xFFFFFF70];
	_ =	sdelay $0x4  }
0x10b: {  	v62 =	vshll.u32 v3, $0x1  }
0x10c: {  	v3 =	vand.u32 $0x7, v3;
	v4 =	vand.u32 $0xFFFFFFF0, v62  }
0x10d: {  	v3 =	vor.u32 v3, v4  }
0x10e: {  	v4 =	vperm.xlane v3, v0;
	_ =	sdelay $0x1  }
0x10f: {  	v3 =	vperm.xlane v3, v2;
	v4 =	vadd.s32 v1, v4;
	_ =	sdelay $0x1  }
0x110: {  	v3 =	vadd.s32 v1, v3;
	_ =	sdelay $0x2  }
0x111: {  	[tilespmem:s20], [sflag:$0x1] =	stream.indirect_vreg.gather [hbm4b:s3+s2], $0x80, v4, vm0, $0xb8;
	[tilespmem:$0x10800] =	vst v63  }
0x112: {  	_ = 	snop  }
0x113: {  	[tilespmem:s21], [sflag:$0x1] =	stream.indirect_vreg.gather [hbm4b:s3+s2], $0x80, v3, vm0, $0xb8;
	[tilespmem:$0x10800] =	vst v63  }
0x114: {  	v3 =	vld [tilespmem:s16+$0xFFFFFF80];
	_ =	sdelay $0x4  }
0x115: {  	v63 =	vshll.u32 v3, $0x1  }
0x116: {  	v3 =	vand.u32 $0x7, v3;
	v4 =	vand.u32 $0xFFFFFFF0, v63  }
0x117: {  	v3 =	vor.u32 v3, v4  }
0x118: {  	v4 =	vperm.xlane v3, v0;
	_ =	sdelay $0x1  }
0x119: {  	v3 =	vperm.xlane v3, v2;
	v4 =	vadd.s32 v1, v4;
	_ =	sdelay $0x1  }
0x11a: {  	v3 =	vadd.s32 v1, v3;
	_ =	sdelay $0x2  }
0x11b: {  	[tilespmem:s22], [sflag:$0x1] =	stream.indirect_vreg.gather [hbm4b:s3+s2], $0x80, v4, vm0, $0xb8;
	[tilespmem:$0x10800] =	vst v63  }
0x11c: {  	_ = 	snop  }
0x11d: {  	[tilespmem:s23], [sflag:$0x1] =	stream.indirect_vreg.gather [hbm4b:s3+s2], $0x80, v3, vm0, $0xb8;
	[tilespmem:$0x10800] =	vst v63  }
.LBB2_4:
0x11e: {  	_ =	swait.ge [sflag:s15], $0x8000  }
0x11f: {  	[sflag:s15] =	ssyncset.done $0x0  }
.Ltmp3:
0x120: {  	s18 =	sadd.s32 $0x1000, s18;
	[sflag:s15] =	ssyncadd.s32 $0xFFFF8000;
	(pc) =	sbr.rel @p0 .LBB2_6-.Ltmp3, $4  }
0x121: {  	[hbm4b:s18+s2] =	stream.linear.scatter [tilespmem:s24], [sflag:$0x3], $0x8000, $0x38;
	[tilespmem:$0x10800] =	vst v63  }
0x122: {  	_ =	swait.ge [sflag:s7], $0x8000  }
0x123: {  	[sflag:s7] =	ssyncset.done $0x0  }
0x124: {  	[sflag:s7] =	ssyncadd.s32 $0xFFFF8000  }
0x125: {  	v3 =	vld [tilespmem:s16+$0xFFFFFF90];
	_ =	sdelay $0x4  }
0x126: {  	v4 =	vshll.u32 v3, $0x1  }
0x127: {  	v3 =	vand.u32 $0x7, v3;
	v4 =	vand.u32 $0xFFFFFFF0, v4  }
0x128: {  	v3 =	vor.u32 v3, v4  }
0x129: {  	v4 =	vperm.xlane v3, v0;
	_ =	sdelay $0x1  }
0x12a: {  	v3 =	vperm.xlane v3, v2;
	v4 =	vadd.s32 v1, v4;
	_ =	sdelay $0x1  }
0x12b: {  	v3 =	vadd.s32 v1, v3;
	_ =	sdelay $0x2  }
0x12c: {  	[tilespmem:s24], [sflag:$0x2] =	stream.indirect_vreg.gather [hbm4b:s3+s2], $0x80, v4, vm0, $0xb8;
	[tilespmem:$0x10800] =	vst v63  }
0x12d: {  	_ = 	snop  }
0x12e: {  	[tilespmem:s25], [sflag:$0x2] =	stream.indirect_vreg.gather [hbm4b:s3+s2], $0x80, v3, vm0, $0xb8;
	[tilespmem:$0x10800] =	vst v63  }
0x12f: {  	v3 =	vld [tilespmem:s16+$0xFFFFFFA0];
	_ =	sdelay $0x4  }
0x130: {  	v57 =	vshll.u32 v3, $0x1  }
0x131: {  	v3 =	vand.u32 $0x7, v3;
	v4 =	vand.u32 $0xFFFFFFF0, v57  }
0x132: {  	v3 =	vor.u32 v3, v4  }
0x133: {  	v4 =	vperm.xlane v3, v0;
	_ =	sdelay $0x1  }
0x134: {  	v3 =	vperm.xlane v3, v2;
	v4 =	vadd.s32 v1, v4;
	_ =	sdelay $0x1  }
0x135: {  	v3 =	vadd.s32 v1, v3;
	_ =	sdelay $0x2  }
0x136: {  	[tilespmem:s26], [sflag:$0x2] =	stream.indirect_vreg.gather [hbm4b:s3+s2], $0x80, v4, vm0, $0xb8;
	[tilespmem:$0x10800] =	vst v63  }
0x137: {  	_ = 	snop  }
0x138: {  	[tilespmem:s28], [sflag:$0x2] =	stream.indirect_vreg.gather [hbm4b:s3+s2], $0x80, v3, vm0, $0xb8;
	[tilespmem:$0x10800] =	vst v63  }
0x139: {  	v3 =	vld [tilespmem:s16+$0xFFFFFFB0];
	_ =	sdelay $0x4  }
0x13a: {  	v58 =	vshll.u32 v3, $0x1  }
0x13b: {  	v3 =	vand.u32 $0x7, v3;
	v4 =	vand.u32 $0xFFFFFFF0, v58  }
0x13c: {  	v3 =	vor.u32 v3, v4  }
0x13d: {  	v4 =	vperm.xlane v3, v0;
	_ =	sdelay $0x1  }
0x13e: {  	v3 =	vperm.xlane v3, v2;
	v4 =	vadd.s32 v1, v4;
	_ =	sdelay $0x1  }
0x13f: {  	v3 =	vadd.s32 v1, v3;
	_ =	sdelay $0x2  }
0x140: {  	[tilespmem:s29], [sflag:$0x2] =	stream.indirect_vreg.gather [hbm4b:s3+s2], $0x80, v4, vm0, $0xb8;
	[tilespmem:$0x10800] =	vst v63  }
0x141: {  	_ = 	snop  }
0x142: {  	[tilespmem:s30], [sflag:$0x2] =	stream.indirect_vreg.gather [hbm4b:s3+s2], $0x80, v3, vm0, $0xb8;
	[tilespmem:$0x10800] =	vst v63  }
0x143: {  	v3 =	vld [tilespmem:s16+$0xFFFFFFC0];
	_ =	sdelay $0x4  }
0x144: {  	v59 =	vshll.u32 v3, $0x1  }
0x145: {  	v3 =	vand.u32 $0x7, v3;
	v4 =	vand.u32 $0xFFFFFFF0, v59  }
0x146: {  	v3 =	vor.u32 v3, v4  }
0x147: {  	v4 =	vperm.xlane v3, v0;
	_ =	sdelay $0x1  }
0x148: {  	v3 =	vperm.xlane v3, v2;
	v4 =	vadd.s32 v1, v4;
	_ =	sdelay $0x1  }
0x149: {  	v3 =	vadd.s32 v1, v3;
	_ =	sdelay $0x2  }
0x14a: {  	[tilespmem:s31], [sflag:$0x2] =	stream.indirect_vreg.gather [hbm4b:s3+s2], $0x80, v4, vm0, $0xb8;
	[tilespmem:$0x10800] =	vst v63  }
0x14b: {  	_ = 	snop  }
0x14c: {  	[tilespmem:s0], [sflag:$0x2] =	stream.indirect_vreg.gather [hbm4b:s3+s2], $0x80, v3, vm0, $0xb8;
	[tilespmem:$0x10800] =	vst v63  }
0x14d: {  	v3 =	vld [tilespmem:s16+$0xFFFFFFD0];
	_ =	sdelay $0x4  }
0x14e: {  	v60 =	vshll.u32 v3, $0x1  }
0x14f: {  	v3 =	vand.u32 $0x7, v3;
	v4 =	vand.u32 $0xFFFFFFF0, v60  }
0x150: {  	v3 =	vor.u32 v3, v4  }
0x151: {  	v4 =	vperm.xlane v3, v0;
	_ =	sdelay $0x1  }
0x152: {  	v3 =	vperm.xlane v3, v2;
	v4 =	vadd.s32 v1, v4;
	_ =	sdelay $0x1  }
0x153: {  	v3 =	vadd.s32 v1, v3;
	_ =	sdelay $0x2  }
0x154: {  	[tilespmem:s1], [sflag:$0x2] =	stream.indirect_vreg.gather [hbm4b:s3+s2], $0x80, v4, vm0, $0xb8;
	[tilespmem:$0x10800] =	vst v63  }
0x155: {  	_ = 	snop  }
0x156: {  	[tilespmem:s4], [sflag:$0x2] =	stream.indirect_vreg.gather [hbm4b:s3+s2], $0x80, v3, vm0, $0xb8;
	[tilespmem:$0x10800] =	vst v63  }
0x157: {  	v3 =	vld [tilespmem:s16+$0xFFFFFFE0];
	_ =	sdelay $0x4  }
0x158: {  	v61 =	vshll.u32 v3, $0x1  }
0x159: {  	v3 =	vand.u32 $0x7, v3;
	v4 =	vand.u32 $0xFFFFFFF0, v61  }
0x15a: {  	v3 =	vor.u32 v3, v4  }
0x15b: {  	v4 =	vperm.xlane v3, v0;
	_ =	sdelay $0x1  }
0x15c: {  	v3 =	vperm.xlane v3, v2;
	v4 =	vadd.s32 v1, v4;
	_ =	sdelay $0x1  }
0x15d: {  	v3 =	vadd.s32 v1, v3;
	_ =	sdelay $0x2  }
0x15e: {  	[tilespmem:s5], [sflag:$0x2] =	stream.indirect_vreg.gather [hbm4b:s3+s2], $0x80, v4, vm0, $0xb8;
	[tilespmem:$0x10800] =	vst v63  }
0x15f: {  	_ = 	snop  }
0x160: {  	[tilespmem:s9], [sflag:$0x2] =	stream.indirect_vreg.gather [hbm4b:s3+s2], $0x80, v3, vm0, $0xb8;
	[tilespmem:$0x10800] =	vst v63  }
0x161: {  	v3 =	vld [tilespmem:s16+$0xFFFFFFF0];
	_ =	sdelay $0x4  }
0x162: {  	v62 =	vshll.u32 v3, $0x1  }
0x163: {  	v3 =	vand.u32 $0x7, v3;
	v4 =	vand.u32 $0xFFFFFFF0, v62  }
0x164: {  	v3 =	vor.u32 v3, v4  }
0x165: {  	v4 =	vperm.xlane v3, v0;
	_ =	sdelay $0x1  }
0x166: {  	v3 =	vperm.xlane v3, v2;
	v4 =	vadd.s32 v1, v4;
	_ =	sdelay $0x1  }
0x167: {  	v3 =	vadd.s32 v1, v3;
	_ =	sdelay $0x2  }
0x168: {  	[tilespmem:s10], [sflag:$0x2] =	stream.indirect_vreg.gather [hbm4b:s3+s2], $0x80, v4, vm0, $0xb8;
	[tilespmem:$0x10800] =	vst v63  }
0x169: {  	_ = 	snop  }
0x16a: {  	[tilespmem:s11], [sflag:$0x2] =	stream.indirect_vreg.gather [hbm4b:s3+s2], $0x80, v3, vm0, $0xb8;
	[tilespmem:$0x10800] =	vst v63  }
0x16b: {  	v3 =	vld [tilespmem:s16+$0x0];
	_ =	sdelay $0x4  }
0x16c: {  	v63 =	vshll.u32 v3, $0x1  }
0x16d: {  	v3 =	vand.u32 $0x7, v3;
	v4 =	vand.u32 $0xFFFFFFF0, v63  }
0x16e: {  	v3 =	vor.u32 v3, v4  }
0x16f: {  	v4 =	vperm.xlane v3, v0;
	_ =	sdelay $0x1  }
0x170: {  	v3 =	vperm.xlane v3, v2;
	v4 =	vadd.s32 v1, v4;
	_ =	sdelay $0x1  }
0x171: {  	v3 =	vadd.s32 v1, v3  }
.Ltmp4:
0x172: {  	_ = 	snop;
	(pc) =	sbr.rel .LBB2_2-.Ltmp4, $4  }
0x173: {  	_ = 	snop  }
0x174: {  	[tilespmem:s12], [sflag:$0x2] =	stream.indirect_vreg.gather [hbm4b:s3+s2], $0x80, v4, vm0, $0xb8;
	[tilespmem:$0x10800] =	vst v63  }
0x175: {  	s17 =	sadd.s32 $0x2000, s17;
	s16 =	sadd.s32 $0x100, s16  }
0x176: {  	[tilespmem:s13], [sflag:$0x2] =	stream.indirect_vreg.gather [hbm4b:s3+s2], $0x80, v3, vm0, $0xb8;
	[tilespmem:$0x10800] =	vst v63  }
.LBB2_7:
0x177: {  	_ =	sfence.sel $0x180000  }
0x178: {  	[bflag:$0x0] =	sbarrier.arrive $0xFFFF  }
0x179: {  	_ =	strace $0x90000056  }
0x17a: {  	s0 =	stileid.u32;
	[bflag:$0x2] =	sbarrier.arrive $0xFFFF  }
0x17b: {  	p0 =	sne.s32 s0, $0x0;
	s0 =	rddreg [dreg:$0x1]  }
0x17c: {  	s0 =	sadd.s32 @!p0 $0x100000, s0  }
0x17d: {  	[sflag:s0] =	ssyncadd.tile.s32 @!p0 $0x1;
	_ =	shalt  }
.Lfunc_end2:
_tile_overlayer_lowered:
.L_overlay_start_2:
0x17e: {  	(tag) =	ssettag $0x2  }
0x17f: {  	s0 =	rddreg [dreg:$0x0];
	s2 =	stileid.u32  }
0x180: {  	s1 =	rddreg [dreg:$0x1];
	p0 =	sne.s32 s2, $0x0  }
0x181: {  	s3 =	rddreg [dreg:$0x2];
	[bflag:$0x3] =	sbarrier.arrive $0xFFFF;
	s2 =	simm.s32 @!p0 $0x1C03  }
0x182: {  	[timem:s3], [sflag:s2] =	dma.local @!p0 [hbm:s0], s1  }
0x183: {  	s0 =	simm.s32 @!p0 $0x3  }
0x184: {  	_ =	swait.ge @!p0 [sflag:s0], s1  }
0x185: {  	s1 =	ssub.s32 @!p0 $0x0, s1;
	[sflag:s0] =	ssyncset.done @!p0 $0x0  }
0x186: {  	[sflag:s0] =	ssyncadd.s32 @!p0 s1  }
0x187: {  	[bflag:$0x3] =	sbarrier.arrive $0xFFFF  }
0x188: {  	_ =	shalt  }

</sc_bundles>
